<compile_context>
chip_gen: v7x
topology: tpu7x:2x2x1
jax: 0.10.2.dev20260603
libtpu: 0.0.44.dev20260713+nightly
codegen_flags: <defaults>
</compile_context>

<pallas_src>
import jax
import jax.numpy as jnp
from jax import lax
from jax.experimental import pallas as pl
from jax.experimental.pallas import tpu as pltpu
from jax.experimental.pallas import tpu_sc as plsc

NCLASS = 100
DIM = 128
BATCH = 4096
NPAD = 128

_NC = 2
_NS = 16
_NW = _NC * _NS
_BPW = BATCH // _NW

_CB = 50
_MSTEPS = NCLASS // _CB
_ROWS = 256
_NBLK = BATCH // _ROWS


def _sc_gather_body(table_hbm, idx_hbm, out_hbm, idx_v, rows_v, sem):
    wid = lax.axis_index("s") * _NC + lax.axis_index("c")
    base = wid * _BPW
    pltpu.sync_copy(idx_hbm.at[pl.ds(base, _BPW)], idx_v)
    pltpu.async_copy(table_hbm.at[idx_v], rows_v, sem).wait()
    pltpu.sync_copy(rows_v, out_hbm.at[pl.ds(base, _BPW)])


def _sc_scatter_body(rows_hbm, idx_hbm, out_hbm, idx_v, rows_v, sem):
    wid = lax.axis_index("s") * _NC + lax.axis_index("c")
    base = wid * _BPW
    pltpu.sync_copy(idx_hbm.at[pl.ds(base, _BPW)], idx_v)
    pltpu.sync_copy(rows_hbm.at[pl.ds(base, _BPW)], rows_v)
    pltpu.async_copy(rows_v, out_hbm.at[idx_v], sem).wait()


def _sc_scatter(rows, idx):
    mesh = plsc.VectorSubcoreMesh(
        core_axis_name="c", subcore_axis_name="s",
        num_cores=_NC, num_subcores=_NS,
    )
    return pl.kernel(
        _sc_scatter_body,
        out_type=jax.ShapeDtypeStruct((BATCH, NPAD), jnp.float32),
        mesh=mesh,
        scratch_types=[
            pltpu.VMEM((_BPW,), jnp.int32),
            pltpu.VMEM((_BPW, NPAD), jnp.float32),
            pltpu.SemaphoreType.DMA,
        ],
    )(rows, idx)


def _sc_gather(table, idx):
    mesh = plsc.VectorSubcoreMesh(
        core_axis_name="c", subcore_axis_name="s",
        num_cores=_NC, num_subcores=_NS,
    )
    return pl.kernel(
        _sc_gather_body,
        out_type=jax.ShapeDtypeStruct((BATCH, NPAD), jnp.float32),
        mesh=mesh,
        scratch_types=[
            pltpu.VMEM((_BPW,), jnp.int32),
            pltpu.VMEM((_BPW, NPAD), jnp.float32),
            pltpu.SemaphoreType.DMA,
        ],
    )(table, idx)


def _fused_kernel(isc_ref, first_ref, last_ref, ord_ref, w_ref, tsort_ref,
                  st_ref, out_ref, m_ref, blk_ref):
    i = pl.program_id(0)

    @pl.when(i < _MSTEPS)
    def _():
        for k in range(_CB):
            c = i * _CB + k
            w0 = w_ref[k, 0]
            w1 = w_ref[k, 1]
            a = lax.dot_general(
                w0, w1, (((1,), (1,)), ((), ())),
                preferred_element_type=jnp.float32,
            )
            rows = lax.broadcasted_iota(jnp.int32, (NCLASS, NCLASS), 0)
            cols = lax.broadcasted_iota(jnp.int32, (NCLASS, NCLASS), 1)
            a = a + jnp.where(rows == cols, isc_ref[c], jnp.float32(0.0))
            e = jnp.exp(a)
            denom = jnp.sum(e, axis=0, keepdims=True)
            m = e * (jnp.float32(1.0) / denom)
            m_ref[c] = jnp.pad(m, ((0, NPAD - NCLASS), (0, NPAD - NCLASS)))

    @pl.when(i >= _MSTEPS)
    def _():
        j = i - _MSTEPS
        p = tsort_ref[...]
        lo = first_ref[j]
        hi = last_ref[j]

        UNROLL = 10
        iters = (hi - lo + UNROLL) // UNROLL

        def body(q, acc):
            base_c = lo + q * UNROLL
            for k in range(UNROLL):
                c = base_c + k
                m_c = m_ref[jnp.minimum(c, NCLASS - 1)]
                pm = jnp.dot(p, m_c, preferred_element_type=jnp.float32)
                mask = st_ref[...] == c
                acc = jnp.where(mask, pm, acc)
            return acc

        acc = lax.fori_loop(0, iters, body, jnp.zeros((_ROWS, NPAD), jnp.float32))
        s = jnp.sum(p, axis=1, keepdims=True)
        blk_ref[...] = acc * (jnp.float32(1.0) / s)
        for r in range(_ROWS):
            idx = ord_ref[j * _ROWS + r]
            out_ref[pl.ds(idx, 1), :] = blk_ref[pl.ds(r, 1), :NCLASS]


def kernel(TeacherLogit, Target, W, Iscale):
    iota = lax.iota(jnp.int32, BATCH)
    st, order = lax.sort((Target, iota), num_keys=1)
    st_blocks = st.reshape(_NBLK, _ROWS)
    first = st_blocks[:, 0]
    last = st_blocks[:, -1]

    tl_pad = jnp.pad(TeacherLogit, ((0, 0), (0, NPAD - NCLASS)))
    tsort = _sc_gather(tl_pad, order)

    out = pl.pallas_call(
        _fused_kernel,
        grid=(_MSTEPS + _NBLK,),
        in_specs=[
            pl.BlockSpec(memory_space=pltpu.SMEM),
            pl.BlockSpec(memory_space=pltpu.SMEM),
            pl.BlockSpec(memory_space=pltpu.SMEM),
            pl.BlockSpec(memory_space=pltpu.SMEM),
            pl.BlockSpec((_CB, 2, NCLASS, DIM),
                         lambda i: (jnp.minimum(i, _MSTEPS - 1), 0, 0, 0)),
            pl.BlockSpec((_ROWS, NPAD),
                         lambda i: (jnp.clip(i - _MSTEPS, 0, _NBLK - 1), 0)),
            pl.BlockSpec((_ROWS, 1),
                         lambda i: (jnp.clip(i - _MSTEPS, 0, _NBLK - 1), 0)),
        ],
        out_specs=pl.BlockSpec((BATCH, NCLASS), lambda i: (0, 0)),
        out_shape=jax.ShapeDtypeStruct((BATCH, NCLASS), jnp.float32),
        scratch_shapes=[
            pltpu.VMEM((NCLASS, NPAD, NPAD), jnp.float32),
            pltpu.VMEM((_ROWS, NPAD), jnp.float32),
        ],
    )(Iscale, first, last, order, W, tsort, st.reshape(BATCH, 1))
    return out

# --- scband reference (transcript-rebuilt; emitter-appended) ---
"""Pipeline reference for scband-catmodel-85950885528525 (READ-ONLY COPY).

The authoritative reference and input builder live on the scoring server;
editing this copy changes nothing except your own understanding.
"""

import jax, jax.numpy as jnp
import numpy as np

NCLASS = 100
DIM = 128
BATCH = 4096
TEMP = 1.0


def setup_inputs(seed: int = 0) -> dict:
    key = jax.random.key(seed)
    k1, k2, k3 = jax.random.split(key, 3)
    TeacherLogit = jax.random.uniform(k1, (BATCH, NCLASS), dtype=jnp.float32)
    Target = jax.random.randint(k2, (BATCH,), 0, NCLASS, dtype=jnp.int32)
    # ParameterList of Nclass tensors, each [2, Nclass, DIM] (kaiming_uniform on
    # torch.ones(Nclass, 2, DIM) then transpose(0,1)). Stack into W[NCLASS, 2, NCLASS, DIM].
    fan_in = 2 * DIM
    bound = float(np.sqrt(6.0 / fan_in))
    W = jax.random.uniform(k3, (NCLASS, 2, NCLASS, DIM), dtype=jnp.float32,
                           minval=-bound, maxval=bound)
    Iscale = jnp.ones((NCLASS,), dtype=jnp.float32)
    return {"TeacherLogit": TeacherLogit, "Target": Target, "W": W, "Iscale": Iscale}


def reference(TeacherLogit, Target, W, Iscale):
    # TeacherProb = TeacherLogit ** (1/temp), row-normalized
    TeacherProb = TeacherLogit ** (1.0 / TEMP)
    TeacherProb = TeacherProb / jnp.sum(TeacherProb, axis=1, keepdims=True)
    # Per-class transform: M_c = softmax(I * Iscale[c] + W_c0 @ W_c1^T, dim=0)
    # W[:, 0]: [C, N, D], W[:, 1]: [C, N, D] -> A: [C, N, N], A[c, n, m] = W0[c,n,:] . W1[c,m,:]
    A = jnp.einsum('cnd,cmd->cnm', W[:, 0], W[:, 1])
    eye = jnp.eye(NCLASS, dtype=jnp.float32)
    A = A + eye[None, :, :] * Iscale[:, None, None]
    # torch softmax(dim=0) over rows of each [N, N] matrix -> axis=1 of [C, N, N]
    M = jax.nn.softmax(A, axis=1)
    # Route each sample through the transform of its own class (gather by Target)
    Mb = jnp.take(M, Target, axis=0)  # [B, N, N]
    rtProb = jnp.einsum('bn,bnm->bm', TeacherProb, Mb)
    return rtProb

if __name__ == "__main__":
    import jax
    _d = setup_inputs()
    print(jax.jit(kernel)(*tuple(_d.values())))

</pallas_src>

<mosaic_0001>
#map = affine_map<(d0, d1) -> (0, 0)>
#map1 = affine_map<(d0, d1) -> (0)>
module attributes {stable_mosaic.version = 14 : i64} {
  func.func @_sc_gather_body(%arg0: i32, %arg1: i32, %arg2: memref<4096x128xf32, #tpu.memory_space<hbm>>, %arg3: memref<4096xi32, #tpu.memory_space<hbm>>, %arg4: memref<4096x128xf32, #tpu.memory_space<hbm>>, %arg5: memref<128xi32, #tpu.memory_space<vmem>>, %arg6: memref<128x128xf32, #tpu.memory_space<vmem>>, %arg7: memref<!tpu.dma_semaphore, #tpu.memory_space<semaphore_mem>>) attributes {dimension_semantics = [#tpu.dimension_semantics<core_parallel>, #tpu.dimension_semantics<subcore_parallel>], iteration_bounds = array<i64: 2, 16>, scalar_prefetch = 0 : i64, scratch_operands = 3 : i64, tpu.core_type = #tpu.core_type<sc_vector_subcore>, window_params = [{transform_indices = #map}, {transform_indices = #map1}, {transform_indices = #map}]} {
    %mul3A = arith.constant 2 : i32
    %mul3A_0 = arith.muli %arg1, %mul3A : i32
    %add3A = arith.addi %mul3A_0, %arg0 : i32
    %mul3A_1 = arith.constant 128 : i32
    %mul3A_2 = arith.muli %add3A, %mul3A_1 : i32
    "tpu.region"() ({
      %run_scoped3A = tpu.sem_alloc : memref<!tpu.dma_semaphore, #tpu.memory_space<semaphore_mem>>
      %dma_start3A_7 = tpu.memref_slice %arg3[%mul3A_2] : memref<4096xi32, #tpu.memory_space<hbm>> -> memref<128xi32, #tpu.memory_space<hbm>>
      %dma_start3A_8 = tpu.memref_slice %arg3[%mul3A_2] : memref<4096xi32, #tpu.memory_space<hbm>> -> memref<128xi32, #tpu.memory_space<hbm>>
      tpu.enqueue_dma source(%dma_start3A_8 : memref<128xi32, #tpu.memory_space<hbm>>) target(%arg5 : memref<128xi32, #tpu.memory_space<vmem>>) target_semaphore(%run_scoped3A : memref<!tpu.dma_semaphore, #tpu.memory_space<semaphore_mem>>)
      %dma_wait3A_9 = tpu.memref_slice %arg3[%mul3A_2] : memref<4096xi32, #tpu.memory_space<hbm>> -> memref<128xi32, #tpu.memory_space<hbm>>
      %dma_wait3A_10 = tpu.memref_slice %arg3[%mul3A_2] : memref<4096xi32, #tpu.memory_space<hbm>> -> memref<128xi32, #tpu.memory_space<hbm>>
      tpu.wait_dma2 semaphore(%run_scoped3A : memref<!tpu.dma_semaphore, #tpu.memory_space<semaphore_mem>>) src(%dma_wait3A_10 : memref<128xi32, #tpu.memory_space<hbm>>) dst(%arg5 : memref<128xi32, #tpu.memory_space<vmem>>)
      tpu.yield
    }) : () -> ()
    %dma_start3A = arith.constant 0 : i32
    %dma_start3A_3 = arith.constant 0 : i32
    %dma_start3A_4 = tpu.memref_slice %arg2[%dma_start3A, %dma_start3A_3] : memref<4096x128xf32, #tpu.memory_space<hbm>> -> memref<4096x128xf32, #tpu.memory_space<hbm>>
    tpu.enqueue_indirect_dma source(%dma_start3A_4 : memref<4096x128xf32, #tpu.memory_space<hbm>>) target(%arg6 : memref<128x128xf32, #tpu.memory_space<vmem>>) offsets(%arg5 : memref<128xi32, #tpu.memory_space<vmem>>) semaphore(%arg7 : memref<!tpu.dma_semaphore, #tpu.memory_space<semaphore_mem>>)
    %dma_wait3A = arith.constant 0 : i32
    %dma_wait3A_5 = arith.constant 0 : i32
    %dma_wait3A_6 = tpu.memref_slice %arg2[%dma_wait3A, %dma_wait3A_5] : memref<4096x128xf32, #tpu.memory_space<hbm>> -> memref<4096x128xf32, #tpu.memory_space<hbm>>
    tpu.wait_indirect_dma semaphore(%arg7 : memref<!tpu.dma_semaphore, #tpu.memory_space<semaphore_mem>>) src(%dma_wait3A_6 : memref<4096x128xf32, #tpu.memory_space<hbm>>) dst(%arg6 : memref<128x128xf32, #tpu.memory_space<vmem>>)
    "tpu.region"() ({
      %run_scoped3A = tpu.sem_alloc : memref<!tpu.dma_semaphore, #tpu.memory_space<semaphore_mem>>
      %dma_start3A_7 = arith.constant 0 : i32
      %dma_start3A_8 = tpu.memref_slice %arg4[%mul3A_2, %dma_start3A_7] : memref<4096x128xf32, #tpu.memory_space<hbm>> -> memref<128x128xf32, #tpu.memory_space<hbm>>
      %dma_start3A_9 = arith.constant 0 : i32
      %dma_start3A_10 = tpu.memref_slice %arg4[%mul3A_2, %dma_start3A_9] : memref<4096x128xf32, #tpu.memory_space<hbm>> -> memref<128x128xf32, #tpu.memory_space<hbm>>
      tpu.enqueue_dma source(%arg6 : memref<128x128xf32, #tpu.memory_space<vmem>>) target(%dma_start3A_10 : memref<128x128xf32, #tpu.memory_space<hbm>>) target_semaphore(%run_scoped3A : memref<!tpu.dma_semaphore, #tpu.memory_space<semaphore_mem>>)
      %dma_wait3A_11 = arith.constant 0 : i32
      %dma_wait3A_12 = tpu.memref_slice %arg4[%mul3A_2, %dma_wait3A_11] : memref<4096x128xf32, #tpu.memory_space<hbm>> -> memref<128x128xf32, #tpu.memory_space<hbm>>
      %dma_wait3A_13 = arith.constant 0 : i32
      %dma_wait3A_14 = tpu.memref_slice %arg4[%mul3A_2, %dma_wait3A_13] : memref<4096x128xf32, #tpu.memory_space<hbm>> -> memref<128x128xf32, #tpu.memory_space<hbm>>
      tpu.wait_dma2 semaphore(%run_scoped3A : memref<!tpu.dma_semaphore, #tpu.memory_space<semaphore_mem>>) src(%arg6 : memref<128x128xf32, #tpu.memory_space<vmem>>) dst(%dma_wait3A_14 : memref<128x128xf32, #tpu.memory_space<hbm>>)
      tpu.yield
    }) : () -> ()
    return
  }
}

module attributes {stable_mosaic.version = 14 : i64} {
  func.func @_fused_kernel(%arg0: i32, %arg1: memref<100xf32, #tpu.memory_space<smem>>, %arg2: memref<16xi32, #tpu.memory_space<smem>>, %arg3: memref<16xi32, #tpu.memory_space<smem>>, %arg4: memref<4096xi32, #tpu.memory_space<smem>>, %arg5: memref<50x2x100x128xf32, #tpu.memory_space<vmem>>, %arg6: memref<256x128xf32, #tpu.memory_space<vmem>>, %arg7: memref<256x1xi32, #tpu.memory_space<vmem>>, %arg8: memref<4096x100xf32, #tpu.memory_space<vmem>>, %arg9: memref<100x128x128xf32, #tpu.memory_space<vmem>>, %arg10: memref<256x128xf32, #tpu.memory_space<vmem>>) attributes {dimension_semantics = [#tpu.dimension_semantics<arbitrary>], iteration_bounds = array<i64: 18>, scalar_prefetch = 0 : i64, scratch_operands = 2 : i64, tpu.core_type = #tpu.core_type<tc>, window_params = [{transform_indices = @transform_0, window_bounds = array<i64: 100>}, {transform_indices = @transform_1, window_bounds = array<i64: 16>}, {transform_indices = @transform_2, window_bounds = array<i64: 16>}, {transform_indices = @transform_3, window_bounds = array<i64: 4096>}, {transform_indices = @transform_4, window_bounds = array<i64: 50, 2, 100, 128>}, {transform_indices = @transform_5, window_bounds = array<i64: 256, 128>}, {transform_indices = @transform_6, window_bounds = array<i64: 256, 1>}, {pipeline_mode = #tpu.pipeline_mode<synchronous>, transform_indices = @transform_7, window_bounds = array<i64: 4096, 100>}]} {
    %lt3A = arith.constant 2 : i32
    %lt3A_0 = arith.cmpi slt, %arg0, %lt3A : i32
    %convert_element_type3A = arith.extui %lt3A_0 : i1 to i32
    %cond3A = arith.constant 0 : i32
    %cond3A_1 = arith.cmpi ne, %convert_element_type3A, %cond3A : i32
    scf.if %cond3A_1 {
      %mul3A = arith.constant 50 : i32
      %mul3A_6 = arith.muli %arg0, %mul3A : i32
      %add3A = arith.constant 0 : i32
      %add3A_7 = arith.addi %mul3A_6, %add3A : i32
      %get3A = arith.constant 0 : index
      %get3A_8 = arith.constant 0 : index
      %get3A_9 = arith.constant 0 : index
      %get3A_10 = arith.constant 0 : index
      %get3A_11 = vector.load %arg5[%get3A, %get3A_8, %get3A_9, %get3A_10] : memref<50x2x100x128xf32, #tpu.memory_space<vmem>>, vector<1x1x100x128xf32>
      %get3A_12 = vector.shape_cast %get3A_11 : vector<1x1x100x128xf32> to vector<100x128xf32>
      %get3A_13 = arith.constant 0 : index
      %get3A_14 = arith.constant 1 : index
      %get3A_15 = arith.constant 0 : index
      %get3A_16 = arith.constant 0 : index
      %get3A_17 = vector.load %arg5[%get3A_13, %get3A_14, %get3A_15, %get3A_16] : memref<50x2x100x128xf32, #tpu.memory_space<vmem>>, vector<1x1x100x128xf32>
      %get3A_18 = vector.shape_cast %get3A_17 : vector<1x1x100x128xf32> to vector<100x128xf32>
      %dot_general3A = arith.constant dense<0.000000e+00> : vector<100x100xf32>
      %dot_general3A_19 = tpu.matmul %get3A_12, %get3A_18, %dot_general3A {dimension_numbers = #tpu.dot_dimension_numbers<[1], [1], [0], [0], [0, 0, 1, 0], [], []>, transpose_lhs_hint = false} : vector<100x128xf32>, vector<100x128xf32>, vector<100x100xf32> -> vector<100x100xf32>
      %iota3A = tpu.iota {dimensions = array<i32: 0>} : vector<100x100xi32>
      %iota3A_20 = tpu.iota {dimensions = array<i32: 1>} : vector<100x100xi32>
      %eq3A = arith.cmpi eq, %iota3A, %iota3A_20 : vector<100x100xi32>
      %get3A_21 = arith.index_cast %add3A_7 : i32 to index
      %get3A_22 = memref.load %arg1[%get3A_21] : memref<100xf32, #tpu.memory_space<smem>>
      %jit3A = arith.constant 0.000000e+00 : f32
      %broadcast_in_dim3A = vector.broadcast %get3A_22 : f32 to vector<100x100xf32>
      %broadcast_in_dim3A_23 = vector.broadcast %jit3A : f32 to vector<100x100xf32>
      %select_n3A = arith.select %eq3A, %broadcast_in_dim3A, %broadcast_in_dim3A_23 : vector<100x100xi1>, vector<100x100xf32>
      %add3A_24 = arith.addf %dot_general3A_19, %select_n3A : vector<100x100xf32>
      %exp3A = math.exp %add3A_24 : vector<100x100xf32>
      %reduce_sum3A = arith.constant dense<0.000000e+00> : vector<100xf32>
      %reduce_sum3A_25 = vector.multi_reduction <add>, %exp3A, %reduce_sum3A [0] : vector<100x100xf32> to vector<100xf32>
      %broadcast_in_dim3A_26 = vector.shape_cast %reduce_sum3A_25 : vector<100xf32> to vector<1x100xf32>
      %div3A = arith.constant 1.000000e+00 : f32
      %div3A_27 = vector.broadcast %div3A : f32 to vector<1x100xf32>
      %div3A_28 = arith.divf %div3A_27, %broadcast_in_dim3A_26 : vector<1x100xf32>
      %mul3A_29 = vector.broadcast %div3A_28 : vector<1x100xf32> to vector<100x100xf32>
      %mul3A_30 = arith.mulf %exp3A, %mul3A_29 : vector<100x100xf32>
      %jit3A_31 = arith.constant 0 : i32
      %convert_element_type3A_32 = arith.sitofp %jit3A_31 : i32 to f32
      %pad3A = vector.broadcast %convert_element_type3A_32 : f32 to vector<28x100xf32>
      %pad3A_33 = tpu.concatenate %mul3A_30, %pad3A in 0 : vector<100x100xf32>, vector<28x100xf32> -> vector<128x100xf32>
      %pad3A_34 = vector.broadcast %convert_element_type3A_32 : f32 to vector<128x28xf32>
      %pad3A_35 = tpu.concatenate %pad3A_33, %pad3A_34 in 1 : vector<128x100xf32>, vector<128x28xf32> -> vector<128x128xf32>
      %swap3A = arith.index_cast %add3A_7 : i32 to index
      %swap3A_36 = arith.constant 0 : index
      %swap3A_37 = arith.constant 0 : index
      %swap3A_38 = vector.load %arg9[%swap3A, %swap3A_36, %swap3A_37] : memref<100x128x128xf32, #tpu.memory_space<vmem>>, vector<1x128x128xf32>
      %swap3A_39 = vector.shape_cast %swap3A_38 : vector<1x128x128xf32> to vector<128x128xf32>
      %swap3A_40 = vector.shape_cast %pad3A_35 : vector<128x128xf32> to vector<1x128x128xf32>
      tpu.vector_store %arg9[%swap3A, %swap3A_36, %swap3A_37], %swap3A_40 {strides = array<i32>} : memref<100x128x128xf32, #tpu.memory_space<vmem>>, vector<1x128x128xf32>,
      %mul3A_41 = arith.constant 50 : i32
      %mul3A_42 = arith.muli %arg0, %mul3A_41 : i32
      %add3A_43 = arith.constant 1 : i32
      %add3A_44 = arith.addi %mul3A_42, %add3A_43 : i32
      %get3A_45 = arith.constant 1 : index
      %get3A_46 = arith.constant 0 : index
      %get3A_47 = arith.constant 0 : index
      %get3A_48 = arith.constant 0 : index
      %get3A_49 = vector.load %arg5[%get3A_45, %get3A_46, %get3A_47, %get3A_48] : memref<50x2x100x128xf32, #tpu.memory_space<vmem>>, vector<1x1x100x128xf32>
      %get3A_50 = vector.shape_cast %get3A_49 : vector<1x1x100x128xf32> to vector<100x128xf32>
      %get3A_51 = arith.constant 1 : index
      %get3A_52 = arith.constant 1 : index
      %get3A_53 = arith.constant 0 : index
      %get3A_54 = arith.constant 0 : index
      %get3A_55 = vector.load %arg5[%get3A_51, %get3A_52, %get3A_53, %get3A_54] : memref<50x2x100x128xf32, #tpu.memory_space<vmem>>, vector<1x1x100x128xf32>
      %get3A_56 = vector.shape_cast %get3A_55 : vector<1x1x100x128xf32> to vector<100x128xf32>
      %dot_general3A_57 = arith.constant dense<0.000000e+00> : vector<100x100xf32>
      %dot_general3A_58 = tpu.matmul %get3A_50, %get3A_56, %dot_general3A_57 {dimension_numbers = #tpu.dot_dimension_numbers<[1], [1], [0], [0], [0, 0, 1, 0], [], []>, transpose_lhs_hint = false} : vector<100x128xf32>, vector<100x128xf32>, vector<100x100xf32> -> vector<100x100xf32>
      %iota3A_59 = tpu.iota {dimensions = array<i32: 0>} : vector<100x100xi32>
      %iota3A_60 = tpu.iota {dimensions = array<i32: 1>} : vector<100x100xi32>
      %eq3A_61 = arith.cmpi eq, %iota3A_59, %iota3A_60 : vector<100x100xi32>
      %get3A_62 = arith.index_cast %add3A_44 : i32 to index
      %get3A_63 = memref.load %arg1[%get3A_62] : memref<100xf32, #tpu.memory_space<smem>>
      %jit3A_64 = arith.constant 0.000000e+00 : f32
      %broadcast_in_dim3A_65 = vector.broadcast %get3A_63 : f32 to vector<100x100xf32>
      %broadcast_in_dim3A_66 = vector.broadcast %jit3A_64 : f32 to vector<100x100xf32>
      %select_n3A_67 = arith.select %eq3A_61, %broadcast_in_dim3A_65, %broadcast_in_dim3A_66 : vector<100x100xi1>, vector<100x100xf32>
      %add3A_68 = arith.addf %dot_general3A_58, %select_n3A_67 : vector<100x100xf32>
      %exp3A_69 = math.exp %add3A_68 : vector<100x100xf32>
      %reduce_sum3A_70 = arith.constant dense<0.000000e+00> : vector<100xf32>
      %reduce_sum3A_71 = vector.multi_reduction <add>, %exp3A_69, %reduce_sum3A_70 [0] : vector<100x100xf32> to vector<100xf32>
      %broadcast_in_dim3A_72 = vector.shape_cast %reduce_sum3A_71 : vector<100xf32> to vector<1x100xf32>
      %div3A_73 = arith.constant 1.000000e+00 : f32
      %div3A_74 = vector.broadcast %div3A_73 : f32 to vector<1x100xf32>
      %div3A_75 = arith.divf %div3A_74, %broadcast_in_dim3A_72 : vector<1x100xf32>
      %mul3A_76 = vector.broadcast %div3A_75 : vector<1x100xf32> to vector<100x100xf32>
      %mul3A_77 = arith.mulf %exp3A_69, %mul3A_76 : vector<100x100xf32>
      %jit3A_78 = arith.constant 0 : i32
      %convert_element_type3A_79 = arith.sitofp %jit3A_78 : i32 to f32
      %pad3A_80 = vector.broadcast %convert_element_type3A_79 : f32 to vector<28x100xf32>
      %pad3A_81 = tpu.concatenate %mul3A_77, %pad3A_80 in 0 : vector<100x100xf32>, vector<28x100xf32> -> vector<128x100xf32>
      %pad3A_82 = vector.broadcast %convert_element_type3A_79 : f32 to vector<128x28xf32>
      %pad3A_83 = tpu.concatenate %pad3A_81, %pad3A_82 in 1 : vector<128x100xf32>, vector<128x28xf32> -> vector<128x128xf32>
      %swap3A_84 = arith.index_cast %add3A_44 : i32 to index
      %swap3A_85 = arith.constant 0 : index
      %swap3A_86 = arith.constant 0 : index
      %swap3A_87 = vector.load %arg9[%swap3A_84, %swap3A_85, %swap3A_86] : memref<100x128x128xf32, #tpu.memory_space<vmem>>, vector<1x128x128xf32>
      %swap3A_88 = vector.shape_cast %swap3A_87 : vector<1x128x128xf32> to vector<128x128xf32>
      %swap3A_89 = vector.shape_cast %pad3A_83 : vector<128x128xf32> to vector<1x128x128xf32>
      tpu.vector_store %arg9[%swap3A_84, %swap3A_85, %swap3A_86], %swap3A_89 {strides = array<i32>} : memref<100x128x128xf32, #tpu.memory_space<vmem>>, vector<1x128x128xf32>,
      %mul3A_90 = arith.constant 50 : i32
      %mul3A_91 = arith.muli %arg0, %mul3A_90 : i32
      %add3A_92 = arith.constant 2 : i32
      %add3A_93 = arith.addi %mul3A_91, %add3A_92 : i32
      %get3A_94 = arith.constant 2 : index
      %get3A_95 = arith.constant 0 : index
      %get3A_96 = arith.constant 0 : index
      %get3A_97 = arith.constant 0 : index
      %get3A_98 = vector.load %arg5[%get3A_94, %get3A_95, %get3A_96, %get3A_97] : memref<50x2x100x128xf32, #tpu.memory_space<vmem>>, vector<1x1x100x128xf32>
      %get3A_99 = vector.shape_cast %get3A_98 : vector<1x1x100x128xf32> to vector<100x128xf32>
      %get3A_100 = arith.constant 2 : index
      %get3A_101 = arith.constant 1 : index
      %get3A_102 = arith.constant 0 : index
      %get3A_103 = arith.constant 0 : index
      %get3A_104 = vector.load %arg5[%get3A_100, %get3A_101, %get3A_102, %get3A_103] : memref<50x2x100x128xf32, #tpu.memory_space<vmem>>, vector<1x1x100x128xf32>
      %get3A_105 = vector.shape_cast %get3A_104 : vector<1x1x100x128xf32> to vector<100x128xf32>
      %dot_general3A_106 = arith.constant dense<0.000000e+00> : vector<100x100xf32>
      %dot_general3A_107 = tpu.matmul %get3A_99, %get3A_105, %dot_general3A_106 {dimension_numbers = #tpu.dot_dimension_numbers<[1], [1], [0], [0], [0, 0, 1, 0], [], []>, transpose_lhs_hint = false} : vector<100x128xf32>, vector<100x128xf32>, vector<100x100xf32> -> vector<100x100xf32>
      %iota3A_108 = tpu.iota {dimensions = array<i32: 0>} : vector<100x100xi32>
      %iota3A_109 = tpu.iota {dimensions = array<i32: 1>} : vector<100x100xi32>
      %eq3A_110 = arith.cmpi eq, %iota3A_108, %iota3A_109 : vector<100x100xi32>
      %get3A_111 = arith.index_cast %add3A_93 : i32 to index
      %get3A_112 = memref.load %arg1[%get3A_111] : memref<100xf32, #tpu.memory_space<smem>>
      %jit3A_113 = arith.constant 0.000000e+00 : f32
      %broadcast_in_dim3A_114 = vector.broadcast %get3A_112 : f32 to vector<100x100xf32>
      %broadcast_in_dim3A_115 = vector.broadcast %jit3A_113 : f32 to vector<100x100xf32>
      %select_n3A_116 = arith.select %eq3A_110, %broadcast_in_dim3A_114, %broadcast_in_dim3A_115 : vector<100x100xi1>, vector<100x100xf32>
      %add3A_117 = arith.addf %dot_general3A_107, %select_n3A_116 : vector<100x100xf32>
      %exp3A_118 = math.exp %add3A_117 : vector<100x100xf32>
      %reduce_sum3A_119 = arith.constant dense<0.000000e+00> : vector<100xf32>
      %reduce_sum3A_120 = vector.multi_reduction <add>, %exp3A_118, %reduce_sum3A_119 [0] : vector<100x100xf32> to vector<100xf32>
      %broadcast_in_dim3A_121 = vector.shape_cast %reduce_sum3A_120 : vector<100xf32> to vector<1x100xf32>
      %div3A_122 = arith.constant 1.000000e+00 : f32
      %div3A_123 = vector.broadcast %div3A_122 : f32 to vector<1x100xf32>
      %div3A_124 = arith.divf %div3A_123, %broadcast_in_dim3A_121 : vector<1x100xf32>
      %mul3A_125 = vector.broadcast %div3A_124 : vector<1x100xf32> to vector<100x100xf32>
      %mul3A_126 = arith.mulf %exp3A_118, %mul3A_125 : vector<100x100xf32>
      %jit3A_127 = arith.constant 0 : i32
      %convert_element_type3A_128 = arith.sitofp %jit3A_127 : i32 to f32
      %pad3A_129 = vector.broadcast %convert_element_type3A_128 : f32 to vector<28x100xf32>
      %pad3A_130 = tpu.concatenate %mul3A_126, %pad3A_129 in 0 : vector<100x100xf32>, vector<28x100xf32> -> vector<128x100xf32>
      %pad3A_131 = vector.broadcast %convert_element_type3A_128 : f32 to vector<128x28xf32>
      %pad3A_132 = tpu.concatenate %pad3A_130, %pad3A_131 in 1 : vector<128x100xf32>, vector<128x28xf32> -> vector<128x128xf32>
      %swap3A_133 = arith.index_cast %add3A_93 : i32 to index
      %swap3A_134 = arith.constant 0 : index
      %swap3A_135 = arith.constant 0 : index
      %swap3A_136 = vector.load %arg9[%swap3A_133, %swap3A_134, %swap3A_135] : memref<100x128x128xf32, #tpu.memory_space<vmem>>, vector<1x128x128xf32>
      %swap3A_137 = vector.shape_cast %swap3A_136 : vector<1x128x128xf32> to vector<128x128xf32>
      %swap3A_138 = vector.shape_cast %pad3A_132 : vector<128x128xf32> to vector<1x128x128xf32>
      tpu.vector_store %arg9[%swap3A_133, %swap3A_134, %swap3A_135], %swap3A_138 {strides = array<i32>} : memref<100x128x128xf32, #tpu.memory_space<vmem>>, vector<1x128x128xf32>,
      %mul3A_139 = arith.constant 50 : i32
      %mul3A_140 = arith.muli %arg0, %mul3A_139 : i32
      %add3A_141 = arith.constant 3 : i32
      %add3A_142 = arith.addi %mul3A_140, %add3A_141 : i32
      %get3A_143 = arith.constant 3 : index
      %get3A_144 = arith.constant 0 : index
      %get3A_145 = arith.constant 0 : index
      %get3A_146 = arith.constant 0 : index
      %get3A_147 = vector.load %arg5[%get3A_143, %get3A_144, %get3A_145, %get3A_146] : memref<50x2x100x128xf32, #tpu.memory_space<vmem>>, vector<1x1x100x128xf32>
      %get3A_148 = vector.shape_cast %get3A_147 : vector<1x1x100x128xf32> to vector<100x128xf32>
      %get3A_149 = arith.constant 3 : index
      %get3A_150 = arith.constant 1 : index
      %get3A_151 = arith.constant 0 : index
      %get3A_152 = arith.constant 0 : index
      %get3A_153 = vector.load %arg5[%get3A_149, %get3A_150, %get3A_151, %get3A_152] : memref<50x2x100x128xf32, #tpu.memory_space<vmem>>, vector<1x1x100x128xf32>
      %get3A_154 = vector.shape_cast %get3A_153 : vector<1x1x100x128xf32> to vector<100x128xf32>
      %dot_general3A_155 = arith.constant dense<0.000000e+00> : vector<100x100xf32>
      %dot_general3A_156 = tpu.matmul %get3A_148, %get3A_154, %dot_general3A_155 {dimension_numbers = #tpu.dot_dimension_numbers<[1], [1], [0], [0], [0, 0, 1, 0], [], []>, transpose_lhs_hint = false} : vector<100x128xf32>, vector<100x128xf32>, vector<100x100xf32> -> vector<100x100xf32>
      %iota3A_157 = tpu.iota {dimensions = array<i32: 0>} : vector<100x100xi32>
      %iota3A_158 = tpu.iota {dimensions = array<i32: 1>} : vector<100x100xi32>
      %eq3A_159 = arith.cmpi eq, %iota3A_157, %iota3A_158 : vector<100x100xi32>
      %get3A_160 = arith.index_cast %add3A_142 : i32 to index
      %get3A_161 = memref.load %arg1[%get3A_160] : memref<100xf32, #tpu.memory_space<smem>>
      %jit3A_162 = arith.constant 0.000000e+00 : f32
      %broadcast_in_dim3A_163 = vector.broadcast %get3A_161 : f32 to vector<100x100xf32>
      %broadcast_in_dim3A_164 = vector.broadcast %jit3A_162 : f32 to vector<100x100xf32>
      %select_n3A_165 = arith.select %eq3A_159, %broadcast_in_dim3A_163, %broadcast_in_dim3A_164 : vector<100x100xi1>, vector<100x100xf32>
      %add3A_166 = arith.addf %dot_general3A_156, %select_n3A_165 : vector<100x100xf32>
      %exp3A_167 = math.exp %add3A_166 : vector<100x100xf32>
      %reduce_sum3A_168 = arith.constant dense<0.000000e+00> : vector<100xf32>
      %reduce_sum3A_169 = vector.multi_reduction <add>, %exp3A_167, %reduce_sum3A_168 [0] : vector<100x100xf32> to vector<100xf32>
      %broadcast_in_dim3A_170 = vector.shape_cast %reduce_sum3A_169 : vector<100xf32> to vector<1x100xf32>
      %div3A_171 = arith.constant 1.000000e+00 : f32
      %div3A_172 = vector.broadcast %div3A_171 : f32 to vector<1x100xf32>
      %div3A_173 = arith.divf %div3A_172, %broadcast_in_dim3A_170 : vector<1x100xf32>
      %mul3A_174 = vector.broadcast %div3A_173 : vector<1x100xf32> to vector<100x100xf32>
      %mul3A_175 = arith.mulf %exp3A_167, %mul3A_174 : vector<100x100xf32>
      %jit3A_176 = arith.constant 0 : i32
      %convert_element_type3A_177 = arith.sitofp %jit3A_176 : i32 to f32
      %pad3A_178 = vector.broadcast %convert_element_type3A_177 : f32 to vector<28x100xf32>
      %pad3A_179 = tpu.concatenate %mul3A_175, %pad3A_178 in 0 : vector<100x100xf32>, vector<28x100xf32> -> vector<128x100xf32>
      %pad3A_180 = vector.broadcast %convert_element_type3A_177 : f32 to vector<128x28xf32>
      %pad3A_181 = tpu.concatenate %pad3A_179, %pad3A_180 in 1 : vector<128x100xf32>, vector<128x28xf32> -> vector<128x128xf32>
      %swap3A_182 = arith.index_cast %add3A_142 : i32 to index
      %swap3A_183 = arith.constant 0 : index
      %swap3A_184 = arith.constant 0 : index
      %swap3A_185 = vector.load %arg9[%swap3A_182, %swap3A_183, %swap3A_184] : memref<100x128x128xf32, #tpu.memory_space<vmem>>, vector<1x128x128xf32>
      %swap3A_186 = vector.shape_cast %swap3A_185 : vector<1x128x128xf32> to vector<128x128xf32>
      %swap3A_187 = vector.shape_cast %pad3A_181 : vector<128x128xf32> to vector<1x128x128xf32>
      tpu.vector_store %arg9[%swap3A_182, %swap3A_183, %swap3A_184], %swap3A_187 {strides = array<i32>} : memref<100x128x128xf32, #tpu.memory_space<vmem>>, vector<1x128x128xf32>,
      %mul3A_188 = arith.constant 50 : i32
      %mul3A_189 = arith.muli %arg0, %mul3A_188 : i32
      %add3A_190 = arith.constant 4 : i32
      %add3A_191 = arith.addi %mul3A_189, %add3A_190 : i32
      %get3A_192 = arith.constant 4 : index
      %get3A_193 = arith.constant 0 : index
      %get3A_194 = arith.constant 0 : index
      %get3A_195 = arith.constant 0 : index
      %get3A_196 = vector.load %arg5[%get3A_192, %get3A_193, %get3A_194, %get3A_195] : memref<50x2x100x128xf32, #tpu.memory_space<vmem>>, vector<1x1x100x128xf32>
      %get3A_197 = vector.shape_cast %get3A_196 : vector<1x1x100x128xf32> to vector<100x128xf32>
      %get3A_198 = arith.constant 4 : index
      %get3A_199 = arith.constant 1 : index
      %get3A_200 = arith.constant 0 : index
      %get3A_201 = arith.constant 0 : index
      %get3A_202 = vector.load %arg5[%get3A_198, %get3A_199, %get3A_200, %get3A_201] : memref<50x2x100x128xf32, #tpu.memory_space<vmem>>, vector<1x1x100x128xf32>
      %get3A_203 = vector.shape_cast %get3A_202 : vector<1x1x100x128xf32> to vector<100x128xf32>
      %dot_general3A_204 = arith.constant dense<0.000000e+00> : vector<100x100xf32>
      %dot_general3A_205 = tpu.matmul %get3A_197, %get3A_203, %dot_general3A_204 {dimension_numbers = #tpu.dot_dimension_numbers<[1], [1], [0], [0], [0, 0, 1, 0], [], []>, transpose_lhs_hint = false} : vector<100x128xf32>, vector<100x128xf32>, vector<100x100xf32> -> vector<100x100xf32>
      %iota3A_206 = tpu.iota {dimensions = array<i32: 0>} : vector<100x100xi32>
      %iota3A_207 = tpu.iota {dimensions = array<i32: 1>} : vector<100x100xi32>
      %eq3A_208 = arith.cmpi eq, %iota3A_206, %iota3A_207 : vector<100x100xi32>
      %get3A_209 = arith.index_cast %add3A_191 : i32 to index
      %get3A_210 = memref.load %arg1[%get3A_209] : memref<100xf32, #tpu.memory_space<smem>>
      %jit3A_211 = arith.constant 0.000000e+00 : f32
      %broadcast_in_dim3A_212 = vector.broadcast %get3A_210 : f32 to vector<100x100xf32>
      %broadcast_in_dim3A_213 = vector.broadcast %jit3A_211 : f32 to vector<100x100xf32>
      %select_n3A_214 = arith.select %eq3A_208, %broadcast_in_dim3A_212, %broadcast_in_dim3A_213 : vector<100x100xi1>, vector<100x100xf32>
      %add3A_215 = arith.addf %dot_general3A_205, %select_n3A_214 : vector<100x100xf32>
      %exp3A_216 = math.exp %add3A_215 : vector<100x100xf32>
      %reduce_sum3A_217 = arith.constant dense<0.000000e+00> : vector<100xf32>
      %reduce_sum3A_218 = vector.multi_reduction <add>, %exp3A_216, %reduce_sum3A_217 [0] : vector<100x100xf32> to vector<100xf32>
      %broadcast_in_dim3A_219 = vector.shape_cast %reduce_sum3A_218 : vector<100xf32> to vector<1x100xf32>
      %div3A_220 = arith.constant 1.000000e+00 : f32
      %div3A_221 = vector.broadcast %div3A_220 : f32 to vector<1x100xf32>
      %div3A_222 = arith.divf %div3A_221, %broadcast_in_dim3A_219 : vector<1x100xf32>
      %mul3A_223 = vector.broadcast %div3A_222 : vector<1x100xf32> to vector<100x100xf32>
      %mul3A_224 = arith.mulf %exp3A_216, %mul3A_223 : vector<100x100xf32>
      %jit3A_225 = arith.constant 0 : i32
      %convert_element_type3A_226 = arith.sitofp %jit3A_225 : i32 to f32
      %pad3A_227 = vector.broadcast %convert_element_type3A_226 : f32 to vector<28x100xf32>
      %pad3A_228 = tpu.concatenate %mul3A_224, %pad3A_227 in 0 : vector<100x100xf32>, vector<28x100xf32> -> vector<128x100xf32>
      %pad3A_229 = vector.broadcast %convert_element_type3A_226 : f32 to vector<128x28xf32>
      %pad3A_230 = tpu.concatenate %pad3A_228, %pad3A_229 in 1 : vector<128x100xf32>, vector<128x28xf32> -> vector<128x128xf32>
      %swap3A_231 = arith.index_cast %add3A_191 : i32 to index
      %swap3A_232 = arith.constant 0 : index
      %swap3A_233 = arith.constant 0 : index
      %swap3A_234 = vector.load %arg9[%swap3A_231, %swap3A_232, %swap3A_233] : memref<100x128x128xf32, #tpu.memory_space<vmem>>, vector<1x128x128xf32>
      %swap3A_235 = vector.shape_cast %swap3A_234 : vector<1x128x128xf32> to vector<128x128xf32>
      %swap3A_236 = vector.shape_cast %pad3A_230 : vector<128x128xf32> to vector<1x128x128xf32>
      tpu.vector_store %arg9[%swap3A_231, %swap3A_232, %swap3A_233], %swap3A_236 {strides = array<i32>} : memref<100x128x128xf32, #tpu.memory_space<vmem>>, vector<1x128x128xf32>,
      %mul3A_237 = arith.constant 50 : i32
      %mul3A_238 = arith.muli %arg0, %mul3A_237 : i32
      %add3A_239 = arith.constant 5 : i32
      %add3A_240 = arith.addi %mul3A_238, %add3A_239 : i32
      %get3A_241 = arith.constant 5 : index
      %get3A_242 = arith.constant 0 : index
      %get3A_243 = arith.constant 0 : index
      %get3A_244 = arith.constant 0 : index
      %get3A_245 = vector.load %arg5[%get3A_241, %get3A_242, %get3A_243, %get3A_244] : memref<50x2x100x128xf32, #tpu.memory_space<vmem>>, vector<1x1x100x128xf32>
      %get3A_246 = vector.shape_cast %get3A_245 : vector<1x1x100x128xf32> to vector<100x128xf32>
      %get3A_247 = arith.constant 5 : index
      %get3A_248 = arith.constant 1 : index
      %get3A_249 = arith.constant 0 : index
      %get3A_250 = arith.constant 0 : index
      %get3A_251 = vector.load %arg5[%get3A_247, %get3A_248, %get3A_249, %get3A_250] : memref<50x2x100x128xf32, #tpu.memory_space<vmem>>, vector<1x1x100x128xf32>
      %get3A_252 = vector.shape_cast %get3A_251 : vector<1x1x100x128xf32> to vector<100x128xf32>
      %dot_general3A_253 = arith.constant dense<0.000000e+00> : vector<100x100xf32>
      %dot_general3A_254 = tpu.matmul %get3A_246, %get3A_252, %dot_general3A_253 {dimension_numbers = #tpu.dot_dimension_numbers<[1], [1], [0], [0], [0, 0, 1, 0], [], []>, transpose_lhs_hint = false} : vector<100x128xf32>, vector<100x128xf32>, vector<100x100xf32> -> vector<100x100xf32>
      %iota3A_255 = tpu.iota {dimensions = array<i32: 0>} : vector<100x100xi32>
      %iota3A_256 = tpu.iota {dimensions = array<i32: 1>} : vector<100x100xi32>
      %eq3A_257 = arith.cmpi eq, %iota3A_255, %iota3A_256 : vector<100x100xi32>
      %get3A_258 = arith.index_cast %add3A_240 : i32 to index
      %get3A_259 = memref.load %arg1[%get3A_258] : memref<100xf32, #tpu.memory_space<smem>>
      %jit3A_260 = arith.constant 0.000000e+00 : f32
      %broadcast_in_dim3A_261 = vector.broadcast %get3A_259 : f32 to vector<100x100xf32>
      %broadcast_in_dim3A_262 = vector.broadcast %jit3A_260 : f32 to vector<100x100xf32>
      %select_n3A_263 = arith.select %eq3A_257, %broadcast_in_dim3A_261, %broadcast_in_dim3A_262 : vector<100x100xi1>, vector<100x100xf32>
      %add3A_264 = arith.addf %dot_general3A_254, %select_n3A_263 : vector<100x100xf32>
      %exp3A_265 = math.exp %add3A_264 : vector<100x100xf32>
      %reduce_sum3A_266 = arith.constant dense<0.000000e+00> : vector<100xf32>
      %reduce_sum3A_267 = vector.multi_reduction <add>, %exp3A_265, %reduce_sum3A_266 [0] : vector<100x100xf32> to vector<100xf32>
      %broadcast_in_dim3A_268 = vector.shape_cast %reduce_sum3A_267 : vector<100xf32> to vector<1x100xf32>
      %div3A_269 = arith.constant 1.000000e+00 : f32
      %div3A_270 = vector.broadcast %div3A_269 : f32 to vector<1x100xf32>
      %div3A_271 = arith.divf %div3A_270, %broadcast_in_dim3A_268 : vector<1x100xf32>
      %mul3A_272 = vector.broadcast %div3A_271 : vector<1x100xf32> to vector<100x100xf32>
      %mul3A_273 = arith.mulf %exp3A_265, %mul3A_272 : vector<100x100xf32>
      %jit3A_274 = arith.constant 0 : i32
      %convert_element_type3A_275 = arith.sitofp %jit3A_274 : i32 to f32
      %pad3A_276 = vector.broadcast %convert_element_type3A_275 : f32 to vector<28x100xf32>
      %pad3A_277 = tpu.concatenate %mul3A_273, %pad3A_276 in 0 : vector<100x100xf32>, vector<28x100xf32> -> vector<128x100xf32>
      %pad3A_278 = vector.broadcast %convert_element_type3A_275 : f32 to vector<128x28xf32>
      %pad3A_279 = tpu.concatenate %pad3A_277, %pad3A_278 in 1 : vector<128x100xf32>, vector<128x28xf32> -> vector<128x128xf32>
      %swap3A_280 = arith.index_cast %add3A_240 : i32 to index
      %swap3A_281 = arith.constant 0 : index
      %swap3A_282 = arith.constant 0 : index
      %swap3A_283 = vector.load %arg9[%swap3A_280, %swap3A_281, %swap3A_282] : memref<100x128x128xf32, #tpu.memory_space<vmem>>, vector<1x128x128xf32>
      %swap3A_284 = vector.shape_cast %swap3A_283 : vector<1x128x128xf32> to vector<128x128xf32>
      %swap3A_285 = vector.shape_cast %pad3A_279 : vector<128x128xf32> to vector<1x128x128xf32>
      tpu.vector_store %arg9[%swap3A_280, %swap3A_281, %swap3A_282], %swap3A_285 {strides = array<i32>} : memref<100x128x128xf32, #tpu.memory_space<vmem>>, vector<1x128x128xf32>,
      %mul3A_286 = arith.constant 50 : i32
      %mul3A_287 = arith.muli %arg0, %mul3A_286 : i32
      %add3A_288 = arith.constant 6 : i32
      %add3A_289 = arith.addi %mul3A_287, %add3A_288 : i32
      %get3A_290 = arith.constant 6 : index
      %get3A_291 = arith.constant 0 : index
      %get3A_292 = arith.constant 0 : index
      %get3A_293 = arith.constant 0 : index
      %get3A_294 = vector.load %arg5[%get3A_290, %get3A_291, %get3A_292, %get3A_293] : memref<50x2x100x128xf32, #tpu.memory_space<vmem>>, vector<1x1x100x128xf32>
      %get3A_295 = vector.shape_cast %get3A_294 : vector<1x1x100x128xf32> to vector<100x128xf32>
      %get3A_296 = arith.constant 6 : index
      %get3A_297 = arith.constant 1 : index
      %get3A_298 = arith.constant 0 : index
      %get3A_299 = arith.constant 0 : index
      %get3A_300 = vector.load %arg5[%get3A_296, %get3A_297, %get3A_298, %get3A_299] : memref<50x2x100x128xf32, #tpu.memory_space<vmem>>, vector<1x1x100x128xf32>
      %get3A_301 = vector.shape_cast %get3A_300 : vector<1x1x100x128xf32> to vector<100x128xf32>
      %dot_general3A_302 = arith.constant dense<0.000000e+00> : vector<100x100xf32>
      %dot_general3A_303 = tpu.matmul %get3A_295, %get3A_301, %dot_general3A_302 {dimension_numbers = #tpu.dot_dimension_numbers<[1], [1], [0], [0], [0, 0, 1, 0], [], []>, transpose_lhs_hint = false} : vector<100x128xf32>, vector<100x128xf32>, vector<100x100xf32> -> vector<100x100xf32>
      %iota3A_304 = tpu.iota {dimensions = array<i32: 0>} : vector<100x100xi32>
      %iota3A_305 = tpu.iota {dimensions = array<i32: 1>} : vector<100x100xi32>
      %eq3A_306 = arith.cmpi eq, %iota3A_304, %iota3A_305 : vector<100x100xi32>
      %get3A_307 = arith.index_cast %add3A_289 : i32 to index
      %get3A_308 = memref.load %arg1[%get3A_307] : memref<100xf32, #tpu.memory_space<smem>>
      %jit3A_309 = arith.constant 0.000000e+00 : f32
      %broadcast_in_dim3A_310 = vector.broadcast %get3A_308 : f32 to vector<100x100xf32>
      %broadcast_in_dim3A_311 = vector.broadcast %jit3A_309 : f32 to vector<100x100xf32>
      %select_n3A_312 = arith.select %eq3A_306, %broadcast_in_dim3A_310, %broadcast_in_dim3A_311 : vector<100x100xi1>, vector<100x100xf32>
      %add3A_313 = arith.addf %dot_general3A_303, %select_n3A_312 : vector<100x100xf32>
      %exp3A_314 = math.exp %add3A_313 : vector<100x100xf32>
      %reduce_sum3A_315 = arith.constant dense<0.000000e+00> : vector<100xf32>
      %reduce_sum3A_316 = vector.multi_reduction <add>, %exp3A_314, %reduce_sum3A_315 [0] : vector<100x100xf32> to vector<100xf32>
      %broadcast_in_dim3A_317 = vector.shape_cast %reduce_sum3A_316 : vector<100xf32> to vector<1x100xf32>
      %div3A_318 = arith.constant 1.000000e+00 : f32
      %div3A_319 = vector.broadcast %div3A_318 : f32 to vector<1x100xf32>
      %div3A_320 = arith.divf %div3A_319, %broadcast_in_dim3A_317 : vector<1x100xf32>
      %mul3A_321 = vector.broadcast %div3A_320 : vector<1x100xf32> to vector<100x100xf32>
      %mul3A_322 = arith.mulf %exp3A_314, %mul3A_321 : vector<100x100xf32>
      %jit3A_323 = arith.constant 0 : i32
      %convert_element_type3A_324 = arith.sitofp %jit3A_323 : i32 to f32
      %pad3A_325 = vector.broadcast %convert_element_type3A_324 : f32 to vector<28x100xf32>
      %pad3A_326 = tpu.concatenate %mul3A_322, %pad3A_325 in 0 : vector<100x100xf32>, vector<28x100xf32> -> vector<128x100xf32>
      %pad3A_327 = vector.broadcast %convert_element_type3A_324 : f32 to vector<128x28xf32>
      %pad3A_328 = tpu.concatenate %pad3A_326, %pad3A_327 in 1 : vector<128x100xf32>, vector<128x28xf32> -> vector<128x128xf32>
      %swap3A_329 = arith.index_cast %add3A_289 : i32 to index
      %swap3A_330 = arith.constant 0 : index
      %swap3A_331 = arith.constant 0 : index
      %swap3A_332 = vector.load %arg9[%swap3A_329, %swap3A_330, %swap3A_331] : memref<100x128x128xf32, #tpu.memory_space<vmem>>, vector<1x128x128xf32>
      %swap3A_333 = vector.shape_cast %swap3A_332 : vector<1x128x128xf32> to vector<128x128xf32>
      %swap3A_334 = vector.shape_cast %pad3A_328 : vector<128x128xf32> to vector<1x128x128xf32>
      tpu.vector_store %arg9[%swap3A_329, %swap3A_330, %swap3A_331], %swap3A_334 {strides = array<i32>} : memref<100x128x128xf32, #tpu.memory_space<vmem>>, vector<1x128x128xf32>,
      %mul3A_335 = arith.constant 50 : i32
      %mul3A_336 = arith.muli %arg0, %mul3A_335 : i32
      %add3A_337 = arith.constant 7 : i32
      %add3A_338 = arith.addi %mul3A_336, %add3A_337 : i32
      %get3A_339 = arith.constant 7 : index
      %get3A_340 = arith.constant 0 : index
      %get3A_341 = arith.constant 0 : index
      %get3A_342 = arith.constant 0 : index
      %get3A_343 = vector.load %arg5[%get3A_339, %get3A_340, %get3A_341, %get3A_342] : memref<50x2x100x128xf32, #tpu.memory_space<vmem>>, vector<1x1x100x128xf32>
      %get3A_344 = vector.shape_cast %get3A_343 : vector<1x1x100x128xf32> to vector<100x128xf32>
      %get3A_345 = arith.constant 7 : index
      %get3A_346 = arith.constant 1 : index
      %get3A_347 = arith.constant 0 : index
      %get3A_348 = arith.constant 0 : index
      %get3A_349 = vector.load %arg5[%get3A_345, %get3A_346, %get3A_347, %get3A_348] : memref<50x2x100x128xf32, #tpu.memory_space<vmem>>, vector<1x1x100x128xf32>
      %get3A_350 = vector.shape_cast %get3A_349 : vector<1x1x100x128xf32> to vector<100x128xf32>
      %dot_general3A_351 = arith.constant dense<0.000000e+00> : vector<100x100xf32>
      %dot_general3A_352 = tpu.matmul %get3A_344, %get3A_350, %dot_general3A_351 {dimension_numbers = #tpu.dot_dimension_numbers<[1], [1], [0], [0], [0, 0, 1, 0], [], []>, transpose_lhs_hint = false} : vector<100x128xf32>, vector<100x128xf32>, vector<100x100xf32> -> vector<100x100xf32>
      %iota3A_353 = tpu.iota {dimensions = array<i32: 0>} : vector<100x100xi32>
      %iota3A_354 = tpu.iota {dimensions = array<i32: 1>} : vector<100x100xi32>
      %eq3A_355 = arith.cmpi eq, %iota3A_353, %iota3A_354 : vector<100x100xi32>
      %get3A_356 = arith.index_cast %add3A_338 : i32 to index
      %get3A_357 = memref.load %arg1[%get3A_356] : memref<100xf32, #tpu.memory_space<smem>>
      %jit3A_358 = arith.constant 0.000000e+00 : f32
      %broadcast_in_dim3A_359 = vector.broadcast %get3A_357 : f32 to vector<100x100xf32>
      %broadcast_in_dim3A_360 = vector.broadcast %jit3A_358 : f32 to vector<100x100xf32>
      %select_n3A_361 = arith.select %eq3A_355, %broadcast_in_dim3A_359, %broadcast_in_dim3A_360 : vector<100x100xi1>, vector<100x100xf32>
      %add3A_362 = arith.addf %dot_general3A_352, %select_n3A_361 : vector<100x100xf32>
      %exp3A_363 = math.exp %add3A_362 : vector<100x100xf32>
      %reduce_sum3A_364 = arith.constant dense<0.000000e+00> : vector<100xf32>
      %reduce_sum3A_365 = vector.multi_reduction <add>, %exp3A_363, %reduce_sum3A_364 [0] : vector<100x100xf32> to vector<100xf32>
      %broadcast_in_dim3A_366 = vector.shape_cast %reduce_sum3A_365 : vector<100xf32> to vector<1x100xf32>
      %div3A_367 = arith.constant 1.000000e+00 : f32
      %div3A_368 = vector.broadcast %div3A_367 : f32 to vector<1x100xf32>
      %div3A_369 = arith.divf %div3A_368, %broadcast_in_dim3A_366 : vector<1x100xf32>
      %mul3A_370 = vector.broadcast %div3A_369 : vector<1x100xf32> to vector<100x100xf32>
      %mul3A_371 = arith.mulf %exp3A_363, %mul3A_370 : vector<100x100xf32>
      %jit3A_372 = arith.constant 0 : i32
      %convert_element_type3A_373 = arith.sitofp %jit3A_372 : i32 to f32
      %pad3A_374 = vector.broadcast %convert_element_type3A_373 : f32 to vector<28x100xf32>
      %pad3A_375 = tpu.concatenate %mul3A_371, %pad3A_374 in 0 : vector<100x100xf32>, vector<28x100xf32> -> vector<128x100xf32>
      %pad3A_376 = vector.broadcast %convert_element_type3A_373 : f32 to vector<128x28xf32>
      %pad3A_377 = tpu.concatenate %pad3A_375, %pad3A_376 in 1 : vector<128x100xf32>, vector<128x28xf32> -> vector<128x128xf32>
      %swap3A_378 = arith.index_cast %add3A_338 : i32 to index
      %swap3A_379 = arith.constant 0 : index
      %swap3A_380 = arith.constant 0 : index
      %swap3A_381 = vector.load %arg9[%swap3A_378, %swap3A_379, %swap3A_380] : memref<100x128x128xf32, #tpu.memory_space<vmem>>, vector<1x128x128xf32>
      %swap3A_382 = vector.shape_cast %swap3A_381 : vector<1x128x128xf32> to vector<128x128xf32>
      %swap3A_383 = vector.shape_cast %pad3A_377 : vector<128x128xf32> to vector<1x128x128xf32>
      tpu.vector_store %arg9[%swap3A_378, %swap3A_379, %swap3A_380], %swap3A_383 {strides = array<i32>} : memref<100x128x128xf32, #tpu.memory_space<vmem>>, vector<1x128x128xf32>,
      %mul3A_384 = arith.constant 50 : i32
      %mul3A_385 = arith.muli %arg0, %mul3A_384 : i32
      %add3A_386 = arith.constant 8 : i32
      %add3A_387 = arith.addi %mul3A_385, %add3A_386 : i32
      %get3A_388 = arith.constant 8 : index
      %get3A_389 = arith.constant 0 : index
      %get3A_390 = arith.constant 0 : index
      %get3A_391 = arith.constant 0 : index
      %get3A_392 = vector.load %arg5[%get3A_388, %get3A_389, %get3A_390, %get3A_391] : memref<50x2x100x128xf32, #tpu.memory_space<vmem>>, vector<1x1x100x128xf32>
      %get3A_393 = vector.shape_cast %get3A_392 : vector<1x1x100x128xf32> to vector<100x128xf32>
      %get3A_394 = arith.constant 8 : index
      %get3A_395 = arith.constant 1 : index
      %get3A_396 = arith.constant 0 : index
      %get3A_397 = arith.constant 0 : index
      %get3A_398 = vector.load %arg5[%get3A_394, %get3A_395, %get3A_396, %get3A_397] : memref<50x2x100x128xf32, #tpu.memory_space<vmem>>, vector<1x1x100x128xf32>
      %get3A_399 = vector.shape_cast %get3A_398 : vector<1x1x100x128xf32> to vector<100x128xf32>
      %dot_general3A_400 = arith.constant dense<0.000000e+00> : vector<100x100xf32>
      %dot_general3A_401 = tpu.matmul %get3A_393, %get3A_399, %dot_general3A_400 {dimension_numbers = #tpu.dot_dimension_numbers<[1], [1], [0], [0], [0, 0, 1, 0], [], []>, transpose_lhs_hint = false} : vector<100x128xf32>, vector<100x128xf32>, vector<100x100xf32> -> vector<100x100xf32>
      %iota3A_402 = tpu.iota {dimensions = array<i32: 0>} : vector<100x100xi32>
      %iota3A_403 = tpu.iota {dimensions = array<i32: 1>} : vector<100x100xi32>
      %eq3A_404 = arith.cmpi eq, %iota3A_402, %iota3A_403 : vector<100x100xi32>
      %get3A_405 = arith.index_cast %add3A_387 : i32 to index
      %get3A_406 = memref.load %arg1[%get3A_405] : memref<100xf32, #tpu.memory_space<smem>>
      %jit3A_407 = arith.constant 0.000000e+00 : f32
      %broadcast_in_dim3A_408 = vector.broadcast %get3A_406 : f32 to vector<100x100xf32>
      %broadcast_in_dim3A_409 = vector.broadcast %jit3A_407 : f32 to vector<100x100xf32>
      %select_n3A_410 = arith.select %eq3A_404, %broadcast_in_dim3A_408, %broadcast_in_dim3A_409 : vector<100x100xi1>, vector<100x100xf32>
      %add3A_411 = arith.addf %dot_general3A_401, %select_n3A_410 : vector<100x100xf32>
      %exp3A_412 = math.exp %add3A_411 : vector<100x100xf32>
      %reduce_sum3A_413 = arith.constant dense<0.000000e+00> : vector<100xf32>
      %reduce_sum3A_414 = vector.multi_reduction <add>, %exp3A_412, %reduce_sum3A_413 [0] : vector<100x100xf32> to vector<100xf32>
      %broadcast_in_dim3A_415 = vector.shape_cast %reduce_sum3A_414 : vector<100xf32> to vector<1x100xf32>
      %div3A_416 = arith.constant 1.000000e+00 : f32
      %div3A_417 = vector.broadcast %div3A_416 : f32 to vector<1x100xf32>
      %div3A_418 = arith.divf %div3A_417, %broadcast_in_dim3A_415 : vector<1x100xf32>
      %mul3A_419 = vector.broadcast %div3A_418 : vector<1x100xf32> to vector<100x100xf32>
      %mul3A_420 = arith.mulf %exp3A_412, %mul3A_419 : vector<100x100xf32>
      %jit3A_421 = arith.constant 0 : i32
      %convert_element_type3A_422 = arith.sitofp %jit3A_421 : i32 to f32
      %pad3A_423 = vector.broadcast %convert_element_type3A_422 : f32 to vector<28x100xf32>
      %pad3A_424 = tpu.concatenate %mul3A_420, %pad3A_423 in 0 : vector<100x100xf32>, vector<28x100xf32> -> vector<128x100xf32>
      %pad3A_425 = vector.broadcast %convert_element_type3A_422 : f32 to vector<128x28xf32>
      %pad3A_426 = tpu.concatenate %pad3A_424, %pad3A_425 in 1 : vector<128x100xf32>, vector<128x28xf32> -> vector<128x128xf32>
      %swap3A_427 = arith.index_cast %add3A_387 : i32 to index
      %swap3A_428 = arith.constant 0 : index
      %swap3A_429 = arith.constant 0 : index
      %swap3A_430 = vector.load %arg9[%swap3A_427, %swap3A_428, %swap3A_429] : memref<100x128x128xf32, #tpu.memory_space<vmem>>, vector<1x128x128xf32>
      %swap3A_431 = vector.shape_cast %swap3A_430 : vector<1x128x128xf32> to vector<128x128xf32>
      %swap3A_432 = vector.shape_cast %pad3A_426 : vector<128x128xf32> to vector<1x128x128xf32>
      tpu.vector_store %arg9[%swap3A_427, %swap3A_428, %swap3A_429], %swap3A_432 {strides = array<i32>} : memref<100x128x128xf32, #tpu.memory_space<vmem>>, vector<1x128x128xf32>,
      %mul3A_433 = arith.constant 50 : i32
      %mul3A_434 = arith.muli %arg0, %mul3A_433 : i32
      %add3A_435 = arith.constant 9 : i32
      %add3A_436 = arith.addi %mul3A_434, %add3A_435 : i32
      %get3A_437 = arith.constant 9 : index
      %get3A_438 = arith.constant 0 : index
      %get3A_439 = arith.constant 0 : index
      %get3A_440 = arith.constant 0 : index
      %get3A_441 = vector.load %arg5[%get3A_437, %get3A_438, %get3A_439, %get3A_440] : memref<50x2x100x128xf32, #tpu.memory_space<vmem>>, vector<1x1x100x128xf32>
      %get3A_442 = vector.shape_cast %get3A_441 : vector<1x1x100x128xf32> to vector<100x128xf32>
      %get3A_443 = arith.constant 9 : index
      %get3A_444 = arith.constant 1 : index
      %get3A_445 = arith.constant 0 : index
      %get3A_446 = arith.constant 0 : index
      %get3A_447 = vector.load %arg5[%get3A_443, %get3A_444, %get3A_445, %get3A_446] : memref<50x2x100x128xf32, #tpu.memory_space<vmem>>, vector<1x1x100x128xf32>
      %get3A_448 = vector.shape_cast %get3A_447 : vector<1x1x100x128xf32> to vector<100x128xf32>
      %dot_general3A_449 = arith.constant dense<0.000000e+00> : vector<100x100xf32>
      %dot_general3A_450 = tpu.matmul %get3A_442, %get3A_448, %dot_general3A_449 {dimension_numbers = #tpu.dot_dimension_numbers<[1], [1], [0], [0], [0, 0, 1, 0], [], []>, transpose_lhs_hint = false} : vector<100x128xf32>, vector<100x128xf32>, vector<100x100xf32> -> vector<100x100xf32>
      %iota3A_451 = tpu.iota {dimensions = array<i32: 0>} : vector<100x100xi32>
      %iota3A_452 = tpu.iota {dimensions = array<i32: 1>} : vector<100x100xi32>
      %eq3A_453 = arith.cmpi eq, %iota3A_451, %iota3A_452 : vector<100x100xi32>
      %get3A_454 = arith.index_cast %add3A_436 : i32 to index
      %get3A_455 = memref.load %arg1[%get3A_454] : memref<100xf32, #tpu.memory_space<smem>>
      %jit3A_456 = arith.constant 0.000000e+00 : f32
      %broadcast_in_dim3A_457 = vector.broadcast %get3A_455 : f32 to vector<100x100xf32>
      %broadcast_in_dim3A_458 = vector.broadcast %jit3A_456 : f32 to vector<100x100xf32>
      %select_n3A_459 = arith.select %eq3A_453, %broadcast_in_dim3A_457, %broadcast_in_dim3A_458 : vector<100x100xi1>, vector<100x100xf32>
      %add3A_460 = arith.addf %dot_general3A_450, %select_n3A_459 : vector<100x100xf32>
      %exp3A_461 = math.exp %add3A_460 : vector<100x100xf32>
      %reduce_sum3A_462 = arith.constant dense<0.000000e+00> : vector<100xf32>
      %reduce_sum3A_463 = vector.multi_reduction <add>, %exp3A_461, %reduce_sum3A_462 [0] : vector<100x100xf32> to vector<100xf32>
      %broadcast_in_dim3A_464 = vector.shape_cast %reduce_sum3A_463 : vector<100xf32> to vector<1x100xf32>
      %div3A_465 = arith.constant 1.000000e+00 : f32
      %div3A_466 = vector.broadcast %div3A_465 : f32 to vector<1x100xf32>
      %div3A_467 = arith.divf %div3A_466, %broadcast_in_dim3A_464 : vector<1x100xf32>
      %mul3A_468 = vector.broadcast %div3A_467 : vector<1x100xf32> to vector<100x100xf32>
      %mul3A_469 = arith.mulf %exp3A_461, %mul3A_468 : vector<100x100xf32>
      %jit3A_470 = arith.constant 0 : i32
      %convert_element_type3A_471 = arith.sitofp %jit3A_470 : i32 to f32
      %pad3A_472 = vector.broadcast %convert_element_type3A_471 : f32 to vector<28x100xf32>
      %pad3A_473 = tpu.concatenate %mul3A_469, %pad3A_472 in 0 : vector<100x100xf32>, vector<28x100xf32> -> vector<128x100xf32>
      %pad3A_474 = vector.broadcast %convert_element_type3A_471 : f32 to vector<128x28xf32>
      %pad3A_475 = tpu.concatenate %pad3A_473, %pad3A_474 in 1 : vector<128x100xf32>, vector<128x28xf32> -> vector<128x128xf32>
      %swap3A_476 = arith.index_cast %add3A_436 : i32 to index
      %swap3A_477 = arith.constant 0 : index
      %swap3A_478 = arith.constant 0 : index
      %swap3A_479 = vector.load %arg9[%swap3A_476, %swap3A_477, %swap3A_478] : memref<100x128x128xf32, #tpu.memory_space<vmem>>, vector<1x128x128xf32>
      %swap3A_480 = vector.shape_cast %swap3A_479 : vector<1x128x128xf32> to vector<128x128xf32>
      %swap3A_481 = vector.shape_cast %pad3A_475 : vector<128x128xf32> to vector<1x128x128xf32>
      tpu.vector_store %arg9[%swap3A_476, %swap3A_477, %swap3A_478], %swap3A_481 {strides = array<i32>} : memref<100x128x128xf32, #tpu.memory_space<vmem>>, vector<1x128x128xf32>,
      %mul3A_482 = arith.constant 50 : i32
      %mul3A_483 = arith.muli %arg0, %mul3A_482 : i32
      %add3A_484 = arith.constant 10 : i32
      %add3A_485 = arith.addi %mul3A_483, %add3A_484 : i32
      %get3A_486 = arith.constant 10 : index
      %get3A_487 = arith.constant 0 : index
      %get3A_488 = arith.constant 0 : index
      %get3A_489 = arith.constant 0 : index
      %get3A_490 = vector.load %arg5[%get3A_486, %get3A_487, %get3A_488, %get3A_489] : memref<50x2x100x128xf32, #tpu.memory_space<vmem>>, vector<1x1x100x128xf32>
      %get3A_491 = vector.shape_cast %get3A_490 : vector<1x1x100x128xf32> to vector<100x128xf32>
      %get3A_492 = arith.constant 10 : index
      %get3A_493 = arith.constant 1 : index
      %get3A_494 = arith.constant 0 : index
      %get3A_495 = arith.constant 0 : index
      %get3A_496 = vector.load %arg5[%get3A_492, %get3A_493, %get3A_494, %get3A_495] : memref<50x2x100x128xf32, #tpu.memory_space<vmem>>, vector<1x1x100x128xf32>
      %get3A_497 = vector.shape_cast %get3A_496 : vector<1x1x100x128xf32> to vector<100x128xf32>
      %dot_general3A_498 = arith.constant dense<0.000000e+00> : vector<100x100xf32>
      %dot_general3A_499 = tpu.matmul %get3A_491, %get3A_497, %dot_general3A_498 {dimension_numbers = #tpu.dot_dimension_numbers<[1], [1], [0], [0], [0, 0, 1, 0], [], []>, transpose_lhs_hint = false} : vector<100x128xf32>, vector<100x128xf32>, vector<100x100xf32> -> vector<100x100xf32>
      %iota3A_500 = tpu.iota {dimensions = array<i32: 0>} : vector<100x100xi32>
      %iota3A_501 = tpu.iota {dimensions = array<i32: 1>} : vector<100x100xi32>
      %eq3A_502 = arith.cmpi eq, %iota3A_500, %iota3A_501 : vector<100x100xi32>
      %get3A_503 = arith.index_cast %add3A_485 : i32 to index
      %get3A_504 = memref.load %arg1[%get3A_503] : memref<100xf32, #tpu.memory_space<smem>>
      %jit3A_505 = arith.constant 0.000000e+00 : f32
      %broadcast_in_dim3A_506 = vector.broadcast %get3A_504 : f32 to vector<100x100xf32>
      %broadcast_in_dim3A_507 = vector.broadcast %jit3A_505 : f32 to vector<100x100xf32>
      %select_n3A_508 = arith.select %eq3A_502, %broadcast_in_dim3A_506, %broadcast_in_dim3A_507 : vector<100x100xi1>, vector<100x100xf32>
      %add3A_509 = arith.addf %dot_general3A_499, %select_n3A_508 : vector<100x100xf32>
      %exp3A_510 = math.exp %add3A_509 : vector<100x100xf32>
      %reduce_sum3A_511 = arith.constant dense<0.000000e+00> : vector<100xf32>
      %reduce_sum3A_512 = vector.multi_reduction <add>, %exp3A_510, %reduce_sum3A_511 [0] : vector<100x100xf32> to vector<100xf32>
      %broadcast_in_dim3A_513 = vector.shape_cast %reduce_sum3A_512 : vector<100xf32> to vector<1x100xf32>
      %div3A_514 = arith.constant 1.000000e+00 : f32
      %div3A_515 = vector.broadcast %div3A_514 : f32 to vector<1x100xf32>
      %div3A_516 = arith.divf %div3A_515, %broadcast_in_dim3A_513 : vector<1x100xf32>
      %mul3A_517 = vector.broadcast %div3A_516 : vector<1x100xf32> to vector<100x100xf32>
      %mul3A_518 = arith.mulf %exp3A_510, %mul3A_517 : vector<100x100xf32>
      %jit3A_519 = arith.constant 0 : i32
      %convert_element_type3A_520 = arith.sitofp %jit3A_519 : i32 to f32
      %pad3A_521 = vector.broadcast %convert_element_type3A_520 : f32 to vector<28x100xf32>
      %pad3A_522 = tpu.concatenate %mul3A_518, %pad3A_521 in 0 : vector<100x100xf32>, vector<28x100xf32> -> vector<128x100xf32>
      %pad3A_523 = vector.broadcast %convert_element_type3A_520 : f32 to vector<128x28xf32>
      %pad3A_524 = tpu.concatenate %pad3A_522, %pad3A_523 in 1 : vector<128x100xf32>, vector<128x28xf32> -> vector<128x128xf32>
      %swap3A_525 = arith.index_cast %add3A_485 : i32 to index
      %swap3A_526 = arith.constant 0 : index
      %swap3A_527 = arith.constant 0 : index
      %swap3A_528 = vector.load %arg9[%swap3A_525, %swap3A_526, %swap3A_527] : memref<100x128x128xf32, #tpu.memory_space<vmem>>, vector<1x128x128xf32>
      %swap3A_529 = vector.shape_cast %swap3A_528 : vector<1x128x128xf32> to vector<128x128xf32>
      %swap3A_530 = vector.shape_cast %pad3A_524 : vector<128x128xf32> to vector<1x128x128xf32>
      tpu.vector_store %arg9[%swap3A_525, %swap3A_526, %swap3A_527], %swap3A_530 {strides = array<i32>} : memref<100x128x128xf32, #tpu.memory_space<vmem>>, vector<1x128x128xf32>,
      %mul3A_531 = arith.constant 50 : i32
      %mul3A_532 = arith.muli %arg0, %mul3A_531 : i32
      %add3A_533 = arith.constant 11 : i32
      %add3A_534 = arith.addi %mul3A_532, %add3A_533 : i32
      %get3A_535 = arith.constant 11 : index
      %get3A_536 = arith.constant 0 : index
      %get3A_537 = arith.constant 0 : index
      %get3A_538 = arith.constant 0 : index
      %get3A_539 = vector.load %arg5[%get3A_535, %get3A_536, %get3A_537, %get3A_538] : memref<50x2x100x128xf32, #tpu.memory_space<vmem>>, vector<1x1x100x128xf32>
      %get3A_540 = vector.shape_cast %get3A_539 : vector<1x1x100x128xf32> to vector<100x128xf32>
      %get3A_541 = arith.constant 11 : index
      %get3A_542 = arith.constant 1 : index
      %get3A_543 = arith.constant 0 : index
      %get3A_544 = arith.constant 0 : index
      %get3A_545 = vector.load %arg5[%get3A_541, %get3A_542, %get3A_543, %get3A_544] : memref<50x2x100x128xf32, #tpu.memory_space<vmem>>, vector<1x1x100x128xf32>
      %get3A_546 = vector.shape_cast %get3A_545 : vector<1x1x100x128xf32> to vector<100x128xf32>
      %dot_general3A_547 = arith.constant dense<0.000000e+00> : vector<100x100xf32>
      %dot_general3A_548 = tpu.matmul %get3A_540, %get3A_546, %dot_general3A_547 {dimension_numbers = #tpu.dot_dimension_numbers<[1], [1], [0], [0], [0, 0, 1, 0], [], []>, transpose_lhs_hint = false} : vector<100x128xf32>, vector<100x128xf32>, vector<100x100xf32> -> vector<100x100xf32>
      %iota3A_549 = tpu.iota {dimensions = array<i32: 0>} : vector<100x100xi32>
      %iota3A_550 = tpu.iota {dimensions = array<i32: 1>} : vector<100x100xi32>
      %eq3A_551 = arith.cmpi eq, %iota3A_549, %iota3A_550 : vector<100x100xi32>
      %get3A_552 = arith.index_cast %add3A_534 : i32 to index
      %get3A_553 = memref.load %arg1[%get3A_552] : memref<100xf32, #tpu.memory_space<smem>>
      %jit3A_554 = arith.constant 0.000000e+00 : f32
      %broadcast_in_dim3A_555 = vector.broadcast %get3A_553 : f32 to vector<100x100xf32>
      %broadcast_in_dim3A_556 = vector.broadcast %jit3A_554 : f32 to vector<100x100xf32>
      %select_n3A_557 = arith.select %eq3A_551, %broadcast_in_dim3A_555, %broadcast_in_dim3A_556 : vector<100x100xi1>, vector<100x100xf32>
      %add3A_558 = arith.addf %dot_general3A_548, %select_n3A_557 : vector<100x100xf32>
      %exp3A_559 = math.exp %add3A_558 : vector<100x100xf32>
      %reduce_sum3A_560 = arith.constant dense<0.000000e+00> : vector<100xf32>
      %reduce_sum3A_561 = vector.multi_reduction <add>, %exp3A_559, %reduce_sum3A_560 [0] : vector<100x100xf32> to vector<100xf32>
      %broadcast_in_dim3A_562 = vector.shape_cast %reduce_sum3A_561 : vector<100xf32> to vector<1x100xf32>
      %div3A_563 = arith.constant 1.000000e+00 : f32
      %div3A_564 = vector.broadcast %div3A_563 : f32 to vector<1x100xf32>
      %div3A_565 = arith.divf %div3A_564, %broadcast_in_dim3A_562 : vector<1x100xf32>
      %mul3A_566 = vector.broadcast %div3A_565 : vector<1x100xf32> to vector<100x100xf32>
      %mul3A_567 = arith.mulf %exp3A_559, %mul3A_566 : vector<100x100xf32>
      %jit3A_568 = arith.constant 0 : i32
      %convert_element_type3A_569 = arith.sitofp %jit3A_568 : i32 to f32
      %pad3A_570 = vector.broadcast %convert_element_type3A_569 : f32 to vector<28x100xf32>
      %pad3A_571 = tpu.concatenate %mul3A_567, %pad3A_570 in 0 : vector<100x100xf32>, vector<28x100xf32> -> vector<128x100xf32>
      %pad3A_572 = vector.broadcast %convert_element_type3A_569 : f32 to vector<128x28xf32>
      %pad3A_573 = tpu.concatenate %pad3A_571, %pad3A_572 in 1 : vector<128x100xf32>, vector<128x28xf32> -> vector<128x128xf32>
      %swap3A_574 = arith.index_cast %add3A_534 : i32 to index
      %swap3A_575 = arith.constant 0 : index
      %swap3A_576 = arith.constant 0 : index
      %swap3A_577 = vector.load %arg9[%swap3A_574, %swap3A_575, %swap3A_576] : memref<100x128x128xf32, #tpu.memory_space<vmem>>, vector<1x128x128xf32>
      %swap3A_578 = vector.shape_cast %swap3A_577 : vector<1x128x128xf32> to vector<128x128xf32>
      %swap3A_579 = vector.shape_cast %pad3A_573 : vector<128x128xf32> to vector<1x128x128xf32>
      tpu.vector_store %arg9[%swap3A_574, %swap3A_575, %swap3A_576], %swap3A_579 {strides = array<i32>} : memref<100x128x128xf32, #tpu.memory_space<vmem>>, vector<1x128x128xf32>,
      %mul3A_580 = arith.constant 50 : i32
      %mul3A_581 = arith.muli %arg0, %mul3A_580 : i32
      %add3A_582 = arith.constant 12 : i32
      %add3A_583 = arith.addi %mul3A_581, %add3A_582 : i32
      %get3A_584 = arith.constant 12 : index
      %get3A_585 = arith.constant 0 : index
      %get3A_586 = arith.constant 0 : index
      %get3A_587 = arith.constant 0 : index
      %get3A_588 = vector.load %arg5[%get3A_584, %get3A_585, %get3A_586, %get3A_587] : memref<50x2x100x128xf32, #tpu.memory_space<vmem>>, vector<1x1x100x128xf32>
      %get3A_589 = vector.shape_cast %get3A_588 : vector<1x1x100x128xf32> to vector<100x128xf32>
      %get3A_590 = arith.constant 12 : index
      %get3A_591 = arith.constant 1 : index
      %get3A_592 = arith.constant 0 : index
      %get3A_593 = arith.constant 0 : index
      %get3A_594 = vector.load %arg5[%get3A_590, %get3A_591, %get3A_592, %get3A_593] : memref<50x2x100x128xf32, #tpu.memory_space<vmem>>, vector<1x1x100x128xf32>
      %get3A_595 = vector.shape_cast %get3A_594 : vector<1x1x100x128xf32> to vector<100x128xf32>
      %dot_general3A_596 = arith.constant dense<0.000000e+00> : vector<100x100xf32>
      %dot_general3A_597 = tpu.matmul %get3A_589, %get3A_595, %dot_general3A_596 {dimension_numbers = #tpu.dot_dimension_numbers<[1], [1], [0], [0], [0, 0, 1, 0], [], []>, transpose_lhs_hint = false} : vector<100x128xf32>, vector<100x128xf32>, vector<100x100xf32> -> vector<100x100xf32>
      %iota3A_598 = tpu.iota {dimensions = array<i32: 0>} : vector<100x100xi32>
      %iota3A_599 = tpu.iota {dimensions = array<i32: 1>} : vector<100x100xi32>
      %eq3A_600 = arith.cmpi eq, %iota3A_598, %iota3A_599 : vector<100x100xi32>
      %get3A_601 = arith.index_cast %add3A_583 : i32 to index
      %get3A_602 = memref.load %arg1[%get3A_601] : memref<100xf32, #tpu.memory_space<smem>>
      %jit3A_603 = arith.constant 0.000000e+00 : f32
      %broadcast_in_dim3A_604 = vector.broadcast %get3A_602 : f32 to vector<100x100xf32>
      %broadcast_in_dim3A_605 = vector.broadcast %jit3A_603 : f32 to vector<100x100xf32>
      %select_n3A_606 = arith.select %eq3A_600, %broadcast_in_dim3A_604, %broadcast_in_dim3A_605 : vector<100x100xi1>, vector<100x100xf32>
      %add3A_607 = arith.addf %dot_general3A_597, %select_n3A_606 : vector<100x100xf32>
      %exp3A_608 = math.exp %add3A_607 : vector<100x100xf32>
      %reduce_sum3A_609 = arith.constant dense<0.000000e+00> : vector<100xf32>
      %reduce_sum3A_610 = vector.multi_reduction <add>, %exp3A_608, %reduce_sum3A_609 [0] : vector<100x100xf32> to vector<100xf32>
      %broadcast_in_dim3A_611 = vector.shape_cast %reduce_sum3A_610 : vector<100xf32> to vector<1x100xf32>
      %div3A_612 = arith.constant 1.000000e+00 : f32
      %div3A_613 = vector.broadcast %div3A_612 : f32 to vector<1x100xf32>
      %div3A_614 = arith.divf %div3A_613, %broadcast_in_dim3A_611 : vector<1x100xf32>
      %mul3A_615 = vector.broadcast %div3A_614 : vector<1x100xf32> to vector<100x100xf32>
      %mul3A_616 = arith.mulf %exp3A_608, %mul3A_615 : vector<100x100xf32>
      %jit3A_617 = arith.constant 0 : i32
      %convert_element_type3A_618 = arith.sitofp %jit3A_617 : i32 to f32
      %pad3A_619 = vector.broadcast %convert_element_type3A_618 : f32 to vector<28x100xf32>
      %pad3A_620 = tpu.concatenate %mul3A_616, %pad3A_619 in 0 : vector<100x100xf32>, vector<28x100xf32> -> vector<128x100xf32>
      %pad3A_621 = vector.broadcast %convert_element_type3A_618 : f32 to vector<128x28xf32>
      %pad3A_622 = tpu.concatenate %pad3A_620, %pad3A_621 in 1 : vector<128x100xf32>, vector<128x28xf32> -> vector<128x128xf32>
      %swap3A_623 = arith.index_cast %add3A_583 : i32 to index
      %swap3A_624 = arith.constant 0 : index
      %swap3A_625 = arith.constant 0 : index
      %swap3A_626 = vector.load %arg9[%swap3A_623, %swap3A_624, %swap3A_625] : memref<100x128x128xf32, #tpu.memory_space<vmem>>, vector<1x128x128xf32>
      %swap3A_627 = vector.shape_cast %swap3A_626 : vector<1x128x128xf32> to vector<128x128xf32>
      %swap3A_628 = vector.shape_cast %pad3A_622 : vector<128x128xf32> to vector<1x128x128xf32>
      tpu.vector_store %arg9[%swap3A_623, %swap3A_624, %swap3A_625], %swap3A_628 {strides = array<i32>} : memref<100x128x128xf32, #tpu.memory_space<vmem>>, vector<1x128x128xf32>,
      %mul3A_629 = arith.constant 50 : i32
      %mul3A_630 = arith.muli %arg0, %mul3A_629 : i32
      %add3A_631 = arith.constant 13 : i32
      %add3A_632 = arith.addi %mul3A_630, %add3A_631 : i32
      %get3A_633 = arith.constant 13 : index
      %get3A_634 = arith.constant 0 : index
      %get3A_635 = arith.constant 0 : index
      %get3A_636 = arith.constant 0 : index
      %get3A_637 = vector.load %arg5[%get3A_633, %get3A_634, %get3A_635, %get3A_636] : memref<50x2x100x128xf32, #tpu.memory_space<vmem>>, vector<1x1x100x128xf32>
      %get3A_638 = vector.shape_cast %get3A_637 : vector<1x1x100x128xf32> to vector<100x128xf32>
      %get3A_639 = arith.constant 13 : index
      %get3A_640 = arith.constant 1 : index
      %get3A_641 = arith.constant 0 : index
      %get3A_642 = arith.constant 0 : index
      %get3A_643 = vector.load %arg5[%get3A_639, %get3A_640, %get3A_641, %get3A_642] : memref<50x2x100x128xf32, #tpu.memory_space<vmem>>, vector<1x1x100x128xf32>
      %get3A_644 = vector.shape_cast %get3A_643 : vector<1x1x100x128xf32> to vector<100x128xf32>
      %dot_general3A_645 = arith.constant dense<0.000000e+00> : vector<100x100xf32>
      %dot_general3A_646 = tpu.matmul %get3A_638, %get3A_644, %dot_general3A_645 {dimension_numbers = #tpu.dot_dimension_numbers<[1], [1], [0], [0], [0, 0, 1, 0], [], []>, transpose_lhs_hint = false} : vector<100x128xf32>, vector<100x128xf32>, vector<100x100xf32> -> vector<100x100xf32>
      %iota3A_647 = tpu.iota {dimensions = array<i32: 0>} : vector<100x100xi32>
      %iota3A_648 = tpu.iota {dimensions = array<i32: 1>} : vector<100x100xi32>
      %eq3A_649 = arith.cmpi eq, %iota3A_647, %iota3A_648 : vector<100x100xi32>
      %get3A_650 = arith.index_cast %add3A_632 : i32 to index
      %get3A_651 = memref.load %arg1[%get3A_650] : memref<100xf32, #tpu.memory_space<smem>>
      %jit3A_652 = arith.constant 0.000000e+00 : f32
      %broadcast_in_dim3A_653 = vector.broadcast %get3A_651 : f32 to vector<100x100xf32>
      %broadcast_in_dim3A_654 = vector.broadcast %jit3A_652 : f32 to vector<100x100xf32>
      %select_n3A_655 = arith.select %eq3A_649, %broadcast_in_dim3A_653, %broadcast_in_dim3A_654 : vector<100x100xi1>, vector<100x100xf32>
      %add3A_656 = arith.addf %dot_general3A_646, %select_n3A_655 : vector<100x100xf32>
      %exp3A_657 = math.exp %add3A_656 : vector<100x100xf32>
      %reduce_sum3A_658 = arith.constant dense<0.000000e+00> : vector<100xf32>
      %reduce_sum3A_659 = vector.multi_reduction <add>, %exp3A_657, %reduce_sum3A_658 [0] : vector<100x100xf32> to vector<100xf32>
      %broadcast_in_dim3A_660 = vector.shape_cast %reduce_sum3A_659 : vector<100xf32> to vector<1x100xf32>
      %div3A_661 = arith.constant 1.000000e+00 : f32
      %div3A_662 = vector.broadcast %div3A_661 : f32 to vector<1x100xf32>
      %div3A_663 = arith.divf %div3A_662, %broadcast_in_dim3A_660 : vector<1x100xf32>
      %mul3A_664 = vector.broadcast %div3A_663 : vector<1x100xf32> to vector<100x100xf32>
      %mul3A_665 = arith.mulf %exp3A_657, %mul3A_664 : vector<100x100xf32>
      %jit3A_666 = arith.constant 0 : i32
      %convert_element_type3A_667 = arith.sitofp %jit3A_666 : i32 to f32
      %pad3A_668 = vector.broadcast %convert_element_type3A_667 : f32 to vector<28x100xf32>
      %pad3A_669 = tpu.concatenate %mul3A_665, %pad3A_668 in 0 : vector<100x100xf32>, vector<28x100xf32> -> vector<128x100xf32>
      %pad3A_670 = vector.broadcast %convert_element_type3A_667 : f32 to vector<128x28xf32>
      %pad3A_671 = tpu.concatenate %pad3A_669, %pad3A_670 in 1 : vector<128x100xf32>, vector<128x28xf32> -> vector<128x128xf32>
      %swap3A_672 = arith.index_cast %add3A_632 : i32 to index
      %swap3A_673 = arith.constant 0 : index
      %swap3A_674 = arith.constant 0 : index
      %swap3A_675 = vector.load %arg9[%swap3A_672, %swap3A_673, %swap3A_674] : memref<100x128x128xf32, #tpu.memory_space<vmem>>, vector<1x128x128xf32>
      %swap3A_676 = vector.shape_cast %swap3A_675 : vector<1x128x128xf32> to vector<128x128xf32>
      %swap3A_677 = vector.shape_cast %pad3A_671 : vector<128x128xf32> to vector<1x128x128xf32>
      tpu.vector_store %arg9[%swap3A_672, %swap3A_673, %swap3A_674], %swap3A_677 {strides = array<i32>} : memref<100x128x128xf32, #tpu.memory_space<vmem>>, vector<1x128x128xf32>,
      %mul3A_678 = arith.constant 50 : i32
      %mul3A_679 = arith.muli %arg0, %mul3A_678 : i32
      %add3A_680 = arith.constant 14 : i32
      %add3A_681 = arith.addi %mul3A_679, %add3A_680 : i32
      %get3A_682 = arith.constant 14 : index
      %get3A_683 = arith.constant 0 : index
      %get3A_684 = arith.constant 0 : index
      %get3A_685 = arith.constant 0 : index
      %get3A_686 = vector.load %arg5[%get3A_682, %get3A_683, %get3A_684, %get3A_685] : memref<50x2x100x128xf32, #tpu.memory_space<vmem>>, vector<1x1x100x128xf32>
      %get3A_687 = vector.shape_cast %get3A_686 : vector<1x1x100x128xf32> to vector<100x128xf32>
      %get3A_688 = arith.constant 14 : index
      %get3A_689 = arith.constant 1 : index
      %get3A_690 = arith.constant 0 : index
      %get3A_691 = arith.constant 0 : index
      %get3A_692 = vector.load %arg5[%get3A_688, %get3A_689, %get3A_690, %get3A_691] : memref<50x2x100x128xf32, #tpu.memory_space<vmem>>, vector<1x1x100x128xf32>
      %get3A_693 = vector.shape_cast %get3A_692 : vector<1x1x100x128xf32> to vector<100x128xf32>
      %dot_general3A_694 = arith.constant dense<0.000000e+00> : vector<100x100xf32>
      %dot_general3A_695 = tpu.matmul %get3A_687, %get3A_693, %dot_general3A_694 {dimension_numbers = #tpu.dot_dimension_numbers<[1], [1], [0], [0], [0, 0, 1, 0], [], []>, transpose_lhs_hint = false} : vector<100x128xf32>, vector<100x128xf32>, vector<100x100xf32> -> vector<100x100xf32>
      %iota3A_696 = tpu.iota {dimensions = array<i32: 0>} : vector<100x100xi32>
      %iota3A_697 = tpu.iota {dimensions = array<i32: 1>} : vector<100x100xi32>
      %eq3A_698 = arith.cmpi eq, %iota3A_696, %iota3A_697 : vector<100x100xi32>
      %get3A_699 = arith.index_cast %add3A_681 : i32 to index
      %get3A_700 = memref.load %arg1[%get3A_699] : memref<100xf32, #tpu.memory_space<smem>>
      %jit3A_701 = arith.constant 0.000000e+00 : f32
      %broadcast_in_dim3A_702 = vector.broadcast %get3A_700 : f32 to vector<100x100xf32>
      %broadcast_in_dim3A_703 = vector.broadcast %jit3A_701 : f32 to vector<100x100xf32>
      %select_n3A_704 = arith.select %eq3A_698, %broadcast_in_dim3A_702, %broadcast_in_dim3A_703 : vector<100x100xi1>, vector<100x100xf32>
      %add3A_705 = arith.addf %dot_general3A_695, %select_n3A_704 : vector<100x100xf32>
      %exp3A_706 = math.exp %add3A_705 : vector<100x100xf32>
      %reduce_sum3A_707 = arith.constant dense<0.000000e+00> : vector<100xf32>
      %reduce_sum3A_708 = vector.multi_reduction <add>, %exp3A_706, %reduce_sum3A_707 [0] : vector<100x100xf32> to vector<100xf32>
      %broadcast_in_dim3A_709 = vector.shape_cast %reduce_sum3A_708 : vector<100xf32> to vector<1x100xf32>
      %div3A_710 = arith.constant 1.000000e+00 : f32
      %div3A_711 = vector.broadcast %div3A_710 : f32 to vector<1x100xf32>
      %div3A_712 = arith.divf %div3A_711, %broadcast_in_dim3A_709 : vector<1x100xf32>
      %mul3A_713 = vector.broadcast %div3A_712 : vector<1x100xf32> to vector<100x100xf32>
      %mul3A_714 = arith.mulf %exp3A_706, %mul3A_713 : vector<100x100xf32>
      %jit3A_715 = arith.constant 0 : i32
      %convert_element_type3A_716 = arith.sitofp %jit3A_715 : i32 to f32
      %pad3A_717 = vector.broadcast %convert_element_type3A_716 : f32 to vector<28x100xf32>
      %pad3A_718 = tpu.concatenate %mul3A_714, %pad3A_717 in 0 : vector<100x100xf32>, vector<28x100xf32> -> vector<128x100xf32>
      %pad3A_719 = vector.broadcast %convert_element_type3A_716 : f32 to vector<128x28xf32>
      %pad3A_720 = tpu.concatenate %pad3A_718, %pad3A_719 in 1 : vector<128x100xf32>, vector<128x28xf32> -> vector<128x128xf32>
      %swap3A_721 = arith.index_cast %add3A_681 : i32 to index
      %swap3A_722 = arith.constant 0 : index
      %swap3A_723 = arith.constant 0 : index
      %swap3A_724 = vector.load %arg9[%swap3A_721, %swap3A_722, %swap3A_723] : memref<100x128x128xf32, #tpu.memory_space<vmem>>, vector<1x128x128xf32>
      %swap3A_725 = vector.shape_cast %swap3A_724 : vector<1x128x128xf32> to vector<128x128xf32>
      %swap3A_726 = vector.shape_cast %pad3A_720 : vector<128x128xf32> to vector<1x128x128xf32>
      tpu.vector_store %arg9[%swap3A_721, %swap3A_722, %swap3A_723], %swap3A_726 {strides = array<i32>} : memref<100x128x128xf32, #tpu.memory_space<vmem>>, vector<1x128x128xf32>,
      %mul3A_727 = arith.constant 50 : i32
      %mul3A_728 = arith.muli %arg0, %mul3A_727 : i32
      %add3A_729 = arith.constant 15 : i32
      %add3A_730 = arith.addi %mul3A_728, %add3A_729 : i32
      %get3A_731 = arith.constant 15 : index
      %get3A_732 = arith.constant 0 : index
      %get3A_733 = arith.constant 0 : index
      %get3A_734 = arith.constant 0 : index
      %get3A_735 = vector.load %arg5[%get3A_731, %get3A_732, %get3A_733, %get3A_734] : memref<50x2x100x128xf32, #tpu.memory_space<vmem>>, vector<1x1x100x128xf32>
      %get3A_736 = vector.shape_cast %get3A_735 : vector<1x1x100x128xf32> to vector<100x128xf32>
      %get3A_737 = arith.constant 15 : index
      %get3A_738 = arith.constant 1 : index
      %get3A_739 = arith.constant 0 : index
      %get3A_740 = arith.constant 0 : index
      %get3A_741 = vector.load %arg5[%get3A_737, %get3A_738, %get3A_739, %get3A_740] : memref<50x2x100x128xf32, #tpu.memory_space<vmem>>, vector<1x1x100x128xf32>
      %get3A_742 = vector.shape_cast %get3A_741 : vector<1x1x100x128xf32> to vector<100x128xf32>
      %dot_general3A_743 = arith.constant dense<0.000000e+00> : vector<100x100xf32>
      %dot_general3A_744 = tpu.matmul %get3A_736, %get3A_742, %dot_general3A_743 {dimension_numbers = #tpu.dot_dimension_numbers<[1], [1], [0], [0], [0, 0, 1, 0], [], []>, transpose_lhs_hint = false} : vector<100x128xf32>, vector<100x128xf32>, vector<100x100xf32> -> vector<100x100xf32>
      %iota3A_745 = tpu.iota {dimensions = array<i32: 0>} : vector<100x100xi32>
      %iota3A_746 = tpu.iota {dimensions = array<i32: 1>} : vector<100x100xi32>
      %eq3A_747 = arith.cmpi eq, %iota3A_745, %iota3A_746 : vector<100x100xi32>
      %get3A_748 = arith.index_cast %add3A_730 : i32 to index
      %get3A_749 = memref.load %arg1[%get3A_748] : memref<100xf32, #tpu.memory_space<smem>>
      %jit3A_750 = arith.constant 0.000000e+00 : f32
      %broadcast_in_dim3A_751 = vector.broadcast %get3A_749 : f32 to vector<100x100xf32>
      %broadcast_in_dim3A_752 = vector.broadcast %jit3A_750 : f32 to vector<100x100xf32>
      %select_n3A_753 = arith.select %eq3A_747, %broadcast_in_dim3A_751, %broadcast_in_dim3A_752 : vector<100x100xi1>, vector<100x100xf32>
      %add3A_754 = arith.addf %dot_general3A_744, %select_n3A_753 : vector<100x100xf32>
      %exp3A_755 = math.exp %add3A_754 : vector<100x100xf32>
      %reduce_sum3A_756 = arith.constant dense<0.000000e+00> : vector<100xf32>
      %reduce_sum3A_757 = vector.multi_reduction <add>, %exp3A_755, %reduce_sum3A_756 [0] : vector<100x100xf32> to vector<100xf32>
      %broadcast_in_dim3A_758 = vector.shape_cast %reduce_sum3A_757 : vector<100xf32> to vector<1x100xf32>
      %div3A_759 = arith.constant 1.000000e+00 : f32
      %div3A_760 = vector.broadcast %div3A_759 : f32 to vector<1x100xf32>
      %div3A_761 = arith.divf %div3A_760, %broadcast_in_dim3A_758 : vector<1x100xf32>
      %mul3A_762 = vector.broadcast %div3A_761 : vector<1x100xf32> to vector<100x100xf32>
      %mul3A_763 = arith.mulf %exp3A_755, %mul3A_762 : vector<100x100xf32>
      %jit3A_764 = arith.constant 0 : i32
      %convert_element_type3A_765 = arith.sitofp %jit3A_764 : i32 to f32
      %pad3A_766 = vector.broadcast %convert_element_type3A_765 : f32 to vector<28x100xf32>
      %pad3A_767 = tpu.concatenate %mul3A_763, %pad3A_766 in 0 : vector<100x100xf32>, vector<28x100xf32> -> vector<128x100xf32>
      %pad3A_768 = vector.broadcast %convert_element_type3A_765 : f32 to vector<128x28xf32>
      %pad3A_769 = tpu.concatenate %pad3A_767, %pad3A_768 in 1 : vector<128x100xf32>, vector<128x28xf32> -> vector<128x128xf32>
      %swap3A_770 = arith.index_cast %add3A_730 : i32 to index
      %swap3A_771 = arith.constant 0 : index
      %swap3A_772 = arith.constant 0 : index
      %swap3A_773 = vector.load %arg9[%swap3A_770, %swap3A_771, %swap3A_772] : memref<100x128x128xf32, #tpu.memory_space<vmem>>, vector<1x128x128xf32>
      %swap3A_774 = vector.shape_cast %swap3A_773 : vector<1x128x128xf32> to vector<128x128xf32>
      %swap3A_775 = vector.shape_cast %pad3A_769 : vector<128x128xf32> to vector<1x128x128xf32>
      tpu.vector_store %arg9[%swap3A_770, %swap3A_771, %swap3A_772], %swap3A_775 {strides = array<i32>} : memref<100x128x128xf32, #tpu.memory_space<vmem>>, vector<1x128x128xf32>,
      %mul3A_776 = arith.constant 50 : i32
      %mul3A_777 = arith.muli %arg0, %mul3A_776 : i32
      %add3A_778 = arith.constant 16 : i32
      %add3A_779 = arith.addi %mul3A_777, %add3A_778 : i32
      %get3A_780 = arith.constant 16 : index
      %get3A_781 = arith.constant 0 : index
      %get3A_782 = arith.constant 0 : index
      %get3A_783 = arith.constant 0 : index
      %get3A_784 = vector.load %arg5[%get3A_780, %get3A_781, %get3A_782, %get3A_783] : memref<50x2x100x128xf32, #tpu.memory_space<vmem>>, vector<1x1x100x128xf32>
      %get3A_785 = vector.shape_cast %get3A_784 : vector<1x1x100x128xf32> to vector<100x128xf32>
      %get3A_786 = arith.constant 16 : index
      %get3A_787 = arith.constant 1 : index
      %get3A_788 = arith.constant 0 : index
      %get3A_789 = arith.constant 0 : index
      %get3A_790 = vector.load %arg5[%get3A_786, %get3A_787, %get3A_788, %get3A_789] : memref<50x2x100x128xf32, #tpu.memory_space<vmem>>, vector<1x1x100x128xf32>
      %get3A_791 = vector.shape_cast %get3A_790 : vector<1x1x100x128xf32> to vector<100x128xf32>
      %dot_general3A_792 = arith.constant dense<0.000000e+00> : vector<100x100xf32>
      %dot_general3A_793 = tpu.matmul %get3A_785, %get3A_791, %dot_general3A_792 {dimension_numbers = #tpu.dot_dimension_numbers<[1], [1], [0], [0], [0, 0, 1, 0], [], []>, transpose_lhs_hint = false} : vector<100x128xf32>, vector<100x128xf32>, vector<100x100xf32> -> vector<100x100xf32>
      %iota3A_794 = tpu.iota {dimensions = array<i32: 0>} : vector<100x100xi32>
      %iota3A_795 = tpu.iota {dimensions = array<i32: 1>} : vector<100x100xi32>
      %eq3A_796 = arith.cmpi eq, %iota3A_794, %iota3A_795 : vector<100x100xi32>
      %get3A_797 = arith.index_cast %add3A_779 : i32 to index
      %get3A_798 = memref.load %arg1[%get3A_797] : memref<100xf32, #tpu.memory_space<smem>>
      %jit3A_799 = arith.constant 0.000000e+00 : f32
      %broadcast_in_dim3A_800 = vector.broadcast %get3A_798 : f32 to vector<100x100xf32>
      %broadcast_in_dim3A_801 = vector.broadcast %jit3A_799 : f32 to vector<100x100xf32>
      %select_n3A_802 = arith.select %eq3A_796, %broadcast_in_dim3A_800, %broadcast_in_dim3A_801 : vector<100x100xi1>, vector<100x100xf32>
      %add3A_803 = arith.addf %dot_general3A_793, %select_n3A_802 : vector<100x100xf32>
      %exp3A_804 = math.exp %add3A_803 : vector<100x100xf32>
      %reduce_sum3A_805 = arith.constant dense<0.000000e+00> : vector<100xf32>
      %reduce_sum3A_806 = vector.multi_reduction <add>, %exp3A_804, %reduce_sum3A_805 [0] : vector<100x100xf32> to vector<100xf32>
      %broadcast_in_dim3A_807 = vector.shape_cast %reduce_sum3A_806 : vector<100xf32> to vector<1x100xf32>
      %div3A_808 = arith.constant 1.000000e+00 : f32
      %div3A_809 = vector.broadcast %div3A_808 : f32 to vector<1x100xf32>
      %div3A_810 = arith.divf %div3A_809, %broadcast_in_dim3A_807 : vector<1x100xf32>
      %mul3A_811 = vector.broadcast %div3A_810 : vector<1x100xf32> to vector<100x100xf32>
      %mul3A_812 = arith.mulf %exp3A_804, %mul3A_811 : vector<100x100xf32>
      %jit3A_813 = arith.constant 0 : i32
      %convert_element_type3A_814 = arith.sitofp %jit3A_813 : i32 to f32
      %pad3A_815 = vector.broadcast %convert_element_type3A_814 : f32 to vector<28x100xf32>
      %pad3A_816 = tpu.concatenate %mul3A_812, %pad3A_815 in 0 : vector<100x100xf32>, vector<28x100xf32> -> vector<128x100xf32>
      %pad3A_817 = vector.broadcast %convert_element_type3A_814 : f32 to vector<128x28xf32>
      %pad3A_818 = tpu.concatenate %pad3A_816, %pad3A_817 in 1 : vector<128x100xf32>, vector<128x28xf32> -> vector<128x128xf32>
      %swap3A_819 = arith.index_cast %add3A_779 : i32 to index
      %swap3A_820 = arith.constant 0 : index
      %swap3A_821 = arith.constant 0 : index
      %swap3A_822 = vector.load %arg9[%swap3A_819, %swap3A_820, %swap3A_821] : memref<100x128x128xf32, #tpu.memory_space<vmem>>, vector<1x128x128xf32>
      %swap3A_823 = vector.shape_cast %swap3A_822 : vector<1x128x128xf32> to vector<128x128xf32>
      %swap3A_824 = vector.shape_cast %pad3A_818 : vector<128x128xf32> to vector<1x128x128xf32>
      tpu.vector_store %arg9[%swap3A_819, %swap3A_820, %swap3A_821], %swap3A_824 {strides = array<i32>} : memref<100x128x128xf32, #tpu.memory_space<vmem>>, vector<1x128x128xf32>,
      %mul3A_825 = arith.constant 50 : i32
      %mul3A_826 = arith.muli %arg0, %mul3A_825 : i32
      %add3A_827 = arith.constant 17 : i32
      %add3A_828 = arith.addi %mul3A_826, %add3A_827 : i32
      %get3A_829 = arith.constant 17 : index
      %get3A_830 = arith.constant 0 : index
      %get3A_831 = arith.constant 0 : index
      %get3A_832 = arith.constant 0 : index
      %get3A_833 = vector.load %arg5[%get3A_829, %get3A_830, %get3A_831, %get3A_832] : memref<50x2x100x128xf32, #tpu.memory_space<vmem>>, vector<1x1x100x128xf32>
      %get3A_834 = vector.shape_cast %get3A_833 : vector<1x1x100x128xf32> to vector<100x128xf32>
      %get3A_835 = arith.constant 17 : index
      %get3A_836 = arith.constant 1 : index
      %get3A_837 = arith.constant 0 : index
      %get3A_838 = arith.constant 0 : index
      %get3A_839 = vector.load %arg5[%get3A_835, %get3A_836, %get3A_837, %get3A_838] : memref<50x2x100x128xf32, #tpu.memory_space<vmem>>, vector<1x1x100x128xf32>
      %get3A_840 = vector.shape_cast %get3A_839 : vector<1x1x100x128xf32> to vector<100x128xf32>
      %dot_general3A_841 = arith.constant dense<0.000000e+00> : vector<100x100xf32>
      %dot_general3A_842 = tpu.matmul %get3A_834, %get3A_840, %dot_general3A_841 {dimension_numbers = #tpu.dot_dimension_numbers<[1], [1], [0], [0], [0, 0, 1, 0], [], []>, transpose_lhs_hint = false} : vector<100x128xf32>, vector<100x128xf32>, vector<100x100xf32> -> vector<100x100xf32>
      %iota3A_843 = tpu.iota {dimensions = array<i32: 0>} : vector<100x100xi32>
      %iota3A_844 = tpu.iota {dimensions = array<i32: 1>} : vector<100x100xi32>
      %eq3A_845 = arith.cmpi eq, %iota3A_843, %iota3A_844 : vector<100x100xi32>
      %get3A_846 = arith.index_cast %add3A_828 : i32 to index
      %get3A_847 = memref.load %arg1[%get3A_846] : memref<100xf32, #tpu.memory_space<smem>>
      %jit3A_848 = arith.constant 0.000000e+00 : f32
      %broadcast_in_dim3A_849 = vector.broadcast %get3A_847 : f32 to vector<100x100xf32>
      %broadcast_in_dim3A_850 = vector.broadcast %jit3A_848 : f32 to vector<100x100xf32>
      %select_n3A_851 = arith.select %eq3A_845, %broadcast_in_dim3A_849, %broadcast_in_dim3A_850 : vector<100x100xi1>, vector<100x100xf32>
      %add3A_852 = arith.addf %dot_general3A_842, %select_n3A_851 : vector<100x100xf32>
      %exp3A_853 = math.exp %add3A_852 : vector<100x100xf32>
      %reduce_sum3A_854 = arith.constant dense<0.000000e+00> : vector<100xf32>
      %reduce_sum3A_855 = vector.multi_reduction <add>, %exp3A_853, %reduce_sum3A_854 [0] : vector<100x100xf32> to vector<100xf32>
      %broadcast_in_dim3A_856 = vector.shape_cast %reduce_sum3A_855 : vector<100xf32> to vector<1x100xf32>
      %div3A_857 = arith.constant 1.000000e+00 : f32
      %div3A_858 = vector.broadcast %div3A_857 : f32 to vector<1x100xf32>
      %div3A_859 = arith.divf %div3A_858, %broadcast_in_dim3A_856 : vector<1x100xf32>
      %mul3A_860 = vector.broadcast %div3A_859 : vector<1x100xf32> to vector<100x100xf32>
      %mul3A_861 = arith.mulf %exp3A_853, %mul3A_860 : vector<100x100xf32>
      %jit3A_862 = arith.constant 0 : i32
      %convert_element_type3A_863 = arith.sitofp %jit3A_862 : i32 to f32
      %pad3A_864 = vector.broadcast %convert_element_type3A_863 : f32 to vector<28x100xf32>
      %pad3A_865 = tpu.concatenate %mul3A_861, %pad3A_864 in 0 : vector<100x100xf32>, vector<28x100xf32> -> vector<128x100xf32>
      %pad3A_866 = vector.broadcast %convert_element_type3A_863 : f32 to vector<128x28xf32>
      %pad3A_867 = tpu.concatenate %pad3A_865, %pad3A_866 in 1 : vector<128x100xf32>, vector<128x28xf32> -> vector<128x128xf32>
      %swap3A_868 = arith.index_cast %add3A_828 : i32 to index
      %swap3A_869 = arith.constant 0 : index
      %swap3A_870 = arith.constant 0 : index
      %swap3A_871 = vector.load %arg9[%swap3A_868, %swap3A_869, %swap3A_870] : memref<100x128x128xf32, #tpu.memory_space<vmem>>, vector<1x128x128xf32>
      %swap3A_872 = vector.shape_cast %swap3A_871 : vector<1x128x128xf32> to vector<128x128xf32>
      %swap3A_873 = vector.shape_cast %pad3A_867 : vector<128x128xf32> to vector<1x128x128xf32>
      tpu.vector_store %arg9[%swap3A_868, %swap3A_869, %swap3A_870], %swap3A_873 {strides = array<i32>} : memref<100x128x128xf32, #tpu.memory_space<vmem>>, vector<1x128x128xf32>,
      %mul3A_874 = arith.constant 50 : i32
      %mul3A_875 = arith.muli %arg0, %mul3A_874 : i32
      %add3A_876 = arith.constant 18 : i32
      %add3A_877 = arith.addi %mul3A_875, %add3A_876 : i32
      %get3A_878 = arith.constant 18 : index
      %get3A_879 = arith.constant 0 : index
      %get3A_880 = arith.constant 0 : index
      %get3A_881 = arith.constant 0 : index
      %get3A_882 = vector.load %arg5[%get3A_878, %get3A_879, %get3A_880, %get3A_881] : memref<50x2x100x128xf32, #tpu.memory_space<vmem>>, vector<1x1x100x128xf32>
      %get3A_883 = vector.shape_cast %get3A_882 : vector<1x1x100x128xf32> to vector<100x128xf32>
      %get3A_884 = arith.constant 18 : index
      %get3A_885 = arith.constant 1 : index
      %get3A_886 = arith.constant 0 : index
      %get3A_887 = arith.constant 0 : index
      %get3A_888 = vector.load %arg5[%get3A_884, %get3A_885, %get3A_886, %get3A_887] : memref<50x2x100x128xf32, #tpu.memory_space<vmem>>, vector<1x1x100x128xf32>
      %get3A_889 = vector.shape_cast %get3A_888 : vector<1x1x100x128xf32> to vector<100x128xf32>
      %dot_general3A_890 = arith.constant dense<0.000000e+00> : vector<100x100xf32>
      %dot_general3A_891 = tpu.matmul %get3A_883, %get3A_889, %dot_general3A_890 {dimension_numbers = #tpu.dot_dimension_numbers<[1], [1], [0], [0], [0, 0, 1, 0], [], []>, transpose_lhs_hint = false} : vector<100x128xf32>, vector<100x128xf32>, vector<100x100xf32> -> vector<100x100xf32>
      %iota3A_892 = tpu.iota {dimensions = array<i32: 0>} : vector<100x100xi32>
      %iota3A_893 = tpu.iota {dimensions = array<i32: 1>} : vector<100x100xi32>
      %eq3A_894 = arith.cmpi eq, %iota3A_892, %iota3A_893 : vector<100x100xi32>
      %get3A_895 = arith.index_cast %add3A_877 : i32 to index
      %get3A_896 = memref.load %arg1[%get3A_895] : memref<100xf32, #tpu.memory_space<smem>>
      %jit3A_897 = arith.constant 0.000000e+00 : f32
      %broadcast_in_dim3A_898 = vector.broadcast %get3A_896 : f32 to vector<100x100xf32>
      %broadcast_in_dim3A_899 = vector.broadcast %jit3A_897 : f32 to vector<100x100xf32>
      %select_n3A_900 = arith.select %eq3A_894, %broadcast_in_dim3A_898, %broadcast_in_dim3A_899 : vector<100x100xi1>, vector<100x100xf32>
      %add3A_901 = arith.addf %dot_general3A_891, %select_n3A_900 : vector<100x100xf32>
      %exp3A_902 = math.exp %add3A_901 : vector<100x100xf32>
      %reduce_sum3A_903 = arith.constant dense<0.000000e+00> : vector<100xf32>
      %reduce_sum3A_904 = vector.multi_reduction <add>, %exp3A_902, %reduce_sum3A_903 [0] : vector<100x100xf32> to vector<100xf32>
      %broadcast_in_dim3A_905 = vector.shape_cast %reduce_sum3A_904 : vector<100xf32> to vector<1x100xf32>
      %div3A_906 = arith.constant 1.000000e+00 : f32
      %div3A_907 = vector.broadcast %div3A_906 : f32 to vector<1x100xf32>
      %div3A_908 = arith.divf %div3A_907, %broadcast_in_dim3A_905 : vector<1x100xf32>
      %mul3A_909 = vector.broadcast %div3A_908 : vector<1x100xf32> to vector<100x100xf32>
      %mul3A_910 = arith.mulf %exp3A_902, %mul3A_909 : vector<100x100xf32>
      %jit3A_911 = arith.constant 0 : i32
      %convert_element_type3A_912 = arith.sitofp %jit3A_911 : i32 to f32
      %pad3A_913 = vector.broadcast %convert_element_type3A_912 : f32 to vector<28x100xf32>
      %pad3A_914 = tpu.concatenate %mul3A_910, %pad3A_913 in 0 : vector<100x100xf32>, vector<28x100xf32> -> vector<128x100xf32>
      %pad3A_915 = vector.broadcast %convert_element_type3A_912 : f32 to vector<128x28xf32>
      %pad3A_916 = tpu.concatenate %pad3A_914, %pad3A_915 in 1 : vector<128x100xf32>, vector<128x28xf32> -> vector<128x128xf32>
      %swap3A_917 = arith.index_cast %add3A_877 : i32 to index
      %swap3A_918 = arith.constant 0 : index
      %swap3A_919 = arith.constant 0 : index
      %swap3A_920 = vector.load %arg9[%swap3A_917, %swap3A_918, %swap3A_919] : memref<100x128x128xf32, #tpu.memory_space<vmem>>, vector<1x128x128xf32>
      %swap3A_921 = vector.shape_cast %swap3A_920 : vector<1x128x128xf32> to vector<128x128xf32>
      %swap3A_922 = vector.shape_cast %pad3A_916 : vector<128x128xf32> to vector<1x128x128xf32>
      tpu.vector_store %arg9[%swap3A_917, %swap3A_918, %swap3A_919], %swap3A_922 {strides = array<i32>} : memref<100x128x128xf32, #tpu.memory_space<vmem>>, vector<1x128x128xf32>,
      %mul3A_923 = arith.constant 50 : i32
      %mul3A_924 = arith.muli %arg0, %mul3A_923 : i32
      %add3A_925 = arith.constant 19 : i32
      %add3A_926 = arith.addi %mul3A_924, %add3A_925 : i32
      %get3A_927 = arith.constant 19 : index
      %get3A_928 = arith.constant 0 : index
      %get3A_929 = arith.constant 0 : index
      %get3A_930 = arith.constant 0 : index
      %get3A_931 = vector.load %arg5[%get3A_927, %get3A_928, %get3A_929, %get3A_930] : memref<50x2x100x128xf32, #tpu.memory_space<vmem>>, vector<1x1x100x128xf32>
      %get3A_932 = vector.shape_cast %get3A_931 : vector<1x1x100x128xf32> to vector<100x128xf32>
      %get3A_933 = arith.constant 19 : index
      %get3A_934 = arith.constant 1 : index
      %get3A_935 = arith.constant 0 : index
      %get3A_936 = arith.constant 0 : index
      %get3A_937 = vector.load %arg5[%get3A_933, %get3A_934, %get3A_935, %get3A_936] : memref<50x2x100x128xf32, #tpu.memory_space<vmem>>, vector<1x1x100x128xf32>
      %get3A_938 = vector.shape_cast %get3A_937 : vector<1x1x100x128xf32> to vector<100x128xf32>
      %dot_general3A_939 = arith.constant dense<0.000000e+00> : vector<100x100xf32>
      %dot_general3A_940 = tpu.matmul %get3A_932, %get3A_938, %dot_general3A_939 {dimension_numbers = #tpu.dot_dimension_numbers<[1], [1], [0], [0], [0, 0, 1, 0], [], []>, transpose_lhs_hint = false} : vector<100x128xf32>, vector<100x128xf32>, vector<100x100xf32> -> vector<100x100xf32>
      %iota3A_941 = tpu.iota {dimensions = array<i32: 0>} : vector<100x100xi32>
      %iota3A_942 = tpu.iota {dimensions = array<i32: 1>} : vector<100x100xi32>
      %eq3A_943 = arith.cmpi eq, %iota3A_941, %iota3A_942 : vector<100x100xi32>
      %get3A_944 = arith.index_cast %add3A_926 : i32 to index
      %get3A_945 = memref.load %arg1[%get3A_944] : memref<100xf32, #tpu.memory_space<smem>>
      %jit3A_946 = arith.constant 0.000000e+00 : f32
      %broadcast_in_dim3A_947 = vector.broadcast %get3A_945 : f32 to vector<100x100xf32>
      %broadcast_in_dim3A_948 = vector.broadcast %jit3A_946 : f32 to vector<100x100xf32>
      %select_n3A_949 = arith.select %eq3A_943, %broadcast_in_dim3A_947, %broadcast_in_dim3A_948 : vector<100x100xi1>, vector<100x100xf32>
      %add3A_950 = arith.addf %dot_general3A_940, %select_n3A_949 : vector<100x100xf32>
      %exp3A_951 = math.exp %add3A_950 : vector<100x100xf32>
      %reduce_sum3A_952 = arith.constant dense<0.000000e+00> : vector<100xf32>
      %reduce_sum3A_953 = vector.multi_reduction <add>, %exp3A_951, %reduce_sum3A_952 [0] : vector<100x100xf32> to vector<100xf32>
      %broadcast_in_dim3A_954 = vector.shape_cast %reduce_sum3A_953 : vector<100xf32> to vector<1x100xf32>
      %div3A_955 = arith.constant 1.000000e+00 : f32
      %div3A_956 = vector.broadcast %div3A_955 : f32 to vector<1x100xf32>
      %div3A_957 = arith.divf %div3A_956, %broadcast_in_dim3A_954 : vector<1x100xf32>
      %mul3A_958 = vector.broadcast %div3A_957 : vector<1x100xf32> to vector<100x100xf32>
      %mul3A_959 = arith.mulf %exp3A_951, %mul3A_958 : vector<100x100xf32>
      %jit3A_960 = arith.constant 0 : i32
      %convert_element_type3A_961 = arith.sitofp %jit3A_960 : i32 to f32
      %pad3A_962 = vector.broadcast %convert_element_type3A_961 : f32 to vector<28x100xf32>
      %pad3A_963 = tpu.concatenate %mul3A_959, %pad3A_962 in 0 : vector<100x100xf32>, vector<28x100xf32> -> vector<128x100xf32>
      %pad3A_964 = vector.broadcast %convert_element_type3A_961 : f32 to vector<128x28xf32>
      %pad3A_965 = tpu.concatenate %pad3A_963, %pad3A_964 in 1 : vector<128x100xf32>, vector<128x28xf32> -> vector<128x128xf32>
      %swap3A_966 = arith.index_cast %add3A_926 : i32 to index
      %swap3A_967 = arith.constant 0 : index
      %swap3A_968 = arith.constant 0 : index
      %swap3A_969 = vector.load %arg9[%swap3A_966, %swap3A_967, %swap3A_968] : memref<100x128x128xf32, #tpu.memory_space<vmem>>, vector<1x128x128xf32>
      %swap3A_970 = vector.shape_cast %swap3A_969 : vector<1x128x128xf32> to vector<128x128xf32>
      %swap3A_971 = vector.shape_cast %pad3A_965 : vector<128x128xf32> to vector<1x128x128xf32>
      tpu.vector_store %arg9[%swap3A_966, %swap3A_967, %swap3A_968], %swap3A_971 {strides = array<i32>} : memref<100x128x128xf32, #tpu.memory_space<vmem>>, vector<1x128x128xf32>,
      %mul3A_972 = arith.constant 50 : i32
      %mul3A_973 = arith.muli %arg0, %mul3A_972 : i32
      %add3A_974 = arith.constant 20 : i32
      %add3A_975 = arith.addi %mul3A_973, %add3A_974 : i32
      %get3A_976 = arith.constant 20 : index
      %get3A_977 = arith.constant 0 : index
      %get3A_978 = arith.constant 0 : index
      %get3A_979 = arith.constant 0 : index
      %get3A_980 = vector.load %arg5[%get3A_976, %get3A_977, %get3A_978, %get3A_979] : memref<50x2x100x128xf32, #tpu.memory_space<vmem>>, vector<1x1x100x128xf32>
      %get3A_981 = vector.shape_cast %get3A_980 : vector<1x1x100x128xf32> to vector<100x128xf32>
      %get3A_982 = arith.constant 20 : index
      %get3A_983 = arith.constant 1 : index
      %get3A_984 = arith.constant 0 : index
      %get3A_985 = arith.constant 0 : index
      %get3A_986 = vector.load %arg5[%get3A_982, %get3A_983, %get3A_984, %get3A_985] : memref<50x2x100x128xf32, #tpu.memory_space<vmem>>, vector<1x1x100x128xf32>
      %get3A_987 = vector.shape_cast %get3A_986 : vector<1x1x100x128xf32> to vector<100x128xf32>
      %dot_general3A_988 = arith.constant dense<0.000000e+00> : vector<100x100xf32>
      %dot_general3A_989 = tpu.matmul %get3A_981, %get3A_987, %dot_general3A_988 {dimension_numbers = #tpu.dot_dimension_numbers<[1], [1], [0], [0], [0, 0, 1, 0], [], []>, transpose_lhs_hint = false} : vector<100x128xf32>, vector<100x128xf32>, vector<100x100xf32> -> vector<100x100xf32>
      %iota3A_990 = tpu.iota {dimensions = array<i32: 0>} : vector<100x100xi32>
      %iota3A_991 = tpu.iota {dimensions = array<i32: 1>} : vector<100x100xi32>
      %eq3A_992 = arith.cmpi eq, %iota3A_990, %iota3A_991 : vector<100x100xi32>
      %get3A_993 = arith.index_cast %add3A_975 : i32 to index
      %get3A_994 = memref.load %arg1[%get3A_993] : memref<100xf32, #tpu.memory_space<smem>>
      %jit3A_995 = arith.constant 0.000000e+00 : f32
      %broadcast_in_dim3A_996 = vector.broadcast %get3A_994 : f32 to vector<100x100xf32>
      %broadcast_in_dim3A_997 = vector.broadcast %jit3A_995 : f32 to vector<100x100xf32>
      %select_n3A_998 = arith.select %eq3A_992, %broadcast_in_dim3A_996, %broadcast_in_dim3A_997 : vector<100x100xi1>, vector<100x100xf32>
      %add3A_999 = arith.addf %dot_general3A_989, %select_n3A_998 : vector<100x100xf32>
      %exp3A_1000 = math.exp %add3A_999 : vector<100x100xf32>
      %reduce_sum3A_1001 = arith.constant dense<0.000000e+00> : vector<100xf32>
      %reduce_sum3A_1002 = vector.multi_reduction <add>, %exp3A_1000, %reduce_sum3A_1001 [0] : vector<100x100xf32> to vector<100xf32>
      %broadcast_in_dim3A_1003 = vector.shape_cast %reduce_sum3A_1002 : vector<100xf32> to vector<1x100xf32>
      %div3A_1004 = arith.constant 1.000000e+00 : f32
      %div3A_1005 = vector.broadcast %div3A_1004 : f32 to vector<1x100xf32>
      %div3A_1006 = arith.divf %div3A_1005, %broadcast_in_dim3A_1003 : vector<1x100xf32>
      %mul3A_1007 = vector.broadcast %div3A_1006 : vector<1x100xf32> to vector<100x100xf32>
      %mul3A_1008 = arith.mulf %exp3A_1000, %mul3A_1007 : vector<100x100xf32>
      %jit3A_1009 = arith.constant 0 : i32
      %convert_element_type3A_1010 = arith.sitofp %jit3A_1009 : i32 to f32
      %pad3A_1011 = vector.broadcast %convert_element_type3A_1010 : f32 to vector<28x100xf32>
      %pad3A_1012 = tpu.concatenate %mul3A_1008, %pad3A_1011 in 0 : vector<100x100xf32>, vector<28x100xf32> -> vector<128x100xf32>
      %pad3A_1013 = vector.broadcast %convert_element_type3A_1010 : f32 to vector<128x28xf32>
      %pad3A_1014 = tpu.concatenate %pad3A_1012, %pad3A_1013 in 1 : vector<128x100xf32>, vector<128x28xf32> -> vector<128x128xf32>
      %swap3A_1015 = arith.index_cast %add3A_975 : i32 to index
      %swap3A_1016 = arith.constant 0 : index
      %swap3A_1017 = arith.constant 0 : index
      %swap3A_1018 = vector.load %arg9[%swap3A_1015, %swap3A_1016, %swap3A_1017] : memref<100x128x128xf32, #tpu.memory_space<vmem>>, vector<1x128x128xf32>
      %swap3A_1019 = vector.shape_cast %swap3A_1018 : vector<1x128x128xf32> to vector<128x128xf32>
      %swap3A_1020 = vector.shape_cast %pad3A_1014 : vector<128x128xf32> to vector<1x128x128xf32>
      tpu.vector_store %arg9[%swap3A_1015, %swap3A_1016, %swap3A_1017], %swap3A_1020 {strides = array<i32>} : memref<100x128x128xf32, #tpu.memory_space<vmem>>, vector<1x128x128xf32>,
      %mul3A_1021 = arith.constant 50 : i32
      %mul3A_1022 = arith.muli %arg0, %mul3A_1021 : i32
      %add3A_1023 = arith.constant 21 : i32
      %add3A_1024 = arith.addi %mul3A_1022, %add3A_1023 : i32
      %get3A_1025 = arith.constant 21 : index
      %get3A_1026 = arith.constant 0 : index
      %get3A_1027 = arith.constant 0 : index
      %get3A_1028 = arith.constant 0 : index
      %get3A_1029 = vector.load %arg5[%get3A_1025, %get3A_1026, %get3A_1027, %get3A_1028] : memref<50x2x100x128xf32, #tpu.memory_space<vmem>>, vector<1x1x100x128xf32>
      %get3A_1030 = vector.shape_cast %get3A_1029 : vector<1x1x100x128xf32> to vector<100x128xf32>
      %get3A_1031 = arith.constant 21 : index
      %get3A_1032 = arith.constant 1 : index
      %get3A_1033 = arith.constant 0 : index
      %get3A_1034 = arith.constant 0 : index
      %get3A_1035 = vector.load %arg5[%get3A_1031, %get3A_1032, %get3A_1033, %get3A_1034] : memref<50x2x100x128xf32, #tpu.memory_space<vmem>>, vector<1x1x100x128xf32>
      %get3A_1036 = vector.shape_cast %get3A_1035 : vector<1x1x100x128xf32> to vector<100x128xf32>
      %dot_general3A_1037 = arith.constant dense<0.000000e+00> : vector<100x100xf32>
      %dot_general3A_1038 = tpu.matmul %get3A_1030, %get3A_1036, %dot_general3A_1037 {dimension_numbers = #tpu.dot_dimension_numbers<[1], [1], [0], [0], [0, 0, 1, 0], [], []>, transpose_lhs_hint = false} : vector<100x128xf32>, vector<100x128xf32>, vector<100x100xf32> -> vector<100x100xf32>
      %iota3A_1039 = tpu.iota {dimensions = array<i32: 0>} : vector<100x100xi32>
      %iota3A_1040 = tpu.iota {dimensions = array<i32: 1>} : vector<100x100xi32>
      %eq3A_1041 = arith.cmpi eq, %iota3A_1039, %iota3A_1040 : vector<100x100xi32>
      %get3A_1042 = arith.index_cast %add3A_1024 : i32 to index
      %get3A_1043 = memref.load %arg1[%get3A_1042] : memref<100xf32, #tpu.memory_space<smem>>
      %jit3A_1044 = arith.constant 0.000000e+00 : f32
      %broadcast_in_dim3A_1045 = vector.broadcast %get3A_1043 : f32 to vector<100x100xf32>
      %broadcast_in_dim3A_1046 = vector.broadcast %jit3A_1044 : f32 to vector<100x100xf32>
      %select_n3A_1047 = arith.select %eq3A_1041, %broadcast_in_dim3A_1045, %broadcast_in_dim3A_1046 : vector<100x100xi1>, vector<100x100xf32>
      %add3A_1048 = arith.addf %dot_general3A_1038, %select_n3A_1047 : vector<100x100xf32>
      %exp3A_1049 = math.exp %add3A_1048 : vector<100x100xf32>
      %reduce_sum3A_1050 = arith.constant dense<0.000000e+00> : vector<100xf32>
      %reduce_sum3A_1051 = vector.multi_reduction <add>, %exp3A_1049, %reduce_sum3A_1050 [0] : vector<100x100xf32> to vector<100xf32>
      %broadcast_in_dim3A_1052 = vector.shape_cast %reduce_sum3A_1051 : vector<100xf32> to vector<1x100xf32>
      %div3A_1053 = arith.constant 1.000000e+00 : f32
      %div3A_1054 = vector.broadcast %div3A_1053 : f32 to vector<1x100xf32>
      %div3A_1055 = arith.divf %div3A_1054, %broadcast_in_dim3A_1052 : vector<1x100xf32>
      %mul3A_1056 = vector.broadcast %div3A_1055 : vector<1x100xf32> to vector<100x100xf32>
      %mul3A_1057 = arith.mulf %exp3A_1049, %mul3A_1056 : vector<100x100xf32>
      %jit3A_1058 = arith.constant 0 : i32
      %convert_element_type3A_1059 = arith.sitofp %jit3A_1058 : i32 to f32
      %pad3A_1060 = vector.broadcast %convert_element_type3A_1059 : f32 to vector<28x100xf32>
      %pad3A_1061 = tpu.concatenate %mul3A_1057, %pad3A_1060 in 0 : vector<100x100xf32>, vector<28x100xf32> -> vector<128x100xf32>
      %pad3A_1062 = vector.broadcast %convert_element_type3A_1059 : f32 to vector<128x28xf32>
      %pad3A_1063 = tpu.concatenate %pad3A_1061, %pad3A_1062 in 1 : vector<128x100xf32>, vector<128x28xf32> -> vector<128x128xf32>
      %swap3A_1064 = arith.index_cast %add3A_1024 : i32 to index
      %swap3A_1065 = arith.constant 0 : index
      %swap3A_1066 = arith.constant 0 : index
      %swap3A_1067 = vector.load %arg9[%swap3A_1064, %swap3A_1065, %swap3A_1066] : memref<100x128x128xf32, #tpu.memory_space<vmem>>, vector<1x128x128xf32>
      %swap3A_1068 = vector.shape_cast %swap3A_1067 : vector<1x128x128xf32> to vector<128x128xf32>
      %swap3A_1069 = vector.shape_cast %pad3A_1063 : vector<128x128xf32> to vector<1x128x128xf32>
      tpu.vector_store %arg9[%swap3A_1064, %swap3A_1065, %swap3A_1066], %swap3A_1069 {strides = array<i32>} : memref<100x128x128xf32, #tpu.memory_space<vmem>>, vector<1x128x128xf32>,
      %mul3A_1070 = arith.constant 50 : i32
      %mul3A_1071 = arith.muli %arg0, %mul3A_1070 : i32
      %add3A_1072 = arith.constant 22 : i32
      %add3A_1073 = arith.addi %mul3A_1071, %add3A_1072 : i32
      %get3A_1074 = arith.constant 22 : index
      %get3A_1075 = arith.constant 0 : index
      %get3A_1076 = arith.constant 0 : index
      %get3A_1077 = arith.constant 0 : index
      %get3A_1078 = vector.load %arg5[%get3A_1074, %get3A_1075, %get3A_1076, %get3A_1077] : memref<50x2x100x128xf32, #tpu.memory_space<vmem>>, vector<1x1x100x128xf32>
      %get3A_1079 = vector.shape_cast %get3A_1078 : vector<1x1x100x128xf32> to vector<100x128xf32>
      %get3A_1080 = arith.constant 22 : index
      %get3A_1081 = arith.constant 1 : index
      %get3A_1082 = arith.constant 0 : index
      %get3A_1083 = arith.constant 0 : index
      %get3A_1084 = vector.load %arg5[%get3A_1080, %get3A_1081, %get3A_1082, %get3A_1083] : memref<50x2x100x128xf32, #tpu.memory_space<vmem>>, vector<1x1x100x128xf32>
      %get3A_1085 = vector.shape_cast %get3A_1084 : vector<1x1x100x128xf32> to vector<100x128xf32>
      %dot_general3A_1086 = arith.constant dense<0.000000e+00> : vector<100x100xf32>
      %dot_general3A_1087 = tpu.matmul %get3A_1079, %get3A_1085, %dot_general3A_1086 {dimension_numbers = #tpu.dot_dimension_numbers<[1], [1], [0], [0], [0, 0, 1, 0], [], []>, transpose_lhs_hint = false} : vector<100x128xf32>, vector<100x128xf32>, vector<100x100xf32> -> vector<100x100xf32>
      %iota3A_1088 = tpu.iota {dimensions = array<i32: 0>} : vector<100x100xi32>
      %iota3A_1089 = tpu.iota {dimensions = array<i32: 1>} : vector<100x100xi32>
      %eq3A_1090 = arith.cmpi eq, %iota3A_1088, %iota3A_1089 : vector<100x100xi32>
      %get3A_1091 = arith.index_cast %add3A_1073 : i32 to index
      %get3A_1092 = memref.load %arg1[%get3A_1091] : memref<100xf32, #tpu.memory_space<smem>>
      %jit3A_1093 = arith.constant 0.000000e+00 : f32
      %broadcast_in_dim3A_1094 = vector.broadcast %get3A_1092 : f32 to vector<100x100xf32>
      %broadcast_in_dim3A_1095 = vector.broadcast %jit3A_1093 : f32 to vector<100x100xf32>
      %select_n3A_1096 = arith.select %eq3A_1090, %broadcast_in_dim3A_1094, %broadcast_in_dim3A_1095 : vector<100x100xi1>, vector<100x100xf32>
      %add3A_1097 = arith.addf %dot_general3A_1087, %select_n3A_1096 : vector<100x100xf32>
      %exp3A_1098 = math.exp %add3A_1097 : vector<100x100xf32>
      %reduce_sum3A_1099 = arith.constant dense<0.000000e+00> : vector<100xf32>
      %reduce_sum3A_1100 = vector.multi_reduction <add>, %exp3A_1098, %reduce_sum3A_1099 [0] : vector<100x100xf32> to vector<100xf32>
      %broadcast_in_dim3A_1101 = vector.shape_cast %reduce_sum3A_1100 : vector<100xf32> to vector<1x100xf32>
      %div3A_1102 = arith.constant 1.000000e+00 : f32
      %div3A_1103 = vector.broadcast %div3A_1102 : f32 to vector<1x100xf32>
      %div3A_1104 = arith.divf %div3A_1103, %broadcast_in_dim3A_1101 : vector<1x100xf32>
      %mul3A_1105 = vector.broadcast %div3A_1104 : vector<1x100xf32> to vector<100x100xf32>
      %mul3A_1106 = arith.mulf %exp3A_1098, %mul3A_1105 : vector<100x100xf32>
      %jit3A_1107 = arith.constant 0 : i32
      %convert_element_type3A_1108 = arith.sitofp %jit3A_1107 : i32 to f32
      %pad3A_1109 = vector.broadcast %convert_element_type3A_1108 : f32 to vector<28x100xf32>
      %pad3A_1110 = tpu.concatenate %mul3A_1106, %pad3A_1109 in 0 : vector<100x100xf32>, vector<28x100xf32> -> vector<128x100xf32>
      %pad3A_1111 = vector.broadcast %convert_element_type3A_1108 : f32 to vector<128x28xf32>
      %pad3A_1112 = tpu.concatenate %pad3A_1110, %pad3A_1111 in 1 : vector<128x100xf32>, vector<128x28xf32> -> vector<128x128xf32>
      %swap3A_1113 = arith.index_cast %add3A_1073 : i32 to index
      %swap3A_1114 = arith.constant 0 : index
      %swap3A_1115 = arith.constant 0 : index
      %swap3A_1116 = vector.load %arg9[%swap3A_1113, %swap3A_1114, %swap3A_1115] : memref<100x128x128xf32, #tpu.memory_space<vmem>>, vector<1x128x128xf32>
      %swap3A_1117 = vector.shape_cast %swap3A_1116 : vector<1x128x128xf32> to vector<128x128xf32>
      %swap3A_1118 = vector.shape_cast %pad3A_1112 : vector<128x128xf32> to vector<1x128x128xf32>
      tpu.vector_store %arg9[%swap3A_1113, %swap3A_1114, %swap3A_1115], %swap3A_1118 {strides = array<i32>} : memref<100x128x128xf32, #tpu.memory_space<vmem>>, vector<1x128x128xf32>,
      %mul3A_1119 = arith.constant 50 : i32
      %mul3A_1120 = arith.muli %arg0, %mul3A_1119 : i32
      %add3A_1121 = arith.constant 23 : i32
      %add3A_1122 = arith.addi %mul3A_1120, %add3A_1121 : i32
      %get3A_1123 = arith.constant 23 : index
      %get3A_1124 = arith.constant 0 : index
      %get3A_1125 = arith.constant 0 : index
      %get3A_1126 = arith.constant 0 : index
      %get3A_1127 = vector.load %arg5[%get3A_1123, %get3A_1124, %get3A_1125, %get3A_1126] : memref<50x2x100x128xf32, #tpu.memory_space<vmem>>, vector<1x1x100x128xf32>
      %get3A_1128 = vector.shape_cast %get3A_1127 : vector<1x1x100x128xf32> to vector<100x128xf32>
      %get3A_1129 = arith.constant 23 : index
      %get3A_1130 = arith.constant 1 : index
      %get3A_1131 = arith.constant 0 : index
      %get3A_1132 = arith.constant 0 : index
      %get3A_1133 = vector.load %arg5[%get3A_1129, %get3A_1130, %get3A_1131, %get3A_1132] : memref<50x2x100x128xf32, #tpu.memory_space<vmem>>, vector<1x1x100x128xf32>
      %get3A_1134 = vector.shape_cast %get3A_1133 : vector<1x1x100x128xf32> to vector<100x128xf32>
      %dot_general3A_1135 = arith.constant dense<0.000000e+00> : vector<100x100xf32>
      %dot_general3A_1136 = tpu.matmul %get3A_1128, %get3A_1134, %dot_general3A_1135 {dimension_numbers = #tpu.dot_dimension_numbers<[1], [1], [0], [0], [0, 0, 1, 0], [], []>, transpose_lhs_hint = false} : vector<100x128xf32>, vector<100x128xf32>, vector<100x100xf32> -> vector<100x100xf32>
      %iota3A_1137 = tpu.iota {dimensions = array<i32: 0>} : vector<100x100xi32>
      %iota3A_1138 = tpu.iota {dimensions = array<i32: 1>} : vector<100x100xi32>
      %eq3A_1139 = arith.cmpi eq, %iota3A_1137, %iota3A_1138 : vector<100x100xi32>
      %get3A_1140 = arith.index_cast %add3A_1122 : i32 to index
      %get3A_1141 = memref.load %arg1[%get3A_1140] : memref<100xf32, #tpu.memory_space<smem>>
      %jit3A_1142 = arith.constant 0.000000e+00 : f32
      %broadcast_in_dim3A_1143 = vector.broadcast %get3A_1141 : f32 to vector<100x100xf32>
      %broadcast_in_dim3A_1144 = vector.broadcast %jit3A_1142 : f32 to vector<100x100xf32>
      %select_n3A_1145 = arith.select %eq3A_1139, %broadcast_in_dim3A_1143, %broadcast_in_dim3A_1144 : vector<100x100xi1>, vector<100x100xf32>
      %add3A_1146 = arith.addf %dot_general3A_1136, %select_n3A_1145 : vector<100x100xf32>
      %exp3A_1147 = math.exp %add3A_1146 : vector<100x100xf32>
      %reduce_sum3A_1148 = arith.constant dense<0.000000e+00> : vector<100xf32>
      %reduce_sum3A_1149 = vector.multi_reduction <add>, %exp3A_1147, %reduce_sum3A_1148 [0] : vector<100x100xf32> to vector<100xf32>
      %broadcast_in_dim3A_1150 = vector.shape_cast %reduce_sum3A_1149 : vector<100xf32> to vector<1x100xf32>
      %div3A_1151 = arith.constant 1.000000e+00 : f32
      %div3A_1152 = vector.broadcast %div3A_1151 : f32 to vector<1x100xf32>
      %div3A_1153 = arith.divf %div3A_1152, %broadcast_in_dim3A_1150 : vector<1x100xf32>
      %mul3A_1154 = vector.broadcast %div3A_1153 : vector<1x100xf32> to vector<100x100xf32>
      %mul3A_1155 = arith.mulf %exp3A_1147, %mul3A_1154 : vector<100x100xf32>
      %jit3A_1156 = arith.constant 0 : i32
      %convert_element_type3A_1157 = arith.sitofp %jit3A_1156 : i32 to f32
      %pad3A_1158 = vector.broadcast %convert_element_type3A_1157 : f32 to vector<28x100xf32>
      %pad3A_1159 = tpu.concatenate %mul3A_1155, %pad3A_1158 in 0 : vector<100x100xf32>, vector<28x100xf32> -> vector<128x100xf32>
      %pad3A_1160 = vector.broadcast %convert_element_type3A_1157 : f32 to vector<128x28xf32>
      %pad3A_1161 = tpu.concatenate %pad3A_1159, %pad3A_1160 in 1 : vector<128x100xf32>, vector<128x28xf32> -> vector<128x128xf32>
      %swap3A_1162 = arith.index_cast %add3A_1122 : i32 to index
      %swap3A_1163 = arith.constant 0 : index
      %swap3A_1164 = arith.constant 0 : index
      %swap3A_1165 = vector.load %arg9[%swap3A_1162, %swap3A_1163, %swap3A_1164] : memref<100x128x128xf32, #tpu.memory_space<vmem>>, vector<1x128x128xf32>
      %swap3A_1166 = vector.shape_cast %swap3A_1165 : vector<1x128x128xf32> to vector<128x128xf32>
      %swap3A_1167 = vector.shape_cast %pad3A_1161 : vector<128x128xf32> to vector<1x128x128xf32>
      tpu.vector_store %arg9[%swap3A_1162, %swap3A_1163, %swap3A_1164], %swap3A_1167 {strides = array<i32>} : memref<100x128x128xf32, #tpu.memory_space<vmem>>, vector<1x128x128xf32>,
      %mul3A_1168 = arith.constant 50 : i32
      %mul3A_1169 = arith.muli %arg0, %mul3A_1168 : i32
      %add3A_1170 = arith.constant 24 : i32
      %add3A_1171 = arith.addi %mul3A_1169, %add3A_1170 : i32
      %get3A_1172 = arith.constant 24 : index
      %get3A_1173 = arith.constant 0 : index
      %get3A_1174 = arith.constant 0 : index
      %get3A_1175 = arith.constant 0 : index
      %get3A_1176 = vector.load %arg5[%get3A_1172, %get3A_1173, %get3A_1174, %get3A_1175] : memref<50x2x100x128xf32, #tpu.memory_space<vmem>>, vector<1x1x100x128xf32>
      %get3A_1177 = vector.shape_cast %get3A_1176 : vector<1x1x100x128xf32> to vector<100x128xf32>
      %get3A_1178 = arith.constant 24 : index
      %get3A_1179 = arith.constant 1 : index
      %get3A_1180 = arith.constant 0 : index
      %get3A_1181 = arith.constant 0 : index
      %get3A_1182 = vector.load %arg5[%get3A_1178, %get3A_1179, %get3A_1180, %get3A_1181] : memref<50x2x100x128xf32, #tpu.memory_space<vmem>>, vector<1x1x100x128xf32>
      %get3A_1183 = vector.shape_cast %get3A_1182 : vector<1x1x100x128xf32> to vector<100x128xf32>
      %dot_general3A_1184 = arith.constant dense<0.000000e+00> : vector<100x100xf32>
      %dot_general3A_1185 = tpu.matmul %get3A_1177, %get3A_1183, %dot_general3A_1184 {dimension_numbers = #tpu.dot_dimension_numbers<[1], [1], [0], [0], [0, 0, 1, 0], [], []>, transpose_lhs_hint = false} : vector<100x128xf32>, vector<100x128xf32>, vector<100x100xf32> -> vector<100x100xf32>
      %iota3A_1186 = tpu.iota {dimensions = array<i32: 0>} : vector<100x100xi32>
      %iota3A_1187 = tpu.iota {dimensions = array<i32: 1>} : vector<100x100xi32>
      %eq3A_1188 = arith.cmpi eq, %iota3A_1186, %iota3A_1187 : vector<100x100xi32>
      %get3A_1189 = arith.index_cast %add3A_1171 : i32 to index
      %get3A_1190 = memref.load %arg1[%get3A_1189] : memref<100xf32, #tpu.memory_space<smem>>
      %jit3A_1191 = arith.constant 0.000000e+00 : f32
      %broadcast_in_dim3A_1192 = vector.broadcast %get3A_1190 : f32 to vector<100x100xf32>
      %broadcast_in_dim3A_1193 = vector.broadcast %jit3A_1191 : f32 to vector<100x100xf32>
      %select_n3A_1194 = arith.select %eq3A_1188, %broadcast_in_dim3A_1192, %broadcast_in_dim3A_1193 : vector<100x100xi1>, vector<100x100xf32>
      %add3A_1195 = arith.addf %dot_general3A_1185, %select_n3A_1194 : vector<100x100xf32>
      %exp3A_1196 = math.exp %add3A_1195 : vector<100x100xf32>
      %reduce_sum3A_1197 = arith.constant dense<0.000000e+00> : vector<100xf32>
      %reduce_sum3A_1198 = vector.multi_reduction <add>, %exp3A_1196, %reduce_sum3A_1197 [0] : vector<100x100xf32> to vector<100xf32>
      %broadcast_in_dim3A_1199 = vector.shape_cast %reduce_sum3A_1198 : vector<100xf32> to vector<1x100xf32>
      %div3A_1200 = arith.constant 1.000000e+00 : f32
      %div3A_1201 = vector.broadcast %div3A_1200 : f32 to vector<1x100xf32>
      %div3A_1202 = arith.divf %div3A_1201, %broadcast_in_dim3A_1199 : vector<1x100xf32>
      %mul3A_1203 = vector.broadcast %div3A_1202 : vector<1x100xf32> to vector<100x100xf32>
      %mul3A_1204 = arith.mulf %exp3A_1196, %mul3A_1203 : vector<100x100xf32>
      %jit3A_1205 = arith.constant 0 : i32
      %convert_element_type3A_1206 = arith.sitofp %jit3A_1205 : i32 to f32
      %pad3A_1207 = vector.broadcast %convert_element_type3A_1206 : f32 to vector<28x100xf32>
      %pad3A_1208 = tpu.concatenate %mul3A_1204, %pad3A_1207 in 0 : vector<100x100xf32>, vector<28x100xf32> -> vector<128x100xf32>
      %pad3A_1209 = vector.broadcast %convert_element_type3A_1206 : f32 to vector<128x28xf32>
      %pad3A_1210 = tpu.concatenate %pad3A_1208, %pad3A_1209 in 1 : vector<128x100xf32>, vector<128x28xf32> -> vector<128x128xf32>
      %swap3A_1211 = arith.index_cast %add3A_1171 : i32 to index
      %swap3A_1212 = arith.constant 0 : index
      %swap3A_1213 = arith.constant 0 : index
      %swap3A_1214 = vector.load %arg9[%swap3A_1211, %swap3A_1212, %swap3A_1213] : memref<100x128x128xf32, #tpu.memory_space<vmem>>, vector<1x128x128xf32>
      %swap3A_1215 = vector.shape_cast %swap3A_1214 : vector<1x128x128xf32> to vector<128x128xf32>
      %swap3A_1216 = vector.shape_cast %pad3A_1210 : vector<128x128xf32> to vector<1x128x128xf32>
      tpu.vector_store %arg9[%swap3A_1211, %swap3A_1212, %swap3A_1213], %swap3A_1216 {strides = array<i32>} : memref<100x128x128xf32, #tpu.memory_space<vmem>>, vector<1x128x128xf32>,
      %mul3A_1217 = arith.constant 50 : i32
      %mul3A_1218 = arith.muli %arg0, %mul3A_1217 : i32
      %add3A_1219 = arith.constant 25 : i32
      %add3A_1220 = arith.addi %mul3A_1218, %add3A_1219 : i32
      %get3A_1221 = arith.constant 25 : index
      %get3A_1222 = arith.constant 0 : index
      %get3A_1223 = arith.constant 0 : index
      %get3A_1224 = arith.constant 0 : index
      %get3A_1225 = vector.load %arg5[%get3A_1221, %get3A_1222, %get3A_1223, %get3A_1224] : memref<50x2x100x128xf32, #tpu.memory_space<vmem>>, vector<1x1x100x128xf32>
      %get3A_1226 = vector.shape_cast %get3A_1225 : vector<1x1x100x128xf32> to vector<100x128xf32>
      %get3A_1227 = arith.constant 25 : index
      %get3A_1228 = arith.constant 1 : index
      %get3A_1229 = arith.constant 0 : index
      %get3A_1230 = arith.constant 0 : index
      %get3A_1231 = vector.load %arg5[%get3A_1227, %get3A_1228, %get3A_1229, %get3A_1230] : memref<50x2x100x128xf32, #tpu.memory_space<vmem>>, vector<1x1x100x128xf32>
      %get3A_1232 = vector.shape_cast %get3A_1231 : vector<1x1x100x128xf32> to vector<100x128xf32>
      %dot_general3A_1233 = arith.constant dense<0.000000e+00> : vector<100x100xf32>
      %dot_general3A_1234 = tpu.matmul %get3A_1226, %get3A_1232, %dot_general3A_1233 {dimension_numbers = #tpu.dot_dimension_numbers<[1], [1], [0], [0], [0, 0, 1, 0], [], []>, transpose_lhs_hint = false} : vector<100x128xf32>, vector<100x128xf32>, vector<100x100xf32> -> vector<100x100xf32>
      %iota3A_1235 = tpu.iota {dimensions = array<i32: 0>} : vector<100x100xi32>
      %iota3A_1236 = tpu.iota {dimensions = array<i32: 1>} : vector<100x100xi32>
      %eq3A_1237 = arith.cmpi eq, %iota3A_1235, %iota3A_1236 : vector<100x100xi32>
      %get3A_1238 = arith.index_cast %add3A_1220 : i32 to index
      %get3A_1239 = memref.load %arg1[%get3A_1238] : memref<100xf32, #tpu.memory_space<smem>>
      %jit3A_1240 = arith.constant 0.000000e+00 : f32
      %broadcast_in_dim3A_1241 = vector.broadcast %get3A_1239 : f32 to vector<100x100xf32>
      %broadcast_in_dim3A_1242 = vector.broadcast %jit3A_1240 : f32 to vector<100x100xf32>
      %select_n3A_1243 = arith.select %eq3A_1237, %broadcast_in_dim3A_1241, %broadcast_in_dim3A_1242 : vector<100x100xi1>, vector<100x100xf32>
      %add3A_1244 = arith.addf %dot_general3A_1234, %select_n3A_1243 : vector<100x100xf32>
      %exp3A_1245 = math.exp %add3A_1244 : vector<100x100xf32>
      %reduce_sum3A_1246 = arith.constant dense<0.000000e+00> : vector<100xf32>
      %reduce_sum3A_1247 = vector.multi_reduction <add>, %exp3A_1245, %reduce_sum3A_1246 [0] : vector<100x100xf32> to vector<100xf32>
      %broadcast_in_dim3A_1248 = vector.shape_cast %reduce_sum3A_1247 : vector<100xf32> to vector<1x100xf32>
      %div3A_1249 = arith.constant 1.000000e+00 : f32
      %div3A_1250 = vector.broadcast %div3A_1249 : f32 to vector<1x100xf32>
      %div3A_1251 = arith.divf %div3A_1250, %broadcast_in_dim3A_1248 : vector<1x100xf32>
      %mul3A_1252 = vector.broadcast %div3A_1251 : vector<1x100xf32> to vector<100x100xf32>
      %mul3A_1253 = arith.mulf %exp3A_1245, %mul3A_1252 : vector<100x100xf32>
      %jit3A_1254 = arith.constant 0 : i32
      %convert_element_type3A_1255 = arith.sitofp %jit3A_1254 : i32 to f32
      %pad3A_1256 = vector.broadcast %convert_element_type3A_1255 : f32 to vector<28x100xf32>
      %pad3A_1257 = tpu.concatenate %mul3A_1253, %pad3A_1256 in 0 : vector<100x100xf32>, vector<28x100xf32> -> vector<128x100xf32>
      %pad3A_1258 = vector.broadcast %convert_element_type3A_1255 : f32 to vector<128x28xf32>
      %pad3A_1259 = tpu.concatenate %pad3A_1257, %pad3A_1258 in 1 : vector<128x100xf32>, vector<128x28xf32> -> vector<128x128xf32>
      %swap3A_1260 = arith.index_cast %add3A_1220 : i32 to index
      %swap3A_1261 = arith.constant 0 : index
      %swap3A_1262 = arith.constant 0 : index
      %swap3A_1263 = vector.load %arg9[%swap3A_1260, %swap3A_1261, %swap3A_1262] : memref<100x128x128xf32, #tpu.memory_space<vmem>>, vector<1x128x128xf32>
      %swap3A_1264 = vector.shape_cast %swap3A_1263 : vector<1x128x128xf32> to vector<128x128xf32>
      %swap3A_1265 = vector.shape_cast %pad3A_1259 : vector<128x128xf32> to vector<1x128x128xf32>
      tpu.vector_store %arg9[%swap3A_1260, %swap3A_1261, %swap3A_1262], %swap3A_1265 {strides = array<i32>} : memref<100x128x128xf32, #tpu.memory_space<vmem>>, vector<1x128x128xf32>,
      %mul3A_1266 = arith.constant 50 : i32
      %mul3A_1267 = arith.muli %arg0, %mul3A_1266 : i32
      %add3A_1268 = arith.constant 26 : i32
      %add3A_1269 = arith.addi %mul3A_1267, %add3A_1268 : i32
      %get3A_1270 = arith.constant 26 : index
      %get3A_1271 = arith.constant 0 : index
      %get3A_1272 = arith.constant 0 : index
      %get3A_1273 = arith.constant 0 : index
      %get3A_1274 = vector.load %arg5[%get3A_1270, %get3A_1271, %get3A_1272, %get3A_1273] : memref<50x2x100x128xf32, #tpu.memory_space<vmem>>, vector<1x1x100x128xf32>
      %get3A_1275 = vector.shape_cast %get3A_1274 : vector<1x1x100x128xf32> to vector<100x128xf32>
      %get3A_1276 = arith.constant 26 : index
      %get3A_1277 = arith.constant 1 : index
      %get3A_1278 = arith.constant 0 : index
      %get3A_1279 = arith.constant 0 : index
      %get3A_1280 = vector.load %arg5[%get3A_1276, %get3A_1277, %get3A_1278, %get3A_1279] : memref<50x2x100x128xf32, #tpu.memory_space<vmem>>, vector<1x1x100x128xf32>
      %get3A_1281 = vector.shape_cast %get3A_1280 : vector<1x1x100x128xf32> to vector<100x128xf32>
      %dot_general3A_1282 = arith.constant dense<0.000000e+00> : vector<100x100xf32>
      %dot_general3A_1283 = tpu.matmul %get3A_1275, %get3A_1281, %dot_general3A_1282 {dimension_numbers = #tpu.dot_dimension_numbers<[1], [1], [0], [0], [0, 0, 1, 0], [], []>, transpose_lhs_hint = false} : vector<100x128xf32>, vector<100x128xf32>, vector<100x100xf32> -> vector<100x100xf32>
      %iota3A_1284 = tpu.iota {dimensions = array<i32: 0>} : vector<100x100xi32>
      %iota3A_1285 = tpu.iota {dimensions = array<i32: 1>} : vector<100x100xi32>
      %eq3A_1286 = arith.cmpi eq, %iota3A_1284, %iota3A_1285 : vector<100x100xi32>
      %get3A_1287 = arith.index_cast %add3A_1269 : i32 to index
      %get3A_1288 = memref.load %arg1[%get3A_1287] : memref<100xf32, #tpu.memory_space<smem>>
      %jit3A_1289 = arith.constant 0.000000e+00 : f32
      %broadcast_in_dim3A_1290 = vector.broadcast %get3A_1288 : f32 to vector<100x100xf32>
      %broadcast_in_dim3A_1291 = vector.broadcast %jit3A_1289 : f32 to vector<100x100xf32>
      %select_n3A_1292 = arith.select %eq3A_1286, %broadcast_in_dim3A_1290, %broadcast_in_dim3A_1291 : vector<100x100xi1>, vector<100x100xf32>
      %add3A_1293 = arith.addf %dot_general3A_1283, %select_n3A_1292 : vector<100x100xf32>
      %exp3A_1294 = math.exp %add3A_1293 : vector<100x100xf32>
      %reduce_sum3A_1295 = arith.constant dense<0.000000e+00> : vector<100xf32>
      %reduce_sum3A_1296 = vector.multi_reduction <add>, %exp3A_1294, %reduce_sum3A_1295 [0] : vector<100x100xf32> to vector<100xf32>
      %broadcast_in_dim3A_1297 = vector.shape_cast %reduce_sum3A_1296 : vector<100xf32> to vector<1x100xf32>
      %div3A_1298 = arith.constant 1.000000e+00 : f32
      %div3A_1299 = vector.broadcast %div3A_1298 : f32 to vector<1x100xf32>
      %div3A_1300 = arith.divf %div3A_1299, %broadcast_in_dim3A_1297 : vector<1x100xf32>
      %mul3A_1301 = vector.broadcast %div3A_1300 : vector<1x100xf32> to vector<100x100xf32>
      %mul3A_1302 = arith.mulf %exp3A_1294, %mul3A_1301 : vector<100x100xf32>
      %jit3A_1303 = arith.constant 0 : i32
      %convert_element_type3A_1304 = arith.sitofp %jit3A_1303 : i32 to f32
      %pad3A_1305 = vector.broadcast %convert_element_type3A_1304 : f32 to vector<28x100xf32>
      %pad3A_1306 = tpu.concatenate %mul3A_1302, %pad3A_1305 in 0 : vector<100x100xf32>, vector<28x100xf32> -> vector<128x100xf32>
      %pad3A_1307 = vector.broadcast %convert_element_type3A_1304 : f32 to vector<128x28xf32>
      %pad3A_1308 = tpu.concatenate %pad3A_1306, %pad3A_1307 in 1 : vector<128x100xf32>, vector<128x28xf32> -> vector<128x128xf32>
      %swap3A_1309 = arith.index_cast %add3A_1269 : i32 to index
      %swap3A_1310 = arith.constant 0 : index
      %swap3A_1311 = arith.constant 0 : index
      %swap3A_1312 = vector.load %arg9[%swap3A_1309, %swap3A_1310, %swap3A_1311] : memref<100x128x128xf32, #tpu.memory_space<vmem>>, vector<1x128x128xf32>
      %swap3A_1313 = vector.shape_cast %swap3A_1312 : vector<1x128x128xf32> to vector<128x128xf32>
      %swap3A_1314 = vector.shape_cast %pad3A_1308 : vector<128x128xf32> to vector<1x128x128xf32>
      tpu.vector_store %arg9[%swap3A_1309, %swap3A_1310, %swap3A_1311], %swap3A_1314 {strides = array<i32>} : memref<100x128x128xf32, #tpu.memory_space<vmem>>, vector<1x128x128xf32>,
      %mul3A_1315 = arith.constant 50 : i32
      %mul3A_1316 = arith.muli %arg0, %mul3A_1315 : i32
      %add3A_1317 = arith.constant 27 : i32
      %add3A_1318 = arith.addi %mul3A_1316, %add3A_1317 : i32
      %get3A_1319 = arith.constant 27 : index
      %get3A_1320 = arith.constant 0 : index
      %get3A_1321 = arith.constant 0 : index
      %get3A_1322 = arith.constant 0 : index
      %get3A_1323 = vector.load %arg5[%get3A_1319, %get3A_1320, %get3A_1321, %get3A_1322] : memref<50x2x100x128xf32, #tpu.memory_space<vmem>>, vector<1x1x100x128xf32>
      %get3A_1324 = vector.shape_cast %get3A_1323 : vector<1x1x100x128xf32> to vector<100x128xf32>
      %get3A_1325 = arith.constant 27 : index
      %get3A_1326 = arith.constant 1 : index
      %get3A_1327 = arith.constant 0 : index
      %get3A_1328 = arith.constant 0 : index
      %get3A_1329 = vector.load %arg5[%get3A_1325, %get3A_1326, %get3A_1327, %get3A_1328] : memref<50x2x100x128xf32, #tpu.memory_space<vmem>>, vector<1x1x100x128xf32>
      %get3A_1330 = vector.shape_cast %get3A_1329 : vector<1x1x100x128xf32> to vector<100x128xf32>
      %dot_general3A_1331 = arith.constant dense<0.000000e+00> : vector<100x100xf32>
      %dot_general3A_1332 = tpu.matmul %get3A_1324, %get3A_1330, %dot_general3A_1331 {dimension_numbers = #tpu.dot_dimension_numbers<[1], [1], [0], [0], [0, 0, 1, 0], [], []>, transpose_lhs_hint = false} : vector<100x128xf32>, vector<100x128xf32>, vector<100x100xf32> -> vector<100x100xf32>
      %iota3A_1333 = tpu.iota {dimensions = array<i32: 0>} : vector<100x100xi32>
      %iota3A_1334 = tpu.iota {dimensions = array<i32: 1>} : vector<100x100xi32>
      %eq3A_1335 = arith.cmpi eq, %iota3A_1333, %iota3A_1334 : vector<100x100xi32>
      %get3A_1336 = arith.index_cast %add3A_1318 : i32 to index
      %get3A_1337 = memref.load %arg1[%get3A_1336] : memref<100xf32, #tpu.memory_space<smem>>
      %jit3A_1338 = arith.constant 0.000000e+00 : f32
      %broadcast_in_dim3A_1339 = vector.broadcast %get3A_1337 : f32 to vector<100x100xf32>
      %broadcast_in_dim3A_1340 = vector.broadcast %jit3A_1338 : f32 to vector<100x100xf32>
      %select_n3A_1341 = arith.select %eq3A_1335, %broadcast_in_dim3A_1339, %broadcast_in_dim3A_1340 : vector<100x100xi1>, vector<100x100xf32>
      %add3A_1342 = arith.addf %dot_general3A_1332, %select_n3A_1341 : vector<100x100xf32>
      %exp3A_1343 = math.exp %add3A_1342 : vector<100x100xf32>
      %reduce_sum3A_1344 = arith.constant dense<0.000000e+00> : vector<100xf32>
      %reduce_sum3A_1345 = vector.multi_reduction <add>, %exp3A_1343, %reduce_sum3A_1344 [0] : vector<100x100xf32> to vector<100xf32>
      %broadcast_in_dim3A_1346 = vector.shape_cast %reduce_sum3A_1345 : vector<100xf32> to vector<1x100xf32>
      %div3A_1347 = arith.constant 1.000000e+00 : f32
      %div3A_1348 = vector.broadcast %div3A_1347 : f32 to vector<1x100xf32>
      %div3A_1349 = arith.divf %div3A_1348, %broadcast_in_dim3A_1346 : vector<1x100xf32>
      %mul3A_1350 = vector.broadcast %div3A_1349 : vector<1x100xf32> to vector<100x100xf32>
      %mul3A_1351 = arith.mulf %exp3A_1343, %mul3A_1350 : vector<100x100xf32>
      %jit3A_1352 = arith.constant 0 : i32
      %convert_element_type3A_1353 = arith.sitofp %jit3A_1352 : i32 to f32
      %pad3A_1354 = vector.broadcast %convert_element_type3A_1353 : f32 to vector<28x100xf32>
      %pad3A_1355 = tpu.concatenate %mul3A_1351, %pad3A_1354 in 0 : vector<100x100xf32>, vector<28x100xf32> -> vector<128x100xf32>
      %pad3A_1356 = vector.broadcast %convert_element_type3A_1353 : f32 to vector<128x28xf32>
      %pad3A_1357 = tpu.concatenate %pad3A_1355, %pad3A_1356 in 1 : vector<128x100xf32>, vector<128x28xf32> -> vector<128x128xf32>
      %swap3A_1358 = arith.index_cast %add3A_1318 : i32 to index
      %swap3A_1359 = arith.constant 0 : index
      %swap3A_1360 = arith.constant 0 : index
      %swap3A_1361 = vector.load %arg9[%swap3A_1358, %swap3A_1359, %swap3A_1360] : memref<100x128x128xf32, #tpu.memory_space<vmem>>, vector<1x128x128xf32>
      %swap3A_1362 = vector.shape_cast %swap3A_1361 : vector<1x128x128xf32> to vector<128x128xf32>
      %swap3A_1363 = vector.shape_cast %pad3A_1357 : vector<128x128xf32> to vector<1x128x128xf32>
      tpu.vector_store %arg9[%swap3A_1358, %swap3A_1359, %swap3A_1360], %swap3A_1363 {strides = array<i32>} : memref<100x128x128xf32, #tpu.memory_space<vmem>>, vector<1x128x128xf32>,
      %mul3A_1364 = arith.constant 50 : i32
      %mul3A_1365 = arith.muli %arg0, %mul3A_1364 : i32
      %add3A_1366 = arith.constant 28 : i32
      %add3A_1367 = arith.addi %mul3A_1365, %add3A_1366 : i32
      %get3A_1368 = arith.constant 28 : index
      %get3A_1369 = arith.constant 0 : index
      %get3A_1370 = arith.constant 0 : index
      %get3A_1371 = arith.constant 0 : index
      %get3A_1372 = vector.load %arg5[%get3A_1368, %get3A_1369, %get3A_1370, %get3A_1371] : memref<50x2x100x128xf32, #tpu.memory_space<vmem>>, vector<1x1x100x128xf32>
      %get3A_1373 = vector.shape_cast %get3A_1372 : vector<1x1x100x128xf32> to vector<100x128xf32>
      %get3A_1374 = arith.constant 28 : index
      %get3A_1375 = arith.constant 1 : index
      %get3A_1376 = arith.constant 0 : index
      %get3A_1377 = arith.constant 0 : index
      %get3A_1378 = vector.load %arg5[%get3A_1374, %get3A_1375, %get3A_1376, %get3A_1377] : memref<50x2x100x128xf32, #tpu.memory_space<vmem>>, vector<1x1x100x128xf32>
      %get3A_1379 = vector.shape_cast %get3A_1378 : vector<1x1x100x128xf32> to vector<100x128xf32>
      %dot_general3A_1380 = arith.constant dense<0.000000e+00> : vector<100x100xf32>
      %dot_general3A_1381 = tpu.matmul %get3A_1373, %get3A_1379, %dot_general3A_1380 {dimension_numbers = #tpu.dot_dimension_numbers<[1], [1], [0], [0], [0, 0, 1, 0], [], []>, transpose_lhs_hint = false} : vector<100x128xf32>, vector<100x128xf32>, vector<100x100xf32> -> vector<100x100xf32>
      %iota3A_1382 = tpu.iota {dimensions = array<i32: 0>} : vector<100x100xi32>
      %iota3A_1383 = tpu.iota {dimensions = array<i32: 1>} : vector<100x100xi32>
      %eq3A_1384 = arith.cmpi eq, %iota3A_1382, %iota3A_1383 : vector<100x100xi32>
      %get3A_1385 = arith.index_cast %add3A_1367 : i32 to index
      %get3A_1386 = memref.load %arg1[%get3A_1385] : memref<100xf32, #tpu.memory_space<smem>>
      %jit3A_1387 = arith.constant 0.000000e+00 : f32
      %broadcast_in_dim3A_1388 = vector.broadcast %get3A_1386 : f32 to vector<100x100xf32>
      %broadcast_in_dim3A_1389 = vector.broadcast %jit3A_1387 : f32 to vector<100x100xf32>
      %select_n3A_1390 = arith.select %eq3A_1384, %broadcast_in_dim3A_1388, %broadcast_in_dim3A_1389 : vector<100x100xi1>, vector<100x100xf32>
      %add3A_1391 = arith.addf %dot_general3A_1381, %select_n3A_1390 : vector<100x100xf32>
      %exp3A_1392 = math.exp %add3A_1391 : vector<100x100xf32>
      %reduce_sum3A_1393 = arith.constant dense<0.000000e+00> : vector<100xf32>
      %reduce_sum3A_1394 = vector.multi_reduction <add>, %exp3A_1392, %reduce_sum3A_1393 [0] : vector<100x100xf32> to vector<100xf32>
      %broadcast_in_dim3A_1395 = vector.shape_cast %reduce_sum3A_1394 : vector<100xf32> to vector<1x100xf32>
      %div3A_1396 = arith.constant 1.000000e+00 : f32
      %div3A_1397 = vector.broadcast %div3A_1396 : f32 to vector<1x100xf32>
      %div3A_1398 = arith.divf %div3A_1397, %broadcast_in_dim3A_1395 : vector<1x100xf32>
      %mul3A_1399 = vector.broadcast %div3A_1398 : vector<1x100xf32> to vector<100x100xf32>
      %mul3A_1400 = arith.mulf %exp3A_1392, %mul3A_1399 : vector<100x100xf32>
      %jit3A_1401 = arith.constant 0 : i32
      %convert_element_type3A_1402 = arith.sitofp %jit3A_1401 : i32 to f32
      %pad3A_1403 = vector.broadcast %convert_element_type3A_1402 : f32 to vector<28x100xf32>
      %pad3A_1404 = tpu.concatenate %mul3A_1400, %pad3A_1403 in 0 : vector<100x100xf32>, vector<28x100xf32> -> vector<128x100xf32>
      %pad3A_1405 = vector.broadcast %convert_element_type3A_1402 : f32 to vector<128x28xf32>
      %pad3A_1406 = tpu.concatenate %pad3A_1404, %pad3A_1405 in 1 : vector<128x100xf32>, vector<128x28xf32> -> vector<128x128xf32>
      %swap3A_1407 = arith.index_cast %add3A_1367 : i32 to index
      %swap3A_1408 = arith.constant 0 : index
      %swap3A_1409 = arith.constant 0 : index
      %swap3A_1410 = vector.load %arg9[%swap3A_1407, %swap3A_1408, %swap3A_1409] : memref<100x128x128xf32, #tpu.memory_space<vmem>>, vector<1x128x128xf32>
      %swap3A_1411 = vector.shape_cast %swap3A_1410 : vector<1x128x128xf32> to vector<128x128xf32>
      %swap3A_1412 = vector.shape_cast %pad3A_1406 : vector<128x128xf32> to vector<1x128x128xf32>
      tpu.vector_store %arg9[%swap3A_1407, %swap3A_1408, %swap3A_1409], %swap3A_1412 {strides = array<i32>} : memref<100x128x128xf32, #tpu.memory_space<vmem>>, vector<1x128x128xf32>,
      %mul3A_1413 = arith.constant 50 : i32
      %mul3A_1414 = arith.muli %arg0, %mul3A_1413 : i32
      %add3A_1415 = arith.constant 29 : i32
      %add3A_1416 = arith.addi %mul3A_1414, %add3A_1415 : i32
      %get3A_1417 = arith.constant 29 : index
      %get3A_1418 = arith.constant 0 : index
      %get3A_1419 = arith.constant 0 : index
      %get3A_1420 = arith.constant 0 : index
      %get3A_1421 = vector.load %arg5[%get3A_1417, %get3A_1418, %get3A_1419, %get3A_1420] : memref<50x2x100x128xf32, #tpu.memory_space<vmem>>, vector<1x1x100x128xf32>
      %get3A_1422 = vector.shape_cast %get3A_1421 : vector<1x1x100x128xf32> to vector<100x128xf32>
      %get3A_1423 = arith.constant 29 : index
      %get3A_1424 = arith.constant 1 : index
      %get3A_1425 = arith.constant 0 : index
      %get3A_1426 = arith.constant 0 : index
      %get3A_1427 = vector.load %arg5[%get3A_1423, %get3A_1424, %get3A_1425, %get3A_1426] : memref<50x2x100x128xf32, #tpu.memory_space<vmem>>, vector<1x1x100x128xf32>
      %get3A_1428 = vector.shape_cast %get3A_1427 : vector<1x1x100x128xf32> to vector<100x128xf32>
      %dot_general3A_1429 = arith.constant dense<0.000000e+00> : vector<100x100xf32>
      %dot_general3A_1430 = tpu.matmul %get3A_1422, %get3A_1428, %dot_general3A_1429 {dimension_numbers = #tpu.dot_dimension_numbers<[1], [1], [0], [0], [0, 0, 1, 0], [], []>, transpose_lhs_hint = false} : vector<100x128xf32>, vector<100x128xf32>, vector<100x100xf32> -> vector<100x100xf32>
      %iota3A_1431 = tpu.iota {dimensions = array<i32: 0>} : vector<100x100xi32>
      %iota3A_1432 = tpu.iota {dimensions = array<i32: 1>} : vector<100x100xi32>
      %eq3A_1433 = arith.cmpi eq, %iota3A_1431, %iota3A_1432 : vector<100x100xi32>
      %get3A_1434 = arith.index_cast %add3A_1416 : i32 to index
      %get3A_1435 = memref.load %arg1[%get3A_1434] : memref<100xf32, #tpu.memory_space<smem>>
      %jit3A_1436 = arith.constant 0.000000e+00 : f32
      %broadcast_in_dim3A_1437 = vector.broadcast %get3A_1435 : f32 to vector<100x100xf32>
      %broadcast_in_dim3A_1438 = vector.broadcast %jit3A_1436 : f32 to vector<100x100xf32>
      %select_n3A_1439 = arith.select %eq3A_1433, %broadcast_in_dim3A_1437, %broadcast_in_dim3A_1438 : vector<100x100xi1>, vector<100x100xf32>
      %add3A_1440 = arith.addf %dot_general3A_1430, %select_n3A_1439 : vector<100x100xf32>
      %exp3A_1441 = math.exp %add3A_1440 : vector<100x100xf32>
      %reduce_sum3A_1442 = arith.constant dense<0.000000e+00> : vector<100xf32>
      %reduce_sum3A_1443 = vector.multi_reduction <add>, %exp3A_1441, %reduce_sum3A_1442 [0] : vector<100x100xf32> to vector<100xf32>
      %broadcast_in_dim3A_1444 = vector.shape_cast %reduce_sum3A_1443 : vector<100xf32> to vector<1x100xf32>
      %div3A_1445 = arith.constant 1.000000e+00 : f32
      %div3A_1446 = vector.broadcast %div3A_1445 : f32 to vector<1x100xf32>
      %div3A_1447 = arith.divf %div3A_1446, %broadcast_in_dim3A_1444 : vector<1x100xf32>
      %mul3A_1448 = vector.broadcast %div3A_1447 : vector<1x100xf32> to vector<100x100xf32>
      %mul3A_1449 = arith.mulf %exp3A_1441, %mul3A_1448 : vector<100x100xf32>
      %jit3A_1450 = arith.constant 0 : i32
      %convert_element_type3A_1451 = arith.sitofp %jit3A_1450 : i32 to f32
      %pad3A_1452 = vector.broadcast %convert_element_type3A_1451 : f32 to vector<28x100xf32>
      %pad3A_1453 = tpu.concatenate %mul3A_1449, %pad3A_1452 in 0 : vector<100x100xf32>, vector<28x100xf32> -> vector<128x100xf32>
      %pad3A_1454 = vector.broadcast %convert_element_type3A_1451 : f32 to vector<128x28xf32>
      %pad3A_1455 = tpu.concatenate %pad3A_1453, %pad3A_1454 in 1 : vector<128x100xf32>, vector<128x28xf32> -> vector<128x128xf32>
      %swap3A_1456 = arith.index_cast %add3A_1416 : i32 to index
      %swap3A_1457 = arith.constant 0 : index
      %swap3A_1458 = arith.constant 0 : index
      %swap3A_1459 = vector.load %arg9[%swap3A_1456, %swap3A_1457, %swap3A_1458] : memref<100x128x128xf32, #tpu.memory_space<vmem>>, vector<1x128x128xf32>
      %swap3A_1460 = vector.shape_cast %swap3A_1459 : vector<1x128x128xf32> to vector<128x128xf32>
      %swap3A_1461 = vector.shape_cast %pad3A_1455 : vector<128x128xf32> to vector<1x128x128xf32>
      tpu.vector_store %arg9[%swap3A_1456, %swap3A_1457, %swap3A_1458], %swap3A_1461 {strides = array<i32>} : memref<100x128x128xf32, #tpu.memory_space<vmem>>, vector<1x128x128xf32>,
      %mul3A_1462 = arith.constant 50 : i32
      %mul3A_1463 = arith.muli %arg0, %mul3A_1462 : i32
      %add3A_1464 = arith.constant 30 : i32
      %add3A_1465 = arith.addi %mul3A_1463, %add3A_1464 : i32
      %get3A_1466 = arith.constant 30 : index
      %get3A_1467 = arith.constant 0 : index
      %get3A_1468 = arith.constant 0 : index
      %get3A_1469 = arith.constant 0 : index
      %get3A_1470 = vector.load %arg5[%get3A_1466, %get3A_1467, %get3A_1468, %get3A_1469] : memref<50x2x100x128xf32, #tpu.memory_space<vmem>>, vector<1x1x100x128xf32>
      %get3A_1471 = vector.shape_cast %get3A_1470 : vector<1x1x100x128xf32> to vector<100x128xf32>
      %get3A_1472 = arith.constant 30 : index
      %get3A_1473 = arith.constant 1 : index
      %get3A_1474 = arith.constant 0 : index
      %get3A_1475 = arith.constant 0 : index
      %get3A_1476 = vector.load %arg5[%get3A_1472, %get3A_1473, %get3A_1474, %get3A_1475] : memref<50x2x100x128xf32, #tpu.memory_space<vmem>>, vector<1x1x100x128xf32>
      %get3A_1477 = vector.shape_cast %get3A_1476 : vector<1x1x100x128xf32> to vector<100x128xf32>
      %dot_general3A_1478 = arith.constant dense<0.000000e+00> : vector<100x100xf32>
      %dot_general3A_1479 = tpu.matmul %get3A_1471, %get3A_1477, %dot_general3A_1478 {dimension_numbers = #tpu.dot_dimension_numbers<[1], [1], [0], [0], [0, 0, 1, 0], [], []>, transpose_lhs_hint = false} : vector<100x128xf32>, vector<100x128xf32>, vector<100x100xf32> -> vector<100x100xf32>
      %iota3A_1480 = tpu.iota {dimensions = array<i32: 0>} : vector<100x100xi32>
      %iota3A_1481 = tpu.iota {dimensions = array<i32: 1>} : vector<100x100xi32>
      %eq3A_1482 = arith.cmpi eq, %iota3A_1480, %iota3A_1481 : vector<100x100xi32>
      %get3A_1483 = arith.index_cast %add3A_1465 : i32 to index
      %get3A_1484 = memref.load %arg1[%get3A_1483] : memref<100xf32, #tpu.memory_space<smem>>
      %jit3A_1485 = arith.constant 0.000000e+00 : f32
      %broadcast_in_dim3A_1486 = vector.broadcast %get3A_1484 : f32 to vector<100x100xf32>
      %broadcast_in_dim3A_1487 = vector.broadcast %jit3A_1485 : f32 to vector<100x100xf32>
      %select_n3A_1488 = arith.select %eq3A_1482, %broadcast_in_dim3A_1486, %broadcast_in_dim3A_1487 : vector<100x100xi1>, vector<100x100xf32>
      %add3A_1489 = arith.addf %dot_general3A_1479, %select_n3A_1488 : vector<100x100xf32>
      %exp3A_1490 = math.exp %add3A_1489 : vector<100x100xf32>
      %reduce_sum3A_1491 = arith.constant dense<0.000000e+00> : vector<100xf32>
      %reduce_sum3A_1492 = vector.multi_reduction <add>, %exp3A_1490, %reduce_sum3A_1491 [0] : vector<100x100xf32> to vector<100xf32>
      %broadcast_in_dim3A_1493 = vector.shape_cast %reduce_sum3A_1492 : vector<100xf32> to vector<1x100xf32>
      %div3A_1494 = arith.constant 1.000000e+00 : f32
      %div3A_1495 = vector.broadcast %div3A_1494 : f32 to vector<1x100xf32>
      %div3A_1496 = arith.divf %div3A_1495, %broadcast_in_dim3A_1493 : vector<1x100xf32>
      %mul3A_1497 = vector.broadcast %div3A_1496 : vector<1x100xf32> to vector<100x100xf32>
      %mul3A_1498 = arith.mulf %exp3A_1490, %mul3A_1497 : vector<100x100xf32>
      %jit3A_1499 = arith.constant 0 : i32
      %convert_element_type3A_1500 = arith.sitofp %jit3A_1499 : i32 to f32
      %pad3A_1501 = vector.broadcast %convert_element_type3A_1500 : f32 to vector<28x100xf32>
      %pad3A_1502 = tpu.concatenate %mul3A_1498, %pad3A_1501 in 0 : vector<100x100xf32>, vector<28x100xf32> -> vector<128x100xf32>
      %pad3A_1503 = vector.broadcast %convert_element_type3A_1500 : f32 to vector<128x28xf32>
      %pad3A_1504 = tpu.concatenate %pad3A_1502, %pad3A_1503 in 1 : vector<128x100xf32>, vector<128x28xf32> -> vector<128x128xf32>
      %swap3A_1505 = arith.index_cast %add3A_1465 : i32 to index
      %swap3A_1506 = arith.constant 0 : index
      %swap3A_1507 = arith.constant 0 : index
      %swap3A_1508 = vector.load %arg9[%swap3A_1505, %swap3A_1506, %swap3A_1507] : memref<100x128x128xf32, #tpu.memory_space<vmem>>, vector<1x128x128xf32>
      %swap3A_1509 = vector.shape_cast %swap3A_1508 : vector<1x128x128xf32> to vector<128x128xf32>
      %swap3A_1510 = vector.shape_cast %pad3A_1504 : vector<128x128xf32> to vector<1x128x128xf32>
      tpu.vector_store %arg9[%swap3A_1505, %swap3A_1506, %swap3A_1507], %swap3A_1510 {strides = array<i32>} : memref<100x128x128xf32, #tpu.memory_space<vmem>>, vector<1x128x128xf32>,
      %mul3A_1511 = arith.constant 50 : i32
      %mul3A_1512 = arith.muli %arg0, %mul3A_1511 : i32
      %add3A_1513 = arith.constant 31 : i32
      %add3A_1514 = arith.addi %mul3A_1512, %add3A_1513 : i32
      %get3A_1515 = arith.constant 31 : index
      %get3A_1516 = arith.constant 0 : index
      %get3A_1517 = arith.constant 0 : index
      %get3A_1518 = arith.constant 0 : index
      %get3A_1519 = vector.load %arg5[%get3A_1515, %get3A_1516, %get3A_1517, %get3A_1518] : memref<50x2x100x128xf32, #tpu.memory_space<vmem>>, vector<1x1x100x128xf32>
      %get3A_1520 = vector.shape_cast %get3A_1519 : vector<1x1x100x128xf32> to vector<100x128xf32>
      %get3A_1521 = arith.constant 31 : index
      %get3A_1522 = arith.constant 1 : index
      %get3A_1523 = arith.constant 0 : index
      %get3A_1524 = arith.constant 0 : index
      %get3A_1525 = vector.load %arg5[%get3A_1521, %get3A_1522, %get3A_1523, %get3A_1524] : memref<50x2x100x128xf32, #tpu.memory_space<vmem>>, vector<1x1x100x128xf32>
      %get3A_1526 = vector.shape_cast %get3A_1525 : vector<1x1x100x128xf32> to vector<100x128xf32>
      %dot_general3A_1527 = arith.constant dense<0.000000e+00> : vector<100x100xf32>
      %dot_general3A_1528 = tpu.matmul %get3A_1520, %get3A_1526, %dot_general3A_1527 {dimension_numbers = #tpu.dot_dimension_numbers<[1], [1], [0], [0], [0, 0, 1, 0], [], []>, transpose_lhs_hint = false} : vector<100x128xf32>, vector<100x128xf32>, vector<100x100xf32> -> vector<100x100xf32>
      %iota3A_1529 = tpu.iota {dimensions = array<i32: 0>} : vector<100x100xi32>
      %iota3A_1530 = tpu.iota {dimensions = array<i32: 1>} : vector<100x100xi32>
      %eq3A_1531 = arith.cmpi eq, %iota3A_1529, %iota3A_1530 : vector<100x100xi32>
      %get3A_1532 = arith.index_cast %add3A_1514 : i32 to index
      %get3A_1533 = memref.load %arg1[%get3A_1532] : memref<100xf32, #tpu.memory_space<smem>>
      %jit3A_1534 = arith.constant 0.000000e+00 : f32
      %broadcast_in_dim3A_1535 = vector.broadcast %get3A_1533 : f32 to vector<100x100xf32>
      %broadcast_in_dim3A_1536 = vector.broadcast %jit3A_1534 : f32 to vector<100x100xf32>
      %select_n3A_1537 = arith.select %eq3A_1531, %broadcast_in_dim3A_1535, %broadcast_in_dim3A_1536 : vector<100x100xi1>, vector<100x100xf32>
      %add3A_1538 = arith.addf %dot_general3A_1528, %select_n3A_1537 : vector<100x100xf32>
      %exp3A_1539 = math.exp %add3A_1538 : vector<100x100xf32>
      %reduce_sum3A_1540 = arith.constant dense<0.000000e+00> : vector<100xf32>
      %reduce_sum3A_1541 = vector.multi_reduction <add>, %exp3A_1539, %reduce_sum3A_1540 [0] : vector<100x100xf32> to vector<100xf32>
      %broadcast_in_dim3A_1542 = vector.shape_cast %reduce_sum3A_1541 : vector<100xf32> to vector<1x100xf32>
      %div3A_1543 = arith.constant 1.000000e+00 : f32
      %div3A_1544 = vector.broadcast %div3A_1543 : f32 to vector<1x100xf32>
      %div3A_1545 = arith.divf %div3A_1544, %broadcast_in_dim3A_1542 : vector<1x100xf32>
      %mul3A_1546 = vector.broadcast %div3A_1545 : vector<1x100xf32> to vector<100x100xf32>
      %mul3A_1547 = arith.mulf %exp3A_1539, %mul3A_1546 : vector<100x100xf32>
      %jit3A_1548 = arith.constant 0 : i32
      %convert_element_type3A_1549 = arith.sitofp %jit3A_1548 : i32 to f32
      %pad3A_1550 = vector.broadcast %convert_element_type3A_1549 : f32 to vector<28x100xf32>
      %pad3A_1551 = tpu.concatenate %mul3A_1547, %pad3A_1550 in 0 : vector<100x100xf32>, vector<28x100xf32> -> vector<128x100xf32>
      %pad3A_1552 = vector.broadcast %convert_element_type3A_1549 : f32 to vector<128x28xf32>
      %pad3A_1553 = tpu.concatenate %pad3A_1551, %pad3A_1552 in 1 : vector<128x100xf32>, vector<128x28xf32> -> vector<128x128xf32>
      %swap3A_1554 = arith.index_cast %add3A_1514 : i32 to index
      %swap3A_1555 = arith.constant 0 : index
      %swap3A_1556 = arith.constant 0 : index
      %swap3A_1557 = vector.load %arg9[%swap3A_1554, %swap3A_1555, %swap3A_1556] : memref<100x128x128xf32, #tpu.memory_space<vmem>>, vector<1x128x128xf32>
      %swap3A_1558 = vector.shape_cast %swap3A_1557 : vector<1x128x128xf32> to vector<128x128xf32>
      %swap3A_1559 = vector.shape_cast %pad3A_1553 : vector<128x128xf32> to vector<1x128x128xf32>
      tpu.vector_store %arg9[%swap3A_1554, %swap3A_1555, %swap3A_1556], %swap3A_1559 {strides = array<i32>} : memref<100x128x128xf32, #tpu.memory_space<vmem>>, vector<1x128x128xf32>,
      %mul3A_1560 = arith.constant 50 : i32
      %mul3A_1561 = arith.muli %arg0, %mul3A_1560 : i32
      %add3A_1562 = arith.constant 32 : i32
      %add3A_1563 = arith.addi %mul3A_1561, %add3A_1562 : i32
      %get3A_1564 = arith.constant 32 : index
      %get3A_1565 = arith.constant 0 : index
      %get3A_1566 = arith.constant 0 : index
      %get3A_1567 = arith.constant 0 : index
      %get3A_1568 = vector.load %arg5[%get3A_1564, %get3A_1565, %get3A_1566, %get3A_1567] : memref<50x2x100x128xf32, #tpu.memory_space<vmem>>, vector<1x1x100x128xf32>
      %get3A_1569 = vector.shape_cast %get3A_1568 : vector<1x1x100x128xf32> to vector<100x128xf32>
      %get3A_1570 = arith.constant 32 : index
      %get3A_1571 = arith.constant 1 : index
      %get3A_1572 = arith.constant 0 : index
      %get3A_1573 = arith.constant 0 : index
      %get3A_1574 = vector.load %arg5[%get3A_1570, %get3A_1571, %get3A_1572, %get3A_1573] : memref<50x2x100x128xf32, #tpu.memory_space<vmem>>, vector<1x1x100x128xf32>
      %get3A_1575 = vector.shape_cast %get3A_1574 : vector<1x1x100x128xf32> to vector<100x128xf32>
      %dot_general3A_1576 = arith.constant dense<0.000000e+00> : vector<100x100xf32>
      %dot_general3A_1577 = tpu.matmul %get3A_1569, %get3A_1575, %dot_general3A_1576 {dimension_numbers = #tpu.dot_dimension_numbers<[1], [1], [0], [0], [0, 0, 1, 0], [], []>, transpose_lhs_hint = false} : vector<100x128xf32>, vector<100x128xf32>, vector<100x100xf32> -> vector<100x100xf32>
      %iota3A_1578 = tpu.iota {dimensions = array<i32: 0>} : vector<100x100xi32>
      %iota3A_1579 = tpu.iota {dimensions = array<i32: 1>} : vector<100x100xi32>
      %eq3A_1580 = arith.cmpi eq, %iota3A_1578, %iota3A_1579 : vector<100x100xi32>
      %get3A_1581 = arith.index_cast %add3A_1563 : i32 to index
      %get3A_1582 = memref.load %arg1[%get3A_1581] : memref<100xf32, #tpu.memory_space<smem>>
      %jit3A_1583 = arith.constant 0.000000e+00 : f32
      %broadcast_in_dim3A_1584 = vector.broadcast %get3A_1582 : f32 to vector<100x100xf32>
      %broadcast_in_dim3A_1585 = vector.broadcast %jit3A_1583 : f32 to vector<100x100xf32>
      %select_n3A_1586 = arith.select %eq3A_1580, %broadcast_in_dim3A_1584, %broadcast_in_dim3A_1585 : vector<100x100xi1>, vector<100x100xf32>
      %add3A_1587 = arith.addf %dot_general3A_1577, %select_n3A_1586 : vector<100x100xf32>
      %exp3A_1588 = math.exp %add3A_1587 : vector<100x100xf32>
      %reduce_sum3A_1589 = arith.constant dense<0.000000e+00> : vector<100xf32>
      %reduce_sum3A_1590 = vector.multi_reduction <add>, %exp3A_1588, %reduce_sum3A_1589 [0] : vector<100x100xf32> to vector<100xf32>
      %broadcast_in_dim3A_1591 = vector.shape_cast %reduce_sum3A_1590 : vector<100xf32> to vector<1x100xf32>
      %div3A_1592 = arith.constant 1.000000e+00 : f32
      %div3A_1593 = vector.broadcast %div3A_1592 : f32 to vector<1x100xf32>
      %div3A_1594 = arith.divf %div3A_1593, %broadcast_in_dim3A_1591 : vector<1x100xf32>
      %mul3A_1595 = vector.broadcast %div3A_1594 : vector<1x100xf32> to vector<100x100xf32>
      %mul3A_1596 = arith.mulf %exp3A_1588, %mul3A_1595 : vector<100x100xf32>
      %jit3A_1597 = arith.constant 0 : i32
      %convert_element_type3A_1598 = arith.sitofp %jit3A_1597 : i32 to f32
      %pad3A_1599 = vector.broadcast %convert_element_type3A_1598 : f32 to vector<28x100xf32>
      %pad3A_1600 = tpu.concatenate %mul3A_1596, %pad3A_1599 in 0 : vector<100x100xf32>, vector<28x100xf32> -> vector<128x100xf32>
      %pad3A_1601 = vector.broadcast %convert_element_type3A_1598 : f32 to vector<128x28xf32>
      %pad3A_1602 = tpu.concatenate %pad3A_1600, %pad3A_1601 in 1 : vector<128x100xf32>, vector<128x28xf32> -> vector<128x128xf32>
      %swap3A_1603 = arith.index_cast %add3A_1563 : i32 to index
      %swap3A_1604 = arith.constant 0 : index
      %swap3A_1605 = arith.constant 0 : index
      %swap3A_1606 = vector.load %arg9[%swap3A_1603, %swap3A_1604, %swap3A_1605] : memref<100x128x128xf32, #tpu.memory_space<vmem>>, vector<1x128x128xf32>
      %swap3A_1607 = vector.shape_cast %swap3A_1606 : vector<1x128x128xf32> to vector<128x128xf32>
      %swap3A_1608 = vector.shape_cast %pad3A_1602 : vector<128x128xf32> to vector<1x128x128xf32>
      tpu.vector_store %arg9[%swap3A_1603, %swap3A_1604, %swap3A_1605], %swap3A_1608 {strides = array<i32>} : memref<100x128x128xf32, #tpu.memory_space<vmem>>, vector<1x128x128xf32>,
      %mul3A_1609 = arith.constant 50 : i32
      %mul3A_1610 = arith.muli %arg0, %mul3A_1609 : i32
      %add3A_1611 = arith.constant 33 : i32
      %add3A_1612 = arith.addi %mul3A_1610, %add3A_1611 : i32
      %get3A_1613 = arith.constant 33 : index
      %get3A_1614 = arith.constant 0 : index
      %get3A_1615 = arith.constant 0 : index
      %get3A_1616 = arith.constant 0 : index
      %get3A_1617 = vector.load %arg5[%get3A_1613, %get3A_1614, %get3A_1615, %get3A_1616] : memref<50x2x100x128xf32, #tpu.memory_space<vmem>>, vector<1x1x100x128xf32>
      %get3A_1618 = vector.shape_cast %get3A_1617 : vector<1x1x100x128xf32> to vector<100x128xf32>
      %get3A_1619 = arith.constant 33 : index
      %get3A_1620 = arith.constant 1 : index
      %get3A_1621 = arith.constant 0 : index
      %get3A_1622 = arith.constant 0 : index
      %get3A_1623 = vector.load %arg5[%get3A_1619, %get3A_1620, %get3A_1621, %get3A_1622] : memref<50x2x100x128xf32, #tpu.memory_space<vmem>>, vector<1x1x100x128xf32>
      %get3A_1624 = vector.shape_cast %get3A_1623 : vector<1x1x100x128xf32> to vector<100x128xf32>
      %dot_general3A_1625 = arith.constant dense<0.000000e+00> : vector<100x100xf32>
      %dot_general3A_1626 = tpu.matmul %get3A_1618, %get3A_1624, %dot_general3A_1625 {dimension_numbers = #tpu.dot_dimension_numbers<[1], [1], [0], [0], [0, 0, 1, 0], [], []>, transpose_lhs_hint = false} : vector<100x128xf32>, vector<100x128xf32>, vector<100x100xf32> -> vector<100x100xf32>
      %iota3A_1627 = tpu.iota {dimensions = array<i32: 0>} : vector<100x100xi32>
      %iota3A_1628 = tpu.iota {dimensions = array<i32: 1>} : vector<100x100xi32>
      %eq3A_1629 = arith.cmpi eq, %iota3A_1627, %iota3A_1628 : vector<100x100xi32>
      %get3A_1630 = arith.index_cast %add3A_1612 : i32 to index
      %get3A_1631 = memref.load %arg1[%get3A_1630] : memref<100xf32, #tpu.memory_space<smem>>
      %jit3A_1632 = arith.constant 0.000000e+00 : f32
      %broadcast_in_dim3A_1633 = vector.broadcast %get3A_1631 : f32 to vector<100x100xf32>
      %broadcast_in_dim3A_1634 = vector.broadcast %jit3A_1632 : f32 to vector<100x100xf32>
      %select_n3A_1635 = arith.select %eq3A_1629, %broadcast_in_dim3A_1633, %broadcast_in_dim3A_1634 : vector<100x100xi1>, vector<100x100xf32>
      %add3A_1636 = arith.addf %dot_general3A_1626, %select_n3A_1635 : vector<100x100xf32>
      %exp3A_1637 = math.exp %add3A_1636 : vector<100x100xf32>
      %reduce_sum3A_1638 = arith.constant dense<0.000000e+00> : vector<100xf32>
      %reduce_sum3A_1639 = vector.multi_reduction <add>, %exp3A_1637, %reduce_sum3A_1638 [0] : vector<100x100xf32> to vector<100xf32>
      %broadcast_in_dim3A_1640 = vector.shape_cast %reduce_sum3A_1639 : vector<100xf32> to vector<1x100xf32>
      %div3A_1641 = arith.constant 1.000000e+00 : f32
      %div3A_1642 = vector.broadcast %div3A_1641 : f32 to vector<1x100xf32>
      %div3A_1643 = arith.divf %div3A_1642, %broadcast_in_dim3A_1640 : vector<1x100xf32>
      %mul3A_1644 = vector.broadcast %div3A_1643 : vector<1x100xf32> to vector<100x100xf32>
      %mul3A_1645 = arith.mulf %exp3A_1637, %mul3A_1644 : vector<100x100xf32>
      %jit3A_1646 = arith.constant 0 : i32
      %convert_element_type3A_1647 = arith.sitofp %jit3A_1646 : i32 to f32
      %pad3A_1648 = vector.broadcast %convert_element_type3A_1647 : f32 to vector<28x100xf32>
      %pad3A_1649 = tpu.concatenate %mul3A_1645, %pad3A_1648 in 0 : vector<100x100xf32>, vector<28x100xf32> -> vector<128x100xf32>
      %pad3A_1650 = vector.broadcast %convert_element_type3A_1647 : f32 to vector<128x28xf32>
      %pad3A_1651 = tpu.concatenate %pad3A_1649, %pad3A_1650 in 1 : vector<128x100xf32>, vector<128x28xf32> -> vector<128x128xf32>
      %swap3A_1652 = arith.index_cast %add3A_1612 : i32 to index
      %swap3A_1653 = arith.constant 0 : index
      %swap3A_1654 = arith.constant 0 : index
      %swap3A_1655 = vector.load %arg9[%swap3A_1652, %swap3A_1653, %swap3A_1654] : memref<100x128x128xf32, #tpu.memory_space<vmem>>, vector<1x128x128xf32>
      %swap3A_1656 = vector.shape_cast %swap3A_1655 : vector<1x128x128xf32> to vector<128x128xf32>
      %swap3A_1657 = vector.shape_cast %pad3A_1651 : vector<128x128xf32> to vector<1x128x128xf32>
      tpu.vector_store %arg9[%swap3A_1652, %swap3A_1653, %swap3A_1654], %swap3A_1657 {strides = array<i32>} : memref<100x128x128xf32, #tpu.memory_space<vmem>>, vector<1x128x128xf32>,
      %mul3A_1658 = arith.constant 50 : i32
      %mul3A_1659 = arith.muli %arg0, %mul3A_1658 : i32
      %add3A_1660 = arith.constant 34 : i32
      %add3A_1661 = arith.addi %mul3A_1659, %add3A_1660 : i32
      %get3A_1662 = arith.constant 34 : index
      %get3A_1663 = arith.constant 0 : index
      %get3A_1664 = arith.constant 0 : index
      %get3A_1665 = arith.constant 0 : index
      %get3A_1666 = vector.load %arg5[%get3A_1662, %get3A_1663, %get3A_1664, %get3A_1665] : memref<50x2x100x128xf32, #tpu.memory_space<vmem>>, vector<1x1x100x128xf32>
      %get3A_1667 = vector.shape_cast %get3A_1666 : vector<1x1x100x128xf32> to vector<100x128xf32>
      %get3A_1668 = arith.constant 34 : index
      %get3A_1669 = arith.constant 1 : index
      %get3A_1670 = arith.constant 0 : index
      %get3A_1671 = arith.constant 0 : index
      %get3A_1672 = vector.load %arg5[%get3A_1668, %get3A_1669, %get3A_1670, %get3A_1671] : memref<50x2x100x128xf32, #tpu.memory_space<vmem>>, vector<1x1x100x128xf32>
      %get3A_1673 = vector.shape_cast %get3A_1672 : vector<1x1x100x128xf32> to vector<100x128xf32>
      %dot_general3A_1674 = arith.constant dense<0.000000e+00> : vector<100x100xf32>
      %dot_general3A_1675 = tpu.matmul %get3A_1667, %get3A_1673, %dot_general3A_1674 {dimension_numbers = #tpu.dot_dimension_numbers<[1], [1], [0], [0], [0, 0, 1, 0], [], []>, transpose_lhs_hint = false} : vector<100x128xf32>, vector<100x128xf32>, vector<100x100xf32> -> vector<100x100xf32>
      %iota3A_1676 = tpu.iota {dimensions = array<i32: 0>} : vector<100x100xi32>
      %iota3A_1677 = tpu.iota {dimensions = array<i32: 1>} : vector<100x100xi32>
      %eq3A_1678 = arith.cmpi eq, %iota3A_1676, %iota3A_1677 : vector<100x100xi32>
      %get3A_1679 = arith.index_cast %add3A_1661 : i32 to index
      %get3A_1680 = memref.load %arg1[%get3A_1679] : memref<100xf32, #tpu.memory_space<smem>>
      %jit3A_1681 = arith.constant 0.000000e+00 : f32
      %broadcast_in_dim3A_1682 = vector.broadcast %get3A_1680 : f32 to vector<100x100xf32>
      %broadcast_in_dim3A_1683 = vector.broadcast %jit3A_1681 : f32 to vector<100x100xf32>
      %select_n3A_1684 = arith.select %eq3A_1678, %broadcast_in_dim3A_1682, %broadcast_in_dim3A_1683 : vector<100x100xi1>, vector<100x100xf32>
      %add3A_1685 = arith.addf %dot_general3A_1675, %select_n3A_1684 : vector<100x100xf32>
      %exp3A_1686 = math.exp %add3A_1685 : vector<100x100xf32>
      %reduce_sum3A_1687 = arith.constant dense<0.000000e+00> : vector<100xf32>
      %reduce_sum3A_1688 = vector.multi_reduction <add>, %exp3A_1686, %reduce_sum3A_1687 [0] : vector<100x100xf32> to vector<100xf32>
      %broadcast_in_dim3A_1689 = vector.shape_cast %reduce_sum3A_1688 : vector<100xf32> to vector<1x100xf32>
      %div3A_1690 = arith.constant 1.000000e+00 : f32
      %div3A_1691 = vector.broadcast %div3A_1690 : f32 to vector<1x100xf32>
      %div3A_1692 = arith.divf %div3A_1691, %broadcast_in_dim3A_1689 : vector<1x100xf32>
      %mul3A_1693 = vector.broadcast %div3A_1692 : vector<1x100xf32> to vector<100x100xf32>
      %mul3A_1694 = arith.mulf %exp3A_1686, %mul3A_1693 : vector<100x100xf32>
      %jit3A_1695 = arith.constant 0 : i32
      %convert_element_type3A_1696 = arith.sitofp %jit3A_1695 : i32 to f32
      %pad3A_1697 = vector.broadcast %convert_element_type3A_1696 : f32 to vector<28x100xf32>
      %pad3A_1698 = tpu.concatenate %mul3A_1694, %pad3A_1697 in 0 : vector<100x100xf32>, vector<28x100xf32> -> vector<128x100xf32>
      %pad3A_1699 = vector.broadcast %convert_element_type3A_1696 : f32 to vector<128x28xf32>
      %pad3A_1700 = tpu.concatenate %pad3A_1698, %pad3A_1699 in 1 : vector<128x100xf32>, vector<128x28xf32> -> vector<128x128xf32>
      %swap3A_1701 = arith.index_cast %add3A_1661 : i32 to index
      %swap3A_1702 = arith.constant 0 : index
      %swap3A_1703 = arith.constant 0 : index
      %swap3A_1704 = vector.load %arg9[%swap3A_1701, %swap3A_1702, %swap3A_1703] : memref<100x128x128xf32, #tpu.memory_space<vmem>>, vector<1x128x128xf32>
      %swap3A_1705 = vector.shape_cast %swap3A_1704 : vector<1x128x128xf32> to vector<128x128xf32>
      %swap3A_1706 = vector.shape_cast %pad3A_1700 : vector<128x128xf32> to vector<1x128x128xf32>
      tpu.vector_store %arg9[%swap3A_1701, %swap3A_1702, %swap3A_1703], %swap3A_1706 {strides = array<i32>} : memref<100x128x128xf32, #tpu.memory_space<vmem>>, vector<1x128x128xf32>,
      %mul3A_1707 = arith.constant 50 : i32
      %mul3A_1708 = arith.muli %arg0, %mul3A_1707 : i32
      %add3A_1709 = arith.constant 35 : i32
      %add3A_1710 = arith.addi %mul3A_1708, %add3A_1709 : i32
      %get3A_1711 = arith.constant 35 : index
      %get3A_1712 = arith.constant 0 : index
      %get3A_1713 = arith.constant 0 : index
      %get3A_1714 = arith.constant 0 : index
      %get3A_1715 = vector.load %arg5[%get3A_1711, %get3A_1712, %get3A_1713, %get3A_1714] : memref<50x2x100x128xf32, #tpu.memory_space<vmem>>, vector<1x1x100x128xf32>
      %get3A_1716 = vector.shape_cast %get3A_1715 : vector<1x1x100x128xf32> to vector<100x128xf32>
      %get3A_1717 = arith.constant 35 : index
      %get3A_1718 = arith.constant 1 : index
      %get3A_1719 = arith.constant 0 : index
      %get3A_1720 = arith.constant 0 : index
      %get3A_1721 = vector.load %arg5[%get3A_1717, %get3A_1718, %get3A_1719, %get3A_1720] : memref<50x2x100x128xf32, #tpu.memory_space<vmem>>, vector<1x1x100x128xf32>
      %get3A_1722 = vector.shape_cast %get3A_1721 : vector<1x1x100x128xf32> to vector<100x128xf32>
      %dot_general3A_1723 = arith.constant dense<0.000000e+00> : vector<100x100xf32>
      %dot_general3A_1724 = tpu.matmul %get3A_1716, %get3A_1722, %dot_general3A_1723 {dimension_numbers = #tpu.dot_dimension_numbers<[1], [1], [0], [0], [0, 0, 1, 0], [], []>, transpose_lhs_hint = false} : vector<100x128xf32>, vector<100x128xf32>, vector<100x100xf32> -> vector<100x100xf32>
      %iota3A_1725 = tpu.iota {dimensions = array<i32: 0>} : vector<100x100xi32>
      %iota3A_1726 = tpu.iota {dimensions = array<i32: 1>} : vector<100x100xi32>
      %eq3A_1727 = arith.cmpi eq, %iota3A_1725, %iota3A_1726 : vector<100x100xi32>
      %get3A_1728 = arith.index_cast %add3A_1710 : i32 to index
      %get3A_1729 = memref.load %arg1[%get3A_1728] : memref<100xf32, #tpu.memory_space<smem>>
      %jit3A_1730 = arith.constant 0.000000e+00 : f32
      %broadcast_in_dim3A_1731 = vector.broadcast %get3A_1729 : f32 to vector<100x100xf32>
      %broadcast_in_dim3A_1732 = vector.broadcast %jit3A_1730 : f32 to vector<100x100xf32>
      %select_n3A_1733 = arith.select %eq3A_1727, %broadcast_in_dim3A_1731, %broadcast_in_dim3A_1732 : vector<100x100xi1>, vector<100x100xf32>
      %add3A_1734 = arith.addf %dot_general3A_1724, %select_n3A_1733 : vector<100x100xf32>
      %exp3A_1735 = math.exp %add3A_1734 : vector<100x100xf32>
      %reduce_sum3A_1736 = arith.constant dense<0.000000e+00> : vector<100xf32>
      %reduce_sum3A_1737 = vector.multi_reduction <add>, %exp3A_1735, %reduce_sum3A_1736 [0] : vector<100x100xf32> to vector<100xf32>
      %broadcast_in_dim3A_1738 = vector.shape_cast %reduce_sum3A_1737 : vector<100xf32> to vector<1x100xf32>
      %div3A_1739 = arith.constant 1.000000e+00 : f32
      %div3A_1740 = vector.broadcast %div3A_1739 : f32 to vector<1x100xf32>
      %div3A_1741 = arith.divf %div3A_1740, %broadcast_in_dim3A_1738 : vector<1x100xf32>
      %mul3A_1742 = vector.broadcast %div3A_1741 : vector<1x100xf32> to vector<100x100xf32>
      %mul3A_1743 = arith.mulf %exp3A_1735, %mul3A_1742 : vector<100x100xf32>
      %jit3A_1744 = arith.constant 0 : i32
      %convert_element_type3A_1745 = arith.sitofp %jit3A_1744 : i32 to f32
      %pad3A_1746 = vector.broadcast %convert_element_type3A_1745 : f32 to vector<28x100xf32>
      %pad3A_1747 = tpu.concatenate %mul3A_1743, %pad3A_1746 in 0 : vector<100x100xf32>, vector<28x100xf32> -> vector<128x100xf32>
      %pad3A_1748 = vector.broadcast %convert_element_type3A_1745 : f32 to vector<128x28xf32>
      %pad3A_1749 = tpu.concatenate %pad3A_1747, %pad3A_1748 in 1 : vector<128x100xf32>, vector<128x28xf32> -> vector<128x128xf32>
      %swap3A_1750 = arith.index_cast %add3A_1710 : i32 to index
      %swap3A_1751 = arith.constant 0 : index
      %swap3A_1752 = arith.constant 0 : index
      %swap3A_1753 = vector.load %arg9[%swap3A_1750, %swap3A_1751, %swap3A_1752] : memref<100x128x128xf32, #tpu.memory_space<vmem>>, vector<1x128x128xf32>
      %swap3A_1754 = vector.shape_cast %swap3A_1753 : vector<1x128x128xf32> to vector<128x128xf32>
      %swap3A_1755 = vector.shape_cast %pad3A_1749 : vector<128x128xf32> to vector<1x128x128xf32>
      tpu.vector_store %arg9[%swap3A_1750, %swap3A_1751, %swap3A_1752], %swap3A_1755 {strides = array<i32>} : memref<100x128x128xf32, #tpu.memory_space<vmem>>, vector<1x128x128xf32>,
      %mul3A_1756 = arith.constant 50 : i32
      %mul3A_1757 = arith.muli %arg0, %mul3A_1756 : i32
      %add3A_1758 = arith.constant 36 : i32
      %add3A_1759 = arith.addi %mul3A_1757, %add3A_1758 : i32
      %get3A_1760 = arith.constant 36 : index
      %get3A_1761 = arith.constant 0 : index
      %get3A_1762 = arith.constant 0 : index
      %get3A_1763 = arith.constant 0 : index
      %get3A_1764 = vector.load %arg5[%get3A_1760, %get3A_1761, %get3A_1762, %get3A_1763] : memref<50x2x100x128xf32, #tpu.memory_space<vmem>>, vector<1x1x100x128xf32>
      %get3A_1765 = vector.shape_cast %get3A_1764 : vector<1x1x100x128xf32> to vector<100x128xf32>
      %get3A_1766 = arith.constant 36 : index
      %get3A_1767 = arith.constant 1 : index
      %get3A_1768 = arith.constant 0 : index
      %get3A_1769 = arith.constant 0 : index
      %get3A_1770 = vector.load %arg5[%get3A_1766, %get3A_1767, %get3A_1768, %get3A_1769] : memref<50x2x100x128xf32, #tpu.memory_space<vmem>>, vector<1x1x100x128xf32>
      %get3A_1771 = vector.shape_cast %get3A_1770 : vector<1x1x100x128xf32> to vector<100x128xf32>
      %dot_general3A_1772 = arith.constant dense<0.000000e+00> : vector<100x100xf32>
      %dot_general3A_1773 = tpu.matmul %get3A_1765, %get3A_1771, %dot_general3A_1772 {dimension_numbers = #tpu.dot_dimension_numbers<[1], [1], [0], [0], [0, 0, 1, 0], [], []>, transpose_lhs_hint = false} : vector<100x128xf32>, vector<100x128xf32>, vector<100x100xf32> -> vector<100x100xf32>
      %iota3A_1774 = tpu.iota {dimensions = array<i32: 0>} : vector<100x100xi32>
      %iota3A_1775 = tpu.iota {dimensions = array<i32: 1>} : vector<100x100xi32>
      %eq3A_1776 = arith.cmpi eq, %iota3A_1774, %iota3A_1775 : vector<100x100xi32>
      %get3A_1777 = arith.index_cast %add3A_1759 : i32 to index
      %get3A_1778 = memref.load %arg1[%get3A_1777] : memref<100xf32, #tpu.memory_space<smem>>
      %jit3A_1779 = arith.constant 0.000000e+00 : f32
      %broadcast_in_dim3A_1780 = vector.broadcast %get3A_1778 : f32 to vector<100x100xf32>
      %broadcast_in_dim3A_1781 = vector.broadcast %jit3A_1779 : f32 to vector<100x100xf32>
      %select_n3A_1782 = arith.select %eq3A_1776, %broadcast_in_dim3A_1780, %broadcast_in_dim3A_1781 : vector<100x100xi1>, vector<100x100xf32>
      %add3A_1783 = arith.addf %dot_general3A_1773, %select_n3A_1782 : vector<100x100xf32>
      %exp3A_1784 = math.exp %add3A_1783 : vector<100x100xf32>
      %reduce_sum3A_1785 = arith.constant dense<0.000000e+00> : vector<100xf32>
      %reduce_sum3A_1786 = vector.multi_reduction <add>, %exp3A_1784, %reduce_sum3A_1785 [0] : vector<100x100xf32> to vector<100xf32>
      %broadcast_in_dim3A_1787 = vector.shape_cast %reduce_sum3A_1786 : vector<100xf32> to vector<1x100xf32>
      %div3A_1788 = arith.constant 1.000000e+00 : f32
      %div3A_1789 = vector.broadcast %div3A_1788 : f32 to vector<1x100xf32>
      %div3A_1790 = arith.divf %div3A_1789, %broadcast_in_dim3A_1787 : vector<1x100xf32>
      %mul3A_1791 = vector.broadcast %div3A_1790 : vector<1x100xf32> to vector<100x100xf32>
      %mul3A_1792 = arith.mulf %exp3A_1784, %mul3A_1791 : vector<100x100xf32>
      %jit3A_1793 = arith.constant 0 : i32
      %convert_element_type3A_1794 = arith.sitofp %jit3A_1793 : i32 to f32
      %pad3A_1795 = vector.broadcast %convert_element_type3A_1794 : f32 to vector<28x100xf32>
      %pad3A_1796 = tpu.concatenate %mul3A_1792, %pad3A_1795 in 0 : vector<100x100xf32>, vector<28x100xf32> -> vector<128x100xf32>
      %pad3A_1797 = vector.broadcast %convert_element_type3A_1794 : f32 to vector<128x28xf32>
      %pad3A_1798 = tpu.concatenate %pad3A_1796, %pad3A_1797 in 1 : vector<128x100xf32>, vector<128x28xf32> -> vector<128x128xf32>
      %swap3A_1799 = arith.index_cast %add3A_1759 : i32 to index
      %swap3A_1800 = arith.constant 0 : index
      %swap3A_1801 = arith.constant 0 : index
      %swap3A_1802 = vector.load %arg9[%swap3A_1799, %swap3A_1800, %swap3A_1801] : memref<100x128x128xf32, #tpu.memory_space<vmem>>, vector<1x128x128xf32>
      %swap3A_1803 = vector.shape_cast %swap3A_1802 : vector<1x128x128xf32> to vector<128x128xf32>
      %swap3A_1804 = vector.shape_cast %pad3A_1798 : vector<128x128xf32> to vector<1x128x128xf32>
      tpu.vector_store %arg9[%swap3A_1799, %swap3A_1800, %swap3A_1801], %swap3A_1804 {strides = array<i32>} : memref<100x128x128xf32, #tpu.memory_space<vmem>>, vector<1x128x128xf32>,
      %mul3A_1805 = arith.constant 50 : i32
      %mul3A_1806 = arith.muli %arg0, %mul3A_1805 : i32
      %add3A_1807 = arith.constant 37 : i32
      %add3A_1808 = arith.addi %mul3A_1806, %add3A_1807 : i32
      %get3A_1809 = arith.constant 37 : index
      %get3A_1810 = arith.constant 0 : index
      %get3A_1811 = arith.constant 0 : index
      %get3A_1812 = arith.constant 0 : index
      %get3A_1813 = vector.load %arg5[%get3A_1809, %get3A_1810, %get3A_1811, %get3A_1812] : memref<50x2x100x128xf32, #tpu.memory_space<vmem>>, vector<1x1x100x128xf32>
      %get3A_1814 = vector.shape_cast %get3A_1813 : vector<1x1x100x128xf32> to vector<100x128xf32>
      %get3A_1815 = arith.constant 37 : index
      %get3A_1816 = arith.constant 1 : index
      %get3A_1817 = arith.constant 0 : index
      %get3A_1818 = arith.constant 0 : index
      %get3A_1819 = vector.load %arg5[%get3A_1815, %get3A_1816, %get3A_1817, %get3A_1818] : memref<50x2x100x128xf32, #tpu.memory_space<vmem>>, vector<1x1x100x128xf32>
      %get3A_1820 = vector.shape_cast %get3A_1819 : vector<1x1x100x128xf32> to vector<100x128xf32>
      %dot_general3A_1821 = arith.constant dense<0.000000e+00> : vector<100x100xf32>
      %dot_general3A_1822 = tpu.matmul %get3A_1814, %get3A_1820, %dot_general3A_1821 {dimension_numbers = #tpu.dot_dimension_numbers<[1], [1], [0], [0], [0, 0, 1, 0], [], []>, transpose_lhs_hint = false} : vector<100x128xf32>, vector<100x128xf32>, vector<100x100xf32> -> vector<100x100xf32>
      %iota3A_1823 = tpu.iota {dimensions = array<i32: 0>} : vector<100x100xi32>
      %iota3A_1824 = tpu.iota {dimensions = array<i32: 1>} : vector<100x100xi32>
      %eq3A_1825 = arith.cmpi eq, %iota3A_1823, %iota3A_1824 : vector<100x100xi32>
      %get3A_1826 = arith.index_cast %add3A_1808 : i32 to index
      %get3A_1827 = memref.load %arg1[%get3A_1826] : memref<100xf32, #tpu.memory_space<smem>>
      %jit3A_1828 = arith.constant 0.000000e+00 : f32
      %broadcast_in_dim3A_1829 = vector.broadcast %get3A_1827 : f32 to vector<100x100xf32>
      %broadcast_in_dim3A_1830 = vector.broadcast %jit3A_1828 : f32 to vector<100x100xf32>
      %select_n3A_1831 = arith.select %eq3A_1825, %broadcast_in_dim3A_1829, %broadcast_in_dim3A_1830 : vector<100x100xi1>, vector<100x100xf32>
      %add3A_1832 = arith.addf %dot_general3A_1822, %select_n3A_1831 : vector<100x100xf32>
      %exp3A_1833 = math.exp %add3A_1832 : vector<100x100xf32>
      %reduce_sum3A_1834 = arith.constant dense<0.000000e+00> : vector<100xf32>
      %reduce_sum3A_1835 = vector.multi_reduction <add>, %exp3A_1833, %reduce_sum3A_1834 [0] : vector<100x100xf32> to vector<100xf32>
      %broadcast_in_dim3A_1836 = vector.shape_cast %reduce_sum3A_1835 : vector<100xf32> to vector<1x100xf32>
      %div3A_1837 = arith.constant 1.000000e+00 : f32
      %div3A_1838 = vector.broadcast %div3A_1837 : f32 to vector<1x100xf32>
      %div3A_1839 = arith.divf %div3A_1838, %broadcast_in_dim3A_1836 : vector<1x100xf32>
      %mul3A_1840 = vector.broadcast %div3A_1839 : vector<1x100xf32> to vector<100x100xf32>
      %mul3A_1841 = arith.mulf %exp3A_1833, %mul3A_1840 : vector<100x100xf32>
      %jit3A_1842 = arith.constant 0 : i32
      %convert_element_type3A_1843 = arith.sitofp %jit3A_1842 : i32 to f32
      %pad3A_1844 = vector.broadcast %convert_element_type3A_1843 : f32 to vector<28x100xf32>
      %pad3A_1845 = tpu.concatenate %mul3A_1841, %pad3A_1844 in 0 : vector<100x100xf32>, vector<28x100xf32> -> vector<128x100xf32>
      %pad3A_1846 = vector.broadcast %convert_element_type3A_1843 : f32 to vector<128x28xf32>
      %pad3A_1847 = tpu.concatenate %pad3A_1845, %pad3A_1846 in 1 : vector<128x100xf32>, vector<128x28xf32> -> vector<128x128xf32>
      %swap3A_1848 = arith.index_cast %add3A_1808 : i32 to index
      %swap3A_1849 = arith.constant 0 : index
      %swap3A_1850 = arith.constant 0 : index
      %swap3A_1851 = vector.load %arg9[%swap3A_1848, %swap3A_1849, %swap3A_1850] : memref<100x128x128xf32, #tpu.memory_space<vmem>>, vector<1x128x128xf32>
      %swap3A_1852 = vector.shape_cast %swap3A_1851 : vector<1x128x128xf32> to vector<128x128xf32>
      %swap3A_1853 = vector.shape_cast %pad3A_1847 : vector<128x128xf32> to vector<1x128x128xf32>
      tpu.vector_store %arg9[%swap3A_1848, %swap3A_1849, %swap3A_1850], %swap3A_1853 {strides = array<i32>} : memref<100x128x128xf32, #tpu.memory_space<vmem>>, vector<1x128x128xf32>,
      %mul3A_1854 = arith.constant 50 : i32
      %mul3A_1855 = arith.muli %arg0, %mul3A_1854 : i32
      %add3A_1856 = arith.constant 38 : i32
      %add3A_1857 = arith.addi %mul3A_1855, %add3A_1856 : i32
      %get3A_1858 = arith.constant 38 : index
      %get3A_1859 = arith.constant 0 : index
      %get3A_1860 = arith.constant 0 : index
      %get3A_1861 = arith.constant 0 : index
      %get3A_1862 = vector.load %arg5[%get3A_1858, %get3A_1859, %get3A_1860, %get3A_1861] : memref<50x2x100x128xf32, #tpu.memory_space<vmem>>, vector<1x1x100x128xf32>
      %get3A_1863 = vector.shape_cast %get3A_1862 : vector<1x1x100x128xf32> to vector<100x128xf32>
      %get3A_1864 = arith.constant 38 : index
      %get3A_1865 = arith.constant 1 : index
      %get3A_1866 = arith.constant 0 : index
      %get3A_1867 = arith.constant 0 : index
      %get3A_1868 = vector.load %arg5[%get3A_1864, %get3A_1865, %get3A_1866, %get3A_1867] : memref<50x2x100x128xf32, #tpu.memory_space<vmem>>, vector<1x1x100x128xf32>
      %get3A_1869 = vector.shape_cast %get3A_1868 : vector<1x1x100x128xf32> to vector<100x128xf32>
      %dot_general3A_1870 = arith.constant dense<0.000000e+00> : vector<100x100xf32>
      %dot_general3A_1871 = tpu.matmul %get3A_1863, %get3A_1869, %dot_general3A_1870 {dimension_numbers = #tpu.dot_dimension_numbers<[1], [1], [0], [0], [0, 0, 1, 0], [], []>, transpose_lhs_hint = false} : vector<100x128xf32>, vector<100x128xf32>, vector<100x100xf32> -> vector<100x100xf32>
      %iota3A_1872 = tpu.iota {dimensions = array<i32: 0>} : vector<100x100xi32>
      %iota3A_1873 = tpu.iota {dimensions = array<i32: 1>} : vector<100x100xi32>
      %eq3A_1874 = arith.cmpi eq, %iota3A_1872, %iota3A_1873 : vector<100x100xi32>
      %get3A_1875 = arith.index_cast %add3A_1857 : i32 to index
      %get3A_1876 = memref.load %arg1[%get3A_1875] : memref<100xf32, #tpu.memory_space<smem>>
      %jit3A_1877 = arith.constant 0.000000e+00 : f32
      %broadcast_in_dim3A_1878 = vector.broadcast %get3A_1876 : f32 to vector<100x100xf32>
      %broadcast_in_dim3A_1879 = vector.broadcast %jit3A_1877 : f32 to vector<100x100xf32>
      %select_n3A_1880 = arith.select %eq3A_1874, %broadcast_in_dim3A_1878, %broadcast_in_dim3A_1879 : vector<100x100xi1>, vector<100x100xf32>
      %add3A_1881 = arith.addf %dot_general3A_1871, %select_n3A_1880 : vector<100x100xf32>
      %exp3A_1882 = math.exp %add3A_1881 : vector<100x100xf32>
      %reduce_sum3A_1883 = arith.constant dense<0.000000e+00> : vector<100xf32>
      %reduce_sum3A_1884 = vector.multi_reduction <add>, %exp3A_1882, %reduce_sum3A_1883 [0] : vector<100x100xf32> to vector<100xf32>
      %broadcast_in_dim3A_1885 = vector.shape_cast %reduce_sum3A_1884 : vector<100xf32> to vector<1x100xf32>
      %div3A_1886 = arith.constant 1.000000e+00 : f32
      %div3A_1887 = vector.broadcast %div3A_1886 : f32 to vector<1x100xf32>
      %div3A_1888 = arith.divf %div3A_1887, %broadcast_in_dim3A_1885 : vector<1x100xf32>
      %mul3A_1889 = vector.broadcast %div3A_1888 : vector<1x100xf32> to vector<100x100xf32>
      %mul3A_1890 = arith.mulf %exp3A_1882, %mul3A_1889 : vector<100x100xf32>
      %jit3A_1891 = arith.constant 0 : i32
      %convert_element_type3A_1892 = arith.sitofp %jit3A_1891 : i32 to f32
      %pad3A_1893 = vector.broadcast %convert_element_type3A_1892 : f32 to vector<28x100xf32>
      %pad3A_1894 = tpu.concatenate %mul3A_1890, %pad3A_1893 in 0 : vector<100x100xf32>, vector<28x100xf32> -> vector<128x100xf32>
      %pad3A_1895 = vector.broadcast %convert_element_type3A_1892 : f32 to vector<128x28xf32>
      %pad3A_1896 = tpu.concatenate %pad3A_1894, %pad3A_1895 in 1 : vector<128x100xf32>, vector<128x28xf32> -> vector<128x128xf32>
      %swap3A_1897 = arith.index_cast %add3A_1857 : i32 to index
      %swap3A_1898 = arith.constant 0 : index
      %swap3A_1899 = arith.constant 0 : index
      %swap3A_1900 = vector.load %arg9[%swap3A_1897, %swap3A_1898, %swap3A_1899] : memref<100x128x128xf32, #tpu.memory_space<vmem>>, vector<1x128x128xf32>
      %swap3A_1901 = vector.shape_cast %swap3A_1900 : vector<1x128x128xf32> to vector<128x128xf32>
      %swap3A_1902 = vector.shape_cast %pad3A_1896 : vector<128x128xf32> to vector<1x128x128xf32>
      tpu.vector_store %arg9[%swap3A_1897, %swap3A_1898, %swap3A_1899], %swap3A_1902 {strides = array<i32>} : memref<100x128x128xf32, #tpu.memory_space<vmem>>, vector<1x128x128xf32>,
      %mul3A_1903 = arith.constant 50 : i32
      %mul3A_1904 = arith.muli %arg0, %mul3A_1903 : i32
      %add3A_1905 = arith.constant 39 : i32
      %add3A_1906 = arith.addi %mul3A_1904, %add3A_1905 : i32
      %get3A_1907 = arith.constant 39 : index
      %get3A_1908 = arith.constant 0 : index
      %get3A_1909 = arith.constant 0 : index
      %get3A_1910 = arith.constant 0 : index
      %get3A_1911 = vector.load %arg5[%get3A_1907, %get3A_1908, %get3A_1909, %get3A_1910] : memref<50x2x100x128xf32, #tpu.memory_space<vmem>>, vector<1x1x100x128xf32>
      %get3A_1912 = vector.shape_cast %get3A_1911 : vector<1x1x100x128xf32> to vector<100x128xf32>
      %get3A_1913 = arith.constant 39 : index
      %get3A_1914 = arith.constant 1 : index
      %get3A_1915 = arith.constant 0 : index
      %get3A_1916 = arith.constant 0 : index
      %get3A_1917 = vector.load %arg5[%get3A_1913, %get3A_1914, %get3A_1915, %get3A_1916] : memref<50x2x100x128xf32, #tpu.memory_space<vmem>>, vector<1x1x100x128xf32>
      %get3A_1918 = vector.shape_cast %get3A_1917 : vector<1x1x100x128xf32> to vector<100x128xf32>
      %dot_general3A_1919 = arith.constant dense<0.000000e+00> : vector<100x100xf32>
      %dot_general3A_1920 = tpu.matmul %get3A_1912, %get3A_1918, %dot_general3A_1919 {dimension_numbers = #tpu.dot_dimension_numbers<[1], [1], [0], [0], [0, 0, 1, 0], [], []>, transpose_lhs_hint = false} : vector<100x128xf32>, vector<100x128xf32>, vector<100x100xf32> -> vector<100x100xf32>
      %iota3A_1921 = tpu.iota {dimensions = array<i32: 0>} : vector<100x100xi32>
      %iota3A_1922 = tpu.iota {dimensions = array<i32: 1>} : vector<100x100xi32>
      %eq3A_1923 = arith.cmpi eq, %iota3A_1921, %iota3A_1922 : vector<100x100xi32>
      %get3A_1924 = arith.index_cast %add3A_1906 : i32 to index
      %get3A_1925 = memref.load %arg1[%get3A_1924] : memref<100xf32, #tpu.memory_space<smem>>
      %jit3A_1926 = arith.constant 0.000000e+00 : f32
      %broadcast_in_dim3A_1927 = vector.broadcast %get3A_1925 : f32 to vector<100x100xf32>
      %broadcast_in_dim3A_1928 = vector.broadcast %jit3A_1926 : f32 to vector<100x100xf32>
      %select_n3A_1929 = arith.select %eq3A_1923, %broadcast_in_dim3A_1927, %broadcast_in_dim3A_1928 : vector<100x100xi1>, vector<100x100xf32>
      %add3A_1930 = arith.addf %dot_general3A_1920, %select_n3A_1929 : vector<100x100xf32>
      %exp3A_1931 = math.exp %add3A_1930 : vector<100x100xf32>
      %reduce_sum3A_1932 = arith.constant dense<0.000000e+00> : vector<100xf32>
      %reduce_sum3A_1933 = vector.multi_reduction <add>, %exp3A_1931, %reduce_sum3A_1932 [0] : vector<100x100xf32> to vector<100xf32>
      %broadcast_in_dim3A_1934 = vector.shape_cast %reduce_sum3A_1933 : vector<100xf32> to vector<1x100xf32>
      %div3A_1935 = arith.constant 1.000000e+00 : f32
      %div3A_1936 = vector.broadcast %div3A_1935 : f32 to vector<1x100xf32>
      %div3A_1937 = arith.divf %div3A_1936, %broadcast_in_dim3A_1934 : vector<1x100xf32>
      %mul3A_1938 = vector.broadcast %div3A_1937 : vector<1x100xf32> to vector<100x100xf32>
      %mul3A_1939 = arith.mulf %exp3A_1931, %mul3A_1938 : vector<100x100xf32>
      %jit3A_1940 = arith.constant 0 : i32
      %convert_element_type3A_1941 = arith.sitofp %jit3A_1940 : i32 to f32
      %pad3A_1942 = vector.broadcast %convert_element_type3A_1941 : f32 to vector<28x100xf32>
      %pad3A_1943 = tpu.concatenate %mul3A_1939, %pad3A_1942 in 0 : vector<100x100xf32>, vector<28x100xf32> -> vector<128x100xf32>
      %pad3A_1944 = vector.broadcast %convert_element_type3A_1941 : f32 to vector<128x28xf32>
      %pad3A_1945 = tpu.concatenate %pad3A_1943, %pad3A_1944 in 1 : vector<128x100xf32>, vector<128x28xf32> -> vector<128x128xf32>
      %swap3A_1946 = arith.index_cast %add3A_1906 : i32 to index
      %swap3A_1947 = arith.constant 0 : index
      %swap3A_1948 = arith.constant 0 : index
      %swap3A_1949 = vector.load %arg9[%swap3A_1946, %swap3A_1947, %swap3A_1948] : memref<100x128x128xf32, #tpu.memory_space<vmem>>, vector<1x128x128xf32>
      %swap3A_1950 = vector.shape_cast %swap3A_1949 : vector<1x128x128xf32> to vector<128x128xf32>
      %swap3A_1951 = vector.shape_cast %pad3A_1945 : vector<128x128xf32> to vector<1x128x128xf32>
      tpu.vector_store %arg9[%swap3A_1946, %swap3A_1947, %swap3A_1948], %swap3A_1951 {strides = array<i32>} : memref<100x128x128xf32, #tpu.memory_space<vmem>>, vector<1x128x128xf32>,
      %mul3A_1952 = arith.constant 50 : i32
      %mul3A_1953 = arith.muli %arg0, %mul3A_1952 : i32
      %add3A_1954 = arith.constant 40 : i32
      %add3A_1955 = arith.addi %mul3A_1953, %add3A_1954 : i32
      %get3A_1956 = arith.constant 40 : index
      %get3A_1957 = arith.constant 0 : index
      %get3A_1958 = arith.constant 0 : index
      %get3A_1959 = arith.constant 0 : index
      %get3A_1960 = vector.load %arg5[%get3A_1956, %get3A_1957, %get3A_1958, %get3A_1959] : memref<50x2x100x128xf32, #tpu.memory_space<vmem>>, vector<1x1x100x128xf32>
      %get3A_1961 = vector.shape_cast %get3A_1960 : vector<1x1x100x128xf32> to vector<100x128xf32>
      %get3A_1962 = arith.constant 40 : index
      %get3A_1963 = arith.constant 1 : index
      %get3A_1964 = arith.constant 0 : index
      %get3A_1965 = arith.constant 0 : index
      %get3A_1966 = vector.load %arg5[%get3A_1962, %get3A_1963, %get3A_1964, %get3A_1965] : memref<50x2x100x128xf32, #tpu.memory_space<vmem>>, vector<1x1x100x128xf32>
      %get3A_1967 = vector.shape_cast %get3A_1966 : vector<1x1x100x128xf32> to vector<100x128xf32>
      %dot_general3A_1968 = arith.constant dense<0.000000e+00> : vector<100x100xf32>
      %dot_general3A_1969 = tpu.matmul %get3A_1961, %get3A_1967, %dot_general3A_1968 {dimension_numbers = #tpu.dot_dimension_numbers<[1], [1], [0], [0], [0, 0, 1, 0], [], []>, transpose_lhs_hint = false} : vector<100x128xf32>, vector<100x128xf32>, vector<100x100xf32> -> vector<100x100xf32>
      %iota3A_1970 = tpu.iota {dimensions = array<i32: 0>} : vector<100x100xi32>
      %iota3A_1971 = tpu.iota {dimensions = array<i32: 1>} : vector<100x100xi32>
      %eq3A_1972 = arith.cmpi eq, %iota3A_1970, %iota3A_1971 : vector<100x100xi32>
      %get3A_1973 = arith.index_cast %add3A_1955 : i32 to index
      %get3A_1974 = memref.load %arg1[%get3A_1973] : memref<100xf32, #tpu.memory_space<smem>>
      %jit3A_1975 = arith.constant 0.000000e+00 : f32
      %broadcast_in_dim3A_1976 = vector.broadcast %get3A_1974 : f32 to vector<100x100xf32>
      %broadcast_in_dim3A_1977 = vector.broadcast %jit3A_1975 : f32 to vector<100x100xf32>
      %select_n3A_1978 = arith.select %eq3A_1972, %broadcast_in_dim3A_1976, %broadcast_in_dim3A_1977 : vector<100x100xi1>, vector<100x100xf32>
      %add3A_1979 = arith.addf %dot_general3A_1969, %select_n3A_1978 : vector<100x100xf32>
      %exp3A_1980 = math.exp %add3A_1979 : vector<100x100xf32>
      %reduce_sum3A_1981 = arith.constant dense<0.000000e+00> : vector<100xf32>
      %reduce_sum3A_1982 = vector.multi_reduction <add>, %exp3A_1980, %reduce_sum3A_1981 [0] : vector<100x100xf32> to vector<100xf32>
      %broadcast_in_dim3A_1983 = vector.shape_cast %reduce_sum3A_1982 : vector<100xf32> to vector<1x100xf32>
      %div3A_1984 = arith.constant 1.000000e+00 : f32
      %div3A_1985 = vector.broadcast %div3A_1984 : f32 to vector<1x100xf32>
      %div3A_1986 = arith.divf %div3A_1985, %broadcast_in_dim3A_1983 : vector<1x100xf32>
      %mul3A_1987 = vector.broadcast %div3A_1986 : vector<1x100xf32> to vector<100x100xf32>
      %mul3A_1988 = arith.mulf %exp3A_1980, %mul3A_1987 : vector<100x100xf32>
      %jit3A_1989 = arith.constant 0 : i32
      %convert_element_type3A_1990 = arith.sitofp %jit3A_1989 : i32 to f32
      %pad3A_1991 = vector.broadcast %convert_element_type3A_1990 : f32 to vector<28x100xf32>
      %pad3A_1992 = tpu.concatenate %mul3A_1988, %pad3A_1991 in 0 : vector<100x100xf32>, vector<28x100xf32> -> vector<128x100xf32>
      %pad3A_1993 = vector.broadcast %convert_element_type3A_1990 : f32 to vector<128x28xf32>
      %pad3A_1994 = tpu.concatenate %pad3A_1992, %pad3A_1993 in 1 : vector<128x100xf32>, vector<128x28xf32> -> vector<128x128xf32>
      %swap3A_1995 = arith.index_cast %add3A_1955 : i32 to index
      %swap3A_1996 = arith.constant 0 : index
      %swap3A_1997 = arith.constant 0 : index
      %swap3A_1998 = vector.load %arg9[%swap3A_1995, %swap3A_1996, %swap3A_1997] : memref<100x128x128xf32, #tpu.memory_space<vmem>>, vector<1x128x128xf32>
      %swap3A_1999 = vector.shape_cast %swap3A_1998 : vector<1x128x128xf32> to vector<128x128xf32>
      %swap3A_2000 = vector.shape_cast %pad3A_1994 : vector<128x128xf32> to vector<1x128x128xf32>
      tpu.vector_store %arg9[%swap3A_1995, %swap3A_1996, %swap3A_1997], %swap3A_2000 {strides = array<i32>} : memref<100x128x128xf32, #tpu.memory_space<vmem>>, vector<1x128x128xf32>,
      %mul3A_2001 = arith.constant 50 : i32
      %mul3A_2002 = arith.muli %arg0, %mul3A_2001 : i32
      %add3A_2003 = arith.constant 41 : i32
      %add3A_2004 = arith.addi %mul3A_2002, %add3A_2003 : i32
      %get3A_2005 = arith.constant 41 : index
      %get3A_2006 = arith.constant 0 : index
      %get3A_2007 = arith.constant 0 : index
      %get3A_2008 = arith.constant 0 : index
      %get3A_2009 = vector.load %arg5[%get3A_2005, %get3A_2006, %get3A_2007, %get3A_2008] : memref<50x2x100x128xf32, #tpu.memory_space<vmem>>, vector<1x1x100x128xf32>
      %get3A_2010 = vector.shape_cast %get3A_2009 : vector<1x1x100x128xf32> to vector<100x128xf32>
      %get3A_2011 = arith.constant 41 : index
      %get3A_2012 = arith.constant 1 : index
      %get3A_2013 = arith.constant 0 : index
      %get3A_2014 = arith.constant 0 : index
      %get3A_2015 = vector.load %arg5[%get3A_2011, %get3A_2012, %get3A_2013, %get3A_2014] : memref<50x2x100x128xf32, #tpu.memory_space<vmem>>, vector<1x1x100x128xf32>
      %get3A_2016 = vector.shape_cast %get3A_2015 : vector<1x1x100x128xf32> to vector<100x128xf32>
      %dot_general3A_2017 = arith.constant dense<0.000000e+00> : vector<100x100xf32>
      %dot_general3A_2018 = tpu.matmul %get3A_2010, %get3A_2016, %dot_general3A_2017 {dimension_numbers = #tpu.dot_dimension_numbers<[1], [1], [0], [0], [0, 0, 1, 0], [], []>, transpose_lhs_hint = false} : vector<100x128xf32>, vector<100x128xf32>, vector<100x100xf32> -> vector<100x100xf32>
      %iota3A_2019 = tpu.iota {dimensions = array<i32: 0>} : vector<100x100xi32>
      %iota3A_2020 = tpu.iota {dimensions = array<i32: 1>} : vector<100x100xi32>
      %eq3A_2021 = arith.cmpi eq, %iota3A_2019, %iota3A_2020 : vector<100x100xi32>
      %get3A_2022 = arith.index_cast %add3A_2004 : i32 to index
      %get3A_2023 = memref.load %arg1[%get3A_2022] : memref<100xf32, #tpu.memory_space<smem>>
      %jit3A_2024 = arith.constant 0.000000e+00 : f32
      %broadcast_in_dim3A_2025 = vector.broadcast %get3A_2023 : f32 to vector<100x100xf32>
      %broadcast_in_dim3A_2026 = vector.broadcast %jit3A_2024 : f32 to vector<100x100xf32>
      %select_n3A_2027 = arith.select %eq3A_2021, %broadcast_in_dim3A_2025, %broadcast_in_dim3A_2026 : vector<100x100xi1>, vector<100x100xf32>
      %add3A_2028 = arith.addf %dot_general3A_2018, %select_n3A_2027 : vector<100x100xf32>
      %exp3A_2029 = math.exp %add3A_2028 : vector<100x100xf32>
      %reduce_sum3A_2030 = arith.constant dense<0.000000e+00> : vector<100xf32>
      %reduce_sum3A_2031 = vector.multi_reduction <add>, %exp3A_2029, %reduce_sum3A_2030 [0] : vector<100x100xf32> to vector<100xf32>
      %broadcast_in_dim3A_2032 = vector.shape_cast %reduce_sum3A_2031 : vector<100xf32> to vector<1x100xf32>
      %div3A_2033 = arith.constant 1.000000e+00 : f32
      %div3A_2034 = vector.broadcast %div3A_2033 : f32 to vector<1x100xf32>
      %div3A_2035 = arith.divf %div3A_2034, %broadcast_in_dim3A_2032 : vector<1x100xf32>
      %mul3A_2036 = vector.broadcast %div3A_2035 : vector<1x100xf32> to vector<100x100xf32>
      %mul3A_2037 = arith.mulf %exp3A_2029, %mul3A_2036 : vector<100x100xf32>
      %jit3A_2038 = arith.constant 0 : i32
      %convert_element_type3A_2039 = arith.sitofp %jit3A_2038 : i32 to f32
      %pad3A_2040 = vector.broadcast %convert_element_type3A_2039 : f32 to vector<28x100xf32>
      %pad3A_2041 = tpu.concatenate %mul3A_2037, %pad3A_2040 in 0 : vector<100x100xf32>, vector<28x100xf32> -> vector<128x100xf32>
      %pad3A_2042 = vector.broadcast %convert_element_type3A_2039 : f32 to vector<128x28xf32>
      %pad3A_2043 = tpu.concatenate %pad3A_2041, %pad3A_2042 in 1 : vector<128x100xf32>, vector<128x28xf32> -> vector<128x128xf32>
      %swap3A_2044 = arith.index_cast %add3A_2004 : i32 to index
      %swap3A_2045 = arith.constant 0 : index
      %swap3A_2046 = arith.constant 0 : index
      %swap3A_2047 = vector.load %arg9[%swap3A_2044, %swap3A_2045, %swap3A_2046] : memref<100x128x128xf32, #tpu.memory_space<vmem>>, vector<1x128x128xf32>
      %swap3A_2048 = vector.shape_cast %swap3A_2047 : vector<1x128x128xf32> to vector<128x128xf32>
      %swap3A_2049 = vector.shape_cast %pad3A_2043 : vector<128x128xf32> to vector<1x128x128xf32>
      tpu.vector_store %arg9[%swap3A_2044, %swap3A_2045, %swap3A_2046], %swap3A_2049 {strides = array<i32>} : memref<100x128x128xf32, #tpu.memory_space<vmem>>, vector<1x128x128xf32>,
      %mul3A_2050 = arith.constant 50 : i32
      %mul3A_2051 = arith.muli %arg0, %mul3A_2050 : i32
      %add3A_2052 = arith.constant 42 : i32
      %add3A_2053 = arith.addi %mul3A_2051, %add3A_2052 : i32
      %get3A_2054 = arith.constant 42 : index
      %get3A_2055 = arith.constant 0 : index
      %get3A_2056 = arith.constant 0 : index
      %get3A_2057 = arith.constant 0 : index
      %get3A_2058 = vector.load %arg5[%get3A_2054, %get3A_2055, %get3A_2056, %get3A_2057] : memref<50x2x100x128xf32, #tpu.memory_space<vmem>>, vector<1x1x100x128xf32>
      %get3A_2059 = vector.shape_cast %get3A_2058 : vector<1x1x100x128xf32> to vector<100x128xf32>
      %get3A_2060 = arith.constant 42 : index
      %get3A_2061 = arith.constant 1 : index
      %get3A_2062 = arith.constant 0 : index
      %get3A_2063 = arith.constant 0 : index
      %get3A_2064 = vector.load %arg5[%get3A_2060, %get3A_2061, %get3A_2062, %get3A_2063] : memref<50x2x100x128xf32, #tpu.memory_space<vmem>>, vector<1x1x100x128xf32>
      %get3A_2065 = vector.shape_cast %get3A_2064 : vector<1x1x100x128xf32> to vector<100x128xf32>
      %dot_general3A_2066 = arith.constant dense<0.000000e+00> : vector<100x100xf32>
      %dot_general3A_2067 = tpu.matmul %get3A_2059, %get3A_2065, %dot_general3A_2066 {dimension_numbers = #tpu.dot_dimension_numbers<[1], [1], [0], [0], [0, 0, 1, 0], [], []>, transpose_lhs_hint = false} : vector<100x128xf32>, vector<100x128xf32>, vector<100x100xf32> -> vector<100x100xf32>
      %iota3A_2068 = tpu.iota {dimensions = array<i32: 0>} : vector<100x100xi32>
      %iota3A_2069 = tpu.iota {dimensions = array<i32: 1>} : vector<100x100xi32>
      %eq3A_2070 = arith.cmpi eq, %iota3A_2068, %iota3A_2069 : vector<100x100xi32>
      %get3A_2071 = arith.index_cast %add3A_2053 : i32 to index
      %get3A_2072 = memref.load %arg1[%get3A_2071] : memref<100xf32, #tpu.memory_space<smem>>
      %jit3A_2073 = arith.constant 0.000000e+00 : f32
      %broadcast_in_dim3A_2074 = vector.broadcast %get3A_2072 : f32 to vector<100x100xf32>
      %broadcast_in_dim3A_2075 = vector.broadcast %jit3A_2073 : f32 to vector<100x100xf32>
      %select_n3A_2076 = arith.select %eq3A_2070, %broadcast_in_dim3A_2074, %broadcast_in_dim3A_2075 : vector<100x100xi1>, vector<100x100xf32>
      %add3A_2077 = arith.addf %dot_general3A_2067, %select_n3A_2076 : vector<100x100xf32>
      %exp3A_2078 = math.exp %add3A_2077 : vector<100x100xf32>
      %reduce_sum3A_2079 = arith.constant dense<0.000000e+00> : vector<100xf32>
      %reduce_sum3A_2080 = vector.multi_reduction <add>, %exp3A_2078, %reduce_sum3A_2079 [0] : vector<100x100xf32> to vector<100xf32>
      %broadcast_in_dim3A_2081 = vector.shape_cast %reduce_sum3A_2080 : vector<100xf32> to vector<1x100xf32>
      %div3A_2082 = arith.constant 1.000000e+00 : f32
      %div3A_2083 = vector.broadcast %div3A_2082 : f32 to vector<1x100xf32>
      %div3A_2084 = arith.divf %div3A_2083, %broadcast_in_dim3A_2081 : vector<1x100xf32>
      %mul3A_2085 = vector.broadcast %div3A_2084 : vector<1x100xf32> to vector<100x100xf32>
      %mul3A_2086 = arith.mulf %exp3A_2078, %mul3A_2085 : vector<100x100xf32>
      %jit3A_2087 = arith.constant 0 : i32
      %convert_element_type3A_2088 = arith.sitofp %jit3A_2087 : i32 to f32
      %pad3A_2089 = vector.broadcast %convert_element_type3A_2088 : f32 to vector<28x100xf32>
      %pad3A_2090 = tpu.concatenate %mul3A_2086, %pad3A_2089 in 0 : vector<100x100xf32>, vector<28x100xf32> -> vector<128x100xf32>
      %pad3A_2091 = vector.broadcast %convert_element_type3A_2088 : f32 to vector<128x28xf32>
      %pad3A_2092 = tpu.concatenate %pad3A_2090, %pad3A_2091 in 1 : vector<128x100xf32>, vector<128x28xf32> -> vector<128x128xf32>
      %swap3A_2093 = arith.index_cast %add3A_2053 : i32 to index
      %swap3A_2094 = arith.constant 0 : index
      %swap3A_2095 = arith.constant 0 : index
      %swap3A_2096 = vector.load %arg9[%swap3A_2093, %swap3A_2094, %swap3A_2095] : memref<100x128x128xf32, #tpu.memory_space<vmem>>, vector<1x128x128xf32>
      %swap3A_2097 = vector.shape_cast %swap3A_2096 : vector<1x128x128xf32> to vector<128x128xf32>
      %swap3A_2098 = vector.shape_cast %pad3A_2092 : vector<128x128xf32> to vector<1x128x128xf32>
      tpu.vector_store %arg9[%swap3A_2093, %swap3A_2094, %swap3A_2095], %swap3A_2098 {strides = array<i32>} : memref<100x128x128xf32, #tpu.memory_space<vmem>>, vector<1x128x128xf32>,
      %mul3A_2099 = arith.constant 50 : i32
      %mul3A_2100 = arith.muli %arg0, %mul3A_2099 : i32
      %add3A_2101 = arith.constant 43 : i32
      %add3A_2102 = arith.addi %mul3A_2100, %add3A_2101 : i32
      %get3A_2103 = arith.constant 43 : index
      %get3A_2104 = arith.constant 0 : index
      %get3A_2105 = arith.constant 0 : index
      %get3A_2106 = arith.constant 0 : index
      %get3A_2107 = vector.load %arg5[%get3A_2103, %get3A_2104, %get3A_2105, %get3A_2106] : memref<50x2x100x128xf32, #tpu.memory_space<vmem>>, vector<1x1x100x128xf32>
      %get3A_2108 = vector.shape_cast %get3A_2107 : vector<1x1x100x128xf32> to vector<100x128xf32>
      %get3A_2109 = arith.constant 43 : index
      %get3A_2110 = arith.constant 1 : index
      %get3A_2111 = arith.constant 0 : index
      %get3A_2112 = arith.constant 0 : index
      %get3A_2113 = vector.load %arg5[%get3A_2109, %get3A_2110, %get3A_2111, %get3A_2112] : memref<50x2x100x128xf32, #tpu.memory_space<vmem>>, vector<1x1x100x128xf32>
      %get3A_2114 = vector.shape_cast %get3A_2113 : vector<1x1x100x128xf32> to vector<100x128xf32>
      %dot_general3A_2115 = arith.constant dense<0.000000e+00> : vector<100x100xf32>
      %dot_general3A_2116 = tpu.matmul %get3A_2108, %get3A_2114, %dot_general3A_2115 {dimension_numbers = #tpu.dot_dimension_numbers<[1], [1], [0], [0], [0, 0, 1, 0], [], []>, transpose_lhs_hint = false} : vector<100x128xf32>, vector<100x128xf32>, vector<100x100xf32> -> vector<100x100xf32>
      %iota3A_2117 = tpu.iota {dimensions = array<i32: 0>} : vector<100x100xi32>
      %iota3A_2118 = tpu.iota {dimensions = array<i32: 1>} : vector<100x100xi32>
      %eq3A_2119 = arith.cmpi eq, %iota3A_2117, %iota3A_2118 : vector<100x100xi32>
      %get3A_2120 = arith.index_cast %add3A_2102 : i32 to index
      %get3A_2121 = memref.load %arg1[%get3A_2120] : memref<100xf32, #tpu.memory_space<smem>>
      %jit3A_2122 = arith.constant 0.000000e+00 : f32
      %broadcast_in_dim3A_2123 = vector.broadcast %get3A_2121 : f32 to vector<100x100xf32>
      %broadcast_in_dim3A_2124 = vector.broadcast %jit3A_2122 : f32 to vector<100x100xf32>
      %select_n3A_2125 = arith.select %eq3A_2119, %broadcast_in_dim3A_2123, %broadcast_in_dim3A_2124 : vector<100x100xi1>, vector<100x100xf32>
      %add3A_2126 = arith.addf %dot_general3A_2116, %select_n3A_2125 : vector<100x100xf32>
      %exp3A_2127 = math.exp %add3A_2126 : vector<100x100xf32>
      %reduce_sum3A_2128 = arith.constant dense<0.000000e+00> : vector<100xf32>
      %reduce_sum3A_2129 = vector.multi_reduction <add>, %exp3A_2127, %reduce_sum3A_2128 [0] : vector<100x100xf32> to vector<100xf32>
      %broadcast_in_dim3A_2130 = vector.shape_cast %reduce_sum3A_2129 : vector<100xf32> to vector<1x100xf32>
      %div3A_2131 = arith.constant 1.000000e+00 : f32
      %div3A_2132 = vector.broadcast %div3A_2131 : f32 to vector<1x100xf32>
      %div3A_2133 = arith.divf %div3A_2132, %broadcast_in_dim3A_2130 : vector<1x100xf32>
      %mul3A_2134 = vector.broadcast %div3A_2133 : vector<1x100xf32> to vector<100x100xf32>
      %mul3A_2135 = arith.mulf %exp3A_2127, %mul3A_2134 : vector<100x100xf32>
      %jit3A_2136 = arith.constant 0 : i32
      %convert_element_type3A_2137 = arith.sitofp %jit3A_2136 : i32 to f32
      %pad3A_2138 = vector.broadcast %convert_element_type3A_2137 : f32 to vector<28x100xf32>
      %pad3A_2139 = tpu.concatenate %mul3A_2135, %pad3A_2138 in 0 : vector<100x100xf32>, vector<28x100xf32> -> vector<128x100xf32>
      %pad3A_2140 = vector.broadcast %convert_element_type3A_2137 : f32 to vector<128x28xf32>
      %pad3A_2141 = tpu.concatenate %pad3A_2139, %pad3A_2140 in 1 : vector<128x100xf32>, vector<128x28xf32> -> vector<128x128xf32>
      %swap3A_2142 = arith.index_cast %add3A_2102 : i32 to index
      %swap3A_2143 = arith.constant 0 : index
      %swap3A_2144 = arith.constant 0 : index
      %swap3A_2145 = vector.load %arg9[%swap3A_2142, %swap3A_2143, %swap3A_2144] : memref<100x128x128xf32, #tpu.memory_space<vmem>>, vector<1x128x128xf32>
      %swap3A_2146 = vector.shape_cast %swap3A_2145 : vector<1x128x128xf32> to vector<128x128xf32>
      %swap3A_2147 = vector.shape_cast %pad3A_2141 : vector<128x128xf32> to vector<1x128x128xf32>
      tpu.vector_store %arg9[%swap3A_2142, %swap3A_2143, %swap3A_2144], %swap3A_2147 {strides = array<i32>} : memref<100x128x128xf32, #tpu.memory_space<vmem>>, vector<1x128x128xf32>,
      %mul3A_2148 = arith.constant 50 : i32
      %mul3A_2149 = arith.muli %arg0, %mul3A_2148 : i32
      %add3A_2150 = arith.constant 44 : i32
      %add3A_2151 = arith.addi %mul3A_2149, %add3A_2150 : i32
      %get3A_2152 = arith.constant 44 : index
      %get3A_2153 = arith.constant 0 : index
      %get3A_2154 = arith.constant 0 : index
      %get3A_2155 = arith.constant 0 : index
      %get3A_2156 = vector.load %arg5[%get3A_2152, %get3A_2153, %get3A_2154, %get3A_2155] : memref<50x2x100x128xf32, #tpu.memory_space<vmem>>, vector<1x1x100x128xf32>
      %get3A_2157 = vector.shape_cast %get3A_2156 : vector<1x1x100x128xf32> to vector<100x128xf32>
      %get3A_2158 = arith.constant 44 : index
      %get3A_2159 = arith.constant 1 : index
      %get3A_2160 = arith.constant 0 : index
      %get3A_2161 = arith.constant 0 : index
      %get3A_2162 = vector.load %arg5[%get3A_2158, %get3A_2159, %get3A_2160, %get3A_2161] : memref<50x2x100x128xf32, #tpu.memory_space<vmem>>, vector<1x1x100x128xf32>
      %get3A_2163 = vector.shape_cast %get3A_2162 : vector<1x1x100x128xf32> to vector<100x128xf32>
      %dot_general3A_2164 = arith.constant dense<0.000000e+00> : vector<100x100xf32>
      %dot_general3A_2165 = tpu.matmul %get3A_2157, %get3A_2163, %dot_general3A_2164 {dimension_numbers = #tpu.dot_dimension_numbers<[1], [1], [0], [0], [0, 0, 1, 0], [], []>, transpose_lhs_hint = false} : vector<100x128xf32>, vector<100x128xf32>, vector<100x100xf32> -> vector<100x100xf32>
      %iota3A_2166 = tpu.iota {dimensions = array<i32: 0>} : vector<100x100xi32>
      %iota3A_2167 = tpu.iota {dimensions = array<i32: 1>} : vector<100x100xi32>
      %eq3A_2168 = arith.cmpi eq, %iota3A_2166, %iota3A_2167 : vector<100x100xi32>
      %get3A_2169 = arith.index_cast %add3A_2151 : i32 to index
      %get3A_2170 = memref.load %arg1[%get3A_2169] : memref<100xf32, #tpu.memory_space<smem>>
      %jit3A_2171 = arith.constant 0.000000e+00 : f32
      %broadcast_in_dim3A_2172 = vector.broadcast %get3A_2170 : f32 to vector<100x100xf32>
      %broadcast_in_dim3A_2173 = vector.broadcast %jit3A_2171 : f32 to vector<100x100xf32>
      %select_n3A_2174 = arith.select %eq3A_2168, %broadcast_in_dim3A_2172, %broadcast_in_dim3A_2173 : vector<100x100xi1>, vector<100x100xf32>
      %add3A_2175 = arith.addf %dot_general3A_2165, %select_n3A_2174 : vector<100x100xf32>
      %exp3A_2176 = math.exp %add3A_2175 : vector<100x100xf32>
      %reduce_sum3A_2177 = arith.constant dense<0.000000e+00> : vector<100xf32>
      %reduce_sum3A_2178 = vector.multi_reduction <add>, %exp3A_2176, %reduce_sum3A_2177 [0] : vector<100x100xf32> to vector<100xf32>
      %broadcast_in_dim3A_2179 = vector.shape_cast %reduce_sum3A_2178 : vector<100xf32> to vector<1x100xf32>
      %div3A_2180 = arith.constant 1.000000e+00 : f32
      %div3A_2181 = vector.broadcast %div3A_2180 : f32 to vector<1x100xf32>
      %div3A_2182 = arith.divf %div3A_2181, %broadcast_in_dim3A_2179 : vector<1x100xf32>
      %mul3A_2183 = vector.broadcast %div3A_2182 : vector<1x100xf32> to vector<100x100xf32>
      %mul3A_2184 = arith.mulf %exp3A_2176, %mul3A_2183 : vector<100x100xf32>
      %jit3A_2185 = arith.constant 0 : i32
      %convert_element_type3A_2186 = arith.sitofp %jit3A_2185 : i32 to f32
      %pad3A_2187 = vector.broadcast %convert_element_type3A_2186 : f32 to vector<28x100xf32>
      %pad3A_2188 = tpu.concatenate %mul3A_2184, %pad3A_2187 in 0 : vector<100x100xf32>, vector<28x100xf32> -> vector<128x100xf32>
      %pad3A_2189 = vector.broadcast %convert_element_type3A_2186 : f32 to vector<128x28xf32>
      %pad3A_2190 = tpu.concatenate %pad3A_2188, %pad3A_2189 in 1 : vector<128x100xf32>, vector<128x28xf32> -> vector<128x128xf32>
      %swap3A_2191 = arith.index_cast %add3A_2151 : i32 to index
      %swap3A_2192 = arith.constant 0 : index
      %swap3A_2193 = arith.constant 0 : index
      %swap3A_2194 = vector.load %arg9[%swap3A_2191, %swap3A_2192, %swap3A_2193] : memref<100x128x128xf32, #tpu.memory_space<vmem>>, vector<1x128x128xf32>
      %swap3A_2195 = vector.shape_cast %swap3A_2194 : vector<1x128x128xf32> to vector<128x128xf32>
      %swap3A_2196 = vector.shape_cast %pad3A_2190 : vector<128x128xf32> to vector<1x128x128xf32>
      tpu.vector_store %arg9[%swap3A_2191, %swap3A_2192, %swap3A_2193], %swap3A_2196 {strides = array<i32>} : memref<100x128x128xf32, #tpu.memory_space<vmem>>, vector<1x128x128xf32>,
      %mul3A_2197 = arith.constant 50 : i32
      %mul3A_2198 = arith.muli %arg0, %mul3A_2197 : i32
      %add3A_2199 = arith.constant 45 : i32
      %add3A_2200 = arith.addi %mul3A_2198, %add3A_2199 : i32
      %get3A_2201 = arith.constant 45 : index
      %get3A_2202 = arith.constant 0 : index
      %get3A_2203 = arith.constant 0 : index
      %get3A_2204 = arith.constant 0 : index
      %get3A_2205 = vector.load %arg5[%get3A_2201, %get3A_2202, %get3A_2203, %get3A_2204] : memref<50x2x100x128xf32, #tpu.memory_space<vmem>>, vector<1x1x100x128xf32>
      %get3A_2206 = vector.shape_cast %get3A_2205 : vector<1x1x100x128xf32> to vector<100x128xf32>
      %get3A_2207 = arith.constant 45 : index
      %get3A_2208 = arith.constant 1 : index
      %get3A_2209 = arith.constant 0 : index
      %get3A_2210 = arith.constant 0 : index
      %get3A_2211 = vector.load %arg5[%get3A_2207, %get3A_2208, %get3A_2209, %get3A_2210] : memref<50x2x100x128xf32, #tpu.memory_space<vmem>>, vector<1x1x100x128xf32>
      %get3A_2212 = vector.shape_cast %get3A_2211 : vector<1x1x100x128xf32> to vector<100x128xf32>
      %dot_general3A_2213 = arith.constant dense<0.000000e+00> : vector<100x100xf32>
      %dot_general3A_2214 = tpu.matmul %get3A_2206, %get3A_2212, %dot_general3A_2213 {dimension_numbers = #tpu.dot_dimension_numbers<[1], [1], [0], [0], [0, 0, 1, 0], [], []>, transpose_lhs_hint = false} : vector<100x128xf32>, vector<100x128xf32>, vector<100x100xf32> -> vector<100x100xf32>
      %iota3A_2215 = tpu.iota {dimensions = array<i32: 0>} : vector<100x100xi32>
      %iota3A_2216 = tpu.iota {dimensions = array<i32: 1>} : vector<100x100xi32>
      %eq3A_2217 = arith.cmpi eq, %iota3A_2215, %iota3A_2216 : vector<100x100xi32>
      %get3A_2218 = arith.index_cast %add3A_2200 : i32 to index
      %get3A_2219 = memref.load %arg1[%get3A_2218] : memref<100xf32, #tpu.memory_space<smem>>
      %jit3A_2220 = arith.constant 0.000000e+00 : f32
      %broadcast_in_dim3A_2221 = vector.broadcast %get3A_2219 : f32 to vector<100x100xf32>
      %broadcast_in_dim3A_2222 = vector.broadcast %jit3A_2220 : f32 to vector<100x100xf32>
      %select_n3A_2223 = arith.select %eq3A_2217, %broadcast_in_dim3A_2221, %broadcast_in_dim3A_2222 : vector<100x100xi1>, vector<100x100xf32>
      %add3A_2224 = arith.addf %dot_general3A_2214, %select_n3A_2223 : vector<100x100xf32>
      %exp3A_2225 = math.exp %add3A_2224 : vector<100x100xf32>
      %reduce_sum3A_2226 = arith.constant dense<0.000000e+00> : vector<100xf32>
      %reduce_sum3A_2227 = vector.multi_reduction <add>, %exp3A_2225, %reduce_sum3A_2226 [0] : vector<100x100xf32> to vector<100xf32>
      %broadcast_in_dim3A_2228 = vector.shape_cast %reduce_sum3A_2227 : vector<100xf32> to vector<1x100xf32>
      %div3A_2229 = arith.constant 1.000000e+00 : f32
      %div3A_2230 = vector.broadcast %div3A_2229 : f32 to vector<1x100xf32>
      %div3A_2231 = arith.divf %div3A_2230, %broadcast_in_dim3A_2228 : vector<1x100xf32>
      %mul3A_2232 = vector.broadcast %div3A_2231 : vector<1x100xf32> to vector<100x100xf32>
      %mul3A_2233 = arith.mulf %exp3A_2225, %mul3A_2232 : vector<100x100xf32>
      %jit3A_2234 = arith.constant 0 : i32
      %convert_element_type3A_2235 = arith.sitofp %jit3A_2234 : i32 to f32
      %pad3A_2236 = vector.broadcast %convert_element_type3A_2235 : f32 to vector<28x100xf32>
      %pad3A_2237 = tpu.concatenate %mul3A_2233, %pad3A_2236 in 0 : vector<100x100xf32>, vector<28x100xf32> -> vector<128x100xf32>
      %pad3A_2238 = vector.broadcast %convert_element_type3A_2235 : f32 to vector<128x28xf32>
      %pad3A_2239 = tpu.concatenate %pad3A_2237, %pad3A_2238 in 1 : vector<128x100xf32>, vector<128x28xf32> -> vector<128x128xf32>
      %swap3A_2240 = arith.index_cast %add3A_2200 : i32 to index
      %swap3A_2241 = arith.constant 0 : index
      %swap3A_2242 = arith.constant 0 : index
      %swap3A_2243 = vector.load %arg9[%swap3A_2240, %swap3A_2241, %swap3A_2242] : memref<100x128x128xf32, #tpu.memory_space<vmem>>, vector<1x128x128xf32>
      %swap3A_2244 = vector.shape_cast %swap3A_2243 : vector<1x128x128xf32> to vector<128x128xf32>
      %swap3A_2245 = vector.shape_cast %pad3A_2239 : vector<128x128xf32> to vector<1x128x128xf32>
      tpu.vector_store %arg9[%swap3A_2240, %swap3A_2241, %swap3A_2242], %swap3A_2245 {strides = array<i32>} : memref<100x128x128xf32, #tpu.memory_space<vmem>>, vector<1x128x128xf32>,
      %mul3A_2246 = arith.constant 50 : i32
      %mul3A_2247 = arith.muli %arg0, %mul3A_2246 : i32
      %add3A_2248 = arith.constant 46 : i32
      %add3A_2249 = arith.addi %mul3A_2247, %add3A_2248 : i32
      %get3A_2250 = arith.constant 46 : index
      %get3A_2251 = arith.constant 0 : index
      %get3A_2252 = arith.constant 0 : index
      %get3A_2253 = arith.constant 0 : index
      %get3A_2254 = vector.load %arg5[%get3A_2250, %get3A_2251, %get3A_2252, %get3A_2253] : memref<50x2x100x128xf32, #tpu.memory_space<vmem>>, vector<1x1x100x128xf32>
      %get3A_2255 = vector.shape_cast %get3A_2254 : vector<1x1x100x128xf32> to vector<100x128xf32>
      %get3A_2256 = arith.constant 46 : index
      %get3A_2257 = arith.constant 1 : index
      %get3A_2258 = arith.constant 0 : index
      %get3A_2259 = arith.constant 0 : index
      %get3A_2260 = vector.load %arg5[%get3A_2256, %get3A_2257, %get3A_2258, %get3A_2259] : memref<50x2x100x128xf32, #tpu.memory_space<vmem>>, vector<1x1x100x128xf32>
      %get3A_2261 = vector.shape_cast %get3A_2260 : vector<1x1x100x128xf32> to vector<100x128xf32>
      %dot_general3A_2262 = arith.constant dense<0.000000e+00> : vector<100x100xf32>
      %dot_general3A_2263 = tpu.matmul %get3A_2255, %get3A_2261, %dot_general3A_2262 {dimension_numbers = #tpu.dot_dimension_numbers<[1], [1], [0], [0], [0, 0, 1, 0], [], []>, transpose_lhs_hint = false} : vector<100x128xf32>, vector<100x128xf32>, vector<100x100xf32> -> vector<100x100xf32>
      %iota3A_2264 = tpu.iota {dimensions = array<i32: 0>} : vector<100x100xi32>
      %iota3A_2265 = tpu.iota {dimensions = array<i32: 1>} : vector<100x100xi32>
      %eq3A_2266 = arith.cmpi eq, %iota3A_2264, %iota3A_2265 : vector<100x100xi32>
      %get3A_2267 = arith.index_cast %add3A_2249 : i32 to index
      %get3A_2268 = memref.load %arg1[%get3A_2267] : memref<100xf32, #tpu.memory_space<smem>>
      %jit3A_2269 = arith.constant 0.000000e+00 : f32
      %broadcast_in_dim3A_2270 = vector.broadcast %get3A_2268 : f32 to vector<100x100xf32>
      %broadcast_in_dim3A_2271 = vector.broadcast %jit3A_2269 : f32 to vector<100x100xf32>
      %select_n3A_2272 = arith.select %eq3A_2266, %broadcast_in_dim3A_2270, %broadcast_in_dim3A_2271 : vector<100x100xi1>, vector<100x100xf32>
      %add3A_2273 = arith.addf %dot_general3A_2263, %select_n3A_2272 : vector<100x100xf32>
      %exp3A_2274 = math.exp %add3A_2273 : vector<100x100xf32>
      %reduce_sum3A_2275 = arith.constant dense<0.000000e+00> : vector<100xf32>
      %reduce_sum3A_2276 = vector.multi_reduction <add>, %exp3A_2274, %reduce_sum3A_2275 [0] : vector<100x100xf32> to vector<100xf32>
      %broadcast_in_dim3A_2277 = vector.shape_cast %reduce_sum3A_2276 : vector<100xf32> to vector<1x100xf32>
      %div3A_2278 = arith.constant 1.000000e+00 : f32
      %div3A_2279 = vector.broadcast %div3A_2278 : f32 to vector<1x100xf32>
      %div3A_2280 = arith.divf %div3A_2279, %broadcast_in_dim3A_2277 : vector<1x100xf32>
      %mul3A_2281 = vector.broadcast %div3A_2280 : vector<1x100xf32> to vector<100x100xf32>
      %mul3A_2282 = arith.mulf %exp3A_2274, %mul3A_2281 : vector<100x100xf32>
      %jit3A_2283 = arith.constant 0 : i32
      %convert_element_type3A_2284 = arith.sitofp %jit3A_2283 : i32 to f32
      %pad3A_2285 = vector.broadcast %convert_element_type3A_2284 : f32 to vector<28x100xf32>
      %pad3A_2286 = tpu.concatenate %mul3A_2282, %pad3A_2285 in 0 : vector<100x100xf32>, vector<28x100xf32> -> vector<128x100xf32>
      %pad3A_2287 = vector.broadcast %convert_element_type3A_2284 : f32 to vector<128x28xf32>
      %pad3A_2288 = tpu.concatenate %pad3A_2286, %pad3A_2287 in 1 : vector<128x100xf32>, vector<128x28xf32> -> vector<128x128xf32>
      %swap3A_2289 = arith.index_cast %add3A_2249 : i32 to index
      %swap3A_2290 = arith.constant 0 : index
      %swap3A_2291 = arith.constant 0 : index
      %swap3A_2292 = vector.load %arg9[%swap3A_2289, %swap3A_2290, %swap3A_2291] : memref<100x128x128xf32, #tpu.memory_space<vmem>>, vector<1x128x128xf32>
      %swap3A_2293 = vector.shape_cast %swap3A_2292 : vector<1x128x128xf32> to vector<128x128xf32>
      %swap3A_2294 = vector.shape_cast %pad3A_2288 : vector<128x128xf32> to vector<1x128x128xf32>
      tpu.vector_store %arg9[%swap3A_2289, %swap3A_2290, %swap3A_2291], %swap3A_2294 {strides = array<i32>} : memref<100x128x128xf32, #tpu.memory_space<vmem>>, vector<1x128x128xf32>,
      %mul3A_2295 = arith.constant 50 : i32
      %mul3A_2296 = arith.muli %arg0, %mul3A_2295 : i32
      %add3A_2297 = arith.constant 47 : i32
      %add3A_2298 = arith.addi %mul3A_2296, %add3A_2297 : i32
      %get3A_2299 = arith.constant 47 : index
      %get3A_2300 = arith.constant 0 : index
      %get3A_2301 = arith.constant 0 : index
      %get3A_2302 = arith.constant 0 : index
      %get3A_2303 = vector.load %arg5[%get3A_2299, %get3A_2300, %get3A_2301, %get3A_2302] : memref<50x2x100x128xf32, #tpu.memory_space<vmem>>, vector<1x1x100x128xf32>
      %get3A_2304 = vector.shape_cast %get3A_2303 : vector<1x1x100x128xf32> to vector<100x128xf32>
      %get3A_2305 = arith.constant 47 : index
      %get3A_2306 = arith.constant 1 : index
      %get3A_2307 = arith.constant 0 : index
      %get3A_2308 = arith.constant 0 : index
      %get3A_2309 = vector.load %arg5[%get3A_2305, %get3A_2306, %get3A_2307, %get3A_2308] : memref<50x2x100x128xf32, #tpu.memory_space<vmem>>, vector<1x1x100x128xf32>
      %get3A_2310 = vector.shape_cast %get3A_2309 : vector<1x1x100x128xf32> to vector<100x128xf32>
      %dot_general3A_2311 = arith.constant dense<0.000000e+00> : vector<100x100xf32>
      %dot_general3A_2312 = tpu.matmul %get3A_2304, %get3A_2310, %dot_general3A_2311 {dimension_numbers = #tpu.dot_dimension_numbers<[1], [1], [0], [0], [0, 0, 1, 0], [], []>, transpose_lhs_hint = false} : vector<100x128xf32>, vector<100x128xf32>, vector<100x100xf32> -> vector<100x100xf32>
      %iota3A_2313 = tpu.iota {dimensions = array<i32: 0>} : vector<100x100xi32>
      %iota3A_2314 = tpu.iota {dimensions = array<i32: 1>} : vector<100x100xi32>
      %eq3A_2315 = arith.cmpi eq, %iota3A_2313, %iota3A_2314 : vector<100x100xi32>
      %get3A_2316 = arith.index_cast %add3A_2298 : i32 to index
      %get3A_2317 = memref.load %arg1[%get3A_2316] : memref<100xf32, #tpu.memory_space<smem>>
      %jit3A_2318 = arith.constant 0.000000e+00 : f32
      %broadcast_in_dim3A_2319 = vector.broadcast %get3A_2317 : f32 to vector<100x100xf32>
      %broadcast_in_dim3A_2320 = vector.broadcast %jit3A_2318 : f32 to vector<100x100xf32>
      %select_n3A_2321 = arith.select %eq3A_2315, %broadcast_in_dim3A_2319, %broadcast_in_dim3A_2320 : vector<100x100xi1>, vector<100x100xf32>
      %add3A_2322 = arith.addf %dot_general3A_2312, %select_n3A_2321 : vector<100x100xf32>
      %exp3A_2323 = math.exp %add3A_2322 : vector<100x100xf32>
      %reduce_sum3A_2324 = arith.constant dense<0.000000e+00> : vector<100xf32>
      %reduce_sum3A_2325 = vector.multi_reduction <add>, %exp3A_2323, %reduce_sum3A_2324 [0] : vector<100x100xf32> to vector<100xf32>
      %broadcast_in_dim3A_2326 = vector.shape_cast %reduce_sum3A_2325 : vector<100xf32> to vector<1x100xf32>
      %div3A_2327 = arith.constant 1.000000e+00 : f32
      %div3A_2328 = vector.broadcast %div3A_2327 : f32 to vector<1x100xf32>
      %div3A_2329 = arith.divf %div3A_2328, %broadcast_in_dim3A_2326 : vector<1x100xf32>
      %mul3A_2330 = vector.broadcast %div3A_2329 : vector<1x100xf32> to vector<100x100xf32>
      %mul3A_2331 = arith.mulf %exp3A_2323, %mul3A_2330 : vector<100x100xf32>
      %jit3A_2332 = arith.constant 0 : i32
      %convert_element_type3A_2333 = arith.sitofp %jit3A_2332 : i32 to f32
      %pad3A_2334 = vector.broadcast %convert_element_type3A_2333 : f32 to vector<28x100xf32>
      %pad3A_2335 = tpu.concatenate %mul3A_2331, %pad3A_2334 in 0 : vector<100x100xf32>, vector<28x100xf32> -> vector<128x100xf32>
      %pad3A_2336 = vector.broadcast %convert_element_type3A_2333 : f32 to vector<128x28xf32>
      %pad3A_2337 = tpu.concatenate %pad3A_2335, %pad3A_2336 in 1 : vector<128x100xf32>, vector<128x28xf32> -> vector<128x128xf32>
      %swap3A_2338 = arith.index_cast %add3A_2298 : i32 to index
      %swap3A_2339 = arith.constant 0 : index
      %swap3A_2340 = arith.constant 0 : index
      %swap3A_2341 = vector.load %arg9[%swap3A_2338, %swap3A_2339, %swap3A_2340] : memref<100x128x128xf32, #tpu.memory_space<vmem>>, vector<1x128x128xf32>
      %swap3A_2342 = vector.shape_cast %swap3A_2341 : vector<1x128x128xf32> to vector<128x128xf32>
      %swap3A_2343 = vector.shape_cast %pad3A_2337 : vector<128x128xf32> to vector<1x128x128xf32>
      tpu.vector_store %arg9[%swap3A_2338, %swap3A_2339, %swap3A_2340], %swap3A_2343 {strides = array<i32>} : memref<100x128x128xf32, #tpu.memory_space<vmem>>, vector<1x128x128xf32>,
      %mul3A_2344 = arith.constant 50 : i32
      %mul3A_2345 = arith.muli %arg0, %mul3A_2344 : i32
      %add3A_2346 = arith.constant 48 : i32
      %add3A_2347 = arith.addi %mul3A_2345, %add3A_2346 : i32
      %get3A_2348 = arith.constant 48 : index
      %get3A_2349 = arith.constant 0 : index
      %get3A_2350 = arith.constant 0 : index
      %get3A_2351 = arith.constant 0 : index
      %get3A_2352 = vector.load %arg5[%get3A_2348, %get3A_2349, %get3A_2350, %get3A_2351] : memref<50x2x100x128xf32, #tpu.memory_space<vmem>>, vector<1x1x100x128xf32>
      %get3A_2353 = vector.shape_cast %get3A_2352 : vector<1x1x100x128xf32> to vector<100x128xf32>
      %get3A_2354 = arith.constant 48 : index
      %get3A_2355 = arith.constant 1 : index
      %get3A_2356 = arith.constant 0 : index
      %get3A_2357 = arith.constant 0 : index
      %get3A_2358 = vector.load %arg5[%get3A_2354, %get3A_2355, %get3A_2356, %get3A_2357] : memref<50x2x100x128xf32, #tpu.memory_space<vmem>>, vector<1x1x100x128xf32>
      %get3A_2359 = vector.shape_cast %get3A_2358 : vector<1x1x100x128xf32> to vector<100x128xf32>
      %dot_general3A_2360 = arith.constant dense<0.000000e+00> : vector<100x100xf32>
      %dot_general3A_2361 = tpu.matmul %get3A_2353, %get3A_2359, %dot_general3A_2360 {dimension_numbers = #tpu.dot_dimension_numbers<[1], [1], [0], [0], [0, 0, 1, 0], [], []>, transpose_lhs_hint = false} : vector<100x128xf32>, vector<100x128xf32>, vector<100x100xf32> -> vector<100x100xf32>
      %iota3A_2362 = tpu.iota {dimensions = array<i32: 0>} : vector<100x100xi32>
      %iota3A_2363 = tpu.iota {dimensions = array<i32: 1>} : vector<100x100xi32>
      %eq3A_2364 = arith.cmpi eq, %iota3A_2362, %iota3A_2363 : vector<100x100xi32>
      %get3A_2365 = arith.index_cast %add3A_2347 : i32 to index
      %get3A_2366 = memref.load %arg1[%get3A_2365] : memref<100xf32, #tpu.memory_space<smem>>
      %jit3A_2367 = arith.constant 0.000000e+00 : f32
      %broadcast_in_dim3A_2368 = vector.broadcast %get3A_2366 : f32 to vector<100x100xf32>
      %broadcast_in_dim3A_2369 = vector.broadcast %jit3A_2367 : f32 to vector<100x100xf32>
      %select_n3A_2370 = arith.select %eq3A_2364, %broadcast_in_dim3A_2368, %broadcast_in_dim3A_2369 : vector<100x100xi1>, vector<100x100xf32>
      %add3A_2371 = arith.addf %dot_general3A_2361, %select_n3A_2370 : vector<100x100xf32>
      %exp3A_2372 = math.exp %add3A_2371 : vector<100x100xf32>
      %reduce_sum3A_2373 = arith.constant dense<0.000000e+00> : vector<100xf32>
      %reduce_sum3A_2374 = vector.multi_reduction <add>, %exp3A_2372, %reduce_sum3A_2373 [0] : vector<100x100xf32> to vector<100xf32>
      %broadcast_in_dim3A_2375 = vector.shape_cast %reduce_sum3A_2374 : vector<100xf32> to vector<1x100xf32>
      %div3A_2376 = arith.constant 1.000000e+00 : f32
      %div3A_2377 = vector.broadcast %div3A_2376 : f32 to vector<1x100xf32>
      %div3A_2378 = arith.divf %div3A_2377, %broadcast_in_dim3A_2375 : vector<1x100xf32>
      %mul3A_2379 = vector.broadcast %div3A_2378 : vector<1x100xf32> to vector<100x100xf32>
      %mul3A_2380 = arith.mulf %exp3A_2372, %mul3A_2379 : vector<100x100xf32>
      %jit3A_2381 = arith.constant 0 : i32
      %convert_element_type3A_2382 = arith.sitofp %jit3A_2381 : i32 to f32
      %pad3A_2383 = vector.broadcast %convert_element_type3A_2382 : f32 to vector<28x100xf32>
      %pad3A_2384 = tpu.concatenate %mul3A_2380, %pad3A_2383 in 0 : vector<100x100xf32>, vector<28x100xf32> -> vector<128x100xf32>
      %pad3A_2385 = vector.broadcast %convert_element_type3A_2382 : f32 to vector<128x28xf32>
      %pad3A_2386 = tpu.concatenate %pad3A_2384, %pad3A_2385 in 1 : vector<128x100xf32>, vector<128x28xf32> -> vector<128x128xf32>
      %swap3A_2387 = arith.index_cast %add3A_2347 : i32 to index
      %swap3A_2388 = arith.constant 0 : index
      %swap3A_2389 = arith.constant 0 : index
      %swap3A_2390 = vector.load %arg9[%swap3A_2387, %swap3A_2388, %swap3A_2389] : memref<100x128x128xf32, #tpu.memory_space<vmem>>, vector<1x128x128xf32>
      %swap3A_2391 = vector.shape_cast %swap3A_2390 : vector<1x128x128xf32> to vector<128x128xf32>
      %swap3A_2392 = vector.shape_cast %pad3A_2386 : vector<128x128xf32> to vector<1x128x128xf32>
      tpu.vector_store %arg9[%swap3A_2387, %swap3A_2388, %swap3A_2389], %swap3A_2392 {strides = array<i32>} : memref<100x128x128xf32, #tpu.memory_space<vmem>>, vector<1x128x128xf32>,
      %mul3A_2393 = arith.constant 50 : i32
      %mul3A_2394 = arith.muli %arg0, %mul3A_2393 : i32
      %add3A_2395 = arith.constant 49 : i32
      %add3A_2396 = arith.addi %mul3A_2394, %add3A_2395 : i32
      %get3A_2397 = arith.constant 49 : index
      %get3A_2398 = arith.constant 0 : index
      %get3A_2399 = arith.constant 0 : index
      %get3A_2400 = arith.constant 0 : index
      %get3A_2401 = vector.load %arg5[%get3A_2397, %get3A_2398, %get3A_2399, %get3A_2400] : memref<50x2x100x128xf32, #tpu.memory_space<vmem>>, vector<1x1x100x128xf32>
      %get3A_2402 = vector.shape_cast %get3A_2401 : vector<1x1x100x128xf32> to vector<100x128xf32>
      %get3A_2403 = arith.constant 49 : index
      %get3A_2404 = arith.constant 1 : index
      %get3A_2405 = arith.constant 0 : index
      %get3A_2406 = arith.constant 0 : index
      %get3A_2407 = vector.load %arg5[%get3A_2403, %get3A_2404, %get3A_2405, %get3A_2406] : memref<50x2x100x128xf32, #tpu.memory_space<vmem>>, vector<1x1x100x128xf32>
      %get3A_2408 = vector.shape_cast %get3A_2407 : vector<1x1x100x128xf32> to vector<100x128xf32>
      %dot_general3A_2409 = arith.constant dense<0.000000e+00> : vector<100x100xf32>
      %dot_general3A_2410 = tpu.matmul %get3A_2402, %get3A_2408, %dot_general3A_2409 {dimension_numbers = #tpu.dot_dimension_numbers<[1], [1], [0], [0], [0, 0, 1, 0], [], []>, transpose_lhs_hint = false} : vector<100x128xf32>, vector<100x128xf32>, vector<100x100xf32> -> vector<100x100xf32>
      %iota3A_2411 = tpu.iota {dimensions = array<i32: 0>} : vector<100x100xi32>
      %iota3A_2412 = tpu.iota {dimensions = array<i32: 1>} : vector<100x100xi32>
      %eq3A_2413 = arith.cmpi eq, %iota3A_2411, %iota3A_2412 : vector<100x100xi32>
      %get3A_2414 = arith.index_cast %add3A_2396 : i32 to index
      %get3A_2415 = memref.load %arg1[%get3A_2414] : memref<100xf32, #tpu.memory_space<smem>>
      %jit3A_2416 = arith.constant 0.000000e+00 : f32
      %broadcast_in_dim3A_2417 = vector.broadcast %get3A_2415 : f32 to vector<100x100xf32>
      %broadcast_in_dim3A_2418 = vector.broadcast %jit3A_2416 : f32 to vector<100x100xf32>
      %select_n3A_2419 = arith.select %eq3A_2413, %broadcast_in_dim3A_2417, %broadcast_in_dim3A_2418 : vector<100x100xi1>, vector<100x100xf32>
      %add3A_2420 = arith.addf %dot_general3A_2410, %select_n3A_2419 : vector<100x100xf32>
      %exp3A_2421 = math.exp %add3A_2420 : vector<100x100xf32>
      %reduce_sum3A_2422 = arith.constant dense<0.000000e+00> : vector<100xf32>
      %reduce_sum3A_2423 = vector.multi_reduction <add>, %exp3A_2421, %reduce_sum3A_2422 [0] : vector<100x100xf32> to vector<100xf32>
      %broadcast_in_dim3A_2424 = vector.shape_cast %reduce_sum3A_2423 : vector<100xf32> to vector<1x100xf32>
      %div3A_2425 = arith.constant 1.000000e+00 : f32
      %div3A_2426 = vector.broadcast %div3A_2425 : f32 to vector<1x100xf32>
      %div3A_2427 = arith.divf %div3A_2426, %broadcast_in_dim3A_2424 : vector<1x100xf32>
      %mul3A_2428 = vector.broadcast %div3A_2427 : vector<1x100xf32> to vector<100x100xf32>
      %mul3A_2429 = arith.mulf %exp3A_2421, %mul3A_2428 : vector<100x100xf32>
      %jit3A_2430 = arith.constant 0 : i32
      %convert_element_type3A_2431 = arith.sitofp %jit3A_2430 : i32 to f32
      %pad3A_2432 = vector.broadcast %convert_element_type3A_2431 : f32 to vector<28x100xf32>
      %pad3A_2433 = tpu.concatenate %mul3A_2429, %pad3A_2432 in 0 : vector<100x100xf32>, vector<28x100xf32> -> vector<128x100xf32>
      %pad3A_2434 = vector.broadcast %convert_element_type3A_2431 : f32 to vector<128x28xf32>
      %pad3A_2435 = tpu.concatenate %pad3A_2433, %pad3A_2434 in 1 : vector<128x100xf32>, vector<128x28xf32> -> vector<128x128xf32>
      %swap3A_2436 = arith.index_cast %add3A_2396 : i32 to index
      %swap3A_2437 = arith.constant 0 : index
      %swap3A_2438 = arith.constant 0 : index
      %swap3A_2439 = vector.load %arg9[%swap3A_2436, %swap3A_2437, %swap3A_2438] : memref<100x128x128xf32, #tpu.memory_space<vmem>>, vector<1x128x128xf32>
      %swap3A_2440 = vector.shape_cast %swap3A_2439 : vector<1x128x128xf32> to vector<128x128xf32>
      %swap3A_2441 = vector.shape_cast %pad3A_2435 : vector<128x128xf32> to vector<1x128x128xf32>
      tpu.vector_store %arg9[%swap3A_2436, %swap3A_2437, %swap3A_2438], %swap3A_2441 {strides = array<i32>} : memref<100x128x128xf32, #tpu.memory_space<vmem>>, vector<1x128x128xf32>,
    } else {
    }
    %ge3A = arith.constant 2 : i32
    %ge3A_2 = arith.cmpi sge, %arg0, %ge3A : i32
    %convert_element_type3A_3 = arith.extui %ge3A_2 : i1 to i32
    %cond3A_4 = arith.constant 0 : i32
    %cond3A_5 = arith.cmpi ne, %convert_element_type3A_3, %cond3A_4 : i32
    scf.if %cond3A_5 {
      %sub3A = arith.constant 2 : i32
      %sub3A_6 = arith.subi %arg0, %sub3A : i32
      %get3A = arith.constant 0 : index
      %get3A_7 = arith.constant 0 : index
      %get3A_8 = vector.load %arg6[%get3A, %get3A_7] : memref<256x128xf32, #tpu.memory_space<vmem>>, vector<256x128xf32>
      %get3A_9 = arith.index_cast %sub3A_6 : i32 to index
      %get3A_10 = memref.load %arg2[%get3A_9] : memref<16xi32, #tpu.memory_space<smem>>
      %get3A_11 = arith.index_cast %sub3A_6 : i32 to index
      %get3A_12 = memref.load %arg3[%get3A_11] : memref<16xi32, #tpu.memory_space<smem>>
      %sub3A_13 = arith.subi %get3A_12, %get3A_10 : i32
      %add3A = arith.constant 10 : i32
      %add3A_14 = arith.addi %sub3A_13, %add3A : i32
      %jit3A = arith.constant 10 : i32
      %div3A = arith.divsi %add3A_14, %jit3A : i32
      %sign3A = arith.constant 0 : i32
      %sign3A_15 = arith.cmpi sgt, %add3A_14, %sign3A : i32
      %sign3A_16 = arith.extui %sign3A_15 : i1 to i32
      %sign3A_17 = arith.constant 0 : i32
      %sign3A_18 = arith.cmpi slt, %add3A_14, %sign3A_17 : i32
      %sign3A_19 = arith.extui %sign3A_18 : i1 to i32
      %sign3A_20 = arith.subi %sign3A_16, %sign3A_19 : i32
      %sign3A_21 = arith.constant 0 : i32
      %sign3A_22 = arith.cmpi sgt, %jit3A, %sign3A_21 : i32
      %sign3A_23 = arith.extui %sign3A_22 : i1 to i32
      %sign3A_24 = arith.constant 0 : i32
      %sign3A_25 = arith.cmpi slt, %jit3A, %sign3A_24 : i32
      %sign3A_26 = arith.extui %sign3A_25 : i1 to i32
      %sign3A_27 = arith.subi %sign3A_23, %sign3A_26 : i32
      %ne3A = arith.cmpi ne, %sign3A_20, %sign3A_27 : i32
      %rem3A = arith.remsi %add3A_14, %jit3A : i32
      %ne3A_28 = arith.constant 0 : i32
      %ne3A_29 = arith.cmpi ne, %rem3A, %ne3A_28 : i32
      %and3A = arith.andi %ne3A, %ne3A_29 : i1
      %sub3A_30 = arith.constant 1 : i32
      %sub3A_31 = arith.subi %div3A, %sub3A_30 : i32
      %select_n3A = arith.select %and3A, %sub3A_31, %div3A : i32
      %broadcast_in_dim3A = arith.constant 0.000000e+00 : f32
      %broadcast_in_dim3A_32 = vector.broadcast %broadcast_in_dim3A : f32 to vector<256x128xf32>
      %while3A = arith.constant 0 : i32
      %while3A_33 = arith.subi %select_n3A, %while3A : i32
      %while3A_34 = arith.addi %while3A, %while3A_33 : i32
      %while3A_35 = arith.constant 1 : i32
      %while3A_36 = arith.divsi %while3A_33, %while3A_35 : i32
      %while3A_37 = arith.muli %while3A_36, %while3A_35 : i32
      %while3A_38 = arith.addi %while3A, %while3A_37 : i32
      %while3A_39 = arith.constant 1 : i32
      %while3A_40 = scf.for %while3A_3123 = %while3A to %while3A_38 step %while3A_39 iter_args(%while3A_3124 = %broadcast_in_dim3A_32) -> (vector<256x128xf32>)  : i32 {
        %mul3A_3125 = arith.constant 10 : i32
        %mul3A_3126 = arith.muli %while3A_3123, %mul3A_3125 : i32
        %add3A_3127 = arith.addi %get3A_10, %mul3A_3126 : i32
        %add3A_3128 = arith.constant 0 : i32
        %add3A_3129 = arith.addi %add3A_3127, %add3A_3128 : i32
        %min3A = arith.constant 99 : i32
        %min3A_3130 = arith.minsi %add3A_3129, %min3A : i32
        %get3A_3131 = arith.index_cast %min3A_3130 : i32 to index
        %get3A_3132 = arith.constant 0 : index
        %get3A_3133 = arith.constant 0 : index
        %get3A_3134 = vector.load %arg9[%get3A_3131, %get3A_3132, %get3A_3133] : memref<100x128x128xf32, #tpu.memory_space<vmem>>, vector<1x128x128xf32>
        %get3A_3135 = vector.shape_cast %get3A_3134 : vector<1x128x128xf32> to vector<128x128xf32>
        %dot_general3A = arith.constant dense<0.000000e+00> : vector<256x128xf32>
        %dot_general3A_3136 = tpu.matmul %get3A_8, %get3A_3135, %dot_general3A {dimension_numbers = #tpu.dot_dimension_numbers<[1], [0], [0], [1], [0, 0, 1, 1], [], []>, transpose_lhs_hint = false} : vector<256x128xf32>, vector<128x128xf32>, vector<256x128xf32> -> vector<256x128xf32>
        %get3A_3137 = arith.constant 0 : index
        %get3A_3138 = arith.constant 0 : index
        %get3A_3139 = vector.load %arg7[%get3A_3137, %get3A_3138] : memref<256x1xi32, #tpu.memory_space<vmem>>, vector<256x1xi32>
        %eq3A = vector.broadcast %add3A_3129 : i32 to vector<256x1xi32>
        %eq3A_3140 = arith.cmpi eq, %get3A_3139, %eq3A : vector<256x1xi32>
        %broadcast_in_dim3A_3141 = vector.shape_cast %eq3A_3140 : vector<256x1xi1> to vector<256x1xi1>
        %broadcast_in_dim3A_3142 = vector.broadcast %broadcast_in_dim3A_3141 : vector<256x1xi1> to vector<256x128xi1>
        %select_n3A_3143 = arith.select %broadcast_in_dim3A_3142, %dot_general3A_3136, %while3A_3124 : vector<256x128xi1>, vector<256x128xf32>
        %add3A_3144 = arith.constant 1 : i32
        %add3A_3145 = arith.addi %add3A_3127, %add3A_3144 : i32
        %min3A_3146 = arith.constant 99 : i32
        %min3A_3147 = arith.minsi %add3A_3145, %min3A_3146 : i32
        %get3A_3148 = arith.index_cast %min3A_3147 : i32 to index
        %get3A_3149 = arith.constant 0 : index
        %get3A_3150 = arith.constant 0 : index
        %get3A_3151 = vector.load %arg9[%get3A_3148, %get3A_3149, %get3A_3150] : memref<100x128x128xf32, #tpu.memory_space<vmem>>, vector<1x128x128xf32>
        %get3A_3152 = vector.shape_cast %get3A_3151 : vector<1x128x128xf32> to vector<128x128xf32>
        %dot_general3A_3153 = arith.constant dense<0.000000e+00> : vector<256x128xf32>
        %dot_general3A_3154 = tpu.matmul %get3A_8, %get3A_3152, %dot_general3A_3153 {dimension_numbers = #tpu.dot_dimension_numbers<[1], [0], [0], [1], [0, 0, 1, 1], [], []>, transpose_lhs_hint = false} : vector<256x128xf32>, vector<128x128xf32>, vector<256x128xf32> -> vector<256x128xf32>
        %get3A_3155 = arith.constant 0 : index
        %get3A_3156 = arith.constant 0 : index
        %get3A_3157 = vector.load %arg7[%get3A_3155, %get3A_3156] : memref<256x1xi32, #tpu.memory_space<vmem>>, vector<256x1xi32>
        %eq3A_3158 = vector.broadcast %add3A_3145 : i32 to vector<256x1xi32>
        %eq3A_3159 = arith.cmpi eq, %get3A_3157, %eq3A_3158 : vector<256x1xi32>
        %broadcast_in_dim3A_3160 = vector.shape_cast %eq3A_3159 : vector<256x1xi1> to vector<256x1xi1>
        %broadcast_in_dim3A_3161 = vector.broadcast %broadcast_in_dim3A_3160 : vector<256x1xi1> to vector<256x128xi1>
        %select_n3A_3162 = arith.select %broadcast_in_dim3A_3161, %dot_general3A_3154, %select_n3A_3143 : vector<256x128xi1>, vector<256x128xf32>
        %add3A_3163 = arith.constant 2 : i32
        %add3A_3164 = arith.addi %add3A_3127, %add3A_3163 : i32
        %min3A_3165 = arith.constant 99 : i32
        %min3A_3166 = arith.minsi %add3A_3164, %min3A_3165 : i32
        %get3A_3167 = arith.index_cast %min3A_3166 : i32 to index
        %get3A_3168 = arith.constant 0 : index
        %get3A_3169 = arith.constant 0 : index
        %get3A_3170 = vector.load %arg9[%get3A_3167, %get3A_3168, %get3A_3169] : memref<100x128x128xf32, #tpu.memory_space<vmem>>, vector<1x128x128xf32>
        %get3A_3171 = vector.shape_cast %get3A_3170 : vector<1x128x128xf32> to vector<128x128xf32>
        %dot_general3A_3172 = arith.constant dense<0.000000e+00> : vector<256x128xf32>
        %dot_general3A_3173 = tpu.matmul %get3A_8, %get3A_3171, %dot_general3A_3172 {dimension_numbers = #tpu.dot_dimension_numbers<[1], [0], [0], [1], [0, 0, 1, 1], [], []>, transpose_lhs_hint = false} : vector<256x128xf32>, vector<128x128xf32>, vector<256x128xf32> -> vector<256x128xf32>
        %get3A_3174 = arith.constant 0 : index
        %get3A_3175 = arith.constant 0 : index
        %get3A_3176 = vector.load %arg7[%get3A_3174, %get3A_3175] : memref<256x1xi32, #tpu.memory_space<vmem>>, vector<256x1xi32>
        %eq3A_3177 = vector.broadcast %add3A_3164 : i32 to vector<256x1xi32>
        %eq3A_3178 = arith.cmpi eq, %get3A_3176, %eq3A_3177 : vector<256x1xi32>
        %broadcast_in_dim3A_3179 = vector.shape_cast %eq3A_3178 : vector<256x1xi1> to vector<256x1xi1>
        %broadcast_in_dim3A_3180 = vector.broadcast %broadcast_in_dim3A_3179 : vector<256x1xi1> to vector<256x128xi1>
        %select_n3A_3181 = arith.select %broadcast_in_dim3A_3180, %dot_general3A_3173, %select_n3A_3162 : vector<256x128xi1>, vector<256x128xf32>
        %add3A_3182 = arith.constant 3 : i32
        %add3A_3183 = arith.addi %add3A_3127, %add3A_3182 : i32
        %min3A_3184 = arith.constant 99 : i32
        %min3A_3185 = arith.minsi %add3A_3183, %min3A_3184 : i32
        %get3A_3186 = arith.index_cast %min3A_3185 : i32 to index
        %get3A_3187 = arith.constant 0 : index
        %get3A_3188 = arith.constant 0 : index
        %get3A_3189 = vector.load %arg9[%get3A_3186, %get3A_3187, %get3A_3188] : memref<100x128x128xf32, #tpu.memory_space<vmem>>, vector<1x128x128xf32>
        %get3A_3190 = vector.shape_cast %get3A_3189 : vector<1x128x128xf32> to vector<128x128xf32>
        %dot_general3A_3191 = arith.constant dense<0.000000e+00> : vector<256x128xf32>
        %dot_general3A_3192 = tpu.matmul %get3A_8, %get3A_3190, %dot_general3A_3191 {dimension_numbers = #tpu.dot_dimension_numbers<[1], [0], [0], [1], [0, 0, 1, 1], [], []>, transpose_lhs_hint = false} : vector<256x128xf32>, vector<128x128xf32>, vector<256x128xf32> -> vector<256x128xf32>
        %get3A_3193 = arith.constant 0 : index
        %get3A_3194 = arith.constant 0 : index
        %get3A_3195 = vector.load %arg7[%get3A_3193, %get3A_3194] : memref<256x1xi32, #tpu.memory_space<vmem>>, vector<256x1xi32>
        %eq3A_3196 = vector.broadcast %add3A_3183 : i32 to vector<256x1xi32>
        %eq3A_3197 = arith.cmpi eq, %get3A_3195, %eq3A_3196 : vector<256x1xi32>
        %broadcast_in_dim3A_3198 = vector.shape_cast %eq3A_3197 : vector<256x1xi1> to vector<256x1xi1>
        %broadcast_in_dim3A_3199 = vector.broadcast %broadcast_in_dim3A_3198 : vector<256x1xi1> to vector<256x128xi1>
        %select_n3A_3200 = arith.select %broadcast_in_dim3A_3199, %dot_general3A_3192, %select_n3A_3181 : vector<256x128xi1>, vector<256x128xf32>
        %add3A_3201 = arith.constant 4 : i32
        %add3A_3202 = arith.addi %add3A_3127, %add3A_3201 : i32
        %min3A_3203 = arith.constant 99 : i32
        %min3A_3204 = arith.minsi %add3A_3202, %min3A_3203 : i32
        %get3A_3205 = arith.index_cast %min3A_3204 : i32 to index
        %get3A_3206 = arith.constant 0 : index
        %get3A_3207 = arith.constant 0 : index
        %get3A_3208 = vector.load %arg9[%get3A_3205, %get3A_3206, %get3A_3207] : memref<100x128x128xf32, #tpu.memory_space<vmem>>, vector<1x128x128xf32>
        %get3A_3209 = vector.shape_cast %get3A_3208 : vector<1x128x128xf32> to vector<128x128xf32>
        %dot_general3A_3210 = arith.constant dense<0.000000e+00> : vector<256x128xf32>
        %dot_general3A_3211 = tpu.matmul %get3A_8, %get3A_3209, %dot_general3A_3210 {dimension_numbers = #tpu.dot_dimension_numbers<[1], [0], [0], [1], [0, 0, 1, 1], [], []>, transpose_lhs_hint = false} : vector<256x128xf32>, vector<128x128xf32>, vector<256x128xf32> -> vector<256x128xf32>
        %get3A_3212 = arith.constant 0 : index
        %get3A_3213 = arith.constant 0 : index
        %get3A_3214 = vector.load %arg7[%get3A_3212, %get3A_3213] : memref<256x1xi32, #tpu.memory_space<vmem>>, vector<256x1xi32>
        %eq3A_3215 = vector.broadcast %add3A_3202 : i32 to vector<256x1xi32>
        %eq3A_3216 = arith.cmpi eq, %get3A_3214, %eq3A_3215 : vector<256x1xi32>
        %broadcast_in_dim3A_3217 = vector.shape_cast %eq3A_3216 : vector<256x1xi1> to vector<256x1xi1>
        %broadcast_in_dim3A_3218 = vector.broadcast %broadcast_in_dim3A_3217 : vector<256x1xi1> to vector<256x128xi1>
        %select_n3A_3219 = arith.select %broadcast_in_dim3A_3218, %dot_general3A_3211, %select_n3A_3200 : vector<256x128xi1>, vector<256x128xf32>
        %add3A_3220 = arith.constant 5 : i32
        %add3A_3221 = arith.addi %add3A_3127, %add3A_3220 : i32
        %min3A_3222 = arith.constant 99 : i32
        %min3A_3223 = arith.minsi %add3A_3221, %min3A_3222 : i32
        %get3A_3224 = arith.index_cast %min3A_3223 : i32 to index
        %get3A_3225 = arith.constant 0 : index
        %get3A_3226 = arith.constant 0 : index
        %get3A_3227 = vector.load %arg9[%get3A_3224, %get3A_3225, %get3A_3226] : memref<100x128x128xf32, #tpu.memory_space<vmem>>, vector<1x128x128xf32>
        %get3A_3228 = vector.shape_cast %get3A_3227 : vector<1x128x128xf32> to vector<128x128xf32>
        %dot_general3A_3229 = arith.constant dense<0.000000e+00> : vector<256x128xf32>
        %dot_general3A_3230 = tpu.matmul %get3A_8, %get3A_3228, %dot_general3A_3229 {dimension_numbers = #tpu.dot_dimension_numbers<[1], [0], [0], [1], [0, 0, 1, 1], [], []>, transpose_lhs_hint = false} : vector<256x128xf32>, vector<128x128xf32>, vector<256x128xf32> -> vector<256x128xf32>
        %get3A_3231 = arith.constant 0 : index
        %get3A_3232 = arith.constant 0 : index
        %get3A_3233 = vector.load %arg7[%get3A_3231, %get3A_3232] : memref<256x1xi32, #tpu.memory_space<vmem>>, vector<256x1xi32>
        %eq3A_3234 = vector.broadcast %add3A_3221 : i32 to vector<256x1xi32>
        %eq3A_3235 = arith.cmpi eq, %get3A_3233, %eq3A_3234 : vector<256x1xi32>
        %broadcast_in_dim3A_3236 = vector.shape_cast %eq3A_3235 : vector<256x1xi1> to vector<256x1xi1>
        %broadcast_in_dim3A_3237 = vector.broadcast %broadcast_in_dim3A_3236 : vector<256x1xi1> to vector<256x128xi1>
        %select_n3A_3238 = arith.select %broadcast_in_dim3A_3237, %dot_general3A_3230, %select_n3A_3219 : vector<256x128xi1>, vector<256x128xf32>
        %add3A_3239 = arith.constant 6 : i32
        %add3A_3240 = arith.addi %add3A_3127, %add3A_3239 : i32
        %min3A_3241 = arith.constant 99 : i32
        %min3A_3242 = arith.minsi %add3A_3240, %min3A_3241 : i32
        %get3A_3243 = arith.index_cast %min3A_3242 : i32 to index
        %get3A_3244 = arith.constant 0 : index
        %get3A_3245 = arith.constant 0 : index
        %get3A_3246 = vector.load %arg9[%get3A_3243, %get3A_3244, %get3A_3245] : memref<100x128x128xf32, #tpu.memory_space<vmem>>, vector<1x128x128xf32>
        %get3A_3247 = vector.shape_cast %get3A_3246 : vector<1x128x128xf32> to vector<128x128xf32>
        %dot_general3A_3248 = arith.constant dense<0.000000e+00> : vector<256x128xf32>
        %dot_general3A_3249 = tpu.matmul %get3A_8, %get3A_3247, %dot_general3A_3248 {dimension_numbers = #tpu.dot_dimension_numbers<[1], [0], [0], [1], [0, 0, 1, 1], [], []>, transpose_lhs_hint = false} : vector<256x128xf32>, vector<128x128xf32>, vector<256x128xf32> -> vector<256x128xf32>
        %get3A_3250 = arith.constant 0 : index
        %get3A_3251 = arith.constant 0 : index
        %get3A_3252 = vector.load %arg7[%get3A_3250, %get3A_3251] : memref<256x1xi32, #tpu.memory_space<vmem>>, vector<256x1xi32>
        %eq3A_3253 = vector.broadcast %add3A_3240 : i32 to vector<256x1xi32>
        %eq3A_3254 = arith.cmpi eq, %get3A_3252, %eq3A_3253 : vector<256x1xi32>
        %broadcast_in_dim3A_3255 = vector.shape_cast %eq3A_3254 : vector<256x1xi1> to vector<256x1xi1>
        %broadcast_in_dim3A_3256 = vector.broadcast %broadcast_in_dim3A_3255 : vector<256x1xi1> to vector<256x128xi1>
        %select_n3A_3257 = arith.select %broadcast_in_dim3A_3256, %dot_general3A_3249, %select_n3A_3238 : vector<256x128xi1>, vector<256x128xf32>
        %add3A_3258 = arith.constant 7 : i32
        %add3A_3259 = arith.addi %add3A_3127, %add3A_3258 : i32
        %min3A_3260 = arith.constant 99 : i32
        %min3A_3261 = arith.minsi %add3A_3259, %min3A_3260 : i32
        %get3A_3262 = arith.index_cast %min3A_3261 : i32 to index
        %get3A_3263 = arith.constant 0 : index
        %get3A_3264 = arith.constant 0 : index
        %get3A_3265 = vector.load %arg9[%get3A_3262, %get3A_3263, %get3A_3264] : memref<100x128x128xf32, #tpu.memory_space<vmem>>, vector<1x128x128xf32>
        %get3A_3266 = vector.shape_cast %get3A_3265 : vector<1x128x128xf32> to vector<128x128xf32>
        %dot_general3A_3267 = arith.constant dense<0.000000e+00> : vector<256x128xf32>
        %dot_general3A_3268 = tpu.matmul %get3A_8, %get3A_3266, %dot_general3A_3267 {dimension_numbers = #tpu.dot_dimension_numbers<[1], [0], [0], [1], [0, 0, 1, 1], [], []>, transpose_lhs_hint = false} : vector<256x128xf32>, vector<128x128xf32>, vector<256x128xf32> -> vector<256x128xf32>
        %get3A_3269 = arith.constant 0 : index
        %get3A_3270 = arith.constant 0 : index
        %get3A_3271 = vector.load %arg7[%get3A_3269, %get3A_3270] : memref<256x1xi32, #tpu.memory_space<vmem>>, vector<256x1xi32>
        %eq3A_3272 = vector.broadcast %add3A_3259 : i32 to vector<256x1xi32>
        %eq3A_3273 = arith.cmpi eq, %get3A_3271, %eq3A_3272 : vector<256x1xi32>
        %broadcast_in_dim3A_3274 = vector.shape_cast %eq3A_3273 : vector<256x1xi1> to vector<256x1xi1>
        %broadcast_in_dim3A_3275 = vector.broadcast %broadcast_in_dim3A_3274 : vector<256x1xi1> to vector<256x128xi1>
        %select_n3A_3276 = arith.select %broadcast_in_dim3A_3275, %dot_general3A_3268, %select_n3A_3257 : vector<256x128xi1>, vector<256x128xf32>
        %add3A_3277 = arith.constant 8 : i32
        %add3A_3278 = arith.addi %add3A_3127, %add3A_3277 : i32
        %min3A_3279 = arith.constant 99 : i32
        %min3A_3280 = arith.minsi %add3A_3278, %min3A_3279 : i32
        %get3A_3281 = arith.index_cast %min3A_3280 : i32 to index
        %get3A_3282 = arith.constant 0 : index
        %get3A_3283 = arith.constant 0 : index
        %get3A_3284 = vector.load %arg9[%get3A_3281, %get3A_3282, %get3A_3283] : memref<100x128x128xf32, #tpu.memory_space<vmem>>, vector<1x128x128xf32>
        %get3A_3285 = vector.shape_cast %get3A_3284 : vector<1x128x128xf32> to vector<128x128xf32>
        %dot_general3A_3286 = arith.constant dense<0.000000e+00> : vector<256x128xf32>
        %dot_general3A_3287 = tpu.matmul %get3A_8, %get3A_3285, %dot_general3A_3286 {dimension_numbers = #tpu.dot_dimension_numbers<[1], [0], [0], [1], [0, 0, 1, 1], [], []>, transpose_lhs_hint = false} : vector<256x128xf32>, vector<128x128xf32>, vector<256x128xf32> -> vector<256x128xf32>
        %get3A_3288 = arith.constant 0 : index
        %get3A_3289 = arith.constant 0 : index
        %get3A_3290 = vector.load %arg7[%get3A_3288, %get3A_3289] : memref<256x1xi32, #tpu.memory_space<vmem>>, vector<256x1xi32>
        %eq3A_3291 = vector.broadcast %add3A_3278 : i32 to vector<256x1xi32>
        %eq3A_3292 = arith.cmpi eq, %get3A_3290, %eq3A_3291 : vector<256x1xi32>
        %broadcast_in_dim3A_3293 = vector.shape_cast %eq3A_3292 : vector<256x1xi1> to vector<256x1xi1>
        %broadcast_in_dim3A_3294 = vector.broadcast %broadcast_in_dim3A_3293 : vector<256x1xi1> to vector<256x128xi1>
        %select_n3A_3295 = arith.select %broadcast_in_dim3A_3294, %dot_general3A_3287, %select_n3A_3276 : vector<256x128xi1>, vector<256x128xf32>
        %add3A_3296 = arith.constant 9 : i32
        %add3A_3297 = arith.addi %add3A_3127, %add3A_3296 : i32
        %min3A_3298 = arith.constant 99 : i32
        %min3A_3299 = arith.minsi %add3A_3297, %min3A_3298 : i32
        %get3A_3300 = arith.index_cast %min3A_3299 : i32 to index
        %get3A_3301 = arith.constant 0 : index
        %get3A_3302 = arith.constant 0 : index
        %get3A_3303 = vector.load %arg9[%get3A_3300, %get3A_3301, %get3A_3302] : memref<100x128x128xf32, #tpu.memory_space<vmem>>, vector<1x128x128xf32>
        %get3A_3304 = vector.shape_cast %get3A_3303 : vector<1x128x128xf32> to vector<128x128xf32>
        %dot_general3A_3305 = arith.constant dense<0.000000e+00> : vector<256x128xf32>
        %dot_general3A_3306 = tpu.matmul %get3A_8, %get3A_3304, %dot_general3A_3305 {dimension_numbers = #tpu.dot_dimension_numbers<[1], [0], [0], [1], [0, 0, 1, 1], [], []>, transpose_lhs_hint = false} : vector<256x128xf32>, vector<128x128xf32>, vector<256x128xf32> -> vector<256x128xf32>
        %get3A_3307 = arith.constant 0 : index
        %get3A_3308 = arith.constant 0 : index
        %get3A_3309 = vector.load %arg7[%get3A_3307, %get3A_3308] : memref<256x1xi32, #tpu.memory_space<vmem>>, vector<256x1xi32>
        %eq3A_3310 = vector.broadcast %add3A_3297 : i32 to vector<256x1xi32>
        %eq3A_3311 = arith.cmpi eq, %get3A_3309, %eq3A_3310 : vector<256x1xi32>
        %broadcast_in_dim3A_3312 = vector.shape_cast %eq3A_3311 : vector<256x1xi1> to vector<256x1xi1>
        %broadcast_in_dim3A_3313 = vector.broadcast %broadcast_in_dim3A_3312 : vector<256x1xi1> to vector<256x128xi1>
        %select_n3A_3314 = arith.select %broadcast_in_dim3A_3313, %dot_general3A_3306, %select_n3A_3295 : vector<256x128xi1>, vector<256x128xf32>
        scf.yield %select_n3A_3314 : vector<256x128xf32>
      }
      %while3A_41 = arith.constant 1 : i32
      %while3A_42 = scf.for %while3A_3123 = %while3A_38 to %while3A_34 step %while3A_41 iter_args(%while3A_3124 = %while3A_40) -> (vector<256x128xf32>)  : i32 {
        %mul3A_3125 = arith.constant 10 : i32
        %mul3A_3126 = arith.muli %while3A_3123, %mul3A_3125 : i32
        %add3A_3127 = arith.addi %get3A_10, %mul3A_3126 : i32
        %add3A_3128 = arith.constant 0 : i32
        %add3A_3129 = arith.addi %add3A_3127, %add3A_3128 : i32
        %min3A = arith.constant 99 : i32
        %min3A_3130 = arith.minsi %add3A_3129, %min3A : i32
        %get3A_3131 = arith.index_cast %min3A_3130 : i32 to index
        %get3A_3132 = arith.constant 0 : index
        %get3A_3133 = arith.constant 0 : index
        %get3A_3134 = vector.load %arg9[%get3A_3131, %get3A_3132, %get3A_3133] : memref<100x128x128xf32, #tpu.memory_space<vmem>>, vector<1x128x128xf32>
        %get3A_3135 = vector.shape_cast %get3A_3134 : vector<1x128x128xf32> to vector<128x128xf32>
        %dot_general3A = arith.constant dense<0.000000e+00> : vector<256x128xf32>
        %dot_general3A_3136 = tpu.matmul %get3A_8, %get3A_3135, %dot_general3A {dimension_numbers = #tpu.dot_dimension_numbers<[1], [0], [0], [1], [0, 0, 1, 1], [], []>, transpose_lhs_hint = false} : vector<256x128xf32>, vector<128x128xf32>, vector<256x128xf32> -> vector<256x128xf32>
        %get3A_3137 = arith.constant 0 : index
        %get3A_3138 = arith.constant 0 : index
        %get3A_3139 = vector.load %arg7[%get3A_3137, %get3A_3138] : memref<256x1xi32, #tpu.memory_space<vmem>>, vector<256x1xi32>
        %eq3A = vector.broadcast %add3A_3129 : i32 to vector<256x1xi32>
        %eq3A_3140 = arith.cmpi eq, %get3A_3139, %eq3A : vector<256x1xi32>
        %broadcast_in_dim3A_3141 = vector.shape_cast %eq3A_3140 : vector<256x1xi1> to vector<256x1xi1>
        %broadcast_in_dim3A_3142 = vector.broadcast %broadcast_in_dim3A_3141 : vector<256x1xi1> to vector<256x128xi1>
        %select_n3A_3143 = arith.select %broadcast_in_dim3A_3142, %dot_general3A_3136, %while3A_3124 : vector<256x128xi1>, vector<256x128xf32>
        %add3A_3144 = arith.constant 1 : i32
        %add3A_3145 = arith.addi %add3A_3127, %add3A_3144 : i32
        %min3A_3146 = arith.constant 99 : i32
        %min3A_3147 = arith.minsi %add3A_3145, %min3A_3146 : i32
        %get3A_3148 = arith.index_cast %min3A_3147 : i32 to index
        %get3A_3149 = arith.constant 0 : index
        %get3A_3150 = arith.constant 0 : index
        %get3A_3151 = vector.load %arg9[%get3A_3148, %get3A_3149, %get3A_3150] : memref<100x128x128xf32, #tpu.memory_space<vmem>>, vector<1x128x128xf32>
        %get3A_3152 = vector.shape_cast %get3A_3151 : vector<1x128x128xf32> to vector<128x128xf32>
        %dot_general3A_3153 = arith.constant dense<0.000000e+00> : vector<256x128xf32>
        %dot_general3A_3154 = tpu.matmul %get3A_8, %get3A_3152, %dot_general3A_3153 {dimension_numbers = #tpu.dot_dimension_numbers<[1], [0], [0], [1], [0, 0, 1, 1], [], []>, transpose_lhs_hint = false} : vector<256x128xf32>, vector<128x128xf32>, vector<256x128xf32> -> vector<256x128xf32>
        %get3A_3155 = arith.constant 0 : index
        %get3A_3156 = arith.constant 0 : index
        %get3A_3157 = vector.load %arg7[%get3A_3155, %get3A_3156] : memref<256x1xi32, #tpu.memory_space<vmem>>, vector<256x1xi32>
        %eq3A_3158 = vector.broadcast %add3A_3145 : i32 to vector<256x1xi32>
        %eq3A_3159 = arith.cmpi eq, %get3A_3157, %eq3A_3158 : vector<256x1xi32>
        %broadcast_in_dim3A_3160 = vector.shape_cast %eq3A_3159 : vector<256x1xi1> to vector<256x1xi1>
        %broadcast_in_dim3A_3161 = vector.broadcast %broadcast_in_dim3A_3160 : vector<256x1xi1> to vector<256x128xi1>
        %select_n3A_3162 = arith.select %broadcast_in_dim3A_3161, %dot_general3A_3154, %select_n3A_3143 : vector<256x128xi1>, vector<256x128xf32>
        %add3A_3163 = arith.constant 2 : i32
        %add3A_3164 = arith.addi %add3A_3127, %add3A_3163 : i32
        %min3A_3165 = arith.constant 99 : i32
        %min3A_3166 = arith.minsi %add3A_3164, %min3A_3165 : i32
        %get3A_3167 = arith.index_cast %min3A_3166 : i32 to index
        %get3A_3168 = arith.constant 0 : index
        %get3A_3169 = arith.constant 0 : index
        %get3A_3170 = vector.load %arg9[%get3A_3167, %get3A_3168, %get3A_3169] : memref<100x128x128xf32, #tpu.memory_space<vmem>>, vector<1x128x128xf32>
        %get3A_3171 = vector.shape_cast %get3A_3170 : vector<1x128x128xf32> to vector<128x128xf32>
        %dot_general3A_3172 = arith.constant dense<0.000000e+00> : vector<256x128xf32>
        %dot_general3A_3173 = tpu.matmul %get3A_8, %get3A_3171, %dot_general3A_3172 {dimension_numbers = #tpu.dot_dimension_numbers<[1], [0], [0], [1], [0, 0, 1, 1], [], []>, transpose_lhs_hint = false} : vector<256x128xf32>, vector<128x128xf32>, vector<256x128xf32> -> vector<256x128xf32>
        %get3A_3174 = arith.constant 0 : index
        %get3A_3175 = arith.constant 0 : index
        %get3A_3176 = vector.load %arg7[%get3A_3174, %get3A_3175] : memref<256x1xi32, #tpu.memory_space<vmem>>, vector<256x1xi32>
        %eq3A_3177 = vector.broadcast %add3A_3164 : i32 to vector<256x1xi32>
        %eq3A_3178 = arith.cmpi eq, %get3A_3176, %eq3A_3177 : vector<256x1xi32>
        %broadcast_in_dim3A_3179 = vector.shape_cast %eq3A_3178 : vector<256x1xi1> to vector<256x1xi1>
        %broadcast_in_dim3A_3180 = vector.broadcast %broadcast_in_dim3A_3179 : vector<256x1xi1> to vector<256x128xi1>
        %select_n3A_3181 = arith.select %broadcast_in_dim3A_3180, %dot_general3A_3173, %select_n3A_3162 : vector<256x128xi1>, vector<256x128xf32>
        %add3A_3182 = arith.constant 3 : i32
        %add3A_3183 = arith.addi %add3A_3127, %add3A_3182 : i32
        %min3A_3184 = arith.constant 99 : i32
        %min3A_3185 = arith.minsi %add3A_3183, %min3A_3184 : i32
        %get3A_3186 = arith.index_cast %min3A_3185 : i32 to index
        %get3A_3187 = arith.constant 0 : index
        %get3A_3188 = arith.constant 0 : index
        %get3A_3189 = vector.load %arg9[%get3A_3186, %get3A_3187, %get3A_3188] : memref<100x128x128xf32, #tpu.memory_space<vmem>>, vector<1x128x128xf32>
        %get3A_3190 = vector.shape_cast %get3A_3189 : vector<1x128x128xf32> to vector<128x128xf32>
        %dot_general3A_3191 = arith.constant dense<0.000000e+00> : vector<256x128xf32>
        %dot_general3A_3192 = tpu.matmul %get3A_8, %get3A_3190, %dot_general3A_3191 {dimension_numbers = #tpu.dot_dimension_numbers<[1], [0], [0], [1], [0, 0, 1, 1], [], []>, transpose_lhs_hint = false} : vector<256x128xf32>, vector<128x128xf32>, vector<256x128xf32> -> vector<256x128xf32>
        %get3A_3193 = arith.constant 0 : index
        %get3A_3194 = arith.constant 0 : index
        %get3A_3195 = vector.load %arg7[%get3A_3193, %get3A_3194] : memref<256x1xi32, #tpu.memory_space<vmem>>, vector<256x1xi32>
        %eq3A_3196 = vector.broadcast %add3A_3183 : i32 to vector<256x1xi32>
        %eq3A_3197 = arith.cmpi eq, %get3A_3195, %eq3A_3196 : vector<256x1xi32>
        %broadcast_in_dim3A_3198 = vector.shape_cast %eq3A_3197 : vector<256x1xi1> to vector<256x1xi1>
        %broadcast_in_dim3A_3199 = vector.broadcast %broadcast_in_dim3A_3198 : vector<256x1xi1> to vector<256x128xi1>
        %select_n3A_3200 = arith.select %broadcast_in_dim3A_3199, %dot_general3A_3192, %select_n3A_3181 : vector<256x128xi1>, vector<256x128xf32>
        %add3A_3201 = arith.constant 4 : i32
        %add3A_3202 = arith.addi %add3A_3127, %add3A_3201 : i32
        %min3A_3203 = arith.constant 99 : i32
        %min3A_3204 = arith.minsi %add3A_3202, %min3A_3203 : i32
        %get3A_3205 = arith.index_cast %min3A_3204 : i32 to index
        %get3A_3206 = arith.constant 0 : index
        %get3A_3207 = arith.constant 0 : index
        %get3A_3208 = vector.load %arg9[%get3A_3205, %get3A_3206, %get3A_3207] : memref<100x128x128xf32, #tpu.memory_space<vmem>>, vector<1x128x128xf32>
        %get3A_3209 = vector.shape_cast %get3A_3208 : vector<1x128x128xf32> to vector<128x128xf32>
        %dot_general3A_3210 = arith.constant dense<0.000000e+00> : vector<256x128xf32>
        %dot_general3A_3211 = tpu.matmul %get3A_8, %get3A_3209, %dot_general3A_3210 {dimension_numbers = #tpu.dot_dimension_numbers<[1], [0], [0], [1], [0, 0, 1, 1], [], []>, transpose_lhs_hint = false} : vector<256x128xf32>, vector<128x128xf32>, vector<256x128xf32> -> vector<256x128xf32>
        %get3A_3212 = arith.constant 0 : index
        %get3A_3213 = arith.constant 0 : index
        %get3A_3214 = vector.load %arg7[%get3A_3212, %get3A_3213] : memref<256x1xi32, #tpu.memory_space<vmem>>, vector<256x1xi32>
        %eq3A_3215 = vector.broadcast %add3A_3202 : i32 to vector<256x1xi32>
        %eq3A_3216 = arith.cmpi eq, %get3A_3214, %eq3A_3215 : vector<256x1xi32>
        %broadcast_in_dim3A_3217 = vector.shape_cast %eq3A_3216 : vector<256x1xi1> to vector<256x1xi1>
        %broadcast_in_dim3A_3218 = vector.broadcast %broadcast_in_dim3A_3217 : vector<256x1xi1> to vector<256x128xi1>
        %select_n3A_3219 = arith.select %broadcast_in_dim3A_3218, %dot_general3A_3211, %select_n3A_3200 : vector<256x128xi1>, vector<256x128xf32>
        %add3A_3220 = arith.constant 5 : i32
        %add3A_3221 = arith.addi %add3A_3127, %add3A_3220 : i32
        %min3A_3222 = arith.constant 99 : i32
        %min3A_3223 = arith.minsi %add3A_3221, %min3A_3222 : i32
        %get3A_3224 = arith.index_cast %min3A_3223 : i32 to index
        %get3A_3225 = arith.constant 0 : index
        %get3A_3226 = arith.constant 0 : index
        %get3A_3227 = vector.load %arg9[%get3A_3224, %get3A_3225, %get3A_3226] : memref<100x128x128xf32, #tpu.memory_space<vmem>>, vector<1x128x128xf32>
        %get3A_3228 = vector.shape_cast %get3A_3227 : vector<1x128x128xf32> to vector<128x128xf32>
        %dot_general3A_3229 = arith.constant dense<0.000000e+00> : vector<256x128xf32>
        %dot_general3A_3230 = tpu.matmul %get3A_8, %get3A_3228, %dot_general3A_3229 {dimension_numbers = #tpu.dot_dimension_numbers<[1], [0], [0], [1], [0, 0, 1, 1], [], []>, transpose_lhs_hint = false} : vector<256x128xf32>, vector<128x128xf32>, vector<256x128xf32> -> vector<256x128xf32>
        %get3A_3231 = arith.constant 0 : index
        %get3A_3232 = arith.constant 0 : index
        %get3A_3233 = vector.load %arg7[%get3A_3231, %get3A_3232] : memref<256x1xi32, #tpu.memory_space<vmem>>, vector<256x1xi32>
        %eq3A_3234 = vector.broadcast %add3A_3221 : i32 to vector<256x1xi32>
        %eq3A_3235 = arith.cmpi eq, %get3A_3233, %eq3A_3234 : vector<256x1xi32>
        %broadcast_in_dim3A_3236 = vector.shape_cast %eq3A_3235 : vector<256x1xi1> to vector<256x1xi1>
        %broadcast_in_dim3A_3237 = vector.broadcast %broadcast_in_dim3A_3236 : vector<256x1xi1> to vector<256x128xi1>
        %select_n3A_3238 = arith.select %broadcast_in_dim3A_3237, %dot_general3A_3230, %select_n3A_3219 : vector<256x128xi1>, vector<256x128xf32>
        %add3A_3239 = arith.constant 6 : i32
        %add3A_3240 = arith.addi %add3A_3127, %add3A_3239 : i32
        %min3A_3241 = arith.constant 99 : i32
        %min3A_3242 = arith.minsi %add3A_3240, %min3A_3241 : i32
        %get3A_3243 = arith.index_cast %min3A_3242 : i32 to index
        %get3A_3244 = arith.constant 0 : index
        %get3A_3245 = arith.constant 0 : index
        %get3A_3246 = vector.load %arg9[%get3A_3243, %get3A_3244, %get3A_3245] : memref<100x128x128xf32, #tpu.memory_space<vmem>>, vector<1x128x128xf32>
        %get3A_3247 = vector.shape_cast %get3A_3246 : vector<1x128x128xf32> to vector<128x128xf32>
        %dot_general3A_3248 = arith.constant dense<0.000000e+00> : vector<256x128xf32>
        %dot_general3A_3249 = tpu.matmul %get3A_8, %get3A_3247, %dot_general3A_3248 {dimension_numbers = #tpu.dot_dimension_numbers<[1], [0], [0], [1], [0, 0, 1, 1], [], []>, transpose_lhs_hint = false} : vector<256x128xf32>, vector<128x128xf32>, vector<256x128xf32> -> vector<256x128xf32>
        %get3A_3250 = arith.constant 0 : index
        %get3A_3251 = arith.constant 0 : index
        %get3A_3252 = vector.load %arg7[%get3A_3250, %get3A_3251] : memref<256x1xi32, #tpu.memory_space<vmem>>, vector<256x1xi32>
        %eq3A_3253 = vector.broadcast %add3A_3240 : i32 to vector<256x1xi32>
        %eq3A_3254 = arith.cmpi eq, %get3A_3252, %eq3A_3253 : vector<256x1xi32>
        %broadcast_in_dim3A_3255 = vector.shape_cast %eq3A_3254 : vector<256x1xi1> to vector<256x1xi1>
        %broadcast_in_dim3A_3256 = vector.broadcast %broadcast_in_dim3A_3255 : vector<256x1xi1> to vector<256x128xi1>
        %select_n3A_3257 = arith.select %broadcast_in_dim3A_3256, %dot_general3A_3249, %select_n3A_3238 : vector<256x128xi1>, vector<256x128xf32>
        %add3A_3258 = arith.constant 7 : i32
        %add3A_3259 = arith.addi %add3A_3127, %add3A_3258 : i32
        %min3A_3260 = arith.constant 99 : i32
        %min3A_3261 = arith.minsi %add3A_3259, %min3A_3260 : i32
        %get3A_3262 = arith.index_cast %min3A_3261 : i32 to index
        %get3A_3263 = arith.constant 0 : index
        %get3A_3264 = arith.constant 0 : index
        %get3A_3265 = vector.load %arg9[%get3A_3262, %get3A_3263, %get3A_3264] : memref<100x128x128xf32, #tpu.memory_space<vmem>>, vector<1x128x128xf32>
        %get3A_3266 = vector.shape_cast %get3A_3265 : vector<1x128x128xf32> to vector<128x128xf32>
        %dot_general3A_3267 = arith.constant dense<0.000000e+00> : vector<256x128xf32>
        %dot_general3A_3268 = tpu.matmul %get3A_8, %get3A_3266, %dot_general3A_3267 {dimension_numbers = #tpu.dot_dimension_numbers<[1], [0], [0], [1], [0, 0, 1, 1], [], []>, transpose_lhs_hint = false} : vector<256x128xf32>, vector<128x128xf32>, vector<256x128xf32> -> vector<256x128xf32>
        %get3A_3269 = arith.constant 0 : index
        %get3A_3270 = arith.constant 0 : index
        %get3A_3271 = vector.load %arg7[%get3A_3269, %get3A_3270] : memref<256x1xi32, #tpu.memory_space<vmem>>, vector<256x1xi32>
        %eq3A_3272 = vector.broadcast %add3A_3259 : i32 to vector<256x1xi32>
        %eq3A_3273 = arith.cmpi eq, %get3A_3271, %eq3A_3272 : vector<256x1xi32>
        %broadcast_in_dim3A_3274 = vector.shape_cast %eq3A_3273 : vector<256x1xi1> to vector<256x1xi1>
        %broadcast_in_dim3A_3275 = vector.broadcast %broadcast_in_dim3A_3274 : vector<256x1xi1> to vector<256x128xi1>
        %select_n3A_3276 = arith.select %broadcast_in_dim3A_3275, %dot_general3A_3268, %select_n3A_3257 : vector<256x128xi1>, vector<256x128xf32>
        %add3A_3277 = arith.constant 8 : i32
        %add3A_3278 = arith.addi %add3A_3127, %add3A_3277 : i32
        %min3A_3279 = arith.constant 99 : i32
        %min3A_3280 = arith.minsi %add3A_3278, %min3A_3279 : i32
        %get3A_3281 = arith.index_cast %min3A_3280 : i32 to index
        %get3A_3282 = arith.constant 0 : index
        %get3A_3283 = arith.constant 0 : index
        %get3A_3284 = vector.load %arg9[%get3A_3281, %get3A_3282, %get3A_3283] : memref<100x128x128xf32, #tpu.memory_space<vmem>>, vector<1x128x128xf32>
        %get3A_3285 = vector.shape_cast %get3A_3284 : vector<1x128x128xf32> to vector<128x128xf32>
        %dot_general3A_3286 = arith.constant dense<0.000000e+00> : vector<256x128xf32>
        %dot_general3A_3287 = tpu.matmul %get3A_8, %get3A_3285, %dot_general3A_3286 {dimension_numbers = #tpu.dot_dimension_numbers<[1], [0], [0], [1], [0, 0, 1, 1], [], []>, transpose_lhs_hint = false} : vector<256x128xf32>, vector<128x128xf32>, vector<256x128xf32> -> vector<256x128xf32>
        %get3A_3288 = arith.constant 0 : index
        %get3A_3289 = arith.constant 0 : index
        %get3A_3290 = vector.load %arg7[%get3A_3288, %get3A_3289] : memref<256x1xi32, #tpu.memory_space<vmem>>, vector<256x1xi32>
        %eq3A_3291 = vector.broadcast %add3A_3278 : i32 to vector<256x1xi32>
        %eq3A_3292 = arith.cmpi eq, %get3A_3290, %eq3A_3291 : vector<256x1xi32>
        %broadcast_in_dim3A_3293 = vector.shape_cast %eq3A_3292 : vector<256x1xi1> to vector<256x1xi1>
        %broadcast_in_dim3A_3294 = vector.broadcast %broadcast_in_dim3A_3293 : vector<256x1xi1> to vector<256x128xi1>
        %select_n3A_3295 = arith.select %broadcast_in_dim3A_3294, %dot_general3A_3287, %select_n3A_3276 : vector<256x128xi1>, vector<256x128xf32>
        %add3A_3296 = arith.constant 9 : i32
        %add3A_3297 = arith.addi %add3A_3127, %add3A_3296 : i32
        %min3A_3298 = arith.constant 99 : i32
        %min3A_3299 = arith.minsi %add3A_3297, %min3A_3298 : i32
        %get3A_3300 = arith.index_cast %min3A_3299 : i32 to index
        %get3A_3301 = arith.constant 0 : index
        %get3A_3302 = arith.constant 0 : index
        %get3A_3303 = vector.load %arg9[%get3A_3300, %get3A_3301, %get3A_3302] : memref<100x128x128xf32, #tpu.memory_space<vmem>>, vector<1x128x128xf32>
        %get3A_3304 = vector.shape_cast %get3A_3303 : vector<1x128x128xf32> to vector<128x128xf32>
        %dot_general3A_3305 = arith.constant dense<0.000000e+00> : vector<256x128xf32>
        %dot_general3A_3306 = tpu.matmul %get3A_8, %get3A_3304, %dot_general3A_3305 {dimension_numbers = #tpu.dot_dimension_numbers<[1], [0], [0], [1], [0, 0, 1, 1], [], []>, transpose_lhs_hint = false} : vector<256x128xf32>, vector<128x128xf32>, vector<256x128xf32> -> vector<256x128xf32>
        %get3A_3307 = arith.constant 0 : index
        %get3A_3308 = arith.constant 0 : index
        %get3A_3309 = vector.load %arg7[%get3A_3307, %get3A_3308] : memref<256x1xi32, #tpu.memory_space<vmem>>, vector<256x1xi32>
        %eq3A_3310 = vector.broadcast %add3A_3297 : i32 to vector<256x1xi32>
        %eq3A_3311 = arith.cmpi eq, %get3A_3309, %eq3A_3310 : vector<256x1xi32>
        %broadcast_in_dim3A_3312 = vector.shape_cast %eq3A_3311 : vector<256x1xi1> to vector<256x1xi1>
        %broadcast_in_dim3A_3313 = vector.broadcast %broadcast_in_dim3A_3312 : vector<256x1xi1> to vector<256x128xi1>
        %select_n3A_3314 = arith.select %broadcast_in_dim3A_3313, %dot_general3A_3306, %select_n3A_3295 : vector<256x128xi1>, vector<256x128xf32>
        scf.yield %select_n3A_3314 : vector<256x128xf32>
      }
      %reduce_sum3A = arith.constant dense<0.000000e+00> : vector<256xf32>
      %reduce_sum3A_43 = vector.multi_reduction <add>, %get3A_8, %reduce_sum3A [1] : vector<256x128xf32> to vector<256xf32>
      %broadcast_in_dim3A_44 = vector.shape_cast %reduce_sum3A_43 : vector<256xf32> to vector<256x1xf32>
      %div3A_45 = arith.constant 1.000000e+00 : f32
      %div3A_46 = vector.broadcast %div3A_45 : f32 to vector<256x1xf32>
      %div3A_47 = arith.divf %div3A_46, %broadcast_in_dim3A_44 : vector<256x1xf32>
      %mul3A = vector.broadcast %div3A_47 : vector<256x1xf32> to vector<256x128xf32>
      %mul3A_48 = arith.mulf %while3A_42, %mul3A : vector<256x128xf32>
      %swap3A = arith.constant 0 : index
      %swap3A_49 = arith.constant 0 : index
      %swap3A_50 = vector.load %arg10[%swap3A, %swap3A_49] : memref<256x128xf32, #tpu.memory_space<vmem>>, vector<256x128xf32>
      tpu.vector_store %arg10[%swap3A, %swap3A_49], %mul3A_48 {strides = array<i32>} : memref<256x128xf32, #tpu.memory_space<vmem>>, vector<256x128xf32>,
      %mul3A_51 = arith.constant 256 : i32
      %mul3A_52 = arith.muli %sub3A_6, %mul3A_51 : i32
      %add3A_53 = arith.constant 0 : i32
      %add3A_54 = arith.addi %mul3A_52, %add3A_53 : i32
      %get3A_55 = arith.index_cast %add3A_54 : i32 to index
      %get3A_56 = memref.load %arg4[%get3A_55] : memref<4096xi32, #tpu.memory_space<smem>>
      %get3A_57 = arith.constant 0 : index
      %get3A_58 = arith.constant 0 : index
      %get3A_59 = vector.load %arg10[%get3A_57, %get3A_58] : memref<256x128xf32, #tpu.memory_space<vmem>>, vector<1x100xf32>
      %swap3A_60 = arith.index_cast %get3A_56 : i32 to index
      %swap3A_61 = arith.constant 0 : index
      %swap3A_62 = vector.load %arg8[%swap3A_60, %swap3A_61] : memref<4096x100xf32, #tpu.memory_space<vmem>>, vector<1x100xf32>
      tpu.vector_store %arg8[%swap3A_60, %swap3A_61], %get3A_59 {strides = array<i32>} : memref<4096x100xf32, #tpu.memory_space<vmem>>, vector<1x100xf32>,
      %mul3A_63 = arith.constant 256 : i32
      %mul3A_64 = arith.muli %sub3A_6, %mul3A_63 : i32
      %add3A_65 = arith.constant 1 : i32
      %add3A_66 = arith.addi %mul3A_64, %add3A_65 : i32
      %get3A_67 = arith.index_cast %add3A_66 : i32 to index
      %get3A_68 = memref.load %arg4[%get3A_67] : memref<4096xi32, #tpu.memory_space<smem>>
      %get3A_69 = arith.constant 1 : index
      %get3A_70 = arith.constant 0 : index
      %get3A_71 = vector.load %arg10[%get3A_69, %get3A_70] : memref<256x128xf32, #tpu.memory_space<vmem>>, vector<1x100xf32>
      %swap3A_72 = arith.index_cast %get3A_68 : i32 to index
      %swap3A_73 = arith.constant 0 : index
      %swap3A_74 = vector.load %arg8[%swap3A_72, %swap3A_73] : memref<4096x100xf32, #tpu.memory_space<vmem>>, vector<1x100xf32>
      tpu.vector_store %arg8[%swap3A_72, %swap3A_73], %get3A_71 {strides = array<i32>} : memref<4096x100xf32, #tpu.memory_space<vmem>>, vector<1x100xf32>,
      %mul3A_75 = arith.constant 256 : i32
      %mul3A_76 = arith.muli %sub3A_6, %mul3A_75 : i32
      %add3A_77 = arith.constant 2 : i32
      %add3A_78 = arith.addi %mul3A_76, %add3A_77 : i32
      %get3A_79 = arith.index_cast %add3A_78 : i32 to index
      %get3A_80 = memref.load %arg4[%get3A_79] : memref<4096xi32, #tpu.memory_space<smem>>
      %get3A_81 = arith.constant 2 : index
      %get3A_82 = arith.constant 0 : index
      %get3A_83 = vector.load %arg10[%get3A_81, %get3A_82] : memref<256x128xf32, #tpu.memory_space<vmem>>, vector<1x100xf32>
      %swap3A_84 = arith.index_cast %get3A_80 : i32 to index
      %swap3A_85 = arith.constant 0 : index
      %swap3A_86 = vector.load %arg8[%swap3A_84, %swap3A_85] : memref<4096x100xf32, #tpu.memory_space<vmem>>, vector<1x100xf32>
      tpu.vector_store %arg8[%swap3A_84, %swap3A_85], %get3A_83 {strides = array<i32>} : memref<4096x100xf32, #tpu.memory_space<vmem>>, vector<1x100xf32>,
      %mul3A_87 = arith.constant 256 : i32
      %mul3A_88 = arith.muli %sub3A_6, %mul3A_87 : i32
      %add3A_89 = arith.constant 3 : i32
      %add3A_90 = arith.addi %mul3A_88, %add3A_89 : i32
      %get3A_91 = arith.index_cast %add3A_90 : i32 to index
      %get3A_92 = memref.load %arg4[%get3A_91] : memref<4096xi32, #tpu.memory_space<smem>>
      %get3A_93 = arith.constant 3 : index
      %get3A_94 = arith.constant 0 : index
      %get3A_95 = vector.load %arg10[%get3A_93, %get3A_94] : memref<256x128xf32, #tpu.memory_space<vmem>>, vector<1x100xf32>
      %swap3A_96 = arith.index_cast %get3A_92 : i32 to index
      %swap3A_97 = arith.constant 0 : index
      %swap3A_98 = vector.load %arg8[%swap3A_96, %swap3A_97] : memref<4096x100xf32, #tpu.memory_space<vmem>>, vector<1x100xf32>
      tpu.vector_store %arg8[%swap3A_96, %swap3A_97], %get3A_95 {strides = array<i32>} : memref<4096x100xf32, #tpu.memory_space<vmem>>, vector<1x100xf32>,
      %mul3A_99 = arith.constant 256 : i32
      %mul3A_100 = arith.muli %sub3A_6, %mul3A_99 : i32
      %add3A_101 = arith.constant 4 : i32
      %add3A_102 = arith.addi %mul3A_100, %add3A_101 : i32
      %get3A_103 = arith.index_cast %add3A_102 : i32 to index
      %get3A_104 = memref.load %arg4[%get3A_103] : memref<4096xi32, #tpu.memory_space<smem>>
      %get3A_105 = arith.constant 4 : index
      %get3A_106 = arith.constant 0 : index
      %get3A_107 = vector.load %arg10[%get3A_105, %get3A_106] : memref<256x128xf32, #tpu.memory_space<vmem>>, vector<1x100xf32>
      %swap3A_108 = arith.index_cast %get3A_104 : i32 to index
      %swap3A_109 = arith.constant 0 : index
      %swap3A_110 = vector.load %arg8[%swap3A_108, %swap3A_109] : memref<4096x100xf32, #tpu.memory_space<vmem>>, vector<1x100xf32>
      tpu.vector_store %arg8[%swap3A_108, %swap3A_109], %get3A_107 {strides = array<i32>} : memref<4096x100xf32, #tpu.memory_space<vmem>>, vector<1x100xf32>,
      %mul3A_111 = arith.constant 256 : i32
      %mul3A_112 = arith.muli %sub3A_6, %mul3A_111 : i32
      %add3A_113 = arith.constant 5 : i32
      %add3A_114 = arith.addi %mul3A_112, %add3A_113 : i32
      %get3A_115 = arith.index_cast %add3A_114 : i32 to index
      %get3A_116 = memref.load %arg4[%get3A_115] : memref<4096xi32, #tpu.memory_space<smem>>
      %get3A_117 = arith.constant 5 : index
      %get3A_118 = arith.constant 0 : index
      %get3A_119 = vector.load %arg10[%get3A_117, %get3A_118] : memref<256x128xf32, #tpu.memory_space<vmem>>, vector<1x100xf32>
      %swap3A_120 = arith.index_cast %get3A_116 : i32 to index
      %swap3A_121 = arith.constant 0 : index
      %swap3A_122 = vector.load %arg8[%swap3A_120, %swap3A_121] : memref<4096x100xf32, #tpu.memory_space<vmem>>, vector<1x100xf32>
      tpu.vector_store %arg8[%swap3A_120, %swap3A_121], %get3A_119 {strides = array<i32>} : memref<4096x100xf32, #tpu.memory_space<vmem>>, vector<1x100xf32>,
      %mul3A_123 = arith.constant 256 : i32
      %mul3A_124 = arith.muli %sub3A_6, %mul3A_123 : i32
      %add3A_125 = arith.constant 6 : i32
      %add3A_126 = arith.addi %mul3A_124, %add3A_125 : i32
      %get3A_127 = arith.index_cast %add3A_126 : i32 to index
      %get3A_128 = memref.load %arg4[%get3A_127] : memref<4096xi32, #tpu.memory_space<smem>>
      %get3A_129 = arith.constant 6 : index
      %get3A_130 = arith.constant 0 : index
      %get3A_131 = vector.load %arg10[%get3A_129, %get3A_130] : memref<256x128xf32, #tpu.memory_space<vmem>>, vector<1x100xf32>
      %swap3A_132 = arith.index_cast %get3A_128 : i32 to index
      %swap3A_133 = arith.constant 0 : index
      %swap3A_134 = vector.load %arg8[%swap3A_132, %swap3A_133] : memref<4096x100xf32, #tpu.memory_space<vmem>>, vector<1x100xf32>
      tpu.vector_store %arg8[%swap3A_132, %swap3A_133], %get3A_131 {strides = array<i32>} : memref<4096x100xf32, #tpu.memory_space<vmem>>, vector<1x100xf32>,
      %mul3A_135 = arith.constant 256 : i32
      %mul3A_136 = arith.muli %sub3A_6, %mul3A_135 : i32
      %add3A_137 = arith.constant 7 : i32
      %add3A_138 = arith.addi %mul3A_136, %add3A_137 : i32
      %get3A_139 = arith.index_cast %add3A_138 : i32 to index
      %get3A_140 = memref.load %arg4[%get3A_139] : memref<4096xi32, #tpu.memory_space<smem>>
      %get3A_141 = arith.constant 7 : index
      %get3A_142 = arith.constant 0 : index
      %get3A_143 = vector.load %arg10[%get3A_141, %get3A_142] : memref<256x128xf32, #tpu.memory_space<vmem>>, vector<1x100xf32>
      %swap3A_144 = arith.index_cast %get3A_140 : i32 to index
      %swap3A_145 = arith.constant 0 : index
      %swap3A_146 = vector.load %arg8[%swap3A_144, %swap3A_145] : memref<4096x100xf32, #tpu.memory_space<vmem>>, vector<1x100xf32>
      tpu.vector_store %arg8[%swap3A_144, %swap3A_145], %get3A_143 {strides = array<i32>} : memref<4096x100xf32, #tpu.memory_space<vmem>>, vector<1x100xf32>,
      %mul3A_147 = arith.constant 256 : i32
      %mul3A_148 = arith.muli %sub3A_6, %mul3A_147 : i32
      %add3A_149 = arith.constant 8 : i32
      %add3A_150 = arith.addi %mul3A_148, %add3A_149 : i32
      %get3A_151 = arith.index_cast %add3A_150 : i32 to index
      %get3A_152 = memref.load %arg4[%get3A_151] : memref<4096xi32, #tpu.memory_space<smem>>
      %get3A_153 = arith.constant 8 : index
      %get3A_154 = arith.constant 0 : index
      %get3A_155 = vector.load %arg10[%get3A_153, %get3A_154] : memref<256x128xf32, #tpu.memory_space<vmem>>, vector<1x100xf32>
      %swap3A_156 = arith.index_cast %get3A_152 : i32 to index
      %swap3A_157 = arith.constant 0 : index
      %swap3A_158 = vector.load %arg8[%swap3A_156, %swap3A_157] : memref<4096x100xf32, #tpu.memory_space<vmem>>, vector<1x100xf32>
      tpu.vector_store %arg8[%swap3A_156, %swap3A_157], %get3A_155 {strides = array<i32>} : memref<4096x100xf32, #tpu.memory_space<vmem>>, vector<1x100xf32>,
      %mul3A_159 = arith.constant 256 : i32
      %mul3A_160 = arith.muli %sub3A_6, %mul3A_159 : i32
      %add3A_161 = arith.constant 9 : i32
      %add3A_162 = arith.addi %mul3A_160, %add3A_161 : i32
      %get3A_163 = arith.index_cast %add3A_162 : i32 to index
      %get3A_164 = memref.load %arg4[%get3A_163] : memref<4096xi32, #tpu.memory_space<smem>>
      %get3A_165 = arith.constant 9 : index
      %get3A_166 = arith.constant 0 : index
      %get3A_167 = vector.load %arg10[%get3A_165, %get3A_166] : memref<256x128xf32, #tpu.memory_space<vmem>>, vector<1x100xf32>
      %swap3A_168 = arith.index_cast %get3A_164 : i32 to index
      %swap3A_169 = arith.constant 0 : index
      %swap3A_170 = vector.load %arg8[%swap3A_168, %swap3A_169] : memref<4096x100xf32, #tpu.memory_space<vmem>>, vector<1x100xf32>
      tpu.vector_store %arg8[%swap3A_168, %swap3A_169], %get3A_167 {strides = array<i32>} : memref<4096x100xf32, #tpu.memory_space<vmem>>, vector<1x100xf32>,
      %mul3A_171 = arith.constant 256 : i32
      %mul3A_172 = arith.muli %sub3A_6, %mul3A_171 : i32
      %add3A_173 = arith.constant 10 : i32
      %add3A_174 = arith.addi %mul3A_172, %add3A_173 : i32
      %get3A_175 = arith.index_cast %add3A_174 : i32 to index
      %get3A_176 = memref.load %arg4[%get3A_175] : memref<4096xi32, #tpu.memory_space<smem>>
      %get3A_177 = arith.constant 10 : index
      %get3A_178 = arith.constant 0 : index
      %get3A_179 = vector.load %arg10[%get3A_177, %get3A_178] : memref<256x128xf32, #tpu.memory_space<vmem>>, vector<1x100xf32>
      %swap3A_180 = arith.index_cast %get3A_176 : i32 to index
      %swap3A_181 = arith.constant 0 : index
      %swap3A_182 = vector.load %arg8[%swap3A_180, %swap3A_181] : memref<4096x100xf32, #tpu.memory_space<vmem>>, vector<1x100xf32>
      tpu.vector_store %arg8[%swap3A_180, %swap3A_181], %get3A_179 {strides = array<i32>} : memref<4096x100xf32, #tpu.memory_space<vmem>>, vector<1x100xf32>,
      %mul3A_183 = arith.constant 256 : i32
      %mul3A_184 = arith.muli %sub3A_6, %mul3A_183 : i32
      %add3A_185 = arith.constant 11 : i32
      %add3A_186 = arith.addi %mul3A_184, %add3A_185 : i32
      %get3A_187 = arith.index_cast %add3A_186 : i32 to index
      %get3A_188 = memref.load %arg4[%get3A_187] : memref<4096xi32, #tpu.memory_space<smem>>
      %get3A_189 = arith.constant 11 : index
      %get3A_190 = arith.constant 0 : index
      %get3A_191 = vector.load %arg10[%get3A_189, %get3A_190] : memref<256x128xf32, #tpu.memory_space<vmem>>, vector<1x100xf32>
      %swap3A_192 = arith.index_cast %get3A_188 : i32 to index
      %swap3A_193 = arith.constant 0 : index
      %swap3A_194 = vector.load %arg8[%swap3A_192, %swap3A_193] : memref<4096x100xf32, #tpu.memory_space<vmem>>, vector<1x100xf32>
      tpu.vector_store %arg8[%swap3A_192, %swap3A_193], %get3A_191 {strides = array<i32>} : memref<4096x100xf32, #tpu.memory_space<vmem>>, vector<1x100xf32>,
      %mul3A_195 = arith.constant 256 : i32
      %mul3A_196 = arith.muli %sub3A_6, %mul3A_195 : i32
      %add3A_197 = arith.constant 12 : i32
      %add3A_198 = arith.addi %mul3A_196, %add3A_197 : i32
      %get3A_199 = arith.index_cast %add3A_198 : i32 to index
      %get3A_200 = memref.load %arg4[%get3A_199] : memref<4096xi32, #tpu.memory_space<smem>>
      %get3A_201 = arith.constant 12 : index
      %get3A_202 = arith.constant 0 : index
      %get3A_203 = vector.load %arg10[%get3A_201, %get3A_202] : memref<256x128xf32, #tpu.memory_space<vmem>>, vector<1x100xf32>
      %swap3A_204 = arith.index_cast %get3A_200 : i32 to index
      %swap3A_205 = arith.constant 0 : index
      %swap3A_206 = vector.load %arg8[%swap3A_204, %swap3A_205] : memref<4096x100xf32, #tpu.memory_space<vmem>>, vector<1x100xf32>
      tpu.vector_store %arg8[%swap3A_204, %swap3A_205], %get3A_203 {strides = array<i32>} : memref<4096x100xf32, #tpu.memory_space<vmem>>, vector<1x100xf32>,
      %mul3A_207 = arith.constant 256 : i32
      %mul3A_208 = arith.muli %sub3A_6, %mul3A_207 : i32
      %add3A_209 = arith.constant 13 : i32
      %add3A_210 = arith.addi %mul3A_208, %add3A_209 : i32
      %get3A_211 = arith.index_cast %add3A_210 : i32 to index
      %get3A_212 = memref.load %arg4[%get3A_211] : memref<4096xi32, #tpu.memory_space<smem>>
      %get3A_213 = arith.constant 13 : index
      %get3A_214 = arith.constant 0 : index
      %get3A_215 = vector.load %arg10[%get3A_213, %get3A_214] : memref<256x128xf32, #tpu.memory_space<vmem>>, vector<1x100xf32>
      %swap3A_216 = arith.index_cast %get3A_212 : i32 to index
      %swap3A_217 = arith.constant 0 : index
      %swap3A_218 = vector.load %arg8[%swap3A_216, %swap3A_217] : memref<4096x100xf32, #tpu.memory_space<vmem>>, vector<1x100xf32>
      tpu.vector_store %arg8[%swap3A_216, %swap3A_217], %get3A_215 {strides = array<i32>} : memref<4096x100xf32, #tpu.memory_space<vmem>>, vector<1x100xf32>,
      %mul3A_219 = arith.constant 256 : i32
      %mul3A_220 = arith.muli %sub3A_6, %mul3A_219 : i32
      %add3A_221 = arith.constant 14 : i32
      %add3A_222 = arith.addi %mul3A_220, %add3A_221 : i32
      %get3A_223 = arith.index_cast %add3A_222 : i32 to index
      %get3A_224 = memref.load %arg4[%get3A_223] : memref<4096xi32, #tpu.memory_space<smem>>
      %get3A_225 = arith.constant 14 : index
      %get3A_226 = arith.constant 0 : index
      %get3A_227 = vector.load %arg10[%get3A_225, %get3A_226] : memref<256x128xf32, #tpu.memory_space<vmem>>, vector<1x100xf32>
      %swap3A_228 = arith.index_cast %get3A_224 : i32 to index
      %swap3A_229 = arith.constant 0 : index
      %swap3A_230 = vector.load %arg8[%swap3A_228, %swap3A_229] : memref<4096x100xf32, #tpu.memory_space<vmem>>, vector<1x100xf32>
      tpu.vector_store %arg8[%swap3A_228, %swap3A_229], %get3A_227 {strides = array<i32>} : memref<4096x100xf32, #tpu.memory_space<vmem>>, vector<1x100xf32>,
      %mul3A_231 = arith.constant 256 : i32
      %mul3A_232 = arith.muli %sub3A_6, %mul3A_231 : i32
      %add3A_233 = arith.constant 15 : i32
      %add3A_234 = arith.addi %mul3A_232, %add3A_233 : i32
      %get3A_235 = arith.index_cast %add3A_234 : i32 to index
      %get3A_236 = memref.load %arg4[%get3A_235] : memref<4096xi32, #tpu.memory_space<smem>>
      %get3A_237 = arith.constant 15 : index
      %get3A_238 = arith.constant 0 : index
      %get3A_239 = vector.load %arg10[%get3A_237, %get3A_238] : memref<256x128xf32, #tpu.memory_space<vmem>>, vector<1x100xf32>
      %swap3A_240 = arith.index_cast %get3A_236 : i32 to index
      %swap3A_241 = arith.constant 0 : index
      %swap3A_242 = vector.load %arg8[%swap3A_240, %swap3A_241] : memref<4096x100xf32, #tpu.memory_space<vmem>>, vector<1x100xf32>
      tpu.vector_store %arg8[%swap3A_240, %swap3A_241], %get3A_239 {strides = array<i32>} : memref<4096x100xf32, #tpu.memory_space<vmem>>, vector<1x100xf32>,
      %mul3A_243 = arith.constant 256 : i32
      %mul3A_244 = arith.muli %sub3A_6, %mul3A_243 : i32
      %add3A_245 = arith.constant 16 : i32
      %add3A_246 = arith.addi %mul3A_244, %add3A_245 : i32
      %get3A_247 = arith.index_cast %add3A_246 : i32 to index
      %get3A_248 = memref.load %arg4[%get3A_247] : memref<4096xi32, #tpu.memory_space<smem>>
      %get3A_249 = arith.constant 16 : index
      %get3A_250 = arith.constant 0 : index
      %get3A_251 = vector.load %arg10[%get3A_249, %get3A_250] : memref<256x128xf32, #tpu.memory_space<vmem>>, vector<1x100xf32>
      %swap3A_252 = arith.index_cast %get3A_248 : i32 to index
      %swap3A_253 = arith.constant 0 : index
      %swap3A_254 = vector.load %arg8[%swap3A_252, %swap3A_253] : memref<4096x100xf32, #tpu.memory_space<vmem>>, vector<1x100xf32>
      tpu.vector_store %arg8[%swap3A_252, %swap3A_253], %get3A_251 {strides = array<i32>} : memref<4096x100xf32, #tpu.memory_space<vmem>>, vector<1x100xf32>,
      %mul3A_255 = arith.constant 256 : i32
      %mul3A_256 = arith.muli %sub3A_6, %mul3A_255 : i32
      %add3A_257 = arith.constant 17 : i32
      %add3A_258 = arith.addi %mul3A_256, %add3A_257 : i32
      %get3A_259 = arith.index_cast %add3A_258 : i32 to index
      %get3A_260 = memref.load %arg4[%get3A_259] : memref<4096xi32, #tpu.memory_space<smem>>
      %get3A_261 = arith.constant 17 : index
      %get3A_262 = arith.constant 0 : index
      %get3A_263 = vector.load %arg10[%get3A_261, %get3A_262] : memref<256x128xf32, #tpu.memory_space<vmem>>, vector<1x100xf32>
      %swap3A_264 = arith.index_cast %get3A_260 : i32 to index
      %swap3A_265 = arith.constant 0 : index
      %swap3A_266 = vector.load %arg8[%swap3A_264, %swap3A_265] : memref<4096x100xf32, #tpu.memory_space<vmem>>, vector<1x100xf32>
      tpu.vector_store %arg8[%swap3A_264, %swap3A_265], %get3A_263 {strides = array<i32>} : memref<4096x100xf32, #tpu.memory_space<vmem>>, vector<1x100xf32>,
      %mul3A_267 = arith.constant 256 : i32
      %mul3A_268 = arith.muli %sub3A_6, %mul3A_267 : i32
      %add3A_269 = arith.constant 18 : i32
      %add3A_270 = arith.addi %mul3A_268, %add3A_269 : i32
      %get3A_271 = arith.index_cast %add3A_270 : i32 to index
      %get3A_272 = memref.load %arg4[%get3A_271] : memref<4096xi32, #tpu.memory_space<smem>>
      %get3A_273 = arith.constant 18 : index
      %get3A_274 = arith.constant 0 : index
      %get3A_275 = vector.load %arg10[%get3A_273, %get3A_274] : memref<256x128xf32, #tpu.memory_space<vmem>>, vector<1x100xf32>
      %swap3A_276 = arith.index_cast %get3A_272 : i32 to index
      %swap3A_277 = arith.constant 0 : index
      %swap3A_278 = vector.load %arg8[%swap3A_276, %swap3A_277] : memref<4096x100xf32, #tpu.memory_space<vmem>>, vector<1x100xf32>
      tpu.vector_store %arg8[%swap3A_276, %swap3A_277], %get3A_275 {strides = array<i32>} : memref<4096x100xf32, #tpu.memory_space<vmem>>, vector<1x100xf32>,
      %mul3A_279 = arith.constant 256 : i32
      %mul3A_280 = arith.muli %sub3A_6, %mul3A_279 : i32
      %add3A_281 = arith.constant 19 : i32
      %add3A_282 = arith.addi %mul3A_280, %add3A_281 : i32
      %get3A_283 = arith.index_cast %add3A_282 : i32 to index
      %get3A_284 = memref.load %arg4[%get3A_283] : memref<4096xi32, #tpu.memory_space<smem>>
      %get3A_285 = arith.constant 19 : index
      %get3A_286 = arith.constant 0 : index
      %get3A_287 = vector.load %arg10[%get3A_285, %get3A_286] : memref<256x128xf32, #tpu.memory_space<vmem>>, vector<1x100xf32>
      %swap3A_288 = arith.index_cast %get3A_284 : i32 to index
      %swap3A_289 = arith.constant 0 : index
      %swap3A_290 = vector.load %arg8[%swap3A_288, %swap3A_289] : memref<4096x100xf32, #tpu.memory_space<vmem>>, vector<1x100xf32>
      tpu.vector_store %arg8[%swap3A_288, %swap3A_289], %get3A_287 {strides = array<i32>} : memref<4096x100xf32, #tpu.memory_space<vmem>>, vector<1x100xf32>,
      %mul3A_291 = arith.constant 256 : i32
      %mul3A_292 = arith.muli %sub3A_6, %mul3A_291 : i32
      %add3A_293 = arith.constant 20 : i32
      %add3A_294 = arith.addi %mul3A_292, %add3A_293 : i32
      %get3A_295 = arith.index_cast %add3A_294 : i32 to index
      %get3A_296 = memref.load %arg4[%get3A_295] : memref<4096xi32, #tpu.memory_space<smem>>
      %get3A_297 = arith.constant 20 : index
      %get3A_298 = arith.constant 0 : index
      %get3A_299 = vector.load %arg10[%get3A_297, %get3A_298] : memref<256x128xf32, #tpu.memory_space<vmem>>, vector<1x100xf32>
      %swap3A_300 = arith.index_cast %get3A_296 : i32 to index
      %swap3A_301 = arith.constant 0 : index
      %swap3A_302 = vector.load %arg8[%swap3A_300, %swap3A_301] : memref<4096x100xf32, #tpu.memory_space<vmem>>, vector<1x100xf32>
      tpu.vector_store %arg8[%swap3A_300, %swap3A_301], %get3A_299 {strides = array<i32>} : memref<4096x100xf32, #tpu.memory_space<vmem>>, vector<1x100xf32>,
      %mul3A_303 = arith.constant 256 : i32
      %mul3A_304 = arith.muli %sub3A_6, %mul3A_303 : i32
      %add3A_305 = arith.constant 21 : i32
      %add3A_306 = arith.addi %mul3A_304, %add3A_305 : i32
      %get3A_307 = arith.index_cast %add3A_306 : i32 to index
      %get3A_308 = memref.load %arg4[%get3A_307] : memref<4096xi32, #tpu.memory_space<smem>>
      %get3A_309 = arith.constant 21 : index
      %get3A_310 = arith.constant 0 : index
      %get3A_311 = vector.load %arg10[%get3A_309, %get3A_310] : memref<256x128xf32, #tpu.memory_space<vmem>>, vector<1x100xf32>
      %swap3A_312 = arith.index_cast %get3A_308 : i32 to index
      %swap3A_313 = arith.constant 0 : index
      %swap3A_314 = vector.load %arg8[%swap3A_312, %swap3A_313] : memref<4096x100xf32, #tpu.memory_space<vmem>>, vector<1x100xf32>
      tpu.vector_store %arg8[%swap3A_312, %swap3A_313], %get3A_311 {strides = array<i32>} : memref<4096x100xf32, #tpu.memory_space<vmem>>, vector<1x100xf32>,
      %mul3A_315 = arith.constant 256 : i32
      %mul3A_316 = arith.muli %sub3A_6, %mul3A_315 : i32
      %add3A_317 = arith.constant 22 : i32
      %add3A_318 = arith.addi %mul3A_316, %add3A_317 : i32
      %get3A_319 = arith.index_cast %add3A_318 : i32 to index
      %get3A_320 = memref.load %arg4[%get3A_319] : memref<4096xi32, #tpu.memory_space<smem>>
      %get3A_321 = arith.constant 22 : index
      %get3A_322 = arith.constant 0 : index
      %get3A_323 = vector.load %arg10[%get3A_321, %get3A_322] : memref<256x128xf32, #tpu.memory_space<vmem>>, vector<1x100xf32>
      %swap3A_324 = arith.index_cast %get3A_320 : i32 to index
      %swap3A_325 = arith.constant 0 : index
      %swap3A_326 = vector.load %arg8[%swap3A_324, %swap3A_325] : memref<4096x100xf32, #tpu.memory_space<vmem>>, vector<1x100xf32>
      tpu.vector_store %arg8[%swap3A_324, %swap3A_325], %get3A_323 {strides = array<i32>} : memref<4096x100xf32, #tpu.memory_space<vmem>>, vector<1x100xf32>,
      %mul3A_327 = arith.constant 256 : i32
      %mul3A_328 = arith.muli %sub3A_6, %mul3A_327 : i32
      %add3A_329 = arith.constant 23 : i32
      %add3A_330 = arith.addi %mul3A_328, %add3A_329 : i32
      %get3A_331 = arith.index_cast %add3A_330 : i32 to index
      %get3A_332 = memref.load %arg4[%get3A_331] : memref<4096xi32, #tpu.memory_space<smem>>
      %get3A_333 = arith.constant 23 : index
      %get3A_334 = arith.constant 0 : index
      %get3A_335 = vector.load %arg10[%get3A_333, %get3A_334] : memref<256x128xf32, #tpu.memory_space<vmem>>, vector<1x100xf32>
      %swap3A_336 = arith.index_cast %get3A_332 : i32 to index
      %swap3A_337 = arith.constant 0 : index
      %swap3A_338 = vector.load %arg8[%swap3A_336, %swap3A_337] : memref<4096x100xf32, #tpu.memory_space<vmem>>, vector<1x100xf32>
      tpu.vector_store %arg8[%swap3A_336, %swap3A_337], %get3A_335 {strides = array<i32>} : memref<4096x100xf32, #tpu.memory_space<vmem>>, vector<1x100xf32>,
      %mul3A_339 = arith.constant 256 : i32
      %mul3A_340 = arith.muli %sub3A_6, %mul3A_339 : i32
      %add3A_341 = arith.constant 24 : i32
      %add3A_342 = arith.addi %mul3A_340, %add3A_341 : i32
      %get3A_343 = arith.index_cast %add3A_342 : i32 to index
      %get3A_344 = memref.load %arg4[%get3A_343] : memref<4096xi32, #tpu.memory_space<smem>>
      %get3A_345 = arith.constant 24 : index
      %get3A_346 = arith.constant 0 : index
      %get3A_347 = vector.load %arg10[%get3A_345, %get3A_346] : memref<256x128xf32, #tpu.memory_space<vmem>>, vector<1x100xf32>
      %swap3A_348 = arith.index_cast %get3A_344 : i32 to index
      %swap3A_349 = arith.constant 0 : index
      %swap3A_350 = vector.load %arg8[%swap3A_348, %swap3A_349] : memref<4096x100xf32, #tpu.memory_space<vmem>>, vector<1x100xf32>
      tpu.vector_store %arg8[%swap3A_348, %swap3A_349], %get3A_347 {strides = array<i32>} : memref<4096x100xf32, #tpu.memory_space<vmem>>, vector<1x100xf32>,
      %mul3A_351 = arith.constant 256 : i32
      %mul3A_352 = arith.muli %sub3A_6, %mul3A_351 : i32
      %add3A_353 = arith.constant 25 : i32
      %add3A_354 = arith.addi %mul3A_352, %add3A_353 : i32
      %get3A_355 = arith.index_cast %add3A_354 : i32 to index
      %get3A_356 = memref.load %arg4[%get3A_355] : memref<4096xi32, #tpu.memory_space<smem>>
      %get3A_357 = arith.constant 25 : index
      %get3A_358 = arith.constant 0 : index
      %get3A_359 = vector.load %arg10[%get3A_357, %get3A_358] : memref<256x128xf32, #tpu.memory_space<vmem>>, vector<1x100xf32>
      %swap3A_360 = arith.index_cast %get3A_356 : i32 to index
      %swap3A_361 = arith.constant 0 : index
      %swap3A_362 = vector.load %arg8[%swap3A_360, %swap3A_361] : memref<4096x100xf32, #tpu.memory_space<vmem>>, vector<1x100xf32>
      tpu.vector_store %arg8[%swap3A_360, %swap3A_361], %get3A_359 {strides = array<i32>} : memref<4096x100xf32, #tpu.memory_space<vmem>>, vector<1x100xf32>,
      %mul3A_363 = arith.constant 256 : i32
      %mul3A_364 = arith.muli %sub3A_6, %mul3A_363 : i32
      %add3A_365 = arith.constant 26 : i32
      %add3A_366 = arith.addi %mul3A_364, %add3A_365 : i32
      %get3A_367 = arith.index_cast %add3A_366 : i32 to index
      %get3A_368 = memref.load %arg4[%get3A_367] : memref<4096xi32, #tpu.memory_space<smem>>
      %get3A_369 = arith.constant 26 : index
      %get3A_370 = arith.constant 0 : index
      %get3A_371 = vector.load %arg10[%get3A_369, %get3A_370] : memref<256x128xf32, #tpu.memory_space<vmem>>, vector<1x100xf32>
      %swap3A_372 = arith.index_cast %get3A_368 : i32 to index
      %swap3A_373 = arith.constant 0 : index
      %swap3A_374 = vector.load %arg8[%swap3A_372, %swap3A_373] : memref<4096x100xf32, #tpu.memory_space<vmem>>, vector<1x100xf32>
      tpu.vector_store %arg8[%swap3A_372, %swap3A_373], %get3A_371 {strides = array<i32>} : memref<4096x100xf32, #tpu.memory_space<vmem>>, vector<1x100xf32>,
      %mul3A_375 = arith.constant 256 : i32
      %mul3A_376 = arith.muli %sub3A_6, %mul3A_375 : i32
      %add3A_377 = arith.constant 27 : i32
      %add3A_378 = arith.addi %mul3A_376, %add3A_377 : i32
      %get3A_379 = arith.index_cast %add3A_378 : i32 to index
      %get3A_380 = memref.load %arg4[%get3A_379] : memref<4096xi32, #tpu.memory_space<smem>>
      %get3A_381 = arith.constant 27 : index
      %get3A_382 = arith.constant 0 : index
      %get3A_383 = vector.load %arg10[%get3A_381, %get3A_382] : memref<256x128xf32, #tpu.memory_space<vmem>>, vector<1x100xf32>
      %swap3A_384 = arith.index_cast %get3A_380 : i32 to index
      %swap3A_385 = arith.constant 0 : index
      %swap3A_386 = vector.load %arg8[%swap3A_384, %swap3A_385] : memref<4096x100xf32, #tpu.memory_space<vmem>>, vector<1x100xf32>
      tpu.vector_store %arg8[%swap3A_384, %swap3A_385], %get3A_383 {strides = array<i32>} : memref<4096x100xf32, #tpu.memory_space<vmem>>, vector<1x100xf32>,
      %mul3A_387 = arith.constant 256 : i32
      %mul3A_388 = arith.muli %sub3A_6, %mul3A_387 : i32
      %add3A_389 = arith.constant 28 : i32
      %add3A_390 = arith.addi %mul3A_388, %add3A_389 : i32
      %get3A_391 = arith.index_cast %add3A_390 : i32 to index
      %get3A_392 = memref.load %arg4[%get3A_391] : memref<4096xi32, #tpu.memory_space<smem>>
      %get3A_393 = arith.constant 28 : index
      %get3A_394 = arith.constant 0 : index
      %get3A_395 = vector.load %arg10[%get3A_393, %get3A_394] : memref<256x128xf32, #tpu.memory_space<vmem>>, vector<1x100xf32>
      %swap3A_396 = arith.index_cast %get3A_392 : i32 to index
      %swap3A_397 = arith.constant 0 : index
      %swap3A_398 = vector.load %arg8[%swap3A_396, %swap3A_397] : memref<4096x100xf32, #tpu.memory_space<vmem>>, vector<1x100xf32>
      tpu.vector_store %arg8[%swap3A_396, %swap3A_397], %get3A_395 {strides = array<i32>} : memref<4096x100xf32, #tpu.memory_space<vmem>>, vector<1x100xf32>,
      %mul3A_399 = arith.constant 256 : i32
      %mul3A_400 = arith.muli %sub3A_6, %mul3A_399 : i32
      %add3A_401 = arith.constant 29 : i32
      %add3A_402 = arith.addi %mul3A_400, %add3A_401 : i32
      %get3A_403 = arith.index_cast %add3A_402 : i32 to index
      %get3A_404 = memref.load %arg4[%get3A_403] : memref<4096xi32, #tpu.memory_space<smem>>
      %get3A_405 = arith.constant 29 : index
      %get3A_406 = arith.constant 0 : index
      %get3A_407 = vector.load %arg10[%get3A_405, %get3A_406] : memref<256x128xf32, #tpu.memory_space<vmem>>, vector<1x100xf32>
      %swap3A_408 = arith.index_cast %get3A_404 : i32 to index
      %swap3A_409 = arith.constant 0 : index
      %swap3A_410 = vector.load %arg8[%swap3A_408, %swap3A_409] : memref<4096x100xf32, #tpu.memory_space<vmem>>, vector<1x100xf32>
      tpu.vector_store %arg8[%swap3A_408, %swap3A_409], %get3A_407 {strides = array<i32>} : memref<4096x100xf32, #tpu.memory_space<vmem>>, vector<1x100xf32>,
      %mul3A_411 = arith.constant 256 : i32
      %mul3A_412 = arith.muli %sub3A_6, %mul3A_411 : i32
      %add3A_413 = arith.constant 30 : i32
      %add3A_414 = arith.addi %mul3A_412, %add3A_413 : i32
      %get3A_415 = arith.index_cast %add3A_414 : i32 to index
      %get3A_416 = memref.load %arg4[%get3A_415] : memref<4096xi32, #tpu.memory_space<smem>>
      %get3A_417 = arith.constant 30 : index
      %get3A_418 = arith.constant 0 : index
      %get3A_419 = vector.load %arg10[%get3A_417, %get3A_418] : memref<256x128xf32, #tpu.memory_space<vmem>>, vector<1x100xf32>
      %swap3A_420 = arith.index_cast %get3A_416 : i32 to index
      %swap3A_421 = arith.constant 0 : index
      %swap3A_422 = vector.load %arg8[%swap3A_420, %swap3A_421] : memref<4096x100xf32, #tpu.memory_space<vmem>>, vector<1x100xf32>
      tpu.vector_store %arg8[%swap3A_420, %swap3A_421], %get3A_419 {strides = array<i32>} : memref<4096x100xf32, #tpu.memory_space<vmem>>, vector<1x100xf32>,
      %mul3A_423 = arith.constant 256 : i32
      %mul3A_424 = arith.muli %sub3A_6, %mul3A_423 : i32
      %add3A_425 = arith.constant 31 : i32
      %add3A_426 = arith.addi %mul3A_424, %add3A_425 : i32
      %get3A_427 = arith.index_cast %add3A_426 : i32 to index
      %get3A_428 = memref.load %arg4[%get3A_427] : memref<4096xi32, #tpu.memory_space<smem>>
      %get3A_429 = arith.constant 31 : index
      %get3A_430 = arith.constant 0 : index
      %get3A_431 = vector.load %arg10[%get3A_429, %get3A_430] : memref<256x128xf32, #tpu.memory_space<vmem>>, vector<1x100xf32>
      %swap3A_432 = arith.index_cast %get3A_428 : i32 to index
      %swap3A_433 = arith.constant 0 : index
      %swap3A_434 = vector.load %arg8[%swap3A_432, %swap3A_433] : memref<4096x100xf32, #tpu.memory_space<vmem>>, vector<1x100xf32>
      tpu.vector_store %arg8[%swap3A_432, %swap3A_433], %get3A_431 {strides = array<i32>} : memref<4096x100xf32, #tpu.memory_space<vmem>>, vector<1x100xf32>,
      %mul3A_435 = arith.constant 256 : i32
      %mul3A_436 = arith.muli %sub3A_6, %mul3A_435 : i32
      %add3A_437 = arith.constant 32 : i32
      %add3A_438 = arith.addi %mul3A_436, %add3A_437 : i32
      %get3A_439 = arith.index_cast %add3A_438 : i32 to index
      %get3A_440 = memref.load %arg4[%get3A_439] : memref<4096xi32, #tpu.memory_space<smem>>
      %get3A_441 = arith.constant 32 : index
      %get3A_442 = arith.constant 0 : index
      %get3A_443 = vector.load %arg10[%get3A_441, %get3A_442] : memref<256x128xf32, #tpu.memory_space<vmem>>, vector<1x100xf32>
      %swap3A_444 = arith.index_cast %get3A_440 : i32 to index
      %swap3A_445 = arith.constant 0 : index
      %swap3A_446 = vector.load %arg8[%swap3A_444, %swap3A_445] : memref<4096x100xf32, #tpu.memory_space<vmem>>, vector<1x100xf32>
      tpu.vector_store %arg8[%swap3A_444, %swap3A_445], %get3A_443 {strides = array<i32>} : memref<4096x100xf32, #tpu.memory_space<vmem>>, vector<1x100xf32>,
      %mul3A_447 = arith.constant 256 : i32
      %mul3A_448 = arith.muli %sub3A_6, %mul3A_447 : i32
      %add3A_449 = arith.constant 33 : i32
      %add3A_450 = arith.addi %mul3A_448, %add3A_449 : i32
      %get3A_451 = arith.index_cast %add3A_450 : i32 to index
      %get3A_452 = memref.load %arg4[%get3A_451] : memref<4096xi32, #tpu.memory_space<smem>>
      %get3A_453 = arith.constant 33 : index
      %get3A_454 = arith.constant 0 : index
      %get3A_455 = vector.load %arg10[%get3A_453, %get3A_454] : memref<256x128xf32, #tpu.memory_space<vmem>>, vector<1x100xf32>
      %swap3A_456 = arith.index_cast %get3A_452 : i32 to index
      %swap3A_457 = arith.constant 0 : index
      %swap3A_458 = vector.load %arg8[%swap3A_456, %swap3A_457] : memref<4096x100xf32, #tpu.memory_space<vmem>>, vector<1x100xf32>
      tpu.vector_store %arg8[%swap3A_456, %swap3A_457], %get3A_455 {strides = array<i32>} : memref<4096x100xf32, #tpu.memory_space<vmem>>, vector<1x100xf32>,
      %mul3A_459 = arith.constant 256 : i32
      %mul3A_460 = arith.muli %sub3A_6, %mul3A_459 : i32
      %add3A_461 = arith.constant 34 : i32
      %add3A_462 = arith.addi %mul3A_460, %add3A_461 : i32
      %get3A_463 = arith.index_cast %add3A_462 : i32 to index
      %get3A_464 = memref.load %arg4[%get3A_463] : memref<4096xi32, #tpu.memory_space<smem>>
      %get3A_465 = arith.constant 34 : index
      %get3A_466 = arith.constant 0 : index
      %get3A_467 = vector.load %arg10[%get3A_465, %get3A_466] : memref<256x128xf32, #tpu.memory_space<vmem>>, vector<1x100xf32>
      %swap3A_468 = arith.index_cast %get3A_464 : i32 to index
      %swap3A_469 = arith.constant 0 : index
      %swap3A_470 = vector.load %arg8[%swap3A_468, %swap3A_469] : memref<4096x100xf32, #tpu.memory_space<vmem>>, vector<1x100xf32>
      tpu.vector_store %arg8[%swap3A_468, %swap3A_469], %get3A_467 {strides = array<i32>} : memref<4096x100xf32, #tpu.memory_space<vmem>>, vector<1x100xf32>,
      %mul3A_471 = arith.constant 256 : i32
      %mul3A_472 = arith.muli %sub3A_6, %mul3A_471 : i32
      %add3A_473 = arith.constant 35 : i32
      %add3A_474 = arith.addi %mul3A_472, %add3A_473 : i32
      %get3A_475 = arith.index_cast %add3A_474 : i32 to index
      %get3A_476 = memref.load %arg4[%get3A_475] : memref<4096xi32, #tpu.memory_space<smem>>
      %get3A_477 = arith.constant 35 : index
      %get3A_478 = arith.constant 0 : index
      %get3A_479 = vector.load %arg10[%get3A_477, %get3A_478] : memref<256x128xf32, #tpu.memory_space<vmem>>, vector<1x100xf32>
      %swap3A_480 = arith.index_cast %get3A_476 : i32 to index
      %swap3A_481 = arith.constant 0 : index
      %swap3A_482 = vector.load %arg8[%swap3A_480, %swap3A_481] : memref<4096x100xf32, #tpu.memory_space<vmem>>, vector<1x100xf32>
      tpu.vector_store %arg8[%swap3A_480, %swap3A_481], %get3A_479 {strides = array<i32>} : memref<4096x100xf32, #tpu.memory_space<vmem>>, vector<1x100xf32>,
      %mul3A_483 = arith.constant 256 : i32
      %mul3A_484 = arith.muli %sub3A_6, %mul3A_483 : i32
      %add3A_485 = arith.constant 36 : i32
      %add3A_486 = arith.addi %mul3A_484, %add3A_485 : i32
      %get3A_487 = arith.index_cast %add3A_486 : i32 to index
      %get3A_488 = memref.load %arg4[%get3A_487] : memref<4096xi32, #tpu.memory_space<smem>>
      %get3A_489 = arith.constant 36 : index
      %get3A_490 = arith.constant 0 : index
      %get3A_491 = vector.load %arg10[%get3A_489, %get3A_490] : memref<256x128xf32, #tpu.memory_space<vmem>>, vector<1x100xf32>
      %swap3A_492 = arith.index_cast %get3A_488 : i32 to index
      %swap3A_493 = arith.constant 0 : index
      %swap3A_494 = vector.load %arg8[%swap3A_492, %swap3A_493] : memref<4096x100xf32, #tpu.memory_space<vmem>>, vector<1x100xf32>
      tpu.vector_store %arg8[%swap3A_492, %swap3A_493], %get3A_491 {strides = array<i32>} : memref<4096x100xf32, #tpu.memory_space<vmem>>, vector<1x100xf32>,
      %mul3A_495 = arith.constant 256 : i32
      %mul3A_496 = arith.muli %sub3A_6, %mul3A_495 : i32
      %add3A_497 = arith.constant 37 : i32
      %add3A_498 = arith.addi %mul3A_496, %add3A_497 : i32
      %get3A_499 = arith.index_cast %add3A_498 : i32 to index
      %get3A_500 = memref.load %arg4[%get3A_499] : memref<4096xi32, #tpu.memory_space<smem>>
      %get3A_501 = arith.constant 37 : index
      %get3A_502 = arith.constant 0 : index
      %get3A_503 = vector.load %arg10[%get3A_501, %get3A_502] : memref<256x128xf32, #tpu.memory_space<vmem>>, vector<1x100xf32>
      %swap3A_504 = arith.index_cast %get3A_500 : i32 to index
      %swap3A_505 = arith.constant 0 : index
      %swap3A_506 = vector.load %arg8[%swap3A_504, %swap3A_505] : memref<4096x100xf32, #tpu.memory_space<vmem>>, vector<1x100xf32>
      tpu.vector_store %arg8[%swap3A_504, %swap3A_505], %get3A_503 {strides = array<i32>} : memref<4096x100xf32, #tpu.memory_space<vmem>>, vector<1x100xf32>,
      %mul3A_507 = arith.constant 256 : i32
      %mul3A_508 = arith.muli %sub3A_6, %mul3A_507 : i32
      %add3A_509 = arith.constant 38 : i32
      %add3A_510 = arith.addi %mul3A_508, %add3A_509 : i32
      %get3A_511 = arith.index_cast %add3A_510 : i32 to index
      %get3A_512 = memref.load %arg4[%get3A_511] : memref<4096xi32, #tpu.memory_space<smem>>
      %get3A_513 = arith.constant 38 : index
      %get3A_514 = arith.constant 0 : index
      %get3A_515 = vector.load %arg10[%get3A_513, %get3A_514] : memref<256x128xf32, #tpu.memory_space<vmem>>, vector<1x100xf32>
      %swap3A_516 = arith.index_cast %get3A_512 : i32 to index
      %swap3A_517 = arith.constant 0 : index
      %swap3A_518 = vector.load %arg8[%swap3A_516, %swap3A_517] : memref<4096x100xf32, #tpu.memory_space<vmem>>, vector<1x100xf32>
      tpu.vector_store %arg8[%swap3A_516, %swap3A_517], %get3A_515 {strides = array<i32>} : memref<4096x100xf32, #tpu.memory_space<vmem>>, vector<1x100xf32>,
      %mul3A_519 = arith.constant 256 : i32
      %mul3A_520 = arith.muli %sub3A_6, %mul3A_519 : i32
      %add3A_521 = arith.constant 39 : i32
      %add3A_522 = arith.addi %mul3A_520, %add3A_521 : i32
      %get3A_523 = arith.index_cast %add3A_522 : i32 to index
      %get3A_524 = memref.load %arg4[%get3A_523] : memref<4096xi32, #tpu.memory_space<smem>>
      %get3A_525 = arith.constant 39 : index
      %get3A_526 = arith.constant 0 : index
      %get3A_527 = vector.load %arg10[%get3A_525, %get3A_526] : memref<256x128xf32, #tpu.memory_space<vmem>>, vector<1x100xf32>
      %swap3A_528 = arith.index_cast %get3A_524 : i32 to index
      %swap3A_529 = arith.constant 0 : index
      %swap3A_530 = vector.load %arg8[%swap3A_528, %swap3A_529] : memref<4096x100xf32, #tpu.memory_space<vmem>>, vector<1x100xf32>
      tpu.vector_store %arg8[%swap3A_528, %swap3A_529], %get3A_527 {strides = array<i32>} : memref<4096x100xf32, #tpu.memory_space<vmem>>, vector<1x100xf32>,
      %mul3A_531 = arith.constant 256 : i32
      %mul3A_532 = arith.muli %sub3A_6, %mul3A_531 : i32
      %add3A_533 = arith.constant 40 : i32
      %add3A_534 = arith.addi %mul3A_532, %add3A_533 : i32
      %get3A_535 = arith.index_cast %add3A_534 : i32 to index
      %get3A_536 = memref.load %arg4[%get3A_535] : memref<4096xi32, #tpu.memory_space<smem>>
      %get3A_537 = arith.constant 40 : index
      %get3A_538 = arith.constant 0 : index
      %get3A_539 = vector.load %arg10[%get3A_537, %get3A_538] : memref<256x128xf32, #tpu.memory_space<vmem>>, vector<1x100xf32>
      %swap3A_540 = arith.index_cast %get3A_536 : i32 to index
      %swap3A_541 = arith.constant 0 : index
      %swap3A_542 = vector.load %arg8[%swap3A_540, %swap3A_541] : memref<4096x100xf32, #tpu.memory_space<vmem>>, vector<1x100xf32>
      tpu.vector_store %arg8[%swap3A_540, %swap3A_541], %get3A_539 {strides = array<i32>} : memref<4096x100xf32, #tpu.memory_space<vmem>>, vector<1x100xf32>,
      %mul3A_543 = arith.constant 256 : i32
      %mul3A_544 = arith.muli %sub3A_6, %mul3A_543 : i32
      %add3A_545 = arith.constant 41 : i32
      %add3A_546 = arith.addi %mul3A_544, %add3A_545 : i32
      %get3A_547 = arith.index_cast %add3A_546 : i32 to index
      %get3A_548 = memref.load %arg4[%get3A_547] : memref<4096xi32, #tpu.memory_space<smem>>
      %get3A_549 = arith.constant 41 : index
      %get3A_550 = arith.constant 0 : index
      %get3A_551 = vector.load %arg10[%get3A_549, %get3A_550] : memref<256x128xf32, #tpu.memory_space<vmem>>, vector<1x100xf32>
      %swap3A_552 = arith.index_cast %get3A_548 : i32 to index
      %swap3A_553 = arith.constant 0 : index
      %swap3A_554 = vector.load %arg8[%swap3A_552, %swap3A_553] : memref<4096x100xf32, #tpu.memory_space<vmem>>, vector<1x100xf32>
      tpu.vector_store %arg8[%swap3A_552, %swap3A_553], %get3A_551 {strides = array<i32>} : memref<4096x100xf32, #tpu.memory_space<vmem>>, vector<1x100xf32>,
      %mul3A_555 = arith.constant 256 : i32
      %mul3A_556 = arith.muli %sub3A_6, %mul3A_555 : i32
      %add3A_557 = arith.constant 42 : i32
      %add3A_558 = arith.addi %mul3A_556, %add3A_557 : i32
      %get3A_559 = arith.index_cast %add3A_558 : i32 to index
      %get3A_560 = memref.load %arg4[%get3A_559] : memref<4096xi32, #tpu.memory_space<smem>>
      %get3A_561 = arith.constant 42 : index
      %get3A_562 = arith.constant 0 : index
      %get3A_563 = vector.load %arg10[%get3A_561, %get3A_562] : memref<256x128xf32, #tpu.memory_space<vmem>>, vector<1x100xf32>
      %swap3A_564 = arith.index_cast %get3A_560 : i32 to index
      %swap3A_565 = arith.constant 0 : index
      %swap3A_566 = vector.load %arg8[%swap3A_564, %swap3A_565] : memref<4096x100xf32, #tpu.memory_space<vmem>>, vector<1x100xf32>
      tpu.vector_store %arg8[%swap3A_564, %swap3A_565], %get3A_563 {strides = array<i32>} : memref<4096x100xf32, #tpu.memory_space<vmem>>, vector<1x100xf32>,
      %mul3A_567 = arith.constant 256 : i32
      %mul3A_568 = arith.muli %sub3A_6, %mul3A_567 : i32
      %add3A_569 = arith.constant 43 : i32
      %add3A_570 = arith.addi %mul3A_568, %add3A_569 : i32
      %get3A_571 = arith.index_cast %add3A_570 : i32 to index
      %get3A_572 = memref.load %arg4[%get3A_571] : memref<4096xi32, #tpu.memory_space<smem>>
      %get3A_573 = arith.constant 43 : index
      %get3A_574 = arith.constant 0 : index
      %get3A_575 = vector.load %arg10[%get3A_573, %get3A_574] : memref<256x128xf32, #tpu.memory_space<vmem>>, vector<1x100xf32>
      %swap3A_576 = arith.index_cast %get3A_572 : i32 to index
      %swap3A_577 = arith.constant 0 : index
      %swap3A_578 = vector.load %arg8[%swap3A_576, %swap3A_577] : memref<4096x100xf32, #tpu.memory_space<vmem>>, vector<1x100xf32>
      tpu.vector_store %arg8[%swap3A_576, %swap3A_577], %get3A_575 {strides = array<i32>} : memref<4096x100xf32, #tpu.memory_space<vmem>>, vector<1x100xf32>,
      %mul3A_579 = arith.constant 256 : i32
      %mul3A_580 = arith.muli %sub3A_6, %mul3A_579 : i32
      %add3A_581 = arith.constant 44 : i32
      %add3A_582 = arith.addi %mul3A_580, %add3A_581 : i32
      %get3A_583 = arith.index_cast %add3A_582 : i32 to index
      %get3A_584 = memref.load %arg4[%get3A_583] : memref<4096xi32, #tpu.memory_space<smem>>
      %get3A_585 = arith.constant 44 : index
      %get3A_586 = arith.constant 0 : index
      %get3A_587 = vector.load %arg10[%get3A_585, %get3A_586] : memref<256x128xf32, #tpu.memory_space<vmem>>, vector<1x100xf32>
      %swap3A_588 = arith.index_cast %get3A_584 : i32 to index
      %swap3A_589 = arith.constant 0 : index
      %swap3A_590 = vector.load %arg8[%swap3A_588, %swap3A_589] : memref<4096x100xf32, #tpu.memory_space<vmem>>, vector<1x100xf32>
      tpu.vector_store %arg8[%swap3A_588, %swap3A_589], %get3A_587 {strides = array<i32>} : memref<4096x100xf32, #tpu.memory_space<vmem>>, vector<1x100xf32>,
      %mul3A_591 = arith.constant 256 : i32
      %mul3A_592 = arith.muli %sub3A_6, %mul3A_591 : i32
      %add3A_593 = arith.constant 45 : i32
      %add3A_594 = arith.addi %mul3A_592, %add3A_593 : i32
      %get3A_595 = arith.index_cast %add3A_594 : i32 to index
      %get3A_596 = memref.load %arg4[%get3A_595] : memref<4096xi32, #tpu.memory_space<smem>>
      %get3A_597 = arith.constant 45 : index
      %get3A_598 = arith.constant 0 : index
      %get3A_599 = vector.load %arg10[%get3A_597, %get3A_598] : memref<256x128xf32, #tpu.memory_space<vmem>>, vector<1x100xf32>
      %swap3A_600 = arith.index_cast %get3A_596 : i32 to index
      %swap3A_601 = arith.constant 0 : index
      %swap3A_602 = vector.load %arg8[%swap3A_600, %swap3A_601] : memref<4096x100xf32, #tpu.memory_space<vmem>>, vector<1x100xf32>
      tpu.vector_store %arg8[%swap3A_600, %swap3A_601], %get3A_599 {strides = array<i32>} : memref<4096x100xf32, #tpu.memory_space<vmem>>, vector<1x100xf32>,
      %mul3A_603 = arith.constant 256 : i32
      %mul3A_604 = arith.muli %sub3A_6, %mul3A_603 : i32
      %add3A_605 = arith.constant 46 : i32
      %add3A_606 = arith.addi %mul3A_604, %add3A_605 : i32
      %get3A_607 = arith.index_cast %add3A_606 : i32 to index
      %get3A_608 = memref.load %arg4[%get3A_607] : memref<4096xi32, #tpu.memory_space<smem>>
      %get3A_609 = arith.constant 46 : index
      %get3A_610 = arith.constant 0 : index
      %get3A_611 = vector.load %arg10[%get3A_609, %get3A_610] : memref<256x128xf32, #tpu.memory_space<vmem>>, vector<1x100xf32>
      %swap3A_612 = arith.index_cast %get3A_608 : i32 to index
      %swap3A_613 = arith.constant 0 : index
      %swap3A_614 = vector.load %arg8[%swap3A_612, %swap3A_613] : memref<4096x100xf32, #tpu.memory_space<vmem>>, vector<1x100xf32>
      tpu.vector_store %arg8[%swap3A_612, %swap3A_613], %get3A_611 {strides = array<i32>} : memref<4096x100xf32, #tpu.memory_space<vmem>>, vector<1x100xf32>,
      %mul3A_615 = arith.constant 256 : i32
      %mul3A_616 = arith.muli %sub3A_6, %mul3A_615 : i32
      %add3A_617 = arith.constant 47 : i32
      %add3A_618 = arith.addi %mul3A_616, %add3A_617 : i32
      %get3A_619 = arith.index_cast %add3A_618 : i32 to index
      %get3A_620 = memref.load %arg4[%get3A_619] : memref<4096xi32, #tpu.memory_space<smem>>
      %get3A_621 = arith.constant 47 : index
      %get3A_622 = arith.constant 0 : index
      %get3A_623 = vector.load %arg10[%get3A_621, %get3A_622] : memref<256x128xf32, #tpu.memory_space<vmem>>, vector<1x100xf32>
      %swap3A_624 = arith.index_cast %get3A_620 : i32 to index
      %swap3A_625 = arith.constant 0 : index
      %swap3A_626 = vector.load %arg8[%swap3A_624, %swap3A_625] : memref<4096x100xf32, #tpu.memory_space<vmem>>, vector<1x100xf32>
      tpu.vector_store %arg8[%swap3A_624, %swap3A_625], %get3A_623 {strides = array<i32>} : memref<4096x100xf32, #tpu.memory_space<vmem>>, vector<1x100xf32>,
      %mul3A_627 = arith.constant 256 : i32
      %mul3A_628 = arith.muli %sub3A_6, %mul3A_627 : i32
      %add3A_629 = arith.constant 48 : i32
      %add3A_630 = arith.addi %mul3A_628, %add3A_629 : i32
      %get3A_631 = arith.index_cast %add3A_630 : i32 to index
      %get3A_632 = memref.load %arg4[%get3A_631] : memref<4096xi32, #tpu.memory_space<smem>>
      %get3A_633 = arith.constant 48 : index
      %get3A_634 = arith.constant 0 : index
      %get3A_635 = vector.load %arg10[%get3A_633, %get3A_634] : memref<256x128xf32, #tpu.memory_space<vmem>>, vector<1x100xf32>
      %swap3A_636 = arith.index_cast %get3A_632 : i32 to index
      %swap3A_637 = arith.constant 0 : index
      %swap3A_638 = vector.load %arg8[%swap3A_636, %swap3A_637] : memref<4096x100xf32, #tpu.memory_space<vmem>>, vector<1x100xf32>
      tpu.vector_store %arg8[%swap3A_636, %swap3A_637], %get3A_635 {strides = array<i32>} : memref<4096x100xf32, #tpu.memory_space<vmem>>, vector<1x100xf32>,
      %mul3A_639 = arith.constant 256 : i32
      %mul3A_640 = arith.muli %sub3A_6, %mul3A_639 : i32
      %add3A_641 = arith.constant 49 : i32
      %add3A_642 = arith.addi %mul3A_640, %add3A_641 : i32
      %get3A_643 = arith.index_cast %add3A_642 : i32 to index
      %get3A_644 = memref.load %arg4[%get3A_643] : memref<4096xi32, #tpu.memory_space<smem>>
      %get3A_645 = arith.constant 49 : index
      %get3A_646 = arith.constant 0 : index
      %get3A_647 = vector.load %arg10[%get3A_645, %get3A_646] : memref<256x128xf32, #tpu.memory_space<vmem>>, vector<1x100xf32>
      %swap3A_648 = arith.index_cast %get3A_644 : i32 to index
      %swap3A_649 = arith.constant 0 : index
      %swap3A_650 = vector.load %arg8[%swap3A_648, %swap3A_649] : memref<4096x100xf32, #tpu.memory_space<vmem>>, vector<1x100xf32>
      tpu.vector_store %arg8[%swap3A_648, %swap3A_649], %get3A_647 {strides = array<i32>} : memref<4096x100xf32, #tpu.memory_space<vmem>>, vector<1x100xf32>,
      %mul3A_651 = arith.constant 256 : i32
      %mul3A_652 = arith.muli %sub3A_6, %mul3A_651 : i32
      %add3A_653 = arith.constant 50 : i32
      %add3A_654 = arith.addi %mul3A_652, %add3A_653 : i32
      %get3A_655 = arith.index_cast %add3A_654 : i32 to index
      %get3A_656 = memref.load %arg4[%get3A_655] : memref<4096xi32, #tpu.memory_space<smem>>
      %get3A_657 = arith.constant 50 : index
      %get3A_658 = arith.constant 0 : index
      %get3A_659 = vector.load %arg10[%get3A_657, %get3A_658] : memref<256x128xf32, #tpu.memory_space<vmem>>, vector<1x100xf32>
      %swap3A_660 = arith.index_cast %get3A_656 : i32 to index
      %swap3A_661 = arith.constant 0 : index
      %swap3A_662 = vector.load %arg8[%swap3A_660, %swap3A_661] : memref<4096x100xf32, #tpu.memory_space<vmem>>, vector<1x100xf32>
      tpu.vector_store %arg8[%swap3A_660, %swap3A_661], %get3A_659 {strides = array<i32>} : memref<4096x100xf32, #tpu.memory_space<vmem>>, vector<1x100xf32>,
      %mul3A_663 = arith.constant 256 : i32
      %mul3A_664 = arith.muli %sub3A_6, %mul3A_663 : i32
      %add3A_665 = arith.constant 51 : i32
      %add3A_666 = arith.addi %mul3A_664, %add3A_665 : i32
      %get3A_667 = arith.index_cast %add3A_666 : i32 to index
      %get3A_668 = memref.load %arg4[%get3A_667] : memref<4096xi32, #tpu.memory_space<smem>>
      %get3A_669 = arith.constant 51 : index
      %get3A_670 = arith.constant 0 : index
      %get3A_671 = vector.load %arg10[%get3A_669, %get3A_670] : memref<256x128xf32, #tpu.memory_space<vmem>>, vector<1x100xf32>
      %swap3A_672 = arith.index_cast %get3A_668 : i32 to index
      %swap3A_673 = arith.constant 0 : index
      %swap3A_674 = vector.load %arg8[%swap3A_672, %swap3A_673] : memref<4096x100xf32, #tpu.memory_space<vmem>>, vector<1x100xf32>
      tpu.vector_store %arg8[%swap3A_672, %swap3A_673], %get3A_671 {strides = array<i32>} : memref<4096x100xf32, #tpu.memory_space<vmem>>, vector<1x100xf32>,
      %mul3A_675 = arith.constant 256 : i32
      %mul3A_676 = arith.muli %sub3A_6, %mul3A_675 : i32
      %add3A_677 = arith.constant 52 : i32
      %add3A_678 = arith.addi %mul3A_676, %add3A_677 : i32
      %get3A_679 = arith.index_cast %add3A_678 : i32 to index
      %get3A_680 = memref.load %arg4[%get3A_679] : memref<4096xi32, #tpu.memory_space<smem>>
      %get3A_681 = arith.constant 52 : index
      %get3A_682 = arith.constant 0 : index
      %get3A_683 = vector.load %arg10[%get3A_681, %get3A_682] : memref<256x128xf32, #tpu.memory_space<vmem>>, vector<1x100xf32>
      %swap3A_684 = arith.index_cast %get3A_680 : i32 to index
      %swap3A_685 = arith.constant 0 : index
      %swap3A_686 = vector.load %arg8[%swap3A_684, %swap3A_685] : memref<4096x100xf32, #tpu.memory_space<vmem>>, vector<1x100xf32>
      tpu.vector_store %arg8[%swap3A_684, %swap3A_685], %get3A_683 {strides = array<i32>} : memref<4096x100xf32, #tpu.memory_space<vmem>>, vector<1x100xf32>,
      %mul3A_687 = arith.constant 256 : i32
      %mul3A_688 = arith.muli %sub3A_6, %mul3A_687 : i32
      %add3A_689 = arith.constant 53 : i32
      %add3A_690 = arith.addi %mul3A_688, %add3A_689 : i32
      %get3A_691 = arith.index_cast %add3A_690 : i32 to index
      %get3A_692 = memref.load %arg4[%get3A_691] : memref<4096xi32, #tpu.memory_space<smem>>
      %get3A_693 = arith.constant 53 : index
      %get3A_694 = arith.constant 0 : index
      %get3A_695 = vector.load %arg10[%get3A_693, %get3A_694] : memref<256x128xf32, #tpu.memory_space<vmem>>, vector<1x100xf32>
      %swap3A_696 = arith.index_cast %get3A_692 : i32 to index
      %swap3A_697 = arith.constant 0 : index
      %swap3A_698 = vector.load %arg8[%swap3A_696, %swap3A_697] : memref<4096x100xf32, #tpu.memory_space<vmem>>, vector<1x100xf32>
      tpu.vector_store %arg8[%swap3A_696, %swap3A_697], %get3A_695 {strides = array<i32>} : memref<4096x100xf32, #tpu.memory_space<vmem>>, vector<1x100xf32>,
      %mul3A_699 = arith.constant 256 : i32
      %mul3A_700 = arith.muli %sub3A_6, %mul3A_699 : i32
      %add3A_701 = arith.constant 54 : i32
      %add3A_702 = arith.addi %mul3A_700, %add3A_701 : i32
      %get3A_703 = arith.index_cast %add3A_702 : i32 to index
      %get3A_704 = memref.load %arg4[%get3A_703] : memref<4096xi32, #tpu.memory_space<smem>>
      %get3A_705 = arith.constant 54 : index
      %get3A_706 = arith.constant 0 : index
      %get3A_707 = vector.load %arg10[%get3A_705, %get3A_706] : memref<256x128xf32, #tpu.memory_space<vmem>>, vector<1x100xf32>
      %swap3A_708 = arith.index_cast %get3A_704 : i32 to index
      %swap3A_709 = arith.constant 0 : index
      %swap3A_710 = vector.load %arg8[%swap3A_708, %swap3A_709] : memref<4096x100xf32, #tpu.memory_space<vmem>>, vector<1x100xf32>
      tpu.vector_store %arg8[%swap3A_708, %swap3A_709], %get3A_707 {strides = array<i32>} : memref<4096x100xf32, #tpu.memory_space<vmem>>, vector<1x100xf32>,
      %mul3A_711 = arith.constant 256 : i32
      %mul3A_712 = arith.muli %sub3A_6, %mul3A_711 : i32
      %add3A_713 = arith.constant 55 : i32
      %add3A_714 = arith.addi %mul3A_712, %add3A_713 : i32
      %get3A_715 = arith.index_cast %add3A_714 : i32 to index
      %get3A_716 = memref.load %arg4[%get3A_715] : memref<4096xi32, #tpu.memory_space<smem>>
      %get3A_717 = arith.constant 55 : index
      %get3A_718 = arith.constant 0 : index
      %get3A_719 = vector.load %arg10[%get3A_717, %get3A_718] : memref<256x128xf32, #tpu.memory_space<vmem>>, vector<1x100xf32>
      %swap3A_720 = arith.index_cast %get3A_716 : i32 to index
      %swap3A_721 = arith.constant 0 : index
      %swap3A_722 = vector.load %arg8[%swap3A_720, %swap3A_721] : memref<4096x100xf32, #tpu.memory_space<vmem>>, vector<1x100xf32>
      tpu.vector_store %arg8[%swap3A_720, %swap3A_721], %get3A_719 {strides = array<i32>} : memref<4096x100xf32, #tpu.memory_space<vmem>>, vector<1x100xf32>,
      %mul3A_723 = arith.constant 256 : i32
      %mul3A_724 = arith.muli %sub3A_6, %mul3A_723 : i32
      %add3A_725 = arith.constant 56 : i32
      %add3A_726 = arith.addi %mul3A_724, %add3A_725 : i32
      %get3A_727 = arith.index_cast %add3A_726 : i32 to index
      %get3A_728 = memref.load %arg4[%get3A_727] : memref<4096xi32, #tpu.memory_space<smem>>
      %get3A_729 = arith.constant 56 : index
      %get3A_730 = arith.constant 0 : index
      %get3A_731 = vector.load %arg10[%get3A_729, %get3A_730] : memref<256x128xf32, #tpu.memory_space<vmem>>, vector<1x100xf32>
      %swap3A_732 = arith.index_cast %get3A_728 : i32 to index
      %swap3A_733 = arith.constant 0 : index
      %swap3A_734 = vector.load %arg8[%swap3A_732, %swap3A_733] : memref<4096x100xf32, #tpu.memory_space<vmem>>, vector<1x100xf32>
      tpu.vector_store %arg8[%swap3A_732, %swap3A_733], %get3A_731 {strides = array<i32>} : memref<4096x100xf32, #tpu.memory_space<vmem>>, vector<1x100xf32>,
      %mul3A_735 = arith.constant 256 : i32
      %mul3A_736 = arith.muli %sub3A_6, %mul3A_735 : i32
      %add3A_737 = arith.constant 57 : i32
      %add3A_738 = arith.addi %mul3A_736, %add3A_737 : i32
      %get3A_739 = arith.index_cast %add3A_738 : i32 to index
      %get3A_740 = memref.load %arg4[%get3A_739] : memref<4096xi32, #tpu.memory_space<smem>>
      %get3A_741 = arith.constant 57 : index
      %get3A_742 = arith.constant 0 : index
      %get3A_743 = vector.load %arg10[%get3A_741, %get3A_742] : memref<256x128xf32, #tpu.memory_space<vmem>>, vector<1x100xf32>
      %swap3A_744 = arith.index_cast %get3A_740 : i32 to index
      %swap3A_745 = arith.constant 0 : index
      %swap3A_746 = vector.load %arg8[%swap3A_744, %swap3A_745] : memref<4096x100xf32, #tpu.memory_space<vmem>>, vector<1x100xf32>
      tpu.vector_store %arg8[%swap3A_744, %swap3A_745], %get3A_743 {strides = array<i32>} : memref<4096x100xf32, #tpu.memory_space<vmem>>, vector<1x100xf32>,
      %mul3A_747 = arith.constant 256 : i32
      %mul3A_748 = arith.muli %sub3A_6, %mul3A_747 : i32
      %add3A_749 = arith.constant 58 : i32
      %add3A_750 = arith.addi %mul3A_748, %add3A_749 : i32
      %get3A_751 = arith.index_cast %add3A_750 : i32 to index
      %get3A_752 = memref.load %arg4[%get3A_751] : memref<4096xi32, #tpu.memory_space<smem>>
      %get3A_753 = arith.constant 58 : index
      %get3A_754 = arith.constant 0 : index
      %get3A_755 = vector.load %arg10[%get3A_753, %get3A_754] : memref<256x128xf32, #tpu.memory_space<vmem>>, vector<1x100xf32>
      %swap3A_756 = arith.index_cast %get3A_752 : i32 to index
      %swap3A_757 = arith.constant 0 : index
      %swap3A_758 = vector.load %arg8[%swap3A_756, %swap3A_757] : memref<4096x100xf32, #tpu.memory_space<vmem>>, vector<1x100xf32>
      tpu.vector_store %arg8[%swap3A_756, %swap3A_757], %get3A_755 {strides = array<i32>} : memref<4096x100xf32, #tpu.memory_space<vmem>>, vector<1x100xf32>,
      %mul3A_759 = arith.constant 256 : i32
      %mul3A_760 = arith.muli %sub3A_6, %mul3A_759 : i32
      %add3A_761 = arith.constant 59 : i32
      %add3A_762 = arith.addi %mul3A_760, %add3A_761 : i32
      %get3A_763 = arith.index_cast %add3A_762 : i32 to index
      %get3A_764 = memref.load %arg4[%get3A_763] : memref<4096xi32, #tpu.memory_space<smem>>
      %get3A_765 = arith.constant 59 : index
      %get3A_766 = arith.constant 0 : index
      %get3A_767 = vector.load %arg10[%get3A_765, %get3A_766] : memref<256x128xf32, #tpu.memory_space<vmem>>, vector<1x100xf32>
      %swap3A_768 = arith.index_cast %get3A_764 : i32 to index
      %swap3A_769 = arith.constant 0 : index
      %swap3A_770 = vector.load %arg8[%swap3A_768, %swap3A_769] : memref<4096x100xf32, #tpu.memory_space<vmem>>, vector<1x100xf32>
      tpu.vector_store %arg8[%swap3A_768, %swap3A_769], %get3A_767 {strides = array<i32>} : memref<4096x100xf32, #tpu.memory_space<vmem>>, vector<1x100xf32>,
      %mul3A_771 = arith.constant 256 : i32
      %mul3A_772 = arith.muli %sub3A_6, %mul3A_771 : i32
      %add3A_773 = arith.constant 60 : i32
      %add3A_774 = arith.addi %mul3A_772, %add3A_773 : i32
      %get3A_775 = arith.index_cast %add3A_774 : i32 to index
      %get3A_776 = memref.load %arg4[%get3A_775] : memref<4096xi32, #tpu.memory_space<smem>>
      %get3A_777 = arith.constant 60 : index
      %get3A_778 = arith.constant 0 : index
      %get3A_779 = vector.load %arg10[%get3A_777, %get3A_778] : memref<256x128xf32, #tpu.memory_space<vmem>>, vector<1x100xf32>
      %swap3A_780 = arith.index_cast %get3A_776 : i32 to index
      %swap3A_781 = arith.constant 0 : index
      %swap3A_782 = vector.load %arg8[%swap3A_780, %swap3A_781] : memref<4096x100xf32, #tpu.memory_space<vmem>>, vector<1x100xf32>
      tpu.vector_store %arg8[%swap3A_780, %swap3A_781], %get3A_779 {strides = array<i32>} : memref<4096x100xf32, #tpu.memory_space<vmem>>, vector<1x100xf32>,
      %mul3A_783 = arith.constant 256 : i32
      %mul3A_784 = arith.muli %sub3A_6, %mul3A_783 : i32
      %add3A_785 = arith.constant 61 : i32
      %add3A_786 = arith.addi %mul3A_784, %add3A_785 : i32
      %get3A_787 = arith.index_cast %add3A_786 : i32 to index
      %get3A_788 = memref.load %arg4[%get3A_787] : memref<4096xi32, #tpu.memory_space<smem>>
      %get3A_789 = arith.constant 61 : index
      %get3A_790 = arith.constant 0 : index
      %get3A_791 = vector.load %arg10[%get3A_789, %get3A_790] : memref<256x128xf32, #tpu.memory_space<vmem>>, vector<1x100xf32>
      %swap3A_792 = arith.index_cast %get3A_788 : i32 to index
      %swap3A_793 = arith.constant 0 : index
      %swap3A_794 = vector.load %arg8[%swap3A_792, %swap3A_793] : memref<4096x100xf32, #tpu.memory_space<vmem>>, vector<1x100xf32>
      tpu.vector_store %arg8[%swap3A_792, %swap3A_793], %get3A_791 {strides = array<i32>} : memref<4096x100xf32, #tpu.memory_space<vmem>>, vector<1x100xf32>,
      %mul3A_795 = arith.constant 256 : i32
      %mul3A_796 = arith.muli %sub3A_6, %mul3A_795 : i32
      %add3A_797 = arith.constant 62 : i32
      %add3A_798 = arith.addi %mul3A_796, %add3A_797 : i32
      %get3A_799 = arith.index_cast %add3A_798 : i32 to index
      %get3A_800 = memref.load %arg4[%get3A_799] : memref<4096xi32, #tpu.memory_space<smem>>
      %get3A_801 = arith.constant 62 : index
      %get3A_802 = arith.constant 0 : index
      %get3A_803 = vector.load %arg10[%get3A_801, %get3A_802] : memref<256x128xf32, #tpu.memory_space<vmem>>, vector<1x100xf32>
      %swap3A_804 = arith.index_cast %get3A_800 : i32 to index
      %swap3A_805 = arith.constant 0 : index
      %swap3A_806 = vector.load %arg8[%swap3A_804, %swap3A_805] : memref<4096x100xf32, #tpu.memory_space<vmem>>, vector<1x100xf32>
      tpu.vector_store %arg8[%swap3A_804, %swap3A_805], %get3A_803 {strides = array<i32>} : memref<4096x100xf32, #tpu.memory_space<vmem>>, vector<1x100xf32>,
      %mul3A_807 = arith.constant 256 : i32
      %mul3A_808 = arith.muli %sub3A_6, %mul3A_807 : i32
      %add3A_809 = arith.constant 63 : i32
      %add3A_810 = arith.addi %mul3A_808, %add3A_809 : i32
      %get3A_811 = arith.index_cast %add3A_810 : i32 to index
      %get3A_812 = memref.load %arg4[%get3A_811] : memref<4096xi32, #tpu.memory_space<smem>>
      %get3A_813 = arith.constant 63 : index
      %get3A_814 = arith.constant 0 : index
      %get3A_815 = vector.load %arg10[%get3A_813, %get3A_814] : memref<256x128xf32, #tpu.memory_space<vmem>>, vector<1x100xf32>
      %swap3A_816 = arith.index_cast %get3A_812 : i32 to index
      %swap3A_817 = arith.constant 0 : index
      %swap3A_818 = vector.load %arg8[%swap3A_816, %swap3A_817] : memref<4096x100xf32, #tpu.memory_space<vmem>>, vector<1x100xf32>
      tpu.vector_store %arg8[%swap3A_816, %swap3A_817], %get3A_815 {strides = array<i32>} : memref<4096x100xf32, #tpu.memory_space<vmem>>, vector<1x100xf32>,
      %mul3A_819 = arith.constant 256 : i32
      %mul3A_820 = arith.muli %sub3A_6, %mul3A_819 : i32
      %add3A_821 = arith.constant 64 : i32
      %add3A_822 = arith.addi %mul3A_820, %add3A_821 : i32
      %get3A_823 = arith.index_cast %add3A_822 : i32 to index
      %get3A_824 = memref.load %arg4[%get3A_823] : memref<4096xi32, #tpu.memory_space<smem>>
      %get3A_825 = arith.constant 64 : index
      %get3A_826 = arith.constant 0 : index
      %get3A_827 = vector.load %arg10[%get3A_825, %get3A_826] : memref<256x128xf32, #tpu.memory_space<vmem>>, vector<1x100xf32>
      %swap3A_828 = arith.index_cast %get3A_824 : i32 to index
      %swap3A_829 = arith.constant 0 : index
      %swap3A_830 = vector.load %arg8[%swap3A_828, %swap3A_829] : memref<4096x100xf32, #tpu.memory_space<vmem>>, vector<1x100xf32>
      tpu.vector_store %arg8[%swap3A_828, %swap3A_829], %get3A_827 {strides = array<i32>} : memref<4096x100xf32, #tpu.memory_space<vmem>>, vector<1x100xf32>,
      %mul3A_831 = arith.constant 256 : i32
      %mul3A_832 = arith.muli %sub3A_6, %mul3A_831 : i32
      %add3A_833 = arith.constant 65 : i32
      %add3A_834 = arith.addi %mul3A_832, %add3A_833 : i32
      %get3A_835 = arith.index_cast %add3A_834 : i32 to index
      %get3A_836 = memref.load %arg4[%get3A_835] : memref<4096xi32, #tpu.memory_space<smem>>
      %get3A_837 = arith.constant 65 : index
      %get3A_838 = arith.constant 0 : index
      %get3A_839 = vector.load %arg10[%get3A_837, %get3A_838] : memref<256x128xf32, #tpu.memory_space<vmem>>, vector<1x100xf32>
      %swap3A_840 = arith.index_cast %get3A_836 : i32 to index
      %swap3A_841 = arith.constant 0 : index
      %swap3A_842 = vector.load %arg8[%swap3A_840, %swap3A_841] : memref<4096x100xf32, #tpu.memory_space<vmem>>, vector<1x100xf32>
      tpu.vector_store %arg8[%swap3A_840, %swap3A_841], %get3A_839 {strides = array<i32>} : memref<4096x100xf32, #tpu.memory_space<vmem>>, vector<1x100xf32>,
      %mul3A_843 = arith.constant 256 : i32
      %mul3A_844 = arith.muli %sub3A_6, %mul3A_843 : i32
      %add3A_845 = arith.constant 66 : i32
      %add3A_846 = arith.addi %mul3A_844, %add3A_845 : i32
      %get3A_847 = arith.index_cast %add3A_846 : i32 to index
      %get3A_848 = memref.load %arg4[%get3A_847] : memref<4096xi32, #tpu.memory_space<smem>>
      %get3A_849 = arith.constant 66 : index
      %get3A_850 = arith.constant 0 : index
      %get3A_851 = vector.load %arg10[%get3A_849, %get3A_850] : memref<256x128xf32, #tpu.memory_space<vmem>>, vector<1x100xf32>
      %swap3A_852 = arith.index_cast %get3A_848 : i32 to index
      %swap3A_853 = arith.constant 0 : index
      %swap3A_854 = vector.load %arg8[%swap3A_852, %swap3A_853] : memref<4096x100xf32, #tpu.memory_space<vmem>>, vector<1x100xf32>
      tpu.vector_store %arg8[%swap3A_852, %swap3A_853], %get3A_851 {strides = array<i32>} : memref<4096x100xf32, #tpu.memory_space<vmem>>, vector<1x100xf32>,
      %mul3A_855 = arith.constant 256 : i32
      %mul3A_856 = arith.muli %sub3A_6, %mul3A_855 : i32
      %add3A_857 = arith.constant 67 : i32
      %add3A_858 = arith.addi %mul3A_856, %add3A_857 : i32
      %get3A_859 = arith.index_cast %add3A_858 : i32 to index
      %get3A_860 = memref.load %arg4[%get3A_859] : memref<4096xi32, #tpu.memory_space<smem>>
      %get3A_861 = arith.constant 67 : index
      %get3A_862 = arith.constant 0 : index
      %get3A_863 = vector.load %arg10[%get3A_861, %get3A_862] : memref<256x128xf32, #tpu.memory_space<vmem>>, vector<1x100xf32>
      %swap3A_864 = arith.index_cast %get3A_860 : i32 to index
      %swap3A_865 = arith.constant 0 : index
      %swap3A_866 = vector.load %arg8[%swap3A_864, %swap3A_865] : memref<4096x100xf32, #tpu.memory_space<vmem>>, vector<1x100xf32>
      tpu.vector_store %arg8[%swap3A_864, %swap3A_865], %get3A_863 {strides = array<i32>} : memref<4096x100xf32, #tpu.memory_space<vmem>>, vector<1x100xf32>,
      %mul3A_867 = arith.constant 256 : i32
      %mul3A_868 = arith.muli %sub3A_6, %mul3A_867 : i32
      %add3A_869 = arith.constant 68 : i32
      %add3A_870 = arith.addi %mul3A_868, %add3A_869 : i32
      %get3A_871 = arith.index_cast %add3A_870 : i32 to index
      %get3A_872 = memref.load %arg4[%get3A_871] : memref<4096xi32, #tpu.memory_space<smem>>
      %get3A_873 = arith.constant 68 : index
      %get3A_874 = arith.constant 0 : index
      %get3A_875 = vector.load %arg10[%get3A_873, %get3A_874] : memref<256x128xf32, #tpu.memory_space<vmem>>, vector<1x100xf32>
      %swap3A_876 = arith.index_cast %get3A_872 : i32 to index
      %swap3A_877 = arith.constant 0 : index
      %swap3A_878 = vector.load %arg8[%swap3A_876, %swap3A_877] : memref<4096x100xf32, #tpu.memory_space<vmem>>, vector<1x100xf32>
      tpu.vector_store %arg8[%swap3A_876, %swap3A_877], %get3A_875 {strides = array<i32>} : memref<4096x100xf32, #tpu.memory_space<vmem>>, vector<1x100xf32>,
      %mul3A_879 = arith.constant 256 : i32
      %mul3A_880 = arith.muli %sub3A_6, %mul3A_879 : i32
      %add3A_881 = arith.constant 69 : i32
      %add3A_882 = arith.addi %mul3A_880, %add3A_881 : i32
      %get3A_883 = arith.index_cast %add3A_882 : i32 to index
      %get3A_884 = memref.load %arg4[%get3A_883] : memref<4096xi32, #tpu.memory_space<smem>>
      %get3A_885 = arith.constant 69 : index
      %get3A_886 = arith.constant 0 : index
      %get3A_887 = vector.load %arg10[%get3A_885, %get3A_886] : memref<256x128xf32, #tpu.memory_space<vmem>>, vector<1x100xf32>
      %swap3A_888 = arith.index_cast %get3A_884 : i32 to index
      %swap3A_889 = arith.constant 0 : index
      %swap3A_890 = vector.load %arg8[%swap3A_888, %swap3A_889] : memref<4096x100xf32, #tpu.memory_space<vmem>>, vector<1x100xf32>
      tpu.vector_store %arg8[%swap3A_888, %swap3A_889], %get3A_887 {strides = array<i32>} : memref<4096x100xf32, #tpu.memory_space<vmem>>, vector<1x100xf32>,
      %mul3A_891 = arith.constant 256 : i32
      %mul3A_892 = arith.muli %sub3A_6, %mul3A_891 : i32
      %add3A_893 = arith.constant 70 : i32
      %add3A_894 = arith.addi %mul3A_892, %add3A_893 : i32
      %get3A_895 = arith.index_cast %add3A_894 : i32 to index
      %get3A_896 = memref.load %arg4[%get3A_895] : memref<4096xi32, #tpu.memory_space<smem>>
      %get3A_897 = arith.constant 70 : index
      %get3A_898 = arith.constant 0 : index
      %get3A_899 = vector.load %arg10[%get3A_897, %get3A_898] : memref<256x128xf32, #tpu.memory_space<vmem>>, vector<1x100xf32>
      %swap3A_900 = arith.index_cast %get3A_896 : i32 to index
      %swap3A_901 = arith.constant 0 : index
      %swap3A_902 = vector.load %arg8[%swap3A_900, %swap3A_901] : memref<4096x100xf32, #tpu.memory_space<vmem>>, vector<1x100xf32>
      tpu.vector_store %arg8[%swap3A_900, %swap3A_901], %get3A_899 {strides = array<i32>} : memref<4096x100xf32, #tpu.memory_space<vmem>>, vector<1x100xf32>,
      %mul3A_903 = arith.constant 256 : i32
      %mul3A_904 = arith.muli %sub3A_6, %mul3A_903 : i32
      %add3A_905 = arith.constant 71 : i32
      %add3A_906 = arith.addi %mul3A_904, %add3A_905 : i32
      %get3A_907 = arith.index_cast %add3A_906 : i32 to index
      %get3A_908 = memref.load %arg4[%get3A_907] : memref<4096xi32, #tpu.memory_space<smem>>
      %get3A_909 = arith.constant 71 : index
      %get3A_910 = arith.constant 0 : index
      %get3A_911 = vector.load %arg10[%get3A_909, %get3A_910] : memref<256x128xf32, #tpu.memory_space<vmem>>, vector<1x100xf32>
      %swap3A_912 = arith.index_cast %get3A_908 : i32 to index
      %swap3A_913 = arith.constant 0 : index
      %swap3A_914 = vector.load %arg8[%swap3A_912, %swap3A_913] : memref<4096x100xf32, #tpu.memory_space<vmem>>, vector<1x100xf32>
      tpu.vector_store %arg8[%swap3A_912, %swap3A_913], %get3A_911 {strides = array<i32>} : memref<4096x100xf32, #tpu.memory_space<vmem>>, vector<1x100xf32>,
      %mul3A_915 = arith.constant 256 : i32
      %mul3A_916 = arith.muli %sub3A_6, %mul3A_915 : i32
      %add3A_917 = arith.constant 72 : i32
      %add3A_918 = arith.addi %mul3A_916, %add3A_917 : i32
      %get3A_919 = arith.index_cast %add3A_918 : i32 to index
      %get3A_920 = memref.load %arg4[%get3A_919] : memref<4096xi32, #tpu.memory_space<smem>>
      %get3A_921 = arith.constant 72 : index
      %get3A_922 = arith.constant 0 : index
      %get3A_923 = vector.load %arg10[%get3A_921, %get3A_922] : memref<256x128xf32, #tpu.memory_space<vmem>>, vector<1x100xf32>
      %swap3A_924 = arith.index_cast %get3A_920 : i32 to index
      %swap3A_925 = arith.constant 0 : index
      %swap3A_926 = vector.load %arg8[%swap3A_924, %swap3A_925] : memref<4096x100xf32, #tpu.memory_space<vmem>>, vector<1x100xf32>
      tpu.vector_store %arg8[%swap3A_924, %swap3A_925], %get3A_923 {strides = array<i32>} : memref<4096x100xf32, #tpu.memory_space<vmem>>, vector<1x100xf32>,
      %mul3A_927 = arith.constant 256 : i32
      %mul3A_928 = arith.muli %sub3A_6, %mul3A_927 : i32
      %add3A_929 = arith.constant 73 : i32
      %add3A_930 = arith.addi %mul3A_928, %add3A_929 : i32
      %get3A_931 = arith.index_cast %add3A_930 : i32 to index
      %get3A_932 = memref.load %arg4[%get3A_931] : memref<4096xi32, #tpu.memory_space<smem>>
      %get3A_933 = arith.constant 73 : index
      %get3A_934 = arith.constant 0 : index
      %get3A_935 = vector.load %arg10[%get3A_933, %get3A_934] : memref<256x128xf32, #tpu.memory_space<vmem>>, vector<1x100xf32>
      %swap3A_936 = arith.index_cast %get3A_932 : i32 to index
      %swap3A_937 = arith.constant 0 : index
      %swap3A_938 = vector.load %arg8[%swap3A_936, %swap3A_937] : memref<4096x100xf32, #tpu.memory_space<vmem>>, vector<1x100xf32>
      tpu.vector_store %arg8[%swap3A_936, %swap3A_937], %get3A_935 {strides = array<i32>} : memref<4096x100xf32, #tpu.memory_space<vmem>>, vector<1x100xf32>,
      %mul3A_939 = arith.constant 256 : i32
      %mul3A_940 = arith.muli %sub3A_6, %mul3A_939 : i32
      %add3A_941 = arith.constant 74 : i32
      %add3A_942 = arith.addi %mul3A_940, %add3A_941 : i32
      %get3A_943 = arith.index_cast %add3A_942 : i32 to index
      %get3A_944 = memref.load %arg4[%get3A_943] : memref<4096xi32, #tpu.memory_space<smem>>
      %get3A_945 = arith.constant 74 : index
      %get3A_946 = arith.constant 0 : index
      %get3A_947 = vector.load %arg10[%get3A_945, %get3A_946] : memref<256x128xf32, #tpu.memory_space<vmem>>, vector<1x100xf32>
      %swap3A_948 = arith.index_cast %get3A_944 : i32 to index
      %swap3A_949 = arith.constant 0 : index
      %swap3A_950 = vector.load %arg8[%swap3A_948, %swap3A_949] : memref<4096x100xf32, #tpu.memory_space<vmem>>, vector<1x100xf32>
      tpu.vector_store %arg8[%swap3A_948, %swap3A_949], %get3A_947 {strides = array<i32>} : memref<4096x100xf32, #tpu.memory_space<vmem>>, vector<1x100xf32>,
      %mul3A_951 = arith.constant 256 : i32
      %mul3A_952 = arith.muli %sub3A_6, %mul3A_951 : i32
      %add3A_953 = arith.constant 75 : i32
      %add3A_954 = arith.addi %mul3A_952, %add3A_953 : i32
      %get3A_955 = arith.index_cast %add3A_954 : i32 to index
      %get3A_956 = memref.load %arg4[%get3A_955] : memref<4096xi32, #tpu.memory_space<smem>>
      %get3A_957 = arith.constant 75 : index
      %get3A_958 = arith.constant 0 : index
      %get3A_959 = vector.load %arg10[%get3A_957, %get3A_958] : memref<256x128xf32, #tpu.memory_space<vmem>>, vector<1x100xf32>
      %swap3A_960 = arith.index_cast %get3A_956 : i32 to index
      %swap3A_961 = arith.constant 0 : index
      %swap3A_962 = vector.load %arg8[%swap3A_960, %swap3A_961] : memref<4096x100xf32, #tpu.memory_space<vmem>>, vector<1x100xf32>
      tpu.vector_store %arg8[%swap3A_960, %swap3A_961], %get3A_959 {strides = array<i32>} : memref<4096x100xf32, #tpu.memory_space<vmem>>, vector<1x100xf32>,
      %mul3A_963 = arith.constant 256 : i32
      %mul3A_964 = arith.muli %sub3A_6, %mul3A_963 : i32
      %add3A_965 = arith.constant 76 : i32
      %add3A_966 = arith.addi %mul3A_964, %add3A_965 : i32
      %get3A_967 = arith.index_cast %add3A_966 : i32 to index
      %get3A_968 = memref.load %arg4[%get3A_967] : memref<4096xi32, #tpu.memory_space<smem>>
      %get3A_969 = arith.constant 76 : index
      %get3A_970 = arith.constant 0 : index
      %get3A_971 = vector.load %arg10[%get3A_969, %get3A_970] : memref<256x128xf32, #tpu.memory_space<vmem>>, vector<1x100xf32>
      %swap3A_972 = arith.index_cast %get3A_968 : i32 to index
      %swap3A_973 = arith.constant 0 : index
      %swap3A_974 = vector.load %arg8[%swap3A_972, %swap3A_973] : memref<4096x100xf32, #tpu.memory_space<vmem>>, vector<1x100xf32>
      tpu.vector_store %arg8[%swap3A_972, %swap3A_973], %get3A_971 {strides = array<i32>} : memref<4096x100xf32, #tpu.memory_space<vmem>>, vector<1x100xf32>,
      %mul3A_975 = arith.constant 256 : i32
      %mul3A_976 = arith.muli %sub3A_6, %mul3A_975 : i32
      %add3A_977 = arith.constant 77 : i32
      %add3A_978 = arith.addi %mul3A_976, %add3A_977 : i32
      %get3A_979 = arith.index_cast %add3A_978 : i32 to index
      %get3A_980 = memref.load %arg4[%get3A_979] : memref<4096xi32, #tpu.memory_space<smem>>
      %get3A_981 = arith.constant 77 : index
      %get3A_982 = arith.constant 0 : index
      %get3A_983 = vector.load %arg10[%get3A_981, %get3A_982] : memref<256x128xf32, #tpu.memory_space<vmem>>, vector<1x100xf32>
      %swap3A_984 = arith.index_cast %get3A_980 : i32 to index
      %swap3A_985 = arith.constant 0 : index
      %swap3A_986 = vector.load %arg8[%swap3A_984, %swap3A_985] : memref<4096x100xf32, #tpu.memory_space<vmem>>, vector<1x100xf32>
      tpu.vector_store %arg8[%swap3A_984, %swap3A_985], %get3A_983 {strides = array<i32>} : memref<4096x100xf32, #tpu.memory_space<vmem>>, vector<1x100xf32>,
      %mul3A_987 = arith.constant 256 : i32
      %mul3A_988 = arith.muli %sub3A_6, %mul3A_987 : i32
      %add3A_989 = arith.constant 78 : i32
      %add3A_990 = arith.addi %mul3A_988, %add3A_989 : i32
      %get3A_991 = arith.index_cast %add3A_990 : i32 to index
      %get3A_992 = memref.load %arg4[%get3A_991] : memref<4096xi32, #tpu.memory_space<smem>>
      %get3A_993 = arith.constant 78 : index
      %get3A_994 = arith.constant 0 : index
      %get3A_995 = vector.load %arg10[%get3A_993, %get3A_994] : memref<256x128xf32, #tpu.memory_space<vmem>>, vector<1x100xf32>
      %swap3A_996 = arith.index_cast %get3A_992 : i32 to index
      %swap3A_997 = arith.constant 0 : index
      %swap3A_998 = vector.load %arg8[%swap3A_996, %swap3A_997] : memref<4096x100xf32, #tpu.memory_space<vmem>>, vector<1x100xf32>
      tpu.vector_store %arg8[%swap3A_996, %swap3A_997], %get3A_995 {strides = array<i32>} : memref<4096x100xf32, #tpu.memory_space<vmem>>, vector<1x100xf32>,
      %mul3A_999 = arith.constant 256 : i32
      %mul3A_1000 = arith.muli %sub3A_6, %mul3A_999 : i32
      %add3A_1001 = arith.constant 79 : i32
      %add3A_1002 = arith.addi %mul3A_1000, %add3A_1001 : i32
      %get3A_1003 = arith.index_cast %add3A_1002 : i32 to index
      %get3A_1004 = memref.load %arg4[%get3A_1003] : memref<4096xi32, #tpu.memory_space<smem>>
      %get3A_1005 = arith.constant 79 : index
      %get3A_1006 = arith.constant 0 : index
      %get3A_1007 = vector.load %arg10[%get3A_1005, %get3A_1006] : memref<256x128xf32, #tpu.memory_space<vmem>>, vector<1x100xf32>
      %swap3A_1008 = arith.index_cast %get3A_1004 : i32 to index
      %swap3A_1009 = arith.constant 0 : index
      %swap3A_1010 = vector.load %arg8[%swap3A_1008, %swap3A_1009] : memref<4096x100xf32, #tpu.memory_space<vmem>>, vector<1x100xf32>
      tpu.vector_store %arg8[%swap3A_1008, %swap3A_1009], %get3A_1007 {strides = array<i32>} : memref<4096x100xf32, #tpu.memory_space<vmem>>, vector<1x100xf32>,
      %mul3A_1011 = arith.constant 256 : i32
      %mul3A_1012 = arith.muli %sub3A_6, %mul3A_1011 : i32
      %add3A_1013 = arith.constant 80 : i32
      %add3A_1014 = arith.addi %mul3A_1012, %add3A_1013 : i32
      %get3A_1015 = arith.index_cast %add3A_1014 : i32 to index
      %get3A_1016 = memref.load %arg4[%get3A_1015] : memref<4096xi32, #tpu.memory_space<smem>>
      %get3A_1017 = arith.constant 80 : index
      %get3A_1018 = arith.constant 0 : index
      %get3A_1019 = vector.load %arg10[%get3A_1017, %get3A_1018] : memref<256x128xf32, #tpu.memory_space<vmem>>, vector<1x100xf32>
      %swap3A_1020 = arith.index_cast %get3A_1016 : i32 to index
      %swap3A_1021 = arith.constant 0 : index
      %swap3A_1022 = vector.load %arg8[%swap3A_1020, %swap3A_1021] : memref<4096x100xf32, #tpu.memory_space<vmem>>, vector<1x100xf32>
      tpu.vector_store %arg8[%swap3A_1020, %swap3A_1021], %get3A_1019 {strides = array<i32>} : memref<4096x100xf32, #tpu.memory_space<vmem>>, vector<1x100xf32>,
      %mul3A_1023 = arith.constant 256 : i32
      %mul3A_1024 = arith.muli %sub3A_6, %mul3A_1023 : i32
      %add3A_1025 = arith.constant 81 : i32
      %add3A_1026 = arith.addi %mul3A_1024, %add3A_1025 : i32
      %get3A_1027 = arith.index_cast %add3A_1026 : i32 to index
      %get3A_1028 = memref.load %arg4[%get3A_1027] : memref<4096xi32, #tpu.memory_space<smem>>
      %get3A_1029 = arith.constant 81 : index
      %get3A_1030 = arith.constant 0 : index
      %get3A_1031 = vector.load %arg10[%get3A_1029, %get3A_1030] : memref<256x128xf32, #tpu.memory_space<vmem>>, vector<1x100xf32>
      %swap3A_1032 = arith.index_cast %get3A_1028 : i32 to index
      %swap3A_1033 = arith.constant 0 : index
      %swap3A_1034 = vector.load %arg8[%swap3A_1032, %swap3A_1033] : memref<4096x100xf32, #tpu.memory_space<vmem>>, vector<1x100xf32>
      tpu.vector_store %arg8[%swap3A_1032, %swap3A_1033], %get3A_1031 {strides = array<i32>} : memref<4096x100xf32, #tpu.memory_space<vmem>>, vector<1x100xf32>,
      %mul3A_1035 = arith.constant 256 : i32
      %mul3A_1036 = arith.muli %sub3A_6, %mul3A_1035 : i32
      %add3A_1037 = arith.constant 82 : i32
      %add3A_1038 = arith.addi %mul3A_1036, %add3A_1037 : i32
      %get3A_1039 = arith.index_cast %add3A_1038 : i32 to index
      %get3A_1040 = memref.load %arg4[%get3A_1039] : memref<4096xi32, #tpu.memory_space<smem>>
      %get3A_1041 = arith.constant 82 : index
      %get3A_1042 = arith.constant 0 : index
      %get3A_1043 = vector.load %arg10[%get3A_1041, %get3A_1042] : memref<256x128xf32, #tpu.memory_space<vmem>>, vector<1x100xf32>
      %swap3A_1044 = arith.index_cast %get3A_1040 : i32 to index
      %swap3A_1045 = arith.constant 0 : index
      %swap3A_1046 = vector.load %arg8[%swap3A_1044, %swap3A_1045] : memref<4096x100xf32, #tpu.memory_space<vmem>>, vector<1x100xf32>
      tpu.vector_store %arg8[%swap3A_1044, %swap3A_1045], %get3A_1043 {strides = array<i32>} : memref<4096x100xf32, #tpu.memory_space<vmem>>, vector<1x100xf32>,
      %mul3A_1047 = arith.constant 256 : i32
      %mul3A_1048 = arith.muli %sub3A_6, %mul3A_1047 : i32
      %add3A_1049 = arith.constant 83 : i32
      %add3A_1050 = arith.addi %mul3A_1048, %add3A_1049 : i32
      %get3A_1051 = arith.index_cast %add3A_1050 : i32 to index
      %get3A_1052 = memref.load %arg4[%get3A_1051] : memref<4096xi32, #tpu.memory_space<smem>>
      %get3A_1053 = arith.constant 83 : index
      %get3A_1054 = arith.constant 0 : index
      %get3A_1055 = vector.load %arg10[%get3A_1053, %get3A_1054] : memref<256x128xf32, #tpu.memory_space<vmem>>, vector<1x100xf32>
      %swap3A_1056 = arith.index_cast %get3A_1052 : i32 to index
      %swap3A_1057 = arith.constant 0 : index
      %swap3A_1058 = vector.load %arg8[%swap3A_1056, %swap3A_1057] : memref<4096x100xf32, #tpu.memory_space<vmem>>, vector<1x100xf32>
      tpu.vector_store %arg8[%swap3A_1056, %swap3A_1057], %get3A_1055 {strides = array<i32>} : memref<4096x100xf32, #tpu.memory_space<vmem>>, vector<1x100xf32>,
      %mul3A_1059 = arith.constant 256 : i32
      %mul3A_1060 = arith.muli %sub3A_6, %mul3A_1059 : i32
      %add3A_1061 = arith.constant 84 : i32
      %add3A_1062 = arith.addi %mul3A_1060, %add3A_1061 : i32
      %get3A_1063 = arith.index_cast %add3A_1062 : i32 to index
      %get3A_1064 = memref.load %arg4[%get3A_1063] : memref<4096xi32, #tpu.memory_space<smem>>
      %get3A_1065 = arith.constant 84 : index
      %get3A_1066 = arith.constant 0 : index
      %get3A_1067 = vector.load %arg10[%get3A_1065, %get3A_1066] : memref<256x128xf32, #tpu.memory_space<vmem>>, vector<1x100xf32>
      %swap3A_1068 = arith.index_cast %get3A_1064 : i32 to index
      %swap3A_1069 = arith.constant 0 : index
      %swap3A_1070 = vector.load %arg8[%swap3A_1068, %swap3A_1069] : memref<4096x100xf32, #tpu.memory_space<vmem>>, vector<1x100xf32>
      tpu.vector_store %arg8[%swap3A_1068, %swap3A_1069], %get3A_1067 {strides = array<i32>} : memref<4096x100xf32, #tpu.memory_space<vmem>>, vector<1x100xf32>,
      %mul3A_1071 = arith.constant 256 : i32
      %mul3A_1072 = arith.muli %sub3A_6, %mul3A_1071 : i32
      %add3A_1073 = arith.constant 85 : i32
      %add3A_1074 = arith.addi %mul3A_1072, %add3A_1073 : i32
      %get3A_1075 = arith.index_cast %add3A_1074 : i32 to index
      %get3A_1076 = memref.load %arg4[%get3A_1075] : memref<4096xi32, #tpu.memory_space<smem>>
      %get3A_1077 = arith.constant 85 : index
      %get3A_1078 = arith.constant 0 : index
      %get3A_1079 = vector.load %arg10[%get3A_1077, %get3A_1078] : memref<256x128xf32, #tpu.memory_space<vmem>>, vector<1x100xf32>
      %swap3A_1080 = arith.index_cast %get3A_1076 : i32 to index
      %swap3A_1081 = arith.constant 0 : index
      %swap3A_1082 = vector.load %arg8[%swap3A_1080, %swap3A_1081] : memref<4096x100xf32, #tpu.memory_space<vmem>>, vector<1x100xf32>
      tpu.vector_store %arg8[%swap3A_1080, %swap3A_1081], %get3A_1079 {strides = array<i32>} : memref<4096x100xf32, #tpu.memory_space<vmem>>, vector<1x100xf32>,
      %mul3A_1083 = arith.constant 256 : i32
      %mul3A_1084 = arith.muli %sub3A_6, %mul3A_1083 : i32
      %add3A_1085 = arith.constant 86 : i32
      %add3A_1086 = arith.addi %mul3A_1084, %add3A_1085 : i32
      %get3A_1087 = arith.index_cast %add3A_1086 : i32 to index
      %get3A_1088 = memref.load %arg4[%get3A_1087] : memref<4096xi32, #tpu.memory_space<smem>>
      %get3A_1089 = arith.constant 86 : index
      %get3A_1090 = arith.constant 0 : index
      %get3A_1091 = vector.load %arg10[%get3A_1089, %get3A_1090] : memref<256x128xf32, #tpu.memory_space<vmem>>, vector<1x100xf32>
      %swap3A_1092 = arith.index_cast %get3A_1088 : i32 to index
      %swap3A_1093 = arith.constant 0 : index
      %swap3A_1094 = vector.load %arg8[%swap3A_1092, %swap3A_1093] : memref<4096x100xf32, #tpu.memory_space<vmem>>, vector<1x100xf32>
      tpu.vector_store %arg8[%swap3A_1092, %swap3A_1093], %get3A_1091 {strides = array<i32>} : memref<4096x100xf32, #tpu.memory_space<vmem>>, vector<1x100xf32>,
      %mul3A_1095 = arith.constant 256 : i32
      %mul3A_1096 = arith.muli %sub3A_6, %mul3A_1095 : i32
      %add3A_1097 = arith.constant 87 : i32
      %add3A_1098 = arith.addi %mul3A_1096, %add3A_1097 : i32
      %get3A_1099 = arith.index_cast %add3A_1098 : i32 to index
      %get3A_1100 = memref.load %arg4[%get3A_1099] : memref<4096xi32, #tpu.memory_space<smem>>
      %get3A_1101 = arith.constant 87 : index
      %get3A_1102 = arith.constant 0 : index
      %get3A_1103 = vector.load %arg10[%get3A_1101, %get3A_1102] : memref<256x128xf32, #tpu.memory_space<vmem>>, vector<1x100xf32>
      %swap3A_1104 = arith.index_cast %get3A_1100 : i32 to index
      %swap3A_1105 = arith.constant 0 : index
      %swap3A_1106 = vector.load %arg8[%swap3A_1104, %swap3A_1105] : memref<4096x100xf32, #tpu.memory_space<vmem>>, vector<1x100xf32>
      tpu.vector_store %arg8[%swap3A_1104, %swap3A_1105], %get3A_1103 {strides = array<i32>} : memref<4096x100xf32, #tpu.memory_space<vmem>>, vector<1x100xf32>,
      %mul3A_1107 = arith.constant 256 : i32
      %mul3A_1108 = arith.muli %sub3A_6, %mul3A_1107 : i32
      %add3A_1109 = arith.constant 88 : i32
      %add3A_1110 = arith.addi %mul3A_1108, %add3A_1109 : i32
      %get3A_1111 = arith.index_cast %add3A_1110 : i32 to index
      %get3A_1112 = memref.load %arg4[%get3A_1111] : memref<4096xi32, #tpu.memory_space<smem>>
      %get3A_1113 = arith.constant 88 : index
      %get3A_1114 = arith.constant 0 : index
      %get3A_1115 = vector.load %arg10[%get3A_1113, %get3A_1114] : memref<256x128xf32, #tpu.memory_space<vmem>>, vector<1x100xf32>
      %swap3A_1116 = arith.index_cast %get3A_1112 : i32 to index
      %swap3A_1117 = arith.constant 0 : index
      %swap3A_1118 = vector.load %arg8[%swap3A_1116, %swap3A_1117] : memref<4096x100xf32, #tpu.memory_space<vmem>>, vector<1x100xf32>
      tpu.vector_store %arg8[%swap3A_1116, %swap3A_1117], %get3A_1115 {strides = array<i32>} : memref<4096x100xf32, #tpu.memory_space<vmem>>, vector<1x100xf32>,
      %mul3A_1119 = arith.constant 256 : i32
      %mul3A_1120 = arith.muli %sub3A_6, %mul3A_1119 : i32
      %add3A_1121 = arith.constant 89 : i32
      %add3A_1122 = arith.addi %mul3A_1120, %add3A_1121 : i32
      %get3A_1123 = arith.index_cast %add3A_1122 : i32 to index
      %get3A_1124 = memref.load %arg4[%get3A_1123] : memref<4096xi32, #tpu.memory_space<smem>>
      %get3A_1125 = arith.constant 89 : index
      %get3A_1126 = arith.constant 0 : index
      %get3A_1127 = vector.load %arg10[%get3A_1125, %get3A_1126] : memref<256x128xf32, #tpu.memory_space<vmem>>, vector<1x100xf32>
      %swap3A_1128 = arith.index_cast %get3A_1124 : i32 to index
      %swap3A_1129 = arith.constant 0 : index
      %swap3A_1130 = vector.load %arg8[%swap3A_1128, %swap3A_1129] : memref<4096x100xf32, #tpu.memory_space<vmem>>, vector<1x100xf32>
      tpu.vector_store %arg8[%swap3A_1128, %swap3A_1129], %get3A_1127 {strides = array<i32>} : memref<4096x100xf32, #tpu.memory_space<vmem>>, vector<1x100xf32>,
      %mul3A_1131 = arith.constant 256 : i32
      %mul3A_1132 = arith.muli %sub3A_6, %mul3A_1131 : i32
      %add3A_1133 = arith.constant 90 : i32
      %add3A_1134 = arith.addi %mul3A_1132, %add3A_1133 : i32
      %get3A_1135 = arith.index_cast %add3A_1134 : i32 to index
      %get3A_1136 = memref.load %arg4[%get3A_1135] : memref<4096xi32, #tpu.memory_space<smem>>
      %get3A_1137 = arith.constant 90 : index
      %get3A_1138 = arith.constant 0 : index
      %get3A_1139 = vector.load %arg10[%get3A_1137, %get3A_1138] : memref<256x128xf32, #tpu.memory_space<vmem>>, vector<1x100xf32>
      %swap3A_1140 = arith.index_cast %get3A_1136 : i32 to index
      %swap3A_1141 = arith.constant 0 : index
      %swap3A_1142 = vector.load %arg8[%swap3A_1140, %swap3A_1141] : memref<4096x100xf32, #tpu.memory_space<vmem>>, vector<1x100xf32>
      tpu.vector_store %arg8[%swap3A_1140, %swap3A_1141], %get3A_1139 {strides = array<i32>} : memref<4096x100xf32, #tpu.memory_space<vmem>>, vector<1x100xf32>,
      %mul3A_1143 = arith.constant 256 : i32
      %mul3A_1144 = arith.muli %sub3A_6, %mul3A_1143 : i32
      %add3A_1145 = arith.constant 91 : i32
      %add3A_1146 = arith.addi %mul3A_1144, %add3A_1145 : i32
      %get3A_1147 = arith.index_cast %add3A_1146 : i32 to index
      %get3A_1148 = memref.load %arg4[%get3A_1147] : memref<4096xi32, #tpu.memory_space<smem>>
      %get3A_1149 = arith.constant 91 : index
      %get3A_1150 = arith.constant 0 : index
      %get3A_1151 = vector.load %arg10[%get3A_1149, %get3A_1150] : memref<256x128xf32, #tpu.memory_space<vmem>>, vector<1x100xf32>
      %swap3A_1152 = arith.index_cast %get3A_1148 : i32 to index
      %swap3A_1153 = arith.constant 0 : index
      %swap3A_1154 = vector.load %arg8[%swap3A_1152, %swap3A_1153] : memref<4096x100xf32, #tpu.memory_space<vmem>>, vector<1x100xf32>
      tpu.vector_store %arg8[%swap3A_1152, %swap3A_1153], %get3A_1151 {strides = array<i32>} : memref<4096x100xf32, #tpu.memory_space<vmem>>, vector<1x100xf32>,
      %mul3A_1155 = arith.constant 256 : i32
      %mul3A_1156 = arith.muli %sub3A_6, %mul3A_1155 : i32
      %add3A_1157 = arith.constant 92 : i32
      %add3A_1158 = arith.addi %mul3A_1156, %add3A_1157 : i32
      %get3A_1159 = arith.index_cast %add3A_1158 : i32 to index
      %get3A_1160 = memref.load %arg4[%get3A_1159] : memref<4096xi32, #tpu.memory_space<smem>>
      %get3A_1161 = arith.constant 92 : index
      %get3A_1162 = arith.constant 0 : index
      %get3A_1163 = vector.load %arg10[%get3A_1161, %get3A_1162] : memref<256x128xf32, #tpu.memory_space<vmem>>, vector<1x100xf32>
      %swap3A_1164 = arith.index_cast %get3A_1160 : i32 to index
      %swap3A_1165 = arith.constant 0 : index
      %swap3A_1166 = vector.load %arg8[%swap3A_1164, %swap3A_1165] : memref<4096x100xf32, #tpu.memory_space<vmem>>, vector<1x100xf32>
      tpu.vector_store %arg8[%swap3A_1164, %swap3A_1165], %get3A_1163 {strides = array<i32>} : memref<4096x100xf32, #tpu.memory_space<vmem>>, vector<1x100xf32>,
      %mul3A_1167 = arith.constant 256 : i32
      %mul3A_1168 = arith.muli %sub3A_6, %mul3A_1167 : i32
      %add3A_1169 = arith.constant 93 : i32
      %add3A_1170 = arith.addi %mul3A_1168, %add3A_1169 : i32
      %get3A_1171 = arith.index_cast %add3A_1170 : i32 to index
      %get3A_1172 = memref.load %arg4[%get3A_1171] : memref<4096xi32, #tpu.memory_space<smem>>
      %get3A_1173 = arith.constant 93 : index
      %get3A_1174 = arith.constant 0 : index
      %get3A_1175 = vector.load %arg10[%get3A_1173, %get3A_1174] : memref<256x128xf32, #tpu.memory_space<vmem>>, vector<1x100xf32>
      %swap3A_1176 = arith.index_cast %get3A_1172 : i32 to index
      %swap3A_1177 = arith.constant 0 : index
      %swap3A_1178 = vector.load %arg8[%swap3A_1176, %swap3A_1177] : memref<4096x100xf32, #tpu.memory_space<vmem>>, vector<1x100xf32>
      tpu.vector_store %arg8[%swap3A_1176, %swap3A_1177], %get3A_1175 {strides = array<i32>} : memref<4096x100xf32, #tpu.memory_space<vmem>>, vector<1x100xf32>,
      %mul3A_1179 = arith.constant 256 : i32
      %mul3A_1180 = arith.muli %sub3A_6, %mul3A_1179 : i32
      %add3A_1181 = arith.constant 94 : i32
      %add3A_1182 = arith.addi %mul3A_1180, %add3A_1181 : i32
      %get3A_1183 = arith.index_cast %add3A_1182 : i32 to index
      %get3A_1184 = memref.load %arg4[%get3A_1183] : memref<4096xi32, #tpu.memory_space<smem>>
      %get3A_1185 = arith.constant 94 : index
      %get3A_1186 = arith.constant 0 : index
      %get3A_1187 = vector.load %arg10[%get3A_1185, %get3A_1186] : memref<256x128xf32, #tpu.memory_space<vmem>>, vector<1x100xf32>
      %swap3A_1188 = arith.index_cast %get3A_1184 : i32 to index
      %swap3A_1189 = arith.constant 0 : index
      %swap3A_1190 = vector.load %arg8[%swap3A_1188, %swap3A_1189] : memref<4096x100xf32, #tpu.memory_space<vmem>>, vector<1x100xf32>
      tpu.vector_store %arg8[%swap3A_1188, %swap3A_1189], %get3A_1187 {strides = array<i32>} : memref<4096x100xf32, #tpu.memory_space<vmem>>, vector<1x100xf32>,
      %mul3A_1191 = arith.constant 256 : i32
      %mul3A_1192 = arith.muli %sub3A_6, %mul3A_1191 : i32
      %add3A_1193 = arith.constant 95 : i32
      %add3A_1194 = arith.addi %mul3A_1192, %add3A_1193 : i32
      %get3A_1195 = arith.index_cast %add3A_1194 : i32 to index
      %get3A_1196 = memref.load %arg4[%get3A_1195] : memref<4096xi32, #tpu.memory_space<smem>>
      %get3A_1197 = arith.constant 95 : index
      %get3A_1198 = arith.constant 0 : index
      %get3A_1199 = vector.load %arg10[%get3A_1197, %get3A_1198] : memref<256x128xf32, #tpu.memory_space<vmem>>, vector<1x100xf32>
      %swap3A_1200 = arith.index_cast %get3A_1196 : i32 to index
      %swap3A_1201 = arith.constant 0 : index
      %swap3A_1202 = vector.load %arg8[%swap3A_1200, %swap3A_1201] : memref<4096x100xf32, #tpu.memory_space<vmem>>, vector<1x100xf32>
      tpu.vector_store %arg8[%swap3A_1200, %swap3A_1201], %get3A_1199 {strides = array<i32>} : memref<4096x100xf32, #tpu.memory_space<vmem>>, vector<1x100xf32>,
      %mul3A_1203 = arith.constant 256 : i32
      %mul3A_1204 = arith.muli %sub3A_6, %mul3A_1203 : i32
      %add3A_1205 = arith.constant 96 : i32
      %add3A_1206 = arith.addi %mul3A_1204, %add3A_1205 : i32
      %get3A_1207 = arith.index_cast %add3A_1206 : i32 to index
      %get3A_1208 = memref.load %arg4[%get3A_1207] : memref<4096xi32, #tpu.memory_space<smem>>
      %get3A_1209 = arith.constant 96 : index
      %get3A_1210 = arith.constant 0 : index
      %get3A_1211 = vector.load %arg10[%get3A_1209, %get3A_1210] : memref<256x128xf32, #tpu.memory_space<vmem>>, vector<1x100xf32>
      %swap3A_1212 = arith.index_cast %get3A_1208 : i32 to index
      %swap3A_1213 = arith.constant 0 : index
      %swap3A_1214 = vector.load %arg8[%swap3A_1212, %swap3A_1213] : memref<4096x100xf32, #tpu.memory_space<vmem>>, vector<1x100xf32>
      tpu.vector_store %arg8[%swap3A_1212, %swap3A_1213], %get3A_1211 {strides = array<i32>} : memref<4096x100xf32, #tpu.memory_space<vmem>>, vector<1x100xf32>,
      %mul3A_1215 = arith.constant 256 : i32
      %mul3A_1216 = arith.muli %sub3A_6, %mul3A_1215 : i32
      %add3A_1217 = arith.constant 97 : i32
      %add3A_1218 = arith.addi %mul3A_1216, %add3A_1217 : i32
      %get3A_1219 = arith.index_cast %add3A_1218 : i32 to index
      %get3A_1220 = memref.load %arg4[%get3A_1219] : memref<4096xi32, #tpu.memory_space<smem>>
      %get3A_1221 = arith.constant 97 : index
      %get3A_1222 = arith.constant 0 : index
      %get3A_1223 = vector.load %arg10[%get3A_1221, %get3A_1222] : memref<256x128xf32, #tpu.memory_space<vmem>>, vector<1x100xf32>
      %swap3A_1224 = arith.index_cast %get3A_1220 : i32 to index
      %swap3A_1225 = arith.constant 0 : index
      %swap3A_1226 = vector.load %arg8[%swap3A_1224, %swap3A_1225] : memref<4096x100xf32, #tpu.memory_space<vmem>>, vector<1x100xf32>
      tpu.vector_store %arg8[%swap3A_1224, %swap3A_1225], %get3A_1223 {strides = array<i32>} : memref<4096x100xf32, #tpu.memory_space<vmem>>, vector<1x100xf32>,
      %mul3A_1227 = arith.constant 256 : i32
      %mul3A_1228 = arith.muli %sub3A_6, %mul3A_1227 : i32
      %add3A_1229 = arith.constant 98 : i32
      %add3A_1230 = arith.addi %mul3A_1228, %add3A_1229 : i32
      %get3A_1231 = arith.index_cast %add3A_1230 : i32 to index
      %get3A_1232 = memref.load %arg4[%get3A_1231] : memref<4096xi32, #tpu.memory_space<smem>>
      %get3A_1233 = arith.constant 98 : index
      %get3A_1234 = arith.constant 0 : index
      %get3A_1235 = vector.load %arg10[%get3A_1233, %get3A_1234] : memref<256x128xf32, #tpu.memory_space<vmem>>, vector<1x100xf32>
      %swap3A_1236 = arith.index_cast %get3A_1232 : i32 to index
      %swap3A_1237 = arith.constant 0 : index
      %swap3A_1238 = vector.load %arg8[%swap3A_1236, %swap3A_1237] : memref<4096x100xf32, #tpu.memory_space<vmem>>, vector<1x100xf32>
      tpu.vector_store %arg8[%swap3A_1236, %swap3A_1237], %get3A_1235 {strides = array<i32>} : memref<4096x100xf32, #tpu.memory_space<vmem>>, vector<1x100xf32>,
      %mul3A_1239 = arith.constant 256 : i32
      %mul3A_1240 = arith.muli %sub3A_6, %mul3A_1239 : i32
      %add3A_1241 = arith.constant 99 : i32
      %add3A_1242 = arith.addi %mul3A_1240, %add3A_1241 : i32
      %get3A_1243 = arith.index_cast %add3A_1242 : i32 to index
      %get3A_1244 = memref.load %arg4[%get3A_1243] : memref<4096xi32, #tpu.memory_space<smem>>
      %get3A_1245 = arith.constant 99 : index
      %get3A_1246 = arith.constant 0 : index
      %get3A_1247 = vector.load %arg10[%get3A_1245, %get3A_1246] : memref<256x128xf32, #tpu.memory_space<vmem>>, vector<1x100xf32>
      %swap3A_1248 = arith.index_cast %get3A_1244 : i32 to index
      %swap3A_1249 = arith.constant 0 : index
      %swap3A_1250 = vector.load %arg8[%swap3A_1248, %swap3A_1249] : memref<4096x100xf32, #tpu.memory_space<vmem>>, vector<1x100xf32>
      tpu.vector_store %arg8[%swap3A_1248, %swap3A_1249], %get3A_1247 {strides = array<i32>} : memref<4096x100xf32, #tpu.memory_space<vmem>>, vector<1x100xf32>,
      %mul3A_1251 = arith.constant 256 : i32
      %mul3A_1252 = arith.muli %sub3A_6, %mul3A_1251 : i32
      %add3A_1253 = arith.constant 100 : i32
      %add3A_1254 = arith.addi %mul3A_1252, %add3A_1253 : i32
      %get3A_1255 = arith.index_cast %add3A_1254 : i32 to index
      %get3A_1256 = memref.load %arg4[%get3A_1255] : memref<4096xi32, #tpu.memory_space<smem>>
      %get3A_1257 = arith.constant 100 : index
      %get3A_1258 = arith.constant 0 : index
      %get3A_1259 = vector.load %arg10[%get3A_1257, %get3A_1258] : memref<256x128xf32, #tpu.memory_space<vmem>>, vector<1x100xf32>
      %swap3A_1260 = arith.index_cast %get3A_1256 : i32 to index
      %swap3A_1261 = arith.constant 0 : index
      %swap3A_1262 = vector.load %arg8[%swap3A_1260, %swap3A_1261] : memref<4096x100xf32, #tpu.memory_space<vmem>>, vector<1x100xf32>
      tpu.vector_store %arg8[%swap3A_1260, %swap3A_1261], %get3A_1259 {strides = array<i32>} : memref<4096x100xf32, #tpu.memory_space<vmem>>, vector<1x100xf32>,
      %mul3A_1263 = arith.constant 256 : i32
      %mul3A_1264 = arith.muli %sub3A_6, %mul3A_1263 : i32
      %add3A_1265 = arith.constant 101 : i32
      %add3A_1266 = arith.addi %mul3A_1264, %add3A_1265 : i32
      %get3A_1267 = arith.index_cast %add3A_1266 : i32 to index
      %get3A_1268 = memref.load %arg4[%get3A_1267] : memref<4096xi32, #tpu.memory_space<smem>>
      %get3A_1269 = arith.constant 101 : index
      %get3A_1270 = arith.constant 0 : index
      %get3A_1271 = vector.load %arg10[%get3A_1269, %get3A_1270] : memref<256x128xf32, #tpu.memory_space<vmem>>, vector<1x100xf32>
      %swap3A_1272 = arith.index_cast %get3A_1268 : i32 to index
      %swap3A_1273 = arith.constant 0 : index
      %swap3A_1274 = vector.load %arg8[%swap3A_1272, %swap3A_1273] : memref<4096x100xf32, #tpu.memory_space<vmem>>, vector<1x100xf32>
      tpu.vector_store %arg8[%swap3A_1272, %swap3A_1273], %get3A_1271 {strides = array<i32>} : memref<4096x100xf32, #tpu.memory_space<vmem>>, vector<1x100xf32>,
      %mul3A_1275 = arith.constant 256 : i32
      %mul3A_1276 = arith.muli %sub3A_6, %mul3A_1275 : i32
      %add3A_1277 = arith.constant 102 : i32
      %add3A_1278 = arith.addi %mul3A_1276, %add3A_1277 : i32
      %get3A_1279 = arith.index_cast %add3A_1278 : i32 to index
      %get3A_1280 = memref.load %arg4[%get3A_1279] : memref<4096xi32, #tpu.memory_space<smem>>
      %get3A_1281 = arith.constant 102 : index
      %get3A_1282 = arith.constant 0 : index
      %get3A_1283 = vector.load %arg10[%get3A_1281, %get3A_1282] : memref<256x128xf32, #tpu.memory_space<vmem>>, vector<1x100xf32>
      %swap3A_1284 = arith.index_cast %get3A_1280 : i32 to index
      %swap3A_1285 = arith.constant 0 : index
      %swap3A_1286 = vector.load %arg8[%swap3A_1284, %swap3A_1285] : memref<4096x100xf32, #tpu.memory_space<vmem>>, vector<1x100xf32>
      tpu.vector_store %arg8[%swap3A_1284, %swap3A_1285], %get3A_1283 {strides = array<i32>} : memref<4096x100xf32, #tpu.memory_space<vmem>>, vector<1x100xf32>,
      %mul3A_1287 = arith.constant 256 : i32
      %mul3A_1288 = arith.muli %sub3A_6, %mul3A_1287 : i32
      %add3A_1289 = arith.constant 103 : i32
      %add3A_1290 = arith.addi %mul3A_1288, %add3A_1289 : i32
      %get3A_1291 = arith.index_cast %add3A_1290 : i32 to index
      %get3A_1292 = memref.load %arg4[%get3A_1291] : memref<4096xi32, #tpu.memory_space<smem>>
      %get3A_1293 = arith.constant 103 : index
      %get3A_1294 = arith.constant 0 : index
      %get3A_1295 = vector.load %arg10[%get3A_1293, %get3A_1294] : memref<256x128xf32, #tpu.memory_space<vmem>>, vector<1x100xf32>
      %swap3A_1296 = arith.index_cast %get3A_1292 : i32 to index
      %swap3A_1297 = arith.constant 0 : index
      %swap3A_1298 = vector.load %arg8[%swap3A_1296, %swap3A_1297] : memref<4096x100xf32, #tpu.memory_space<vmem>>, vector<1x100xf32>
      tpu.vector_store %arg8[%swap3A_1296, %swap3A_1297], %get3A_1295 {strides = array<i32>} : memref<4096x100xf32, #tpu.memory_space<vmem>>, vector<1x100xf32>,
      %mul3A_1299 = arith.constant 256 : i32
      %mul3A_1300 = arith.muli %sub3A_6, %mul3A_1299 : i32
      %add3A_1301 = arith.constant 104 : i32
      %add3A_1302 = arith.addi %mul3A_1300, %add3A_1301 : i32
      %get3A_1303 = arith.index_cast %add3A_1302 : i32 to index
      %get3A_1304 = memref.load %arg4[%get3A_1303] : memref<4096xi32, #tpu.memory_space<smem>>
      %get3A_1305 = arith.constant 104 : index
      %get3A_1306 = arith.constant 0 : index
      %get3A_1307 = vector.load %arg10[%get3A_1305, %get3A_1306] : memref<256x128xf32, #tpu.memory_space<vmem>>, vector<1x100xf32>
      %swap3A_1308 = arith.index_cast %get3A_1304 : i32 to index
      %swap3A_1309 = arith.constant 0 : index
      %swap3A_1310 = vector.load %arg8[%swap3A_1308, %swap3A_1309] : memref<4096x100xf32, #tpu.memory_space<vmem>>, vector<1x100xf32>
      tpu.vector_store %arg8[%swap3A_1308, %swap3A_1309], %get3A_1307 {strides = array<i32>} : memref<4096x100xf32, #tpu.memory_space<vmem>>, vector<1x100xf32>,
      %mul3A_1311 = arith.constant 256 : i32
      %mul3A_1312 = arith.muli %sub3A_6, %mul3A_1311 : i32
      %add3A_1313 = arith.constant 105 : i32
      %add3A_1314 = arith.addi %mul3A_1312, %add3A_1313 : i32
      %get3A_1315 = arith.index_cast %add3A_1314 : i32 to index
      %get3A_1316 = memref.load %arg4[%get3A_1315] : memref<4096xi32, #tpu.memory_space<smem>>
      %get3A_1317 = arith.constant 105 : index
      %get3A_1318 = arith.constant 0 : index
      %get3A_1319 = vector.load %arg10[%get3A_1317, %get3A_1318] : memref<256x128xf32, #tpu.memory_space<vmem>>, vector<1x100xf32>
      %swap3A_1320 = arith.index_cast %get3A_1316 : i32 to index
      %swap3A_1321 = arith.constant 0 : index
      %swap3A_1322 = vector.load %arg8[%swap3A_1320, %swap3A_1321] : memref<4096x100xf32, #tpu.memory_space<vmem>>, vector<1x100xf32>
      tpu.vector_store %arg8[%swap3A_1320, %swap3A_1321], %get3A_1319 {strides = array<i32>} : memref<4096x100xf32, #tpu.memory_space<vmem>>, vector<1x100xf32>,
      %mul3A_1323 = arith.constant 256 : i32
      %mul3A_1324 = arith.muli %sub3A_6, %mul3A_1323 : i32
      %add3A_1325 = arith.constant 106 : i32
      %add3A_1326 = arith.addi %mul3A_1324, %add3A_1325 : i32
      %get3A_1327 = arith.index_cast %add3A_1326 : i32 to index
      %get3A_1328 = memref.load %arg4[%get3A_1327] : memref<4096xi32, #tpu.memory_space<smem>>
      %get3A_1329 = arith.constant 106 : index
      %get3A_1330 = arith.constant 0 : index
      %get3A_1331 = vector.load %arg10[%get3A_1329, %get3A_1330] : memref<256x128xf32, #tpu.memory_space<vmem>>, vector<1x100xf32>
      %swap3A_1332 = arith.index_cast %get3A_1328 : i32 to index
      %swap3A_1333 = arith.constant 0 : index
      %swap3A_1334 = vector.load %arg8[%swap3A_1332, %swap3A_1333] : memref<4096x100xf32, #tpu.memory_space<vmem>>, vector<1x100xf32>
      tpu.vector_store %arg8[%swap3A_1332, %swap3A_1333], %get3A_1331 {strides = array<i32>} : memref<4096x100xf32, #tpu.memory_space<vmem>>, vector<1x100xf32>,
      %mul3A_1335 = arith.constant 256 : i32
      %mul3A_1336 = arith.muli %sub3A_6, %mul3A_1335 : i32
      %add3A_1337 = arith.constant 107 : i32
      %add3A_1338 = arith.addi %mul3A_1336, %add3A_1337 : i32
      %get3A_1339 = arith.index_cast %add3A_1338 : i32 to index
      %get3A_1340 = memref.load %arg4[%get3A_1339] : memref<4096xi32, #tpu.memory_space<smem>>
      %get3A_1341 = arith.constant 107 : index
      %get3A_1342 = arith.constant 0 : index
      %get3A_1343 = vector.load %arg10[%get3A_1341, %get3A_1342] : memref<256x128xf32, #tpu.memory_space<vmem>>, vector<1x100xf32>
      %swap3A_1344 = arith.index_cast %get3A_1340 : i32 to index
      %swap3A_1345 = arith.constant 0 : index
      %swap3A_1346 = vector.load %arg8[%swap3A_1344, %swap3A_1345] : memref<4096x100xf32, #tpu.memory_space<vmem>>, vector<1x100xf32>
      tpu.vector_store %arg8[%swap3A_1344, %swap3A_1345], %get3A_1343 {strides = array<i32>} : memref<4096x100xf32, #tpu.memory_space<vmem>>, vector<1x100xf32>,
      %mul3A_1347 = arith.constant 256 : i32
      %mul3A_1348 = arith.muli %sub3A_6, %mul3A_1347 : i32
      %add3A_1349 = arith.constant 108 : i32
      %add3A_1350 = arith.addi %mul3A_1348, %add3A_1349 : i32
      %get3A_1351 = arith.index_cast %add3A_1350 : i32 to index
      %get3A_1352 = memref.load %arg4[%get3A_1351] : memref<4096xi32, #tpu.memory_space<smem>>
      %get3A_1353 = arith.constant 108 : index
      %get3A_1354 = arith.constant 0 : index
      %get3A_1355 = vector.load %arg10[%get3A_1353, %get3A_1354] : memref<256x128xf32, #tpu.memory_space<vmem>>, vector<1x100xf32>
      %swap3A_1356 = arith.index_cast %get3A_1352 : i32 to index
      %swap3A_1357 = arith.constant 0 : index
      %swap3A_1358 = vector.load %arg8[%swap3A_1356, %swap3A_1357] : memref<4096x100xf32, #tpu.memory_space<vmem>>, vector<1x100xf32>
      tpu.vector_store %arg8[%swap3A_1356, %swap3A_1357], %get3A_1355 {strides = array<i32>} : memref<4096x100xf32, #tpu.memory_space<vmem>>, vector<1x100xf32>,
      %mul3A_1359 = arith.constant 256 : i32
      %mul3A_1360 = arith.muli %sub3A_6, %mul3A_1359 : i32
      %add3A_1361 = arith.constant 109 : i32
      %add3A_1362 = arith.addi %mul3A_1360, %add3A_1361 : i32
      %get3A_1363 = arith.index_cast %add3A_1362 : i32 to index
      %get3A_1364 = memref.load %arg4[%get3A_1363] : memref<4096xi32, #tpu.memory_space<smem>>
      %get3A_1365 = arith.constant 109 : index
      %get3A_1366 = arith.constant 0 : index
      %get3A_1367 = vector.load %arg10[%get3A_1365, %get3A_1366] : memref<256x128xf32, #tpu.memory_space<vmem>>, vector<1x100xf32>
      %swap3A_1368 = arith.index_cast %get3A_1364 : i32 to index
      %swap3A_1369 = arith.constant 0 : index
      %swap3A_1370 = vector.load %arg8[%swap3A_1368, %swap3A_1369] : memref<4096x100xf32, #tpu.memory_space<vmem>>, vector<1x100xf32>
      tpu.vector_store %arg8[%swap3A_1368, %swap3A_1369], %get3A_1367 {strides = array<i32>} : memref<4096x100xf32, #tpu.memory_space<vmem>>, vector<1x100xf32>,
      %mul3A_1371 = arith.constant 256 : i32
      %mul3A_1372 = arith.muli %sub3A_6, %mul3A_1371 : i32
      %add3A_1373 = arith.constant 110 : i32
      %add3A_1374 = arith.addi %mul3A_1372, %add3A_1373 : i32
      %get3A_1375 = arith.index_cast %add3A_1374 : i32 to index
      %get3A_1376 = memref.load %arg4[%get3A_1375] : memref<4096xi32, #tpu.memory_space<smem>>
      %get3A_1377 = arith.constant 110 : index
      %get3A_1378 = arith.constant 0 : index
      %get3A_1379 = vector.load %arg10[%get3A_1377, %get3A_1378] : memref<256x128xf32, #tpu.memory_space<vmem>>, vector<1x100xf32>
      %swap3A_1380 = arith.index_cast %get3A_1376 : i32 to index
      %swap3A_1381 = arith.constant 0 : index
      %swap3A_1382 = vector.load %arg8[%swap3A_1380, %swap3A_1381] : memref<4096x100xf32, #tpu.memory_space<vmem>>, vector<1x100xf32>
      tpu.vector_store %arg8[%swap3A_1380, %swap3A_1381], %get3A_1379 {strides = array<i32>} : memref<4096x100xf32, #tpu.memory_space<vmem>>, vector<1x100xf32>,
      %mul3A_1383 = arith.constant 256 : i32
      %mul3A_1384 = arith.muli %sub3A_6, %mul3A_1383 : i32
      %add3A_1385 = arith.constant 111 : i32
      %add3A_1386 = arith.addi %mul3A_1384, %add3A_1385 : i32
      %get3A_1387 = arith.index_cast %add3A_1386 : i32 to index
      %get3A_1388 = memref.load %arg4[%get3A_1387] : memref<4096xi32, #tpu.memory_space<smem>>
      %get3A_1389 = arith.constant 111 : index
      %get3A_1390 = arith.constant 0 : index
      %get3A_1391 = vector.load %arg10[%get3A_1389, %get3A_1390] : memref<256x128xf32, #tpu.memory_space<vmem>>, vector<1x100xf32>
      %swap3A_1392 = arith.index_cast %get3A_1388 : i32 to index
      %swap3A_1393 = arith.constant 0 : index
      %swap3A_1394 = vector.load %arg8[%swap3A_1392, %swap3A_1393] : memref<4096x100xf32, #tpu.memory_space<vmem>>, vector<1x100xf32>
      tpu.vector_store %arg8[%swap3A_1392, %swap3A_1393], %get3A_1391 {strides = array<i32>} : memref<4096x100xf32, #tpu.memory_space<vmem>>, vector<1x100xf32>,
      %mul3A_1395 = arith.constant 256 : i32
      %mul3A_1396 = arith.muli %sub3A_6, %mul3A_1395 : i32
      %add3A_1397 = arith.constant 112 : i32
      %add3A_1398 = arith.addi %mul3A_1396, %add3A_1397 : i32
      %get3A_1399 = arith.index_cast %add3A_1398 : i32 to index
      %get3A_1400 = memref.load %arg4[%get3A_1399] : memref<4096xi32, #tpu.memory_space<smem>>
      %get3A_1401 = arith.constant 112 : index
      %get3A_1402 = arith.constant 0 : index
      %get3A_1403 = vector.load %arg10[%get3A_1401, %get3A_1402] : memref<256x128xf32, #tpu.memory_space<vmem>>, vector<1x100xf32>
      %swap3A_1404 = arith.index_cast %get3A_1400 : i32 to index
      %swap3A_1405 = arith.constant 0 : index
      %swap3A_1406 = vector.load %arg8[%swap3A_1404, %swap3A_1405] : memref<4096x100xf32, #tpu.memory_space<vmem>>, vector<1x100xf32>
      tpu.vector_store %arg8[%swap3A_1404, %swap3A_1405], %get3A_1403 {strides = array<i32>} : memref<4096x100xf32, #tpu.memory_space<vmem>>, vector<1x100xf32>,
      %mul3A_1407 = arith.constant 256 : i32
      %mul3A_1408 = arith.muli %sub3A_6, %mul3A_1407 : i32
      %add3A_1409 = arith.constant 113 : i32
      %add3A_1410 = arith.addi %mul3A_1408, %add3A_1409 : i32
      %get3A_1411 = arith.index_cast %add3A_1410 : i32 to index
      %get3A_1412 = memref.load %arg4[%get3A_1411] : memref<4096xi32, #tpu.memory_space<smem>>
      %get3A_1413 = arith.constant 113 : index
      %get3A_1414 = arith.constant 0 : index
      %get3A_1415 = vector.load %arg10[%get3A_1413, %get3A_1414] : memref<256x128xf32, #tpu.memory_space<vmem>>, vector<1x100xf32>
      %swap3A_1416 = arith.index_cast %get3A_1412 : i32 to index
      %swap3A_1417 = arith.constant 0 : index
      %swap3A_1418 = vector.load %arg8[%swap3A_1416, %swap3A_1417] : memref<4096x100xf32, #tpu.memory_space<vmem>>, vector<1x100xf32>
      tpu.vector_store %arg8[%swap3A_1416, %swap3A_1417], %get3A_1415 {strides = array<i32>} : memref<4096x100xf32, #tpu.memory_space<vmem>>, vector<1x100xf32>,
      %mul3A_1419 = arith.constant 256 : i32
      %mul3A_1420 = arith.muli %sub3A_6, %mul3A_1419 : i32
      %add3A_1421 = arith.constant 114 : i32
      %add3A_1422 = arith.addi %mul3A_1420, %add3A_1421 : i32
      %get3A_1423 = arith.index_cast %add3A_1422 : i32 to index
      %get3A_1424 = memref.load %arg4[%get3A_1423] : memref<4096xi32, #tpu.memory_space<smem>>
      %get3A_1425 = arith.constant 114 : index
      %get3A_1426 = arith.constant 0 : index
      %get3A_1427 = vector.load %arg10[%get3A_1425, %get3A_1426] : memref<256x128xf32, #tpu.memory_space<vmem>>, vector<1x100xf32>
      %swap3A_1428 = arith.index_cast %get3A_1424 : i32 to index
      %swap3A_1429 = arith.constant 0 : index
      %swap3A_1430 = vector.load %arg8[%swap3A_1428, %swap3A_1429] : memref<4096x100xf32, #tpu.memory_space<vmem>>, vector<1x100xf32>
      tpu.vector_store %arg8[%swap3A_1428, %swap3A_1429], %get3A_1427 {strides = array<i32>} : memref<4096x100xf32, #tpu.memory_space<vmem>>, vector<1x100xf32>,
      %mul3A_1431 = arith.constant 256 : i32
      %mul3A_1432 = arith.muli %sub3A_6, %mul3A_1431 : i32
      %add3A_1433 = arith.constant 115 : i32
      %add3A_1434 = arith.addi %mul3A_1432, %add3A_1433 : i32
      %get3A_1435 = arith.index_cast %add3A_1434 : i32 to index
      %get3A_1436 = memref.load %arg4[%get3A_1435] : memref<4096xi32, #tpu.memory_space<smem>>
      %get3A_1437 = arith.constant 115 : index
      %get3A_1438 = arith.constant 0 : index
      %get3A_1439 = vector.load %arg10[%get3A_1437, %get3A_1438] : memref<256x128xf32, #tpu.memory_space<vmem>>, vector<1x100xf32>
      %swap3A_1440 = arith.index_cast %get3A_1436 : i32 to index
      %swap3A_1441 = arith.constant 0 : index
      %swap3A_1442 = vector.load %arg8[%swap3A_1440, %swap3A_1441] : memref<4096x100xf32, #tpu.memory_space<vmem>>, vector<1x100xf32>
      tpu.vector_store %arg8[%swap3A_1440, %swap3A_1441], %get3A_1439 {strides = array<i32>} : memref<4096x100xf32, #tpu.memory_space<vmem>>, vector<1x100xf32>,
      %mul3A_1443 = arith.constant 256 : i32
      %mul3A_1444 = arith.muli %sub3A_6, %mul3A_1443 : i32
      %add3A_1445 = arith.constant 116 : i32
      %add3A_1446 = arith.addi %mul3A_1444, %add3A_1445 : i32
      %get3A_1447 = arith.index_cast %add3A_1446 : i32 to index
      %get3A_1448 = memref.load %arg4[%get3A_1447] : memref<4096xi32, #tpu.memory_space<smem>>
      %get3A_1449 = arith.constant 116 : index
      %get3A_1450 = arith.constant 0 : index
      %get3A_1451 = vector.load %arg10[%get3A_1449, %get3A_1450] : memref<256x128xf32, #tpu.memory_space<vmem>>, vector<1x100xf32>
      %swap3A_1452 = arith.index_cast %get3A_1448 : i32 to index
      %swap3A_1453 = arith.constant 0 : index
      %swap3A_1454 = vector.load %arg8[%swap3A_1452, %swap3A_1453] : memref<4096x100xf32, #tpu.memory_space<vmem>>, vector<1x100xf32>
      tpu.vector_store %arg8[%swap3A_1452, %swap3A_1453], %get3A_1451 {strides = array<i32>} : memref<4096x100xf32, #tpu.memory_space<vmem>>, vector<1x100xf32>,
      %mul3A_1455 = arith.constant 256 : i32
      %mul3A_1456 = arith.muli %sub3A_6, %mul3A_1455 : i32
      %add3A_1457 = arith.constant 117 : i32
      %add3A_1458 = arith.addi %mul3A_1456, %add3A_1457 : i32
      %get3A_1459 = arith.index_cast %add3A_1458 : i32 to index
      %get3A_1460 = memref.load %arg4[%get3A_1459] : memref<4096xi32, #tpu.memory_space<smem>>
      %get3A_1461 = arith.constant 117 : index
      %get3A_1462 = arith.constant 0 : index
      %get3A_1463 = vector.load %arg10[%get3A_1461, %get3A_1462] : memref<256x128xf32, #tpu.memory_space<vmem>>, vector<1x100xf32>
      %swap3A_1464 = arith.index_cast %get3A_1460 : i32 to index
      %swap3A_1465 = arith.constant 0 : index
      %swap3A_1466 = vector.load %arg8[%swap3A_1464, %swap3A_1465] : memref<4096x100xf32, #tpu.memory_space<vmem>>, vector<1x100xf32>
      tpu.vector_store %arg8[%swap3A_1464, %swap3A_1465], %get3A_1463 {strides = array<i32>} : memref<4096x100xf32, #tpu.memory_space<vmem>>, vector<1x100xf32>,
      %mul3A_1467 = arith.constant 256 : i32
      %mul3A_1468 = arith.muli %sub3A_6, %mul3A_1467 : i32
      %add3A_1469 = arith.constant 118 : i32
      %add3A_1470 = arith.addi %mul3A_1468, %add3A_1469 : i32
      %get3A_1471 = arith.index_cast %add3A_1470 : i32 to index
      %get3A_1472 = memref.load %arg4[%get3A_1471] : memref<4096xi32, #tpu.memory_space<smem>>
      %get3A_1473 = arith.constant 118 : index
      %get3A_1474 = arith.constant 0 : index
      %get3A_1475 = vector.load %arg10[%get3A_1473, %get3A_1474] : memref<256x128xf32, #tpu.memory_space<vmem>>, vector<1x100xf32>
      %swap3A_1476 = arith.index_cast %get3A_1472 : i32 to index
      %swap3A_1477 = arith.constant 0 : index
      %swap3A_1478 = vector.load %arg8[%swap3A_1476, %swap3A_1477] : memref<4096x100xf32, #tpu.memory_space<vmem>>, vector<1x100xf32>
      tpu.vector_store %arg8[%swap3A_1476, %swap3A_1477], %get3A_1475 {strides = array<i32>} : memref<4096x100xf32, #tpu.memory_space<vmem>>, vector<1x100xf32>,
      %mul3A_1479 = arith.constant 256 : i32
      %mul3A_1480 = arith.muli %sub3A_6, %mul3A_1479 : i32
      %add3A_1481 = arith.constant 119 : i32
      %add3A_1482 = arith.addi %mul3A_1480, %add3A_1481 : i32
      %get3A_1483 = arith.index_cast %add3A_1482 : i32 to index
      %get3A_1484 = memref.load %arg4[%get3A_1483] : memref<4096xi32, #tpu.memory_space<smem>>
      %get3A_1485 = arith.constant 119 : index
      %get3A_1486 = arith.constant 0 : index
      %get3A_1487 = vector.load %arg10[%get3A_1485, %get3A_1486] : memref<256x128xf32, #tpu.memory_space<vmem>>, vector<1x100xf32>
      %swap3A_1488 = arith.index_cast %get3A_1484 : i32 to index
      %swap3A_1489 = arith.constant 0 : index
      %swap3A_1490 = vector.load %arg8[%swap3A_1488, %swap3A_1489] : memref<4096x100xf32, #tpu.memory_space<vmem>>, vector<1x100xf32>
      tpu.vector_store %arg8[%swap3A_1488, %swap3A_1489], %get3A_1487 {strides = array<i32>} : memref<4096x100xf32, #tpu.memory_space<vmem>>, vector<1x100xf32>,
      %mul3A_1491 = arith.constant 256 : i32
      %mul3A_1492 = arith.muli %sub3A_6, %mul3A_1491 : i32
      %add3A_1493 = arith.constant 120 : i32
      %add3A_1494 = arith.addi %mul3A_1492, %add3A_1493 : i32
      %get3A_1495 = arith.index_cast %add3A_1494 : i32 to index
      %get3A_1496 = memref.load %arg4[%get3A_1495] : memref<4096xi32, #tpu.memory_space<smem>>
      %get3A_1497 = arith.constant 120 : index
      %get3A_1498 = arith.constant 0 : index
      %get3A_1499 = vector.load %arg10[%get3A_1497, %get3A_1498] : memref<256x128xf32, #tpu.memory_space<vmem>>, vector<1x100xf32>
      %swap3A_1500 = arith.index_cast %get3A_1496 : i32 to index
      %swap3A_1501 = arith.constant 0 : index
      %swap3A_1502 = vector.load %arg8[%swap3A_1500, %swap3A_1501] : memref<4096x100xf32, #tpu.memory_space<vmem>>, vector<1x100xf32>
      tpu.vector_store %arg8[%swap3A_1500, %swap3A_1501], %get3A_1499 {strides = array<i32>} : memref<4096x100xf32, #tpu.memory_space<vmem>>, vector<1x100xf32>,
      %mul3A_1503 = arith.constant 256 : i32
      %mul3A_1504 = arith.muli %sub3A_6, %mul3A_1503 : i32
      %add3A_1505 = arith.constant 121 : i32
      %add3A_1506 = arith.addi %mul3A_1504, %add3A_1505 : i32
      %get3A_1507 = arith.index_cast %add3A_1506 : i32 to index
      %get3A_1508 = memref.load %arg4[%get3A_1507] : memref<4096xi32, #tpu.memory_space<smem>>
      %get3A_1509 = arith.constant 121 : index
      %get3A_1510 = arith.constant 0 : index
      %get3A_1511 = vector.load %arg10[%get3A_1509, %get3A_1510] : memref<256x128xf32, #tpu.memory_space<vmem>>, vector<1x100xf32>
      %swap3A_1512 = arith.index_cast %get3A_1508 : i32 to index
      %swap3A_1513 = arith.constant 0 : index
      %swap3A_1514 = vector.load %arg8[%swap3A_1512, %swap3A_1513] : memref<4096x100xf32, #tpu.memory_space<vmem>>, vector<1x100xf32>
      tpu.vector_store %arg8[%swap3A_1512, %swap3A_1513], %get3A_1511 {strides = array<i32>} : memref<4096x100xf32, #tpu.memory_space<vmem>>, vector<1x100xf32>,
      %mul3A_1515 = arith.constant 256 : i32
      %mul3A_1516 = arith.muli %sub3A_6, %mul3A_1515 : i32
      %add3A_1517 = arith.constant 122 : i32
      %add3A_1518 = arith.addi %mul3A_1516, %add3A_1517 : i32
      %get3A_1519 = arith.index_cast %add3A_1518 : i32 to index
      %get3A_1520 = memref.load %arg4[%get3A_1519] : memref<4096xi32, #tpu.memory_space<smem>>
      %get3A_1521 = arith.constant 122 : index
      %get3A_1522 = arith.constant 0 : index
      %get3A_1523 = vector.load %arg10[%get3A_1521, %get3A_1522] : memref<256x128xf32, #tpu.memory_space<vmem>>, vector<1x100xf32>
      %swap3A_1524 = arith.index_cast %get3A_1520 : i32 to index
      %swap3A_1525 = arith.constant 0 : index
      %swap3A_1526 = vector.load %arg8[%swap3A_1524, %swap3A_1525] : memref<4096x100xf32, #tpu.memory_space<vmem>>, vector<1x100xf32>
      tpu.vector_store %arg8[%swap3A_1524, %swap3A_1525], %get3A_1523 {strides = array<i32>} : memref<4096x100xf32, #tpu.memory_space<vmem>>, vector<1x100xf32>,
      %mul3A_1527 = arith.constant 256 : i32
      %mul3A_1528 = arith.muli %sub3A_6, %mul3A_1527 : i32
      %add3A_1529 = arith.constant 123 : i32
      %add3A_1530 = arith.addi %mul3A_1528, %add3A_1529 : i32
      %get3A_1531 = arith.index_cast %add3A_1530 : i32 to index
      %get3A_1532 = memref.load %arg4[%get3A_1531] : memref<4096xi32, #tpu.memory_space<smem>>
      %get3A_1533 = arith.constant 123 : index
      %get3A_1534 = arith.constant 0 : index
      %get3A_1535 = vector.load %arg10[%get3A_1533, %get3A_1534] : memref<256x128xf32, #tpu.memory_space<vmem>>, vector<1x100xf32>
      %swap3A_1536 = arith.index_cast %get3A_1532 : i32 to index
      %swap3A_1537 = arith.constant 0 : index
      %swap3A_1538 = vector.load %arg8[%swap3A_1536, %swap3A_1537] : memref<4096x100xf32, #tpu.memory_space<vmem>>, vector<1x100xf32>
      tpu.vector_store %arg8[%swap3A_1536, %swap3A_1537], %get3A_1535 {strides = array<i32>} : memref<4096x100xf32, #tpu.memory_space<vmem>>, vector<1x100xf32>,
      %mul3A_1539 = arith.constant 256 : i32
      %mul3A_1540 = arith.muli %sub3A_6, %mul3A_1539 : i32
      %add3A_1541 = arith.constant 124 : i32
      %add3A_1542 = arith.addi %mul3A_1540, %add3A_1541 : i32
      %get3A_1543 = arith.index_cast %add3A_1542 : i32 to index
      %get3A_1544 = memref.load %arg4[%get3A_1543] : memref<4096xi32, #tpu.memory_space<smem>>
      %get3A_1545 = arith.constant 124 : index
      %get3A_1546 = arith.constant 0 : index
      %get3A_1547 = vector.load %arg10[%get3A_1545, %get3A_1546] : memref<256x128xf32, #tpu.memory_space<vmem>>, vector<1x100xf32>
      %swap3A_1548 = arith.index_cast %get3A_1544 : i32 to index
      %swap3A_1549 = arith.constant 0 : index
      %swap3A_1550 = vector.load %arg8[%swap3A_1548, %swap3A_1549] : memref<4096x100xf32, #tpu.memory_space<vmem>>, vector<1x100xf32>
      tpu.vector_store %arg8[%swap3A_1548, %swap3A_1549], %get3A_1547 {strides = array<i32>} : memref<4096x100xf32, #tpu.memory_space<vmem>>, vector<1x100xf32>,
      %mul3A_1551 = arith.constant 256 : i32
      %mul3A_1552 = arith.muli %sub3A_6, %mul3A_1551 : i32
      %add3A_1553 = arith.constant 125 : i32
      %add3A_1554 = arith.addi %mul3A_1552, %add3A_1553 : i32
      %get3A_1555 = arith.index_cast %add3A_1554 : i32 to index
      %get3A_1556 = memref.load %arg4[%get3A_1555] : memref<4096xi32, #tpu.memory_space<smem>>
      %get3A_1557 = arith.constant 125 : index
      %get3A_1558 = arith.constant 0 : index
      %get3A_1559 = vector.load %arg10[%get3A_1557, %get3A_1558] : memref<256x128xf32, #tpu.memory_space<vmem>>, vector<1x100xf32>
      %swap3A_1560 = arith.index_cast %get3A_1556 : i32 to index
      %swap3A_1561 = arith.constant 0 : index
      %swap3A_1562 = vector.load %arg8[%swap3A_1560, %swap3A_1561] : memref<4096x100xf32, #tpu.memory_space<vmem>>, vector<1x100xf32>
      tpu.vector_store %arg8[%swap3A_1560, %swap3A_1561], %get3A_1559 {strides = array<i32>} : memref<4096x100xf32, #tpu.memory_space<vmem>>, vector<1x100xf32>,
      %mul3A_1563 = arith.constant 256 : i32
      %mul3A_1564 = arith.muli %sub3A_6, %mul3A_1563 : i32
      %add3A_1565 = arith.constant 126 : i32
      %add3A_1566 = arith.addi %mul3A_1564, %add3A_1565 : i32
      %get3A_1567 = arith.index_cast %add3A_1566 : i32 to index
      %get3A_1568 = memref.load %arg4[%get3A_1567] : memref<4096xi32, #tpu.memory_space<smem>>
      %get3A_1569 = arith.constant 126 : index
      %get3A_1570 = arith.constant 0 : index
      %get3A_1571 = vector.load %arg10[%get3A_1569, %get3A_1570] : memref<256x128xf32, #tpu.memory_space<vmem>>, vector<1x100xf32>
      %swap3A_1572 = arith.index_cast %get3A_1568 : i32 to index
      %swap3A_1573 = arith.constant 0 : index
      %swap3A_1574 = vector.load %arg8[%swap3A_1572, %swap3A_1573] : memref<4096x100xf32, #tpu.memory_space<vmem>>, vector<1x100xf32>
      tpu.vector_store %arg8[%swap3A_1572, %swap3A_1573], %get3A_1571 {strides = array<i32>} : memref<4096x100xf32, #tpu.memory_space<vmem>>, vector<1x100xf32>,
      %mul3A_1575 = arith.constant 256 : i32
      %mul3A_1576 = arith.muli %sub3A_6, %mul3A_1575 : i32
      %add3A_1577 = arith.constant 127 : i32
      %add3A_1578 = arith.addi %mul3A_1576, %add3A_1577 : i32
      %get3A_1579 = arith.index_cast %add3A_1578 : i32 to index
      %get3A_1580 = memref.load %arg4[%get3A_1579] : memref<4096xi32, #tpu.memory_space<smem>>
      %get3A_1581 = arith.constant 127 : index
      %get3A_1582 = arith.constant 0 : index
      %get3A_1583 = vector.load %arg10[%get3A_1581, %get3A_1582] : memref<256x128xf32, #tpu.memory_space<vmem>>, vector<1x100xf32>
      %swap3A_1584 = arith.index_cast %get3A_1580 : i32 to index
      %swap3A_1585 = arith.constant 0 : index
      %swap3A_1586 = vector.load %arg8[%swap3A_1584, %swap3A_1585] : memref<4096x100xf32, #tpu.memory_space<vmem>>, vector<1x100xf32>
      tpu.vector_store %arg8[%swap3A_1584, %swap3A_1585], %get3A_1583 {strides = array<i32>} : memref<4096x100xf32, #tpu.memory_space<vmem>>, vector<1x100xf32>,
      %mul3A_1587 = arith.constant 256 : i32
      %mul3A_1588 = arith.muli %sub3A_6, %mul3A_1587 : i32
      %add3A_1589 = arith.constant 128 : i32
      %add3A_1590 = arith.addi %mul3A_1588, %add3A_1589 : i32
      %get3A_1591 = arith.index_cast %add3A_1590 : i32 to index
      %get3A_1592 = memref.load %arg4[%get3A_1591] : memref<4096xi32, #tpu.memory_space<smem>>
      %get3A_1593 = arith.constant 128 : index
      %get3A_1594 = arith.constant 0 : index
      %get3A_1595 = vector.load %arg10[%get3A_1593, %get3A_1594] : memref<256x128xf32, #tpu.memory_space<vmem>>, vector<1x100xf32>
      %swap3A_1596 = arith.index_cast %get3A_1592 : i32 to index
      %swap3A_1597 = arith.constant 0 : index
      %swap3A_1598 = vector.load %arg8[%swap3A_1596, %swap3A_1597] : memref<4096x100xf32, #tpu.memory_space<vmem>>, vector<1x100xf32>
      tpu.vector_store %arg8[%swap3A_1596, %swap3A_1597], %get3A_1595 {strides = array<i32>} : memref<4096x100xf32, #tpu.memory_space<vmem>>, vector<1x100xf32>,
      %mul3A_1599 = arith.constant 256 : i32
      %mul3A_1600 = arith.muli %sub3A_6, %mul3A_1599 : i32
      %add3A_1601 = arith.constant 129 : i32
      %add3A_1602 = arith.addi %mul3A_1600, %add3A_1601 : i32
      %get3A_1603 = arith.index_cast %add3A_1602 : i32 to index
      %get3A_1604 = memref.load %arg4[%get3A_1603] : memref<4096xi32, #tpu.memory_space<smem>>
      %get3A_1605 = arith.constant 129 : index
      %get3A_1606 = arith.constant 0 : index
      %get3A_1607 = vector.load %arg10[%get3A_1605, %get3A_1606] : memref<256x128xf32, #tpu.memory_space<vmem>>, vector<1x100xf32>
      %swap3A_1608 = arith.index_cast %get3A_1604 : i32 to index
      %swap3A_1609 = arith.constant 0 : index
      %swap3A_1610 = vector.load %arg8[%swap3A_1608, %swap3A_1609] : memref<4096x100xf32, #tpu.memory_space<vmem>>, vector<1x100xf32>
      tpu.vector_store %arg8[%swap3A_1608, %swap3A_1609], %get3A_1607 {strides = array<i32>} : memref<4096x100xf32, #tpu.memory_space<vmem>>, vector<1x100xf32>,
      %mul3A_1611 = arith.constant 256 : i32
      %mul3A_1612 = arith.muli %sub3A_6, %mul3A_1611 : i32
      %add3A_1613 = arith.constant 130 : i32
      %add3A_1614 = arith.addi %mul3A_1612, %add3A_1613 : i32
      %get3A_1615 = arith.index_cast %add3A_1614 : i32 to index
      %get3A_1616 = memref.load %arg4[%get3A_1615] : memref<4096xi32, #tpu.memory_space<smem>>
      %get3A_1617 = arith.constant 130 : index
      %get3A_1618 = arith.constant 0 : index
      %get3A_1619 = vector.load %arg10[%get3A_1617, %get3A_1618] : memref<256x128xf32, #tpu.memory_space<vmem>>, vector<1x100xf32>
      %swap3A_1620 = arith.index_cast %get3A_1616 : i32 to index
      %swap3A_1621 = arith.constant 0 : index
      %swap3A_1622 = vector.load %arg8[%swap3A_1620, %swap3A_1621] : memref<4096x100xf32, #tpu.memory_space<vmem>>, vector<1x100xf32>
      tpu.vector_store %arg8[%swap3A_1620, %swap3A_1621], %get3A_1619 {strides = array<i32>} : memref<4096x100xf32, #tpu.memory_space<vmem>>, vector<1x100xf32>,
      %mul3A_1623 = arith.constant 256 : i32
      %mul3A_1624 = arith.muli %sub3A_6, %mul3A_1623 : i32
      %add3A_1625 = arith.constant 131 : i32
      %add3A_1626 = arith.addi %mul3A_1624, %add3A_1625 : i32
      %get3A_1627 = arith.index_cast %add3A_1626 : i32 to index
      %get3A_1628 = memref.load %arg4[%get3A_1627] : memref<4096xi32, #tpu.memory_space<smem>>
      %get3A_1629 = arith.constant 131 : index
      %get3A_1630 = arith.constant 0 : index
      %get3A_1631 = vector.load %arg10[%get3A_1629, %get3A_1630] : memref<256x128xf32, #tpu.memory_space<vmem>>, vector<1x100xf32>
      %swap3A_1632 = arith.index_cast %get3A_1628 : i32 to index
      %swap3A_1633 = arith.constant 0 : index
      %swap3A_1634 = vector.load %arg8[%swap3A_1632, %swap3A_1633] : memref<4096x100xf32, #tpu.memory_space<vmem>>, vector<1x100xf32>
      tpu.vector_store %arg8[%swap3A_1632, %swap3A_1633], %get3A_1631 {strides = array<i32>} : memref<4096x100xf32, #tpu.memory_space<vmem>>, vector<1x100xf32>,
      %mul3A_1635 = arith.constant 256 : i32
      %mul3A_1636 = arith.muli %sub3A_6, %mul3A_1635 : i32
      %add3A_1637 = arith.constant 132 : i32
      %add3A_1638 = arith.addi %mul3A_1636, %add3A_1637 : i32
      %get3A_1639 = arith.index_cast %add3A_1638 : i32 to index
      %get3A_1640 = memref.load %arg4[%get3A_1639] : memref<4096xi32, #tpu.memory_space<smem>>
      %get3A_1641 = arith.constant 132 : index
      %get3A_1642 = arith.constant 0 : index
      %get3A_1643 = vector.load %arg10[%get3A_1641, %get3A_1642] : memref<256x128xf32, #tpu.memory_space<vmem>>, vector<1x100xf32>
      %swap3A_1644 = arith.index_cast %get3A_1640 : i32 to index
      %swap3A_1645 = arith.constant 0 : index
      %swap3A_1646 = vector.load %arg8[%swap3A_1644, %swap3A_1645] : memref<4096x100xf32, #tpu.memory_space<vmem>>, vector<1x100xf32>
      tpu.vector_store %arg8[%swap3A_1644, %swap3A_1645], %get3A_1643 {strides = array<i32>} : memref<4096x100xf32, #tpu.memory_space<vmem>>, vector<1x100xf32>,
      %mul3A_1647 = arith.constant 256 : i32
      %mul3A_1648 = arith.muli %sub3A_6, %mul3A_1647 : i32
      %add3A_1649 = arith.constant 133 : i32
      %add3A_1650 = arith.addi %mul3A_1648, %add3A_1649 : i32
      %get3A_1651 = arith.index_cast %add3A_1650 : i32 to index
      %get3A_1652 = memref.load %arg4[%get3A_1651] : memref<4096xi32, #tpu.memory_space<smem>>
      %get3A_1653 = arith.constant 133 : index
      %get3A_1654 = arith.constant 0 : index
      %get3A_1655 = vector.load %arg10[%get3A_1653, %get3A_1654] : memref<256x128xf32, #tpu.memory_space<vmem>>, vector<1x100xf32>
      %swap3A_1656 = arith.index_cast %get3A_1652 : i32 to index
      %swap3A_1657 = arith.constant 0 : index
      %swap3A_1658 = vector.load %arg8[%swap3A_1656, %swap3A_1657] : memref<4096x100xf32, #tpu.memory_space<vmem>>, vector<1x100xf32>
      tpu.vector_store %arg8[%swap3A_1656, %swap3A_1657], %get3A_1655 {strides = array<i32>} : memref<4096x100xf32, #tpu.memory_space<vmem>>, vector<1x100xf32>,
      %mul3A_1659 = arith.constant 256 : i32
      %mul3A_1660 = arith.muli %sub3A_6, %mul3A_1659 : i32
      %add3A_1661 = arith.constant 134 : i32
      %add3A_1662 = arith.addi %mul3A_1660, %add3A_1661 : i32
      %get3A_1663 = arith.index_cast %add3A_1662 : i32 to index
      %get3A_1664 = memref.load %arg4[%get3A_1663] : memref<4096xi32, #tpu.memory_space<smem>>
      %get3A_1665 = arith.constant 134 : index
      %get3A_1666 = arith.constant 0 : index
      %get3A_1667 = vector.load %arg10[%get3A_1665, %get3A_1666] : memref<256x128xf32, #tpu.memory_space<vmem>>, vector<1x100xf32>
      %swap3A_1668 = arith.index_cast %get3A_1664 : i32 to index
      %swap3A_1669 = arith.constant 0 : index
      %swap3A_1670 = vector.load %arg8[%swap3A_1668, %swap3A_1669] : memref<4096x100xf32, #tpu.memory_space<vmem>>, vector<1x100xf32>
      tpu.vector_store %arg8[%swap3A_1668, %swap3A_1669], %get3A_1667 {strides = array<i32>} : memref<4096x100xf32, #tpu.memory_space<vmem>>, vector<1x100xf32>,
      %mul3A_1671 = arith.constant 256 : i32
      %mul3A_1672 = arith.muli %sub3A_6, %mul3A_1671 : i32
      %add3A_1673 = arith.constant 135 : i32
      %add3A_1674 = arith.addi %mul3A_1672, %add3A_1673 : i32
      %get3A_1675 = arith.index_cast %add3A_1674 : i32 to index
      %get3A_1676 = memref.load %arg4[%get3A_1675] : memref<4096xi32, #tpu.memory_space<smem>>
      %get3A_1677 = arith.constant 135 : index
      %get3A_1678 = arith.constant 0 : index
      %get3A_1679 = vector.load %arg10[%get3A_1677, %get3A_1678] : memref<256x128xf32, #tpu.memory_space<vmem>>, vector<1x100xf32>
      %swap3A_1680 = arith.index_cast %get3A_1676 : i32 to index
      %swap3A_1681 = arith.constant 0 : index
      %swap3A_1682 = vector.load %arg8[%swap3A_1680, %swap3A_1681] : memref<4096x100xf32, #tpu.memory_space<vmem>>, vector<1x100xf32>
      tpu.vector_store %arg8[%swap3A_1680, %swap3A_1681], %get3A_1679 {strides = array<i32>} : memref<4096x100xf32, #tpu.memory_space<vmem>>, vector<1x100xf32>,
      %mul3A_1683 = arith.constant 256 : i32
      %mul3A_1684 = arith.muli %sub3A_6, %mul3A_1683 : i32
      %add3A_1685 = arith.constant 136 : i32
      %add3A_1686 = arith.addi %mul3A_1684, %add3A_1685 : i32
      %get3A_1687 = arith.index_cast %add3A_1686 : i32 to index
      %get3A_1688 = memref.load %arg4[%get3A_1687] : memref<4096xi32, #tpu.memory_space<smem>>
      %get3A_1689 = arith.constant 136 : index
      %get3A_1690 = arith.constant 0 : index
      %get3A_1691 = vector.load %arg10[%get3A_1689, %get3A_1690] : memref<256x128xf32, #tpu.memory_space<vmem>>, vector<1x100xf32>
      %swap3A_1692 = arith.index_cast %get3A_1688 : i32 to index
      %swap3A_1693 = arith.constant 0 : index
      %swap3A_1694 = vector.load %arg8[%swap3A_1692, %swap3A_1693] : memref<4096x100xf32, #tpu.memory_space<vmem>>, vector<1x100xf32>
      tpu.vector_store %arg8[%swap3A_1692, %swap3A_1693], %get3A_1691 {strides = array<i32>} : memref<4096x100xf32, #tpu.memory_space<vmem>>, vector<1x100xf32>,
      %mul3A_1695 = arith.constant 256 : i32
      %mul3A_1696 = arith.muli %sub3A_6, %mul3A_1695 : i32
      %add3A_1697 = arith.constant 137 : i32
      %add3A_1698 = arith.addi %mul3A_1696, %add3A_1697 : i32
      %get3A_1699 = arith.index_cast %add3A_1698 : i32 to index
      %get3A_1700 = memref.load %arg4[%get3A_1699] : memref<4096xi32, #tpu.memory_space<smem>>
      %get3A_1701 = arith.constant 137 : index
      %get3A_1702 = arith.constant 0 : index
      %get3A_1703 = vector.load %arg10[%get3A_1701, %get3A_1702] : memref<256x128xf32, #tpu.memory_space<vmem>>, vector<1x100xf32>
      %swap3A_1704 = arith.index_cast %get3A_1700 : i32 to index
      %swap3A_1705 = arith.constant 0 : index
      %swap3A_1706 = vector.load %arg8[%swap3A_1704, %swap3A_1705] : memref<4096x100xf32, #tpu.memory_space<vmem>>, vector<1x100xf32>
      tpu.vector_store %arg8[%swap3A_1704, %swap3A_1705], %get3A_1703 {strides = array<i32>} : memref<4096x100xf32, #tpu.memory_space<vmem>>, vector<1x100xf32>,
      %mul3A_1707 = arith.constant 256 : i32
      %mul3A_1708 = arith.muli %sub3A_6, %mul3A_1707 : i32
      %add3A_1709 = arith.constant 138 : i32
      %add3A_1710 = arith.addi %mul3A_1708, %add3A_1709 : i32
      %get3A_1711 = arith.index_cast %add3A_1710 : i32 to index
      %get3A_1712 = memref.load %arg4[%get3A_1711] : memref<4096xi32, #tpu.memory_space<smem>>
      %get3A_1713 = arith.constant 138 : index
      %get3A_1714 = arith.constant 0 : index
      %get3A_1715 = vector.load %arg10[%get3A_1713, %get3A_1714] : memref<256x128xf32, #tpu.memory_space<vmem>>, vector<1x100xf32>
      %swap3A_1716 = arith.index_cast %get3A_1712 : i32 to index
      %swap3A_1717 = arith.constant 0 : index
      %swap3A_1718 = vector.load %arg8[%swap3A_1716, %swap3A_1717] : memref<4096x100xf32, #tpu.memory_space<vmem>>, vector<1x100xf32>
      tpu.vector_store %arg8[%swap3A_1716, %swap3A_1717], %get3A_1715 {strides = array<i32>} : memref<4096x100xf32, #tpu.memory_space<vmem>>, vector<1x100xf32>,
      %mul3A_1719 = arith.constant 256 : i32
      %mul3A_1720 = arith.muli %sub3A_6, %mul3A_1719 : i32
      %add3A_1721 = arith.constant 139 : i32
      %add3A_1722 = arith.addi %mul3A_1720, %add3A_1721 : i32
      %get3A_1723 = arith.index_cast %add3A_1722 : i32 to index
      %get3A_1724 = memref.load %arg4[%get3A_1723] : memref<4096xi32, #tpu.memory_space<smem>>
      %get3A_1725 = arith.constant 139 : index
      %get3A_1726 = arith.constant 0 : index
      %get3A_1727 = vector.load %arg10[%get3A_1725, %get3A_1726] : memref<256x128xf32, #tpu.memory_space<vmem>>, vector<1x100xf32>
      %swap3A_1728 = arith.index_cast %get3A_1724 : i32 to index
      %swap3A_1729 = arith.constant 0 : index
      %swap3A_1730 = vector.load %arg8[%swap3A_1728, %swap3A_1729] : memref<4096x100xf32, #tpu.memory_space<vmem>>, vector<1x100xf32>
      tpu.vector_store %arg8[%swap3A_1728, %swap3A_1729], %get3A_1727 {strides = array<i32>} : memref<4096x100xf32, #tpu.memory_space<vmem>>, vector<1x100xf32>,
      %mul3A_1731 = arith.constant 256 : i32
      %mul3A_1732 = arith.muli %sub3A_6, %mul3A_1731 : i32
      %add3A_1733 = arith.constant 140 : i32
      %add3A_1734 = arith.addi %mul3A_1732, %add3A_1733 : i32
      %get3A_1735 = arith.index_cast %add3A_1734 : i32 to index
      %get3A_1736 = memref.load %arg4[%get3A_1735] : memref<4096xi32, #tpu.memory_space<smem>>
      %get3A_1737 = arith.constant 140 : index
      %get3A_1738 = arith.constant 0 : index
      %get3A_1739 = vector.load %arg10[%get3A_1737, %get3A_1738] : memref<256x128xf32, #tpu.memory_space<vmem>>, vector<1x100xf32>
      %swap3A_1740 = arith.index_cast %get3A_1736 : i32 to index
      %swap3A_1741 = arith.constant 0 : index
      %swap3A_1742 = vector.load %arg8[%swap3A_1740, %swap3A_1741] : memref<4096x100xf32, #tpu.memory_space<vmem>>, vector<1x100xf32>
      tpu.vector_store %arg8[%swap3A_1740, %swap3A_1741], %get3A_1739 {strides = array<i32>} : memref<4096x100xf32, #tpu.memory_space<vmem>>, vector<1x100xf32>,
      %mul3A_1743 = arith.constant 256 : i32
      %mul3A_1744 = arith.muli %sub3A_6, %mul3A_1743 : i32
      %add3A_1745 = arith.constant 141 : i32
      %add3A_1746 = arith.addi %mul3A_1744, %add3A_1745 : i32
      %get3A_1747 = arith.index_cast %add3A_1746 : i32 to index
      %get3A_1748 = memref.load %arg4[%get3A_1747] : memref<4096xi32, #tpu.memory_space<smem>>
      %get3A_1749 = arith.constant 141 : index
      %get3A_1750 = arith.constant 0 : index
      %get3A_1751 = vector.load %arg10[%get3A_1749, %get3A_1750] : memref<256x128xf32, #tpu.memory_space<vmem>>, vector<1x100xf32>
      %swap3A_1752 = arith.index_cast %get3A_1748 : i32 to index
      %swap3A_1753 = arith.constant 0 : index
      %swap3A_1754 = vector.load %arg8[%swap3A_1752, %swap3A_1753] : memref<4096x100xf32, #tpu.memory_space<vmem>>, vector<1x100xf32>
      tpu.vector_store %arg8[%swap3A_1752, %swap3A_1753], %get3A_1751 {strides = array<i32>} : memref<4096x100xf32, #tpu.memory_space<vmem>>, vector<1x100xf32>,
      %mul3A_1755 = arith.constant 256 : i32
      %mul3A_1756 = arith.muli %sub3A_6, %mul3A_1755 : i32
      %add3A_1757 = arith.constant 142 : i32
      %add3A_1758 = arith.addi %mul3A_1756, %add3A_1757 : i32
      %get3A_1759 = arith.index_cast %add3A_1758 : i32 to index
      %get3A_1760 = memref.load %arg4[%get3A_1759] : memref<4096xi32, #tpu.memory_space<smem>>
      %get3A_1761 = arith.constant 142 : index
      %get3A_1762 = arith.constant 0 : index
      %get3A_1763 = vector.load %arg10[%get3A_1761, %get3A_1762] : memref<256x128xf32, #tpu.memory_space<vmem>>, vector<1x100xf32>
      %swap3A_1764 = arith.index_cast %get3A_1760 : i32 to index
      %swap3A_1765 = arith.constant 0 : index
      %swap3A_1766 = vector.load %arg8[%swap3A_1764, %swap3A_1765] : memref<4096x100xf32, #tpu.memory_space<vmem>>, vector<1x100xf32>
      tpu.vector_store %arg8[%swap3A_1764, %swap3A_1765], %get3A_1763 {strides = array<i32>} : memref<4096x100xf32, #tpu.memory_space<vmem>>, vector<1x100xf32>,
      %mul3A_1767 = arith.constant 256 : i32
      %mul3A_1768 = arith.muli %sub3A_6, %mul3A_1767 : i32
      %add3A_1769 = arith.constant 143 : i32
      %add3A_1770 = arith.addi %mul3A_1768, %add3A_1769 : i32
      %get3A_1771 = arith.index_cast %add3A_1770 : i32 to index
      %get3A_1772 = memref.load %arg4[%get3A_1771] : memref<4096xi32, #tpu.memory_space<smem>>
      %get3A_1773 = arith.constant 143 : index
      %get3A_1774 = arith.constant 0 : index
      %get3A_1775 = vector.load %arg10[%get3A_1773, %get3A_1774] : memref<256x128xf32, #tpu.memory_space<vmem>>, vector<1x100xf32>
      %swap3A_1776 = arith.index_cast %get3A_1772 : i32 to index
      %swap3A_1777 = arith.constant 0 : index
      %swap3A_1778 = vector.load %arg8[%swap3A_1776, %swap3A_1777] : memref<4096x100xf32, #tpu.memory_space<vmem>>, vector<1x100xf32>
      tpu.vector_store %arg8[%swap3A_1776, %swap3A_1777], %get3A_1775 {strides = array<i32>} : memref<4096x100xf32, #tpu.memory_space<vmem>>, vector<1x100xf32>,
      %mul3A_1779 = arith.constant 256 : i32
      %mul3A_1780 = arith.muli %sub3A_6, %mul3A_1779 : i32
      %add3A_1781 = arith.constant 144 : i32
      %add3A_1782 = arith.addi %mul3A_1780, %add3A_1781 : i32
      %get3A_1783 = arith.index_cast %add3A_1782 : i32 to index
      %get3A_1784 = memref.load %arg4[%get3A_1783] : memref<4096xi32, #tpu.memory_space<smem>>
      %get3A_1785 = arith.constant 144 : index
      %get3A_1786 = arith.constant 0 : index
      %get3A_1787 = vector.load %arg10[%get3A_1785, %get3A_1786] : memref<256x128xf32, #tpu.memory_space<vmem>>, vector<1x100xf32>
      %swap3A_1788 = arith.index_cast %get3A_1784 : i32 to index
      %swap3A_1789 = arith.constant 0 : index
      %swap3A_1790 = vector.load %arg8[%swap3A_1788, %swap3A_1789] : memref<4096x100xf32, #tpu.memory_space<vmem>>, vector<1x100xf32>
      tpu.vector_store %arg8[%swap3A_1788, %swap3A_1789], %get3A_1787 {strides = array<i32>} : memref<4096x100xf32, #tpu.memory_space<vmem>>, vector<1x100xf32>,
      %mul3A_1791 = arith.constant 256 : i32
      %mul3A_1792 = arith.muli %sub3A_6, %mul3A_1791 : i32
      %add3A_1793 = arith.constant 145 : i32
      %add3A_1794 = arith.addi %mul3A_1792, %add3A_1793 : i32
      %get3A_1795 = arith.index_cast %add3A_1794 : i32 to index
      %get3A_1796 = memref.load %arg4[%get3A_1795] : memref<4096xi32, #tpu.memory_space<smem>>
      %get3A_1797 = arith.constant 145 : index
      %get3A_1798 = arith.constant 0 : index
      %get3A_1799 = vector.load %arg10[%get3A_1797, %get3A_1798] : memref<256x128xf32, #tpu.memory_space<vmem>>, vector<1x100xf32>
      %swap3A_1800 = arith.index_cast %get3A_1796 : i32 to index
      %swap3A_1801 = arith.constant 0 : index
      %swap3A_1802 = vector.load %arg8[%swap3A_1800, %swap3A_1801] : memref<4096x100xf32, #tpu.memory_space<vmem>>, vector<1x100xf32>
      tpu.vector_store %arg8[%swap3A_1800, %swap3A_1801], %get3A_1799 {strides = array<i32>} : memref<4096x100xf32, #tpu.memory_space<vmem>>, vector<1x100xf32>,
      %mul3A_1803 = arith.constant 256 : i32
      %mul3A_1804 = arith.muli %sub3A_6, %mul3A_1803 : i32
      %add3A_1805 = arith.constant 146 : i32
      %add3A_1806 = arith.addi %mul3A_1804, %add3A_1805 : i32
      %get3A_1807 = arith.index_cast %add3A_1806 : i32 to index
      %get3A_1808 = memref.load %arg4[%get3A_1807] : memref<4096xi32, #tpu.memory_space<smem>>
      %get3A_1809 = arith.constant 146 : index
      %get3A_1810 = arith.constant 0 : index
      %get3A_1811 = vector.load %arg10[%get3A_1809, %get3A_1810] : memref<256x128xf32, #tpu.memory_space<vmem>>, vector<1x100xf32>
      %swap3A_1812 = arith.index_cast %get3A_1808 : i32 to index
      %swap3A_1813 = arith.constant 0 : index
      %swap3A_1814 = vector.load %arg8[%swap3A_1812, %swap3A_1813] : memref<4096x100xf32, #tpu.memory_space<vmem>>, vector<1x100xf32>
      tpu.vector_store %arg8[%swap3A_1812, %swap3A_1813], %get3A_1811 {strides = array<i32>} : memref<4096x100xf32, #tpu.memory_space<vmem>>, vector<1x100xf32>,
      %mul3A_1815 = arith.constant 256 : i32
      %mul3A_1816 = arith.muli %sub3A_6, %mul3A_1815 : i32
      %add3A_1817 = arith.constant 147 : i32
      %add3A_1818 = arith.addi %mul3A_1816, %add3A_1817 : i32
      %get3A_1819 = arith.index_cast %add3A_1818 : i32 to index
      %get3A_1820 = memref.load %arg4[%get3A_1819] : memref<4096xi32, #tpu.memory_space<smem>>
      %get3A_1821 = arith.constant 147 : index
      %get3A_1822 = arith.constant 0 : index
      %get3A_1823 = vector.load %arg10[%get3A_1821, %get3A_1822] : memref<256x128xf32, #tpu.memory_space<vmem>>, vector<1x100xf32>
      %swap3A_1824 = arith.index_cast %get3A_1820 : i32 to index
      %swap3A_1825 = arith.constant 0 : index
      %swap3A_1826 = vector.load %arg8[%swap3A_1824, %swap3A_1825] : memref<4096x100xf32, #tpu.memory_space<vmem>>, vector<1x100xf32>
      tpu.vector_store %arg8[%swap3A_1824, %swap3A_1825], %get3A_1823 {strides = array<i32>} : memref<4096x100xf32, #tpu.memory_space<vmem>>, vector<1x100xf32>,
      %mul3A_1827 = arith.constant 256 : i32
      %mul3A_1828 = arith.muli %sub3A_6, %mul3A_1827 : i32
      %add3A_1829 = arith.constant 148 : i32
      %add3A_1830 = arith.addi %mul3A_1828, %add3A_1829 : i32
      %get3A_1831 = arith.index_cast %add3A_1830 : i32 to index
      %get3A_1832 = memref.load %arg4[%get3A_1831] : memref<4096xi32, #tpu.memory_space<smem>>
      %get3A_1833 = arith.constant 148 : index
      %get3A_1834 = arith.constant 0 : index
      %get3A_1835 = vector.load %arg10[%get3A_1833, %get3A_1834] : memref<256x128xf32, #tpu.memory_space<vmem>>, vector<1x100xf32>
      %swap3A_1836 = arith.index_cast %get3A_1832 : i32 to index
      %swap3A_1837 = arith.constant 0 : index
      %swap3A_1838 = vector.load %arg8[%swap3A_1836, %swap3A_1837] : memref<4096x100xf32, #tpu.memory_space<vmem>>, vector<1x100xf32>
      tpu.vector_store %arg8[%swap3A_1836, %swap3A_1837], %get3A_1835 {strides = array<i32>} : memref<4096x100xf32, #tpu.memory_space<vmem>>, vector<1x100xf32>,
      %mul3A_1839 = arith.constant 256 : i32
      %mul3A_1840 = arith.muli %sub3A_6, %mul3A_1839 : i32
      %add3A_1841 = arith.constant 149 : i32
      %add3A_1842 = arith.addi %mul3A_1840, %add3A_1841 : i32
      %get3A_1843 = arith.index_cast %add3A_1842 : i32 to index
      %get3A_1844 = memref.load %arg4[%get3A_1843] : memref<4096xi32, #tpu.memory_space<smem>>
      %get3A_1845 = arith.constant 149 : index
      %get3A_1846 = arith.constant 0 : index
      %get3A_1847 = vector.load %arg10[%get3A_1845, %get3A_1846] : memref<256x128xf32, #tpu.memory_space<vmem>>, vector<1x100xf32>
      %swap3A_1848 = arith.index_cast %get3A_1844 : i32 to index
      %swap3A_1849 = arith.constant 0 : index
      %swap3A_1850 = vector.load %arg8[%swap3A_1848, %swap3A_1849] : memref<4096x100xf32, #tpu.memory_space<vmem>>, vector<1x100xf32>
      tpu.vector_store %arg8[%swap3A_1848, %swap3A_1849], %get3A_1847 {strides = array<i32>} : memref<4096x100xf32, #tpu.memory_space<vmem>>, vector<1x100xf32>,
      %mul3A_1851 = arith.constant 256 : i32
      %mul3A_1852 = arith.muli %sub3A_6, %mul3A_1851 : i32
      %add3A_1853 = arith.constant 150 : i32
      %add3A_1854 = arith.addi %mul3A_1852, %add3A_1853 : i32
      %get3A_1855 = arith.index_cast %add3A_1854 : i32 to index
      %get3A_1856 = memref.load %arg4[%get3A_1855] : memref<4096xi32, #tpu.memory_space<smem>>
      %get3A_1857 = arith.constant 150 : index
      %get3A_1858 = arith.constant 0 : index
      %get3A_1859 = vector.load %arg10[%get3A_1857, %get3A_1858] : memref<256x128xf32, #tpu.memory_space<vmem>>, vector<1x100xf32>
      %swap3A_1860 = arith.index_cast %get3A_1856 : i32 to index
      %swap3A_1861 = arith.constant 0 : index
      %swap3A_1862 = vector.load %arg8[%swap3A_1860, %swap3A_1861] : memref<4096x100xf32, #tpu.memory_space<vmem>>, vector<1x100xf32>
      tpu.vector_store %arg8[%swap3A_1860, %swap3A_1861], %get3A_1859 {strides = array<i32>} : memref<4096x100xf32, #tpu.memory_space<vmem>>, vector<1x100xf32>,
      %mul3A_1863 = arith.constant 256 : i32
      %mul3A_1864 = arith.muli %sub3A_6, %mul3A_1863 : i32
      %add3A_1865 = arith.constant 151 : i32
      %add3A_1866 = arith.addi %mul3A_1864, %add3A_1865 : i32
      %get3A_1867 = arith.index_cast %add3A_1866 : i32 to index
      %get3A_1868 = memref.load %arg4[%get3A_1867] : memref<4096xi32, #tpu.memory_space<smem>>
      %get3A_1869 = arith.constant 151 : index
      %get3A_1870 = arith.constant 0 : index
      %get3A_1871 = vector.load %arg10[%get3A_1869, %get3A_1870] : memref<256x128xf32, #tpu.memory_space<vmem>>, vector<1x100xf32>
      %swap3A_1872 = arith.index_cast %get3A_1868 : i32 to index
      %swap3A_1873 = arith.constant 0 : index
      %swap3A_1874 = vector.load %arg8[%swap3A_1872, %swap3A_1873] : memref<4096x100xf32, #tpu.memory_space<vmem>>, vector<1x100xf32>
      tpu.vector_store %arg8[%swap3A_1872, %swap3A_1873], %get3A_1871 {strides = array<i32>} : memref<4096x100xf32, #tpu.memory_space<vmem>>, vector<1x100xf32>,
      %mul3A_1875 = arith.constant 256 : i32
      %mul3A_1876 = arith.muli %sub3A_6, %mul3A_1875 : i32
      %add3A_1877 = arith.constant 152 : i32
      %add3A_1878 = arith.addi %mul3A_1876, %add3A_1877 : i32
      %get3A_1879 = arith.index_cast %add3A_1878 : i32 to index
      %get3A_1880 = memref.load %arg4[%get3A_1879] : memref<4096xi32, #tpu.memory_space<smem>>
      %get3A_1881 = arith.constant 152 : index
      %get3A_1882 = arith.constant 0 : index
      %get3A_1883 = vector.load %arg10[%get3A_1881, %get3A_1882] : memref<256x128xf32, #tpu.memory_space<vmem>>, vector<1x100xf32>
      %swap3A_1884 = arith.index_cast %get3A_1880 : i32 to index
      %swap3A_1885 = arith.constant 0 : index
      %swap3A_1886 = vector.load %arg8[%swap3A_1884, %swap3A_1885] : memref<4096x100xf32, #tpu.memory_space<vmem>>, vector<1x100xf32>
      tpu.vector_store %arg8[%swap3A_1884, %swap3A_1885], %get3A_1883 {strides = array<i32>} : memref<4096x100xf32, #tpu.memory_space<vmem>>, vector<1x100xf32>,
      %mul3A_1887 = arith.constant 256 : i32
      %mul3A_1888 = arith.muli %sub3A_6, %mul3A_1887 : i32
      %add3A_1889 = arith.constant 153 : i32
      %add3A_1890 = arith.addi %mul3A_1888, %add3A_1889 : i32
      %get3A_1891 = arith.index_cast %add3A_1890 : i32 to index
      %get3A_1892 = memref.load %arg4[%get3A_1891] : memref<4096xi32, #tpu.memory_space<smem>>
      %get3A_1893 = arith.constant 153 : index
      %get3A_1894 = arith.constant 0 : index
      %get3A_1895 = vector.load %arg10[%get3A_1893, %get3A_1894] : memref<256x128xf32, #tpu.memory_space<vmem>>, vector<1x100xf32>
      %swap3A_1896 = arith.index_cast %get3A_1892 : i32 to index
      %swap3A_1897 = arith.constant 0 : index
      %swap3A_1898 = vector.load %arg8[%swap3A_1896, %swap3A_1897] : memref<4096x100xf32, #tpu.memory_space<vmem>>, vector<1x100xf32>
      tpu.vector_store %arg8[%swap3A_1896, %swap3A_1897], %get3A_1895 {strides = array<i32>} : memref<4096x100xf32, #tpu.memory_space<vmem>>, vector<1x100xf32>,
      %mul3A_1899 = arith.constant 256 : i32
      %mul3A_1900 = arith.muli %sub3A_6, %mul3A_1899 : i32
      %add3A_1901 = arith.constant 154 : i32
      %add3A_1902 = arith.addi %mul3A_1900, %add3A_1901 : i32
      %get3A_1903 = arith.index_cast %add3A_1902 : i32 to index
      %get3A_1904 = memref.load %arg4[%get3A_1903] : memref<4096xi32, #tpu.memory_space<smem>>
      %get3A_1905 = arith.constant 154 : index
      %get3A_1906 = arith.constant 0 : index
      %get3A_1907 = vector.load %arg10[%get3A_1905, %get3A_1906] : memref<256x128xf32, #tpu.memory_space<vmem>>, vector<1x100xf32>
      %swap3A_1908 = arith.index_cast %get3A_1904 : i32 to index
      %swap3A_1909 = arith.constant 0 : index
      %swap3A_1910 = vector.load %arg8[%swap3A_1908, %swap3A_1909] : memref<4096x100xf32, #tpu.memory_space<vmem>>, vector<1x100xf32>
      tpu.vector_store %arg8[%swap3A_1908, %swap3A_1909], %get3A_1907 {strides = array<i32>} : memref<4096x100xf32, #tpu.memory_space<vmem>>, vector<1x100xf32>,
      %mul3A_1911 = arith.constant 256 : i32
      %mul3A_1912 = arith.muli %sub3A_6, %mul3A_1911 : i32
      %add3A_1913 = arith.constant 155 : i32
      %add3A_1914 = arith.addi %mul3A_1912, %add3A_1913 : i32
      %get3A_1915 = arith.index_cast %add3A_1914 : i32 to index
      %get3A_1916 = memref.load %arg4[%get3A_1915] : memref<4096xi32, #tpu.memory_space<smem>>
      %get3A_1917 = arith.constant 155 : index
      %get3A_1918 = arith.constant 0 : index
      %get3A_1919 = vector.load %arg10[%get3A_1917, %get3A_1918] : memref<256x128xf32, #tpu.memory_space<vmem>>, vector<1x100xf32>
      %swap3A_1920 = arith.index_cast %get3A_1916 : i32 to index
      %swap3A_1921 = arith.constant 0 : index
      %swap3A_1922 = vector.load %arg8[%swap3A_1920, %swap3A_1921] : memref<4096x100xf32, #tpu.memory_space<vmem>>, vector<1x100xf32>
      tpu.vector_store %arg8[%swap3A_1920, %swap3A_1921], %get3A_1919 {strides = array<i32>} : memref<4096x100xf32, #tpu.memory_space<vmem>>, vector<1x100xf32>,
      %mul3A_1923 = arith.constant 256 : i32
      %mul3A_1924 = arith.muli %sub3A_6, %mul3A_1923 : i32
      %add3A_1925 = arith.constant 156 : i32
      %add3A_1926 = arith.addi %mul3A_1924, %add3A_1925 : i32
      %get3A_1927 = arith.index_cast %add3A_1926 : i32 to index
      %get3A_1928 = memref.load %arg4[%get3A_1927] : memref<4096xi32, #tpu.memory_space<smem>>
      %get3A_1929 = arith.constant 156 : index
      %get3A_1930 = arith.constant 0 : index
      %get3A_1931 = vector.load %arg10[%get3A_1929, %get3A_1930] : memref<256x128xf32, #tpu.memory_space<vmem>>, vector<1x100xf32>
      %swap3A_1932 = arith.index_cast %get3A_1928 : i32 to index
      %swap3A_1933 = arith.constant 0 : index
      %swap3A_1934 = vector.load %arg8[%swap3A_1932, %swap3A_1933] : memref<4096x100xf32, #tpu.memory_space<vmem>>, vector<1x100xf32>
      tpu.vector_store %arg8[%swap3A_1932, %swap3A_1933], %get3A_1931 {strides = array<i32>} : memref<4096x100xf32, #tpu.memory_space<vmem>>, vector<1x100xf32>,
      %mul3A_1935 = arith.constant 256 : i32
      %mul3A_1936 = arith.muli %sub3A_6, %mul3A_1935 : i32
      %add3A_1937 = arith.constant 157 : i32
      %add3A_1938 = arith.addi %mul3A_1936, %add3A_1937 : i32
      %get3A_1939 = arith.index_cast %add3A_1938 : i32 to index
      %get3A_1940 = memref.load %arg4[%get3A_1939] : memref<4096xi32, #tpu.memory_space<smem>>
      %get3A_1941 = arith.constant 157 : index
      %get3A_1942 = arith.constant 0 : index
      %get3A_1943 = vector.load %arg10[%get3A_1941, %get3A_1942] : memref<256x128xf32, #tpu.memory_space<vmem>>, vector<1x100xf32>
      %swap3A_1944 = arith.index_cast %get3A_1940 : i32 to index
      %swap3A_1945 = arith.constant 0 : index
      %swap3A_1946 = vector.load %arg8[%swap3A_1944, %swap3A_1945] : memref<4096x100xf32, #tpu.memory_space<vmem>>, vector<1x100xf32>
      tpu.vector_store %arg8[%swap3A_1944, %swap3A_1945], %get3A_1943 {strides = array<i32>} : memref<4096x100xf32, #tpu.memory_space<vmem>>, vector<1x100xf32>,
      %mul3A_1947 = arith.constant 256 : i32
      %mul3A_1948 = arith.muli %sub3A_6, %mul3A_1947 : i32
      %add3A_1949 = arith.constant 158 : i32
      %add3A_1950 = arith.addi %mul3A_1948, %add3A_1949 : i32
      %get3A_1951 = arith.index_cast %add3A_1950 : i32 to index
      %get3A_1952 = memref.load %arg4[%get3A_1951] : memref<4096xi32, #tpu.memory_space<smem>>
      %get3A_1953 = arith.constant 158 : index
      %get3A_1954 = arith.constant 0 : index
      %get3A_1955 = vector.load %arg10[%get3A_1953, %get3A_1954] : memref<256x128xf32, #tpu.memory_space<vmem>>, vector<1x100xf32>
      %swap3A_1956 = arith.index_cast %get3A_1952 : i32 to index
      %swap3A_1957 = arith.constant 0 : index
      %swap3A_1958 = vector.load %arg8[%swap3A_1956, %swap3A_1957] : memref<4096x100xf32, #tpu.memory_space<vmem>>, vector<1x100xf32>
      tpu.vector_store %arg8[%swap3A_1956, %swap3A_1957], %get3A_1955 {strides = array<i32>} : memref<4096x100xf32, #tpu.memory_space<vmem>>, vector<1x100xf32>,
      %mul3A_1959 = arith.constant 256 : i32
      %mul3A_1960 = arith.muli %sub3A_6, %mul3A_1959 : i32
      %add3A_1961 = arith.constant 159 : i32
      %add3A_1962 = arith.addi %mul3A_1960, %add3A_1961 : i32
      %get3A_1963 = arith.index_cast %add3A_1962 : i32 to index
      %get3A_1964 = memref.load %arg4[%get3A_1963] : memref<4096xi32, #tpu.memory_space<smem>>
      %get3A_1965 = arith.constant 159 : index
      %get3A_1966 = arith.constant 0 : index
      %get3A_1967 = vector.load %arg10[%get3A_1965, %get3A_1966] : memref<256x128xf32, #tpu.memory_space<vmem>>, vector<1x100xf32>
      %swap3A_1968 = arith.index_cast %get3A_1964 : i32 to index
      %swap3A_1969 = arith.constant 0 : index
      %swap3A_1970 = vector.load %arg8[%swap3A_1968, %swap3A_1969] : memref<4096x100xf32, #tpu.memory_space<vmem>>, vector<1x100xf32>
      tpu.vector_store %arg8[%swap3A_1968, %swap3A_1969], %get3A_1967 {strides = array<i32>} : memref<4096x100xf32, #tpu.memory_space<vmem>>, vector<1x100xf32>,
      %mul3A_1971 = arith.constant 256 : i32
      %mul3A_1972 = arith.muli %sub3A_6, %mul3A_1971 : i32
      %add3A_1973 = arith.constant 160 : i32
      %add3A_1974 = arith.addi %mul3A_1972, %add3A_1973 : i32
      %get3A_1975 = arith.index_cast %add3A_1974 : i32 to index
      %get3A_1976 = memref.load %arg4[%get3A_1975] : memref<4096xi32, #tpu.memory_space<smem>>
      %get3A_1977 = arith.constant 160 : index
      %get3A_1978 = arith.constant 0 : index
      %get3A_1979 = vector.load %arg10[%get3A_1977, %get3A_1978] : memref<256x128xf32, #tpu.memory_space<vmem>>, vector<1x100xf32>
      %swap3A_1980 = arith.index_cast %get3A_1976 : i32 to index
      %swap3A_1981 = arith.constant 0 : index
      %swap3A_1982 = vector.load %arg8[%swap3A_1980, %swap3A_1981] : memref<4096x100xf32, #tpu.memory_space<vmem>>, vector<1x100xf32>
      tpu.vector_store %arg8[%swap3A_1980, %swap3A_1981], %get3A_1979 {strides = array<i32>} : memref<4096x100xf32, #tpu.memory_space<vmem>>, vector<1x100xf32>,
      %mul3A_1983 = arith.constant 256 : i32
      %mul3A_1984 = arith.muli %sub3A_6, %mul3A_1983 : i32
      %add3A_1985 = arith.constant 161 : i32
      %add3A_1986 = arith.addi %mul3A_1984, %add3A_1985 : i32
      %get3A_1987 = arith.index_cast %add3A_1986 : i32 to index
      %get3A_1988 = memref.load %arg4[%get3A_1987] : memref<4096xi32, #tpu.memory_space<smem>>
      %get3A_1989 = arith.constant 161 : index
      %get3A_1990 = arith.constant 0 : index
      %get3A_1991 = vector.load %arg10[%get3A_1989, %get3A_1990] : memref<256x128xf32, #tpu.memory_space<vmem>>, vector<1x100xf32>
      %swap3A_1992 = arith.index_cast %get3A_1988 : i32 to index
      %swap3A_1993 = arith.constant 0 : index
      %swap3A_1994 = vector.load %arg8[%swap3A_1992, %swap3A_1993] : memref<4096x100xf32, #tpu.memory_space<vmem>>, vector<1x100xf32>
      tpu.vector_store %arg8[%swap3A_1992, %swap3A_1993], %get3A_1991 {strides = array<i32>} : memref<4096x100xf32, #tpu.memory_space<vmem>>, vector<1x100xf32>,
      %mul3A_1995 = arith.constant 256 : i32
      %mul3A_1996 = arith.muli %sub3A_6, %mul3A_1995 : i32
      %add3A_1997 = arith.constant 162 : i32
      %add3A_1998 = arith.addi %mul3A_1996, %add3A_1997 : i32
      %get3A_1999 = arith.index_cast %add3A_1998 : i32 to index
      %get3A_2000 = memref.load %arg4[%get3A_1999] : memref<4096xi32, #tpu.memory_space<smem>>
      %get3A_2001 = arith.constant 162 : index
      %get3A_2002 = arith.constant 0 : index
      %get3A_2003 = vector.load %arg10[%get3A_2001, %get3A_2002] : memref<256x128xf32, #tpu.memory_space<vmem>>, vector<1x100xf32>
      %swap3A_2004 = arith.index_cast %get3A_2000 : i32 to index
      %swap3A_2005 = arith.constant 0 : index
      %swap3A_2006 = vector.load %arg8[%swap3A_2004, %swap3A_2005] : memref<4096x100xf32, #tpu.memory_space<vmem>>, vector<1x100xf32>
      tpu.vector_store %arg8[%swap3A_2004, %swap3A_2005], %get3A_2003 {strides = array<i32>} : memref<4096x100xf32, #tpu.memory_space<vmem>>, vector<1x100xf32>,
      %mul3A_2007 = arith.constant 256 : i32
      %mul3A_2008 = arith.muli %sub3A_6, %mul3A_2007 : i32
      %add3A_2009 = arith.constant 163 : i32
      %add3A_2010 = arith.addi %mul3A_2008, %add3A_2009 : i32
      %get3A_2011 = arith.index_cast %add3A_2010 : i32 to index
      %get3A_2012 = memref.load %arg4[%get3A_2011] : memref<4096xi32, #tpu.memory_space<smem>>
      %get3A_2013 = arith.constant 163 : index
      %get3A_2014 = arith.constant 0 : index
      %get3A_2015 = vector.load %arg10[%get3A_2013, %get3A_2014] : memref<256x128xf32, #tpu.memory_space<vmem>>, vector<1x100xf32>
      %swap3A_2016 = arith.index_cast %get3A_2012 : i32 to index
      %swap3A_2017 = arith.constant 0 : index
      %swap3A_2018 = vector.load %arg8[%swap3A_2016, %swap3A_2017] : memref<4096x100xf32, #tpu.memory_space<vmem>>, vector<1x100xf32>
      tpu.vector_store %arg8[%swap3A_2016, %swap3A_2017], %get3A_2015 {strides = array<i32>} : memref<4096x100xf32, #tpu.memory_space<vmem>>, vector<1x100xf32>,
      %mul3A_2019 = arith.constant 256 : i32
      %mul3A_2020 = arith.muli %sub3A_6, %mul3A_2019 : i32
      %add3A_2021 = arith.constant 164 : i32
      %add3A_2022 = arith.addi %mul3A_2020, %add3A_2021 : i32
      %get3A_2023 = arith.index_cast %add3A_2022 : i32 to index
      %get3A_2024 = memref.load %arg4[%get3A_2023] : memref<4096xi32, #tpu.memory_space<smem>>
      %get3A_2025 = arith.constant 164 : index
      %get3A_2026 = arith.constant 0 : index
      %get3A_2027 = vector.load %arg10[%get3A_2025, %get3A_2026] : memref<256x128xf32, #tpu.memory_space<vmem>>, vector<1x100xf32>
      %swap3A_2028 = arith.index_cast %get3A_2024 : i32 to index
      %swap3A_2029 = arith.constant 0 : index
      %swap3A_2030 = vector.load %arg8[%swap3A_2028, %swap3A_2029] : memref<4096x100xf32, #tpu.memory_space<vmem>>, vector<1x100xf32>
      tpu.vector_store %arg8[%swap3A_2028, %swap3A_2029], %get3A_2027 {strides = array<i32>} : memref<4096x100xf32, #tpu.memory_space<vmem>>, vector<1x100xf32>,
      %mul3A_2031 = arith.constant 256 : i32
      %mul3A_2032 = arith.muli %sub3A_6, %mul3A_2031 : i32
      %add3A_2033 = arith.constant 165 : i32
      %add3A_2034 = arith.addi %mul3A_2032, %add3A_2033 : i32
      %get3A_2035 = arith.index_cast %add3A_2034 : i32 to index
      %get3A_2036 = memref.load %arg4[%get3A_2035] : memref<4096xi32, #tpu.memory_space<smem>>
      %get3A_2037 = arith.constant 165 : index
      %get3A_2038 = arith.constant 0 : index
      %get3A_2039 = vector.load %arg10[%get3A_2037, %get3A_2038] : memref<256x128xf32, #tpu.memory_space<vmem>>, vector<1x100xf32>
      %swap3A_2040 = arith.index_cast %get3A_2036 : i32 to index
      %swap3A_2041 = arith.constant 0 : index
      %swap3A_2042 = vector.load %arg8[%swap3A_2040, %swap3A_2041] : memref<4096x100xf32, #tpu.memory_space<vmem>>, vector<1x100xf32>
      tpu.vector_store %arg8[%swap3A_2040, %swap3A_2041], %get3A_2039 {strides = array<i32>} : memref<4096x100xf32, #tpu.memory_space<vmem>>, vector<1x100xf32>,
      %mul3A_2043 = arith.constant 256 : i32
      %mul3A_2044 = arith.muli %sub3A_6, %mul3A_2043 : i32
      %add3A_2045 = arith.constant 166 : i32
      %add3A_2046 = arith.addi %mul3A_2044, %add3A_2045 : i32
      %get3A_2047 = arith.index_cast %add3A_2046 : i32 to index
      %get3A_2048 = memref.load %arg4[%get3A_2047] : memref<4096xi32, #tpu.memory_space<smem>>
      %get3A_2049 = arith.constant 166 : index
      %get3A_2050 = arith.constant 0 : index
      %get3A_2051 = vector.load %arg10[%get3A_2049, %get3A_2050] : memref<256x128xf32, #tpu.memory_space<vmem>>, vector<1x100xf32>
      %swap3A_2052 = arith.index_cast %get3A_2048 : i32 to index
      %swap3A_2053 = arith.constant 0 : index
      %swap3A_2054 = vector.load %arg8[%swap3A_2052, %swap3A_2053] : memref<4096x100xf32, #tpu.memory_space<vmem>>, vector<1x100xf32>
      tpu.vector_store %arg8[%swap3A_2052, %swap3A_2053], %get3A_2051 {strides = array<i32>} : memref<4096x100xf32, #tpu.memory_space<vmem>>, vector<1x100xf32>,
      %mul3A_2055 = arith.constant 256 : i32
      %mul3A_2056 = arith.muli %sub3A_6, %mul3A_2055 : i32
      %add3A_2057 = arith.constant 167 : i32
      %add3A_2058 = arith.addi %mul3A_2056, %add3A_2057 : i32
      %get3A_2059 = arith.index_cast %add3A_2058 : i32 to index
      %get3A_2060 = memref.load %arg4[%get3A_2059] : memref<4096xi32, #tpu.memory_space<smem>>
      %get3A_2061 = arith.constant 167 : index
      %get3A_2062 = arith.constant 0 : index
      %get3A_2063 = vector.load %arg10[%get3A_2061, %get3A_2062] : memref<256x128xf32, #tpu.memory_space<vmem>>, vector<1x100xf32>
      %swap3A_2064 = arith.index_cast %get3A_2060 : i32 to index
      %swap3A_2065 = arith.constant 0 : index
      %swap3A_2066 = vector.load %arg8[%swap3A_2064, %swap3A_2065] : memref<4096x100xf32, #tpu.memory_space<vmem>>, vector<1x100xf32>
      tpu.vector_store %arg8[%swap3A_2064, %swap3A_2065], %get3A_2063 {strides = array<i32>} : memref<4096x100xf32, #tpu.memory_space<vmem>>, vector<1x100xf32>,
      %mul3A_2067 = arith.constant 256 : i32
      %mul3A_2068 = arith.muli %sub3A_6, %mul3A_2067 : i32
      %add3A_2069 = arith.constant 168 : i32
      %add3A_2070 = arith.addi %mul3A_2068, %add3A_2069 : i32
      %get3A_2071 = arith.index_cast %add3A_2070 : i32 to index
      %get3A_2072 = memref.load %arg4[%get3A_2071] : memref<4096xi32, #tpu.memory_space<smem>>
      %get3A_2073 = arith.constant 168 : index
      %get3A_2074 = arith.constant 0 : index
      %get3A_2075 = vector.load %arg10[%get3A_2073, %get3A_2074] : memref<256x128xf32, #tpu.memory_space<vmem>>, vector<1x100xf32>
      %swap3A_2076 = arith.index_cast %get3A_2072 : i32 to index
      %swap3A_2077 = arith.constant 0 : index
      %swap3A_2078 = vector.load %arg8[%swap3A_2076, %swap3A_2077] : memref<4096x100xf32, #tpu.memory_space<vmem>>, vector<1x100xf32>
      tpu.vector_store %arg8[%swap3A_2076, %swap3A_2077], %get3A_2075 {strides = array<i32>} : memref<4096x100xf32, #tpu.memory_space<vmem>>, vector<1x100xf32>,
      %mul3A_2079 = arith.constant 256 : i32
      %mul3A_2080 = arith.muli %sub3A_6, %mul3A_2079 : i32
      %add3A_2081 = arith.constant 169 : i32
      %add3A_2082 = arith.addi %mul3A_2080, %add3A_2081 : i32
      %get3A_2083 = arith.index_cast %add3A_2082 : i32 to index
      %get3A_2084 = memref.load %arg4[%get3A_2083] : memref<4096xi32, #tpu.memory_space<smem>>
      %get3A_2085 = arith.constant 169 : index
      %get3A_2086 = arith.constant 0 : index
      %get3A_2087 = vector.load %arg10[%get3A_2085, %get3A_2086] : memref<256x128xf32, #tpu.memory_space<vmem>>, vector<1x100xf32>
      %swap3A_2088 = arith.index_cast %get3A_2084 : i32 to index
      %swap3A_2089 = arith.constant 0 : index
      %swap3A_2090 = vector.load %arg8[%swap3A_2088, %swap3A_2089] : memref<4096x100xf32, #tpu.memory_space<vmem>>, vector<1x100xf32>
      tpu.vector_store %arg8[%swap3A_2088, %swap3A_2089], %get3A_2087 {strides = array<i32>} : memref<4096x100xf32, #tpu.memory_space<vmem>>, vector<1x100xf32>,
      %mul3A_2091 = arith.constant 256 : i32
      %mul3A_2092 = arith.muli %sub3A_6, %mul3A_2091 : i32
      %add3A_2093 = arith.constant 170 : i32
      %add3A_2094 = arith.addi %mul3A_2092, %add3A_2093 : i32
      %get3A_2095 = arith.index_cast %add3A_2094 : i32 to index
      %get3A_2096 = memref.load %arg4[%get3A_2095] : memref<4096xi32, #tpu.memory_space<smem>>
      %get3A_2097 = arith.constant 170 : index
      %get3A_2098 = arith.constant 0 : index
      %get3A_2099 = vector.load %arg10[%get3A_2097, %get3A_2098] : memref<256x128xf32, #tpu.memory_space<vmem>>, vector<1x100xf32>
      %swap3A_2100 = arith.index_cast %get3A_2096 : i32 to index
      %swap3A_2101 = arith.constant 0 : index
      %swap3A_2102 = vector.load %arg8[%swap3A_2100, %swap3A_2101] : memref<4096x100xf32, #tpu.memory_space<vmem>>, vector<1x100xf32>
      tpu.vector_store %arg8[%swap3A_2100, %swap3A_2101], %get3A_2099 {strides = array<i32>} : memref<4096x100xf32, #tpu.memory_space<vmem>>, vector<1x100xf32>,
      %mul3A_2103 = arith.constant 256 : i32
      %mul3A_2104 = arith.muli %sub3A_6, %mul3A_2103 : i32
      %add3A_2105 = arith.constant 171 : i32
      %add3A_2106 = arith.addi %mul3A_2104, %add3A_2105 : i32
      %get3A_2107 = arith.index_cast %add3A_2106 : i32 to index
      %get3A_2108 = memref.load %arg4[%get3A_2107] : memref<4096xi32, #tpu.memory_space<smem>>
      %get3A_2109 = arith.constant 171 : index
      %get3A_2110 = arith.constant 0 : index
      %get3A_2111 = vector.load %arg10[%get3A_2109, %get3A_2110] : memref<256x128xf32, #tpu.memory_space<vmem>>, vector<1x100xf32>
      %swap3A_2112 = arith.index_cast %get3A_2108 : i32 to index
      %swap3A_2113 = arith.constant 0 : index
      %swap3A_2114 = vector.load %arg8[%swap3A_2112, %swap3A_2113] : memref<4096x100xf32, #tpu.memory_space<vmem>>, vector<1x100xf32>
      tpu.vector_store %arg8[%swap3A_2112, %swap3A_2113], %get3A_2111 {strides = array<i32>} : memref<4096x100xf32, #tpu.memory_space<vmem>>, vector<1x100xf32>,
      %mul3A_2115 = arith.constant 256 : i32
      %mul3A_2116 = arith.muli %sub3A_6, %mul3A_2115 : i32
      %add3A_2117 = arith.constant 172 : i32
      %add3A_2118 = arith.addi %mul3A_2116, %add3A_2117 : i32
      %get3A_2119 = arith.index_cast %add3A_2118 : i32 to index
      %get3A_2120 = memref.load %arg4[%get3A_2119] : memref<4096xi32, #tpu.memory_space<smem>>
      %get3A_2121 = arith.constant 172 : index
      %get3A_2122 = arith.constant 0 : index
      %get3A_2123 = vector.load %arg10[%get3A_2121, %get3A_2122] : memref<256x128xf32, #tpu.memory_space<vmem>>, vector<1x100xf32>
      %swap3A_2124 = arith.index_cast %get3A_2120 : i32 to index
      %swap3A_2125 = arith.constant 0 : index
      %swap3A_2126 = vector.load %arg8[%swap3A_2124, %swap3A_2125] : memref<4096x100xf32, #tpu.memory_space<vmem>>, vector<1x100xf32>
      tpu.vector_store %arg8[%swap3A_2124, %swap3A_2125], %get3A_2123 {strides = array<i32>} : memref<4096x100xf32, #tpu.memory_space<vmem>>, vector<1x100xf32>,
      %mul3A_2127 = arith.constant 256 : i32
      %mul3A_2128 = arith.muli %sub3A_6, %mul3A_2127 : i32
      %add3A_2129 = arith.constant 173 : i32
      %add3A_2130 = arith.addi %mul3A_2128, %add3A_2129 : i32
      %get3A_2131 = arith.index_cast %add3A_2130 : i32 to index
      %get3A_2132 = memref.load %arg4[%get3A_2131] : memref<4096xi32, #tpu.memory_space<smem>>
      %get3A_2133 = arith.constant 173 : index
      %get3A_2134 = arith.constant 0 : index
      %get3A_2135 = vector.load %arg10[%get3A_2133, %get3A_2134] : memref<256x128xf32, #tpu.memory_space<vmem>>, vector<1x100xf32>
      %swap3A_2136 = arith.index_cast %get3A_2132 : i32 to index
      %swap3A_2137 = arith.constant 0 : index
      %swap3A_2138 = vector.load %arg8[%swap3A_2136, %swap3A_2137] : memref<4096x100xf32, #tpu.memory_space<vmem>>, vector<1x100xf32>
      tpu.vector_store %arg8[%swap3A_2136, %swap3A_2137], %get3A_2135 {strides = array<i32>} : memref<4096x100xf32, #tpu.memory_space<vmem>>, vector<1x100xf32>,
      %mul3A_2139 = arith.constant 256 : i32
      %mul3A_2140 = arith.muli %sub3A_6, %mul3A_2139 : i32
      %add3A_2141 = arith.constant 174 : i32
      %add3A_2142 = arith.addi %mul3A_2140, %add3A_2141 : i32
      %get3A_2143 = arith.index_cast %add3A_2142 : i32 to index
      %get3A_2144 = memref.load %arg4[%get3A_2143] : memref<4096xi32, #tpu.memory_space<smem>>
      %get3A_2145 = arith.constant 174 : index
      %get3A_2146 = arith.constant 0 : index
      %get3A_2147 = vector.load %arg10[%get3A_2145, %get3A_2146] : memref<256x128xf32, #tpu.memory_space<vmem>>, vector<1x100xf32>
      %swap3A_2148 = arith.index_cast %get3A_2144 : i32 to index
      %swap3A_2149 = arith.constant 0 : index
      %swap3A_2150 = vector.load %arg8[%swap3A_2148, %swap3A_2149] : memref<4096x100xf32, #tpu.memory_space<vmem>>, vector<1x100xf32>
      tpu.vector_store %arg8[%swap3A_2148, %swap3A_2149], %get3A_2147 {strides = array<i32>} : memref<4096x100xf32, #tpu.memory_space<vmem>>, vector<1x100xf32>,
      %mul3A_2151 = arith.constant 256 : i32
      %mul3A_2152 = arith.muli %sub3A_6, %mul3A_2151 : i32
      %add3A_2153 = arith.constant 175 : i32
      %add3A_2154 = arith.addi %mul3A_2152, %add3A_2153 : i32
      %get3A_2155 = arith.index_cast %add3A_2154 : i32 to index
      %get3A_2156 = memref.load %arg4[%get3A_2155] : memref<4096xi32, #tpu.memory_space<smem>>
      %get3A_2157 = arith.constant 175 : index
      %get3A_2158 = arith.constant 0 : index
      %get3A_2159 = vector.load %arg10[%get3A_2157, %get3A_2158] : memref<256x128xf32, #tpu.memory_space<vmem>>, vector<1x100xf32>
      %swap3A_2160 = arith.index_cast %get3A_2156 : i32 to index
      %swap3A_2161 = arith.constant 0 : index
      %swap3A_2162 = vector.load %arg8[%swap3A_2160, %swap3A_2161] : memref<4096x100xf32, #tpu.memory_space<vmem>>, vector<1x100xf32>
      tpu.vector_store %arg8[%swap3A_2160, %swap3A_2161], %get3A_2159 {strides = array<i32>} : memref<4096x100xf32, #tpu.memory_space<vmem>>, vector<1x100xf32>,
      %mul3A_2163 = arith.constant 256 : i32
      %mul3A_2164 = arith.muli %sub3A_6, %mul3A_2163 : i32
      %add3A_2165 = arith.constant 176 : i32
      %add3A_2166 = arith.addi %mul3A_2164, %add3A_2165 : i32
      %get3A_2167 = arith.index_cast %add3A_2166 : i32 to index
      %get3A_2168 = memref.load %arg4[%get3A_2167] : memref<4096xi32, #tpu.memory_space<smem>>
      %get3A_2169 = arith.constant 176 : index
      %get3A_2170 = arith.constant 0 : index
      %get3A_2171 = vector.load %arg10[%get3A_2169, %get3A_2170] : memref<256x128xf32, #tpu.memory_space<vmem>>, vector<1x100xf32>
      %swap3A_2172 = arith.index_cast %get3A_2168 : i32 to index
      %swap3A_2173 = arith.constant 0 : index
      %swap3A_2174 = vector.load %arg8[%swap3A_2172, %swap3A_2173] : memref<4096x100xf32, #tpu.memory_space<vmem>>, vector<1x100xf32>
      tpu.vector_store %arg8[%swap3A_2172, %swap3A_2173], %get3A_2171 {strides = array<i32>} : memref<4096x100xf32, #tpu.memory_space<vmem>>, vector<1x100xf32>,
      %mul3A_2175 = arith.constant 256 : i32
      %mul3A_2176 = arith.muli %sub3A_6, %mul3A_2175 : i32
      %add3A_2177 = arith.constant 177 : i32
      %add3A_2178 = arith.addi %mul3A_2176, %add3A_2177 : i32
      %get3A_2179 = arith.index_cast %add3A_2178 : i32 to index
      %get3A_2180 = memref.load %arg4[%get3A_2179] : memref<4096xi32, #tpu.memory_space<smem>>
      %get3A_2181 = arith.constant 177 : index
      %get3A_2182 = arith.constant 0 : index
      %get3A_2183 = vector.load %arg10[%get3A_2181, %get3A_2182] : memref<256x128xf32, #tpu.memory_space<vmem>>, vector<1x100xf32>
      %swap3A_2184 = arith.index_cast %get3A_2180 : i32 to index
      %swap3A_2185 = arith.constant 0 : index
      %swap3A_2186 = vector.load %arg8[%swap3A_2184, %swap3A_2185] : memref<4096x100xf32, #tpu.memory_space<vmem>>, vector<1x100xf32>
      tpu.vector_store %arg8[%swap3A_2184, %swap3A_2185], %get3A_2183 {strides = array<i32>} : memref<4096x100xf32, #tpu.memory_space<vmem>>, vector<1x100xf32>,
      %mul3A_2187 = arith.constant 256 : i32
      %mul3A_2188 = arith.muli %sub3A_6, %mul3A_2187 : i32
      %add3A_2189 = arith.constant 178 : i32
      %add3A_2190 = arith.addi %mul3A_2188, %add3A_2189 : i32
      %get3A_2191 = arith.index_cast %add3A_2190 : i32 to index
      %get3A_2192 = memref.load %arg4[%get3A_2191] : memref<4096xi32, #tpu.memory_space<smem>>
      %get3A_2193 = arith.constant 178 : index
      %get3A_2194 = arith.constant 0 : index
      %get3A_2195 = vector.load %arg10[%get3A_2193, %get3A_2194] : memref<256x128xf32, #tpu.memory_space<vmem>>, vector<1x100xf32>
      %swap3A_2196 = arith.index_cast %get3A_2192 : i32 to index
      %swap3A_2197 = arith.constant 0 : index
      %swap3A_2198 = vector.load %arg8[%swap3A_2196, %swap3A_2197] : memref<4096x100xf32, #tpu.memory_space<vmem>>, vector<1x100xf32>
      tpu.vector_store %arg8[%swap3A_2196, %swap3A_2197], %get3A_2195 {strides = array<i32>} : memref<4096x100xf32, #tpu.memory_space<vmem>>, vector<1x100xf32>,
      %mul3A_2199 = arith.constant 256 : i32
      %mul3A_2200 = arith.muli %sub3A_6, %mul3A_2199 : i32
      %add3A_2201 = arith.constant 179 : i32
      %add3A_2202 = arith.addi %mul3A_2200, %add3A_2201 : i32
      %get3A_2203 = arith.index_cast %add3A_2202 : i32 to index
      %get3A_2204 = memref.load %arg4[%get3A_2203] : memref<4096xi32, #tpu.memory_space<smem>>
      %get3A_2205 = arith.constant 179 : index
      %get3A_2206 = arith.constant 0 : index
      %get3A_2207 = vector.load %arg10[%get3A_2205, %get3A_2206] : memref<256x128xf32, #tpu.memory_space<vmem>>, vector<1x100xf32>
      %swap3A_2208 = arith.index_cast %get3A_2204 : i32 to index
      %swap3A_2209 = arith.constant 0 : index
      %swap3A_2210 = vector.load %arg8[%swap3A_2208, %swap3A_2209] : memref<4096x100xf32, #tpu.memory_space<vmem>>, vector<1x100xf32>
      tpu.vector_store %arg8[%swap3A_2208, %swap3A_2209], %get3A_2207 {strides = array<i32>} : memref<4096x100xf32, #tpu.memory_space<vmem>>, vector<1x100xf32>,
      %mul3A_2211 = arith.constant 256 : i32
      %mul3A_2212 = arith.muli %sub3A_6, %mul3A_2211 : i32
      %add3A_2213 = arith.constant 180 : i32
      %add3A_2214 = arith.addi %mul3A_2212, %add3A_2213 : i32
      %get3A_2215 = arith.index_cast %add3A_2214 : i32 to index
      %get3A_2216 = memref.load %arg4[%get3A_2215] : memref<4096xi32, #tpu.memory_space<smem>>
      %get3A_2217 = arith.constant 180 : index
      %get3A_2218 = arith.constant 0 : index
      %get3A_2219 = vector.load %arg10[%get3A_2217, %get3A_2218] : memref<256x128xf32, #tpu.memory_space<vmem>>, vector<1x100xf32>
      %swap3A_2220 = arith.index_cast %get3A_2216 : i32 to index
      %swap3A_2221 = arith.constant 0 : index
      %swap3A_2222 = vector.load %arg8[%swap3A_2220, %swap3A_2221] : memref<4096x100xf32, #tpu.memory_space<vmem>>, vector<1x100xf32>
      tpu.vector_store %arg8[%swap3A_2220, %swap3A_2221], %get3A_2219 {strides = array<i32>} : memref<4096x100xf32, #tpu.memory_space<vmem>>, vector<1x100xf32>,
      %mul3A_2223 = arith.constant 256 : i32
      %mul3A_2224 = arith.muli %sub3A_6, %mul3A_2223 : i32
      %add3A_2225 = arith.constant 181 : i32
      %add3A_2226 = arith.addi %mul3A_2224, %add3A_2225 : i32
      %get3A_2227 = arith.index_cast %add3A_2226 : i32 to index
      %get3A_2228 = memref.load %arg4[%get3A_2227] : memref<4096xi32, #tpu.memory_space<smem>>
      %get3A_2229 = arith.constant 181 : index
      %get3A_2230 = arith.constant 0 : index
      %get3A_2231 = vector.load %arg10[%get3A_2229, %get3A_2230] : memref<256x128xf32, #tpu.memory_space<vmem>>, vector<1x100xf32>
      %swap3A_2232 = arith.index_cast %get3A_2228 : i32 to index
      %swap3A_2233 = arith.constant 0 : index
      %swap3A_2234 = vector.load %arg8[%swap3A_2232, %swap3A_2233] : memref<4096x100xf32, #tpu.memory_space<vmem>>, vector<1x100xf32>
      tpu.vector_store %arg8[%swap3A_2232, %swap3A_2233], %get3A_2231 {strides = array<i32>} : memref<4096x100xf32, #tpu.memory_space<vmem>>, vector<1x100xf32>,
      %mul3A_2235 = arith.constant 256 : i32
      %mul3A_2236 = arith.muli %sub3A_6, %mul3A_2235 : i32
      %add3A_2237 = arith.constant 182 : i32
      %add3A_2238 = arith.addi %mul3A_2236, %add3A_2237 : i32
      %get3A_2239 = arith.index_cast %add3A_2238 : i32 to index
      %get3A_2240 = memref.load %arg4[%get3A_2239] : memref<4096xi32, #tpu.memory_space<smem>>
      %get3A_2241 = arith.constant 182 : index
      %get3A_2242 = arith.constant 0 : index
      %get3A_2243 = vector.load %arg10[%get3A_2241, %get3A_2242] : memref<256x128xf32, #tpu.memory_space<vmem>>, vector<1x100xf32>
      %swap3A_2244 = arith.index_cast %get3A_2240 : i32 to index
      %swap3A_2245 = arith.constant 0 : index
      %swap3A_2246 = vector.load %arg8[%swap3A_2244, %swap3A_2245] : memref<4096x100xf32, #tpu.memory_space<vmem>>, vector<1x100xf32>
      tpu.vector_store %arg8[%swap3A_2244, %swap3A_2245], %get3A_2243 {strides = array<i32>} : memref<4096x100xf32, #tpu.memory_space<vmem>>, vector<1x100xf32>,
      %mul3A_2247 = arith.constant 256 : i32
      %mul3A_2248 = arith.muli %sub3A_6, %mul3A_2247 : i32
      %add3A_2249 = arith.constant 183 : i32
      %add3A_2250 = arith.addi %mul3A_2248, %add3A_2249 : i32
      %get3A_2251 = arith.index_cast %add3A_2250 : i32 to index
      %get3A_2252 = memref.load %arg4[%get3A_2251] : memref<4096xi32, #tpu.memory_space<smem>>
      %get3A_2253 = arith.constant 183 : index
      %get3A_2254 = arith.constant 0 : index
      %get3A_2255 = vector.load %arg10[%get3A_2253, %get3A_2254] : memref<256x128xf32, #tpu.memory_space<vmem>>, vector<1x100xf32>
      %swap3A_2256 = arith.index_cast %get3A_2252 : i32 to index
      %swap3A_2257 = arith.constant 0 : index
      %swap3A_2258 = vector.load %arg8[%swap3A_2256, %swap3A_2257] : memref<4096x100xf32, #tpu.memory_space<vmem>>, vector<1x100xf32>
      tpu.vector_store %arg8[%swap3A_2256, %swap3A_2257], %get3A_2255 {strides = array<i32>} : memref<4096x100xf32, #tpu.memory_space<vmem>>, vector<1x100xf32>,
      %mul3A_2259 = arith.constant 256 : i32
      %mul3A_2260 = arith.muli %sub3A_6, %mul3A_2259 : i32
      %add3A_2261 = arith.constant 184 : i32
      %add3A_2262 = arith.addi %mul3A_2260, %add3A_2261 : i32
      %get3A_2263 = arith.index_cast %add3A_2262 : i32 to index
      %get3A_2264 = memref.load %arg4[%get3A_2263] : memref<4096xi32, #tpu.memory_space<smem>>
      %get3A_2265 = arith.constant 184 : index
      %get3A_2266 = arith.constant 0 : index
      %get3A_2267 = vector.load %arg10[%get3A_2265, %get3A_2266] : memref<256x128xf32, #tpu.memory_space<vmem>>, vector<1x100xf32>
      %swap3A_2268 = arith.index_cast %get3A_2264 : i32 to index
      %swap3A_2269 = arith.constant 0 : index
      %swap3A_2270 = vector.load %arg8[%swap3A_2268, %swap3A_2269] : memref<4096x100xf32, #tpu.memory_space<vmem>>, vector<1x100xf32>
      tpu.vector_store %arg8[%swap3A_2268, %swap3A_2269], %get3A_2267 {strides = array<i32>} : memref<4096x100xf32, #tpu.memory_space<vmem>>, vector<1x100xf32>,
      %mul3A_2271 = arith.constant 256 : i32
      %mul3A_2272 = arith.muli %sub3A_6, %mul3A_2271 : i32
      %add3A_2273 = arith.constant 185 : i32
      %add3A_2274 = arith.addi %mul3A_2272, %add3A_2273 : i32
      %get3A_2275 = arith.index_cast %add3A_2274 : i32 to index
      %get3A_2276 = memref.load %arg4[%get3A_2275] : memref<4096xi32, #tpu.memory_space<smem>>
      %get3A_2277 = arith.constant 185 : index
      %get3A_2278 = arith.constant 0 : index
      %get3A_2279 = vector.load %arg10[%get3A_2277, %get3A_2278] : memref<256x128xf32, #tpu.memory_space<vmem>>, vector<1x100xf32>
      %swap3A_2280 = arith.index_cast %get3A_2276 : i32 to index
      %swap3A_2281 = arith.constant 0 : index
      %swap3A_2282 = vector.load %arg8[%swap3A_2280, %swap3A_2281] : memref<4096x100xf32, #tpu.memory_space<vmem>>, vector<1x100xf32>
      tpu.vector_store %arg8[%swap3A_2280, %swap3A_2281], %get3A_2279 {strides = array<i32>} : memref<4096x100xf32, #tpu.memory_space<vmem>>, vector<1x100xf32>,
      %mul3A_2283 = arith.constant 256 : i32
      %mul3A_2284 = arith.muli %sub3A_6, %mul3A_2283 : i32
      %add3A_2285 = arith.constant 186 : i32
      %add3A_2286 = arith.addi %mul3A_2284, %add3A_2285 : i32
      %get3A_2287 = arith.index_cast %add3A_2286 : i32 to index
      %get3A_2288 = memref.load %arg4[%get3A_2287] : memref<4096xi32, #tpu.memory_space<smem>>
      %get3A_2289 = arith.constant 186 : index
      %get3A_2290 = arith.constant 0 : index
      %get3A_2291 = vector.load %arg10[%get3A_2289, %get3A_2290] : memref<256x128xf32, #tpu.memory_space<vmem>>, vector<1x100xf32>
      %swap3A_2292 = arith.index_cast %get3A_2288 : i32 to index
      %swap3A_2293 = arith.constant 0 : index
      %swap3A_2294 = vector.load %arg8[%swap3A_2292, %swap3A_2293] : memref<4096x100xf32, #tpu.memory_space<vmem>>, vector<1x100xf32>
      tpu.vector_store %arg8[%swap3A_2292, %swap3A_2293], %get3A_2291 {strides = array<i32>} : memref<4096x100xf32, #tpu.memory_space<vmem>>, vector<1x100xf32>,
      %mul3A_2295 = arith.constant 256 : i32
      %mul3A_2296 = arith.muli %sub3A_6, %mul3A_2295 : i32
      %add3A_2297 = arith.constant 187 : i32
      %add3A_2298 = arith.addi %mul3A_2296, %add3A_2297 : i32
      %get3A_2299 = arith.index_cast %add3A_2298 : i32 to index
      %get3A_2300 = memref.load %arg4[%get3A_2299] : memref<4096xi32, #tpu.memory_space<smem>>
      %get3A_2301 = arith.constant 187 : index
      %get3A_2302 = arith.constant 0 : index
      %get3A_2303 = vector.load %arg10[%get3A_2301, %get3A_2302] : memref<256x128xf32, #tpu.memory_space<vmem>>, vector<1x100xf32>
      %swap3A_2304 = arith.index_cast %get3A_2300 : i32 to index
      %swap3A_2305 = arith.constant 0 : index
      %swap3A_2306 = vector.load %arg8[%swap3A_2304, %swap3A_2305] : memref<4096x100xf32, #tpu.memory_space<vmem>>, vector<1x100xf32>
      tpu.vector_store %arg8[%swap3A_2304, %swap3A_2305], %get3A_2303 {strides = array<i32>} : memref<4096x100xf32, #tpu.memory_space<vmem>>, vector<1x100xf32>,
      %mul3A_2307 = arith.constant 256 : i32
      %mul3A_2308 = arith.muli %sub3A_6, %mul3A_2307 : i32
      %add3A_2309 = arith.constant 188 : i32
      %add3A_2310 = arith.addi %mul3A_2308, %add3A_2309 : i32
      %get3A_2311 = arith.index_cast %add3A_2310 : i32 to index
      %get3A_2312 = memref.load %arg4[%get3A_2311] : memref<4096xi32, #tpu.memory_space<smem>>
      %get3A_2313 = arith.constant 188 : index
      %get3A_2314 = arith.constant 0 : index
      %get3A_2315 = vector.load %arg10[%get3A_2313, %get3A_2314] : memref<256x128xf32, #tpu.memory_space<vmem>>, vector<1x100xf32>
      %swap3A_2316 = arith.index_cast %get3A_2312 : i32 to index
      %swap3A_2317 = arith.constant 0 : index
      %swap3A_2318 = vector.load %arg8[%swap3A_2316, %swap3A_2317] : memref<4096x100xf32, #tpu.memory_space<vmem>>, vector<1x100xf32>
      tpu.vector_store %arg8[%swap3A_2316, %swap3A_2317], %get3A_2315 {strides = array<i32>} : memref<4096x100xf32, #tpu.memory_space<vmem>>, vector<1x100xf32>,
      %mul3A_2319 = arith.constant 256 : i32
      %mul3A_2320 = arith.muli %sub3A_6, %mul3A_2319 : i32
      %add3A_2321 = arith.constant 189 : i32
      %add3A_2322 = arith.addi %mul3A_2320, %add3A_2321 : i32
      %get3A_2323 = arith.index_cast %add3A_2322 : i32 to index
      %get3A_2324 = memref.load %arg4[%get3A_2323] : memref<4096xi32, #tpu.memory_space<smem>>
      %get3A_2325 = arith.constant 189 : index
      %get3A_2326 = arith.constant 0 : index
      %get3A_2327 = vector.load %arg10[%get3A_2325, %get3A_2326] : memref<256x128xf32, #tpu.memory_space<vmem>>, vector<1x100xf32>
      %swap3A_2328 = arith.index_cast %get3A_2324 : i32 to index
      %swap3A_2329 = arith.constant 0 : index
      %swap3A_2330 = vector.load %arg8[%swap3A_2328, %swap3A_2329] : memref<4096x100xf32, #tpu.memory_space<vmem>>, vector<1x100xf32>
      tpu.vector_store %arg8[%swap3A_2328, %swap3A_2329], %get3A_2327 {strides = array<i32>} : memref<4096x100xf32, #tpu.memory_space<vmem>>, vector<1x100xf32>,
      %mul3A_2331 = arith.constant 256 : i32
      %mul3A_2332 = arith.muli %sub3A_6, %mul3A_2331 : i32
      %add3A_2333 = arith.constant 190 : i32
      %add3A_2334 = arith.addi %mul3A_2332, %add3A_2333 : i32
      %get3A_2335 = arith.index_cast %add3A_2334 : i32 to index
      %get3A_2336 = memref.load %arg4[%get3A_2335] : memref<4096xi32, #tpu.memory_space<smem>>
      %get3A_2337 = arith.constant 190 : index
      %get3A_2338 = arith.constant 0 : index
      %get3A_2339 = vector.load %arg10[%get3A_2337, %get3A_2338] : memref<256x128xf32, #tpu.memory_space<vmem>>, vector<1x100xf32>
      %swap3A_2340 = arith.index_cast %get3A_2336 : i32 to index
      %swap3A_2341 = arith.constant 0 : index
      %swap3A_2342 = vector.load %arg8[%swap3A_2340, %swap3A_2341] : memref<4096x100xf32, #tpu.memory_space<vmem>>, vector<1x100xf32>
      tpu.vector_store %arg8[%swap3A_2340, %swap3A_2341], %get3A_2339 {strides = array<i32>} : memref<4096x100xf32, #tpu.memory_space<vmem>>, vector<1x100xf32>,
      %mul3A_2343 = arith.constant 256 : i32
      %mul3A_2344 = arith.muli %sub3A_6, %mul3A_2343 : i32
      %add3A_2345 = arith.constant 191 : i32
      %add3A_2346 = arith.addi %mul3A_2344, %add3A_2345 : i32
      %get3A_2347 = arith.index_cast %add3A_2346 : i32 to index
      %get3A_2348 = memref.load %arg4[%get3A_2347] : memref<4096xi32, #tpu.memory_space<smem>>
      %get3A_2349 = arith.constant 191 : index
      %get3A_2350 = arith.constant 0 : index
      %get3A_2351 = vector.load %arg10[%get3A_2349, %get3A_2350] : memref<256x128xf32, #tpu.memory_space<vmem>>, vector<1x100xf32>
      %swap3A_2352 = arith.index_cast %get3A_2348 : i32 to index
      %swap3A_2353 = arith.constant 0 : index
      %swap3A_2354 = vector.load %arg8[%swap3A_2352, %swap3A_2353] : memref<4096x100xf32, #tpu.memory_space<vmem>>, vector<1x100xf32>
      tpu.vector_store %arg8[%swap3A_2352, %swap3A_2353], %get3A_2351 {strides = array<i32>} : memref<4096x100xf32, #tpu.memory_space<vmem>>, vector<1x100xf32>,
      %mul3A_2355 = arith.constant 256 : i32
      %mul3A_2356 = arith.muli %sub3A_6, %mul3A_2355 : i32
      %add3A_2357 = arith.constant 192 : i32
      %add3A_2358 = arith.addi %mul3A_2356, %add3A_2357 : i32
      %get3A_2359 = arith.index_cast %add3A_2358 : i32 to index
      %get3A_2360 = memref.load %arg4[%get3A_2359] : memref<4096xi32, #tpu.memory_space<smem>>
      %get3A_2361 = arith.constant 192 : index
      %get3A_2362 = arith.constant 0 : index
      %get3A_2363 = vector.load %arg10[%get3A_2361, %get3A_2362] : memref<256x128xf32, #tpu.memory_space<vmem>>, vector<1x100xf32>
      %swap3A_2364 = arith.index_cast %get3A_2360 : i32 to index
      %swap3A_2365 = arith.constant 0 : index
      %swap3A_2366 = vector.load %arg8[%swap3A_2364, %swap3A_2365] : memref<4096x100xf32, #tpu.memory_space<vmem>>, vector<1x100xf32>
      tpu.vector_store %arg8[%swap3A_2364, %swap3A_2365], %get3A_2363 {strides = array<i32>} : memref<4096x100xf32, #tpu.memory_space<vmem>>, vector<1x100xf32>,
      %mul3A_2367 = arith.constant 256 : i32
      %mul3A_2368 = arith.muli %sub3A_6, %mul3A_2367 : i32
      %add3A_2369 = arith.constant 193 : i32
      %add3A_2370 = arith.addi %mul3A_2368, %add3A_2369 : i32
      %get3A_2371 = arith.index_cast %add3A_2370 : i32 to index
      %get3A_2372 = memref.load %arg4[%get3A_2371] : memref<4096xi32, #tpu.memory_space<smem>>
      %get3A_2373 = arith.constant 193 : index
      %get3A_2374 = arith.constant 0 : index
      %get3A_2375 = vector.load %arg10[%get3A_2373, %get3A_2374] : memref<256x128xf32, #tpu.memory_space<vmem>>, vector<1x100xf32>
      %swap3A_2376 = arith.index_cast %get3A_2372 : i32 to index
      %swap3A_2377 = arith.constant 0 : index
      %swap3A_2378 = vector.load %arg8[%swap3A_2376, %swap3A_2377] : memref<4096x100xf32, #tpu.memory_space<vmem>>, vector<1x100xf32>
      tpu.vector_store %arg8[%swap3A_2376, %swap3A_2377], %get3A_2375 {strides = array<i32>} : memref<4096x100xf32, #tpu.memory_space<vmem>>, vector<1x100xf32>,
      %mul3A_2379 = arith.constant 256 : i32
      %mul3A_2380 = arith.muli %sub3A_6, %mul3A_2379 : i32
      %add3A_2381 = arith.constant 194 : i32
      %add3A_2382 = arith.addi %mul3A_2380, %add3A_2381 : i32
      %get3A_2383 = arith.index_cast %add3A_2382 : i32 to index
      %get3A_2384 = memref.load %arg4[%get3A_2383] : memref<4096xi32, #tpu.memory_space<smem>>
      %get3A_2385 = arith.constant 194 : index
      %get3A_2386 = arith.constant 0 : index
      %get3A_2387 = vector.load %arg10[%get3A_2385, %get3A_2386] : memref<256x128xf32, #tpu.memory_space<vmem>>, vector<1x100xf32>
      %swap3A_2388 = arith.index_cast %get3A_2384 : i32 to index
      %swap3A_2389 = arith.constant 0 : index
      %swap3A_2390 = vector.load %arg8[%swap3A_2388, %swap3A_2389] : memref<4096x100xf32, #tpu.memory_space<vmem>>, vector<1x100xf32>
      tpu.vector_store %arg8[%swap3A_2388, %swap3A_2389], %get3A_2387 {strides = array<i32>} : memref<4096x100xf32, #tpu.memory_space<vmem>>, vector<1x100xf32>,
      %mul3A_2391 = arith.constant 256 : i32
      %mul3A_2392 = arith.muli %sub3A_6, %mul3A_2391 : i32
      %add3A_2393 = arith.constant 195 : i32
      %add3A_2394 = arith.addi %mul3A_2392, %add3A_2393 : i32
      %get3A_2395 = arith.index_cast %add3A_2394 : i32 to index
      %get3A_2396 = memref.load %arg4[%get3A_2395] : memref<4096xi32, #tpu.memory_space<smem>>
      %get3A_2397 = arith.constant 195 : index
      %get3A_2398 = arith.constant 0 : index
      %get3A_2399 = vector.load %arg10[%get3A_2397, %get3A_2398] : memref<256x128xf32, #tpu.memory_space<vmem>>, vector<1x100xf32>
      %swap3A_2400 = arith.index_cast %get3A_2396 : i32 to index
      %swap3A_2401 = arith.constant 0 : index
      %swap3A_2402 = vector.load %arg8[%swap3A_2400, %swap3A_2401] : memref<4096x100xf32, #tpu.memory_space<vmem>>, vector<1x100xf32>
      tpu.vector_store %arg8[%swap3A_2400, %swap3A_2401], %get3A_2399 {strides = array<i32>} : memref<4096x100xf32, #tpu.memory_space<vmem>>, vector<1x100xf32>,
      %mul3A_2403 = arith.constant 256 : i32
      %mul3A_2404 = arith.muli %sub3A_6, %mul3A_2403 : i32
      %add3A_2405 = arith.constant 196 : i32
      %add3A_2406 = arith.addi %mul3A_2404, %add3A_2405 : i32
      %get3A_2407 = arith.index_cast %add3A_2406 : i32 to index
      %get3A_2408 = memref.load %arg4[%get3A_2407] : memref<4096xi32, #tpu.memory_space<smem>>
      %get3A_2409 = arith.constant 196 : index
      %get3A_2410 = arith.constant 0 : index
      %get3A_2411 = vector.load %arg10[%get3A_2409, %get3A_2410] : memref<256x128xf32, #tpu.memory_space<vmem>>, vector<1x100xf32>
      %swap3A_2412 = arith.index_cast %get3A_2408 : i32 to index
      %swap3A_2413 = arith.constant 0 : index
      %swap3A_2414 = vector.load %arg8[%swap3A_2412, %swap3A_2413] : memref<4096x100xf32, #tpu.memory_space<vmem>>, vector<1x100xf32>
      tpu.vector_store %arg8[%swap3A_2412, %swap3A_2413], %get3A_2411 {strides = array<i32>} : memref<4096x100xf32, #tpu.memory_space<vmem>>, vector<1x100xf32>,
      %mul3A_2415 = arith.constant 256 : i32
      %mul3A_2416 = arith.muli %sub3A_6, %mul3A_2415 : i32
      %add3A_2417 = arith.constant 197 : i32
      %add3A_2418 = arith.addi %mul3A_2416, %add3A_2417 : i32
      %get3A_2419 = arith.index_cast %add3A_2418 : i32 to index
      %get3A_2420 = memref.load %arg4[%get3A_2419] : memref<4096xi32, #tpu.memory_space<smem>>
      %get3A_2421 = arith.constant 197 : index
      %get3A_2422 = arith.constant 0 : index
      %get3A_2423 = vector.load %arg10[%get3A_2421, %get3A_2422] : memref<256x128xf32, #tpu.memory_space<vmem>>, vector<1x100xf32>
      %swap3A_2424 = arith.index_cast %get3A_2420 : i32 to index
      %swap3A_2425 = arith.constant 0 : index
      %swap3A_2426 = vector.load %arg8[%swap3A_2424, %swap3A_2425] : memref<4096x100xf32, #tpu.memory_space<vmem>>, vector<1x100xf32>
      tpu.vector_store %arg8[%swap3A_2424, %swap3A_2425], %get3A_2423 {strides = array<i32>} : memref<4096x100xf32, #tpu.memory_space<vmem>>, vector<1x100xf32>,
      %mul3A_2427 = arith.constant 256 : i32
      %mul3A_2428 = arith.muli %sub3A_6, %mul3A_2427 : i32
      %add3A_2429 = arith.constant 198 : i32
      %add3A_2430 = arith.addi %mul3A_2428, %add3A_2429 : i32
      %get3A_2431 = arith.index_cast %add3A_2430 : i32 to index
      %get3A_2432 = memref.load %arg4[%get3A_2431] : memref<4096xi32, #tpu.memory_space<smem>>
      %get3A_2433 = arith.constant 198 : index
      %get3A_2434 = arith.constant 0 : index
      %get3A_2435 = vector.load %arg10[%get3A_2433, %get3A_2434] : memref<256x128xf32, #tpu.memory_space<vmem>>, vector<1x100xf32>
      %swap3A_2436 = arith.index_cast %get3A_2432 : i32 to index
      %swap3A_2437 = arith.constant 0 : index
      %swap3A_2438 = vector.load %arg8[%swap3A_2436, %swap3A_2437] : memref<4096x100xf32, #tpu.memory_space<vmem>>, vector<1x100xf32>
      tpu.vector_store %arg8[%swap3A_2436, %swap3A_2437], %get3A_2435 {strides = array<i32>} : memref<4096x100xf32, #tpu.memory_space<vmem>>, vector<1x100xf32>,
      %mul3A_2439 = arith.constant 256 : i32
      %mul3A_2440 = arith.muli %sub3A_6, %mul3A_2439 : i32
      %add3A_2441 = arith.constant 199 : i32
      %add3A_2442 = arith.addi %mul3A_2440, %add3A_2441 : i32
      %get3A_2443 = arith.index_cast %add3A_2442 : i32 to index
      %get3A_2444 = memref.load %arg4[%get3A_2443] : memref<4096xi32, #tpu.memory_space<smem>>
      %get3A_2445 = arith.constant 199 : index
      %get3A_2446 = arith.constant 0 : index
      %get3A_2447 = vector.load %arg10[%get3A_2445, %get3A_2446] : memref<256x128xf32, #tpu.memory_space<vmem>>, vector<1x100xf32>
      %swap3A_2448 = arith.index_cast %get3A_2444 : i32 to index
      %swap3A_2449 = arith.constant 0 : index
      %swap3A_2450 = vector.load %arg8[%swap3A_2448, %swap3A_2449] : memref<4096x100xf32, #tpu.memory_space<vmem>>, vector<1x100xf32>
      tpu.vector_store %arg8[%swap3A_2448, %swap3A_2449], %get3A_2447 {strides = array<i32>} : memref<4096x100xf32, #tpu.memory_space<vmem>>, vector<1x100xf32>,
      %mul3A_2451 = arith.constant 256 : i32
      %mul3A_2452 = arith.muli %sub3A_6, %mul3A_2451 : i32
      %add3A_2453 = arith.constant 200 : i32
      %add3A_2454 = arith.addi %mul3A_2452, %add3A_2453 : i32
      %get3A_2455 = arith.index_cast %add3A_2454 : i32 to index
      %get3A_2456 = memref.load %arg4[%get3A_2455] : memref<4096xi32, #tpu.memory_space<smem>>
      %get3A_2457 = arith.constant 200 : index
      %get3A_2458 = arith.constant 0 : index
      %get3A_2459 = vector.load %arg10[%get3A_2457, %get3A_2458] : memref<256x128xf32, #tpu.memory_space<vmem>>, vector<1x100xf32>
      %swap3A_2460 = arith.index_cast %get3A_2456 : i32 to index
      %swap3A_2461 = arith.constant 0 : index
      %swap3A_2462 = vector.load %arg8[%swap3A_2460, %swap3A_2461] : memref<4096x100xf32, #tpu.memory_space<vmem>>, vector<1x100xf32>
      tpu.vector_store %arg8[%swap3A_2460, %swap3A_2461], %get3A_2459 {strides = array<i32>} : memref<4096x100xf32, #tpu.memory_space<vmem>>, vector<1x100xf32>,
      %mul3A_2463 = arith.constant 256 : i32
      %mul3A_2464 = arith.muli %sub3A_6, %mul3A_2463 : i32
      %add3A_2465 = arith.constant 201 : i32
      %add3A_2466 = arith.addi %mul3A_2464, %add3A_2465 : i32
      %get3A_2467 = arith.index_cast %add3A_2466 : i32 to index
      %get3A_2468 = memref.load %arg4[%get3A_2467] : memref<4096xi32, #tpu.memory_space<smem>>
      %get3A_2469 = arith.constant 201 : index
      %get3A_2470 = arith.constant 0 : index
      %get3A_2471 = vector.load %arg10[%get3A_2469, %get3A_2470] : memref<256x128xf32, #tpu.memory_space<vmem>>, vector<1x100xf32>
      %swap3A_2472 = arith.index_cast %get3A_2468 : i32 to index
      %swap3A_2473 = arith.constant 0 : index
      %swap3A_2474 = vector.load %arg8[%swap3A_2472, %swap3A_2473] : memref<4096x100xf32, #tpu.memory_space<vmem>>, vector<1x100xf32>
      tpu.vector_store %arg8[%swap3A_2472, %swap3A_2473], %get3A_2471 {strides = array<i32>} : memref<4096x100xf32, #tpu.memory_space<vmem>>, vector<1x100xf32>,
      %mul3A_2475 = arith.constant 256 : i32
      %mul3A_2476 = arith.muli %sub3A_6, %mul3A_2475 : i32
      %add3A_2477 = arith.constant 202 : i32
      %add3A_2478 = arith.addi %mul3A_2476, %add3A_2477 : i32
      %get3A_2479 = arith.index_cast %add3A_2478 : i32 to index
      %get3A_2480 = memref.load %arg4[%get3A_2479] : memref<4096xi32, #tpu.memory_space<smem>>
      %get3A_2481 = arith.constant 202 : index
      %get3A_2482 = arith.constant 0 : index
      %get3A_2483 = vector.load %arg10[%get3A_2481, %get3A_2482] : memref<256x128xf32, #tpu.memory_space<vmem>>, vector<1x100xf32>
      %swap3A_2484 = arith.index_cast %get3A_2480 : i32 to index
      %swap3A_2485 = arith.constant 0 : index
      %swap3A_2486 = vector.load %arg8[%swap3A_2484, %swap3A_2485] : memref<4096x100xf32, #tpu.memory_space<vmem>>, vector<1x100xf32>
      tpu.vector_store %arg8[%swap3A_2484, %swap3A_2485], %get3A_2483 {strides = array<i32>} : memref<4096x100xf32, #tpu.memory_space<vmem>>, vector<1x100xf32>,
      %mul3A_2487 = arith.constant 256 : i32
      %mul3A_2488 = arith.muli %sub3A_6, %mul3A_2487 : i32
      %add3A_2489 = arith.constant 203 : i32
      %add3A_2490 = arith.addi %mul3A_2488, %add3A_2489 : i32
      %get3A_2491 = arith.index_cast %add3A_2490 : i32 to index
      %get3A_2492 = memref.load %arg4[%get3A_2491] : memref<4096xi32, #tpu.memory_space<smem>>
      %get3A_2493 = arith.constant 203 : index
      %get3A_2494 = arith.constant 0 : index
      %get3A_2495 = vector.load %arg10[%get3A_2493, %get3A_2494] : memref<256x128xf32, #tpu.memory_space<vmem>>, vector<1x100xf32>
      %swap3A_2496 = arith.index_cast %get3A_2492 : i32 to index
      %swap3A_2497 = arith.constant 0 : index
      %swap3A_2498 = vector.load %arg8[%swap3A_2496, %swap3A_2497] : memref<4096x100xf32, #tpu.memory_space<vmem>>, vector<1x100xf32>
      tpu.vector_store %arg8[%swap3A_2496, %swap3A_2497], %get3A_2495 {strides = array<i32>} : memref<4096x100xf32, #tpu.memory_space<vmem>>, vector<1x100xf32>,
      %mul3A_2499 = arith.constant 256 : i32
      %mul3A_2500 = arith.muli %sub3A_6, %mul3A_2499 : i32
      %add3A_2501 = arith.constant 204 : i32
      %add3A_2502 = arith.addi %mul3A_2500, %add3A_2501 : i32
      %get3A_2503 = arith.index_cast %add3A_2502 : i32 to index
      %get3A_2504 = memref.load %arg4[%get3A_2503] : memref<4096xi32, #tpu.memory_space<smem>>
      %get3A_2505 = arith.constant 204 : index
      %get3A_2506 = arith.constant 0 : index
      %get3A_2507 = vector.load %arg10[%get3A_2505, %get3A_2506] : memref<256x128xf32, #tpu.memory_space<vmem>>, vector<1x100xf32>
      %swap3A_2508 = arith.index_cast %get3A_2504 : i32 to index
      %swap3A_2509 = arith.constant 0 : index
      %swap3A_2510 = vector.load %arg8[%swap3A_2508, %swap3A_2509] : memref<4096x100xf32, #tpu.memory_space<vmem>>, vector<1x100xf32>
      tpu.vector_store %arg8[%swap3A_2508, %swap3A_2509], %get3A_2507 {strides = array<i32>} : memref<4096x100xf32, #tpu.memory_space<vmem>>, vector<1x100xf32>,
      %mul3A_2511 = arith.constant 256 : i32
      %mul3A_2512 = arith.muli %sub3A_6, %mul3A_2511 : i32
      %add3A_2513 = arith.constant 205 : i32
      %add3A_2514 = arith.addi %mul3A_2512, %add3A_2513 : i32
      %get3A_2515 = arith.index_cast %add3A_2514 : i32 to index
      %get3A_2516 = memref.load %arg4[%get3A_2515] : memref<4096xi32, #tpu.memory_space<smem>>
      %get3A_2517 = arith.constant 205 : index
      %get3A_2518 = arith.constant 0 : index
      %get3A_2519 = vector.load %arg10[%get3A_2517, %get3A_2518] : memref<256x128xf32, #tpu.memory_space<vmem>>, vector<1x100xf32>
      %swap3A_2520 = arith.index_cast %get3A_2516 : i32 to index
      %swap3A_2521 = arith.constant 0 : index
      %swap3A_2522 = vector.load %arg8[%swap3A_2520, %swap3A_2521] : memref<4096x100xf32, #tpu.memory_space<vmem>>, vector<1x100xf32>
      tpu.vector_store %arg8[%swap3A_2520, %swap3A_2521], %get3A_2519 {strides = array<i32>} : memref<4096x100xf32, #tpu.memory_space<vmem>>, vector<1x100xf32>,
      %mul3A_2523 = arith.constant 256 : i32
      %mul3A_2524 = arith.muli %sub3A_6, %mul3A_2523 : i32
      %add3A_2525 = arith.constant 206 : i32
      %add3A_2526 = arith.addi %mul3A_2524, %add3A_2525 : i32
      %get3A_2527 = arith.index_cast %add3A_2526 : i32 to index
      %get3A_2528 = memref.load %arg4[%get3A_2527] : memref<4096xi32, #tpu.memory_space<smem>>
      %get3A_2529 = arith.constant 206 : index
      %get3A_2530 = arith.constant 0 : index
      %get3A_2531 = vector.load %arg10[%get3A_2529, %get3A_2530] : memref<256x128xf32, #tpu.memory_space<vmem>>, vector<1x100xf32>
      %swap3A_2532 = arith.index_cast %get3A_2528 : i32 to index
      %swap3A_2533 = arith.constant 0 : index
      %swap3A_2534 = vector.load %arg8[%swap3A_2532, %swap3A_2533] : memref<4096x100xf32, #tpu.memory_space<vmem>>, vector<1x100xf32>
      tpu.vector_store %arg8[%swap3A_2532, %swap3A_2533], %get3A_2531 {strides = array<i32>} : memref<4096x100xf32, #tpu.memory_space<vmem>>, vector<1x100xf32>,
      %mul3A_2535 = arith.constant 256 : i32
      %mul3A_2536 = arith.muli %sub3A_6, %mul3A_2535 : i32
      %add3A_2537 = arith.constant 207 : i32
      %add3A_2538 = arith.addi %mul3A_2536, %add3A_2537 : i32
      %get3A_2539 = arith.index_cast %add3A_2538 : i32 to index
      %get3A_2540 = memref.load %arg4[%get3A_2539] : memref<4096xi32, #tpu.memory_space<smem>>
      %get3A_2541 = arith.constant 207 : index
      %get3A_2542 = arith.constant 0 : index
      %get3A_2543 = vector.load %arg10[%get3A_2541, %get3A_2542] : memref<256x128xf32, #tpu.memory_space<vmem>>, vector<1x100xf32>
      %swap3A_2544 = arith.index_cast %get3A_2540 : i32 to index
      %swap3A_2545 = arith.constant 0 : index
      %swap3A_2546 = vector.load %arg8[%swap3A_2544, %swap3A_2545] : memref<4096x100xf32, #tpu.memory_space<vmem>>, vector<1x100xf32>
      tpu.vector_store %arg8[%swap3A_2544, %swap3A_2545], %get3A_2543 {strides = array<i32>} : memref<4096x100xf32, #tpu.memory_space<vmem>>, vector<1x100xf32>,
      %mul3A_2547 = arith.constant 256 : i32
      %mul3A_2548 = arith.muli %sub3A_6, %mul3A_2547 : i32
      %add3A_2549 = arith.constant 208 : i32
      %add3A_2550 = arith.addi %mul3A_2548, %add3A_2549 : i32
      %get3A_2551 = arith.index_cast %add3A_2550 : i32 to index
      %get3A_2552 = memref.load %arg4[%get3A_2551] : memref<4096xi32, #tpu.memory_space<smem>>
      %get3A_2553 = arith.constant 208 : index
      %get3A_2554 = arith.constant 0 : index
      %get3A_2555 = vector.load %arg10[%get3A_2553, %get3A_2554] : memref<256x128xf32, #tpu.memory_space<vmem>>, vector<1x100xf32>
      %swap3A_2556 = arith.index_cast %get3A_2552 : i32 to index
      %swap3A_2557 = arith.constant 0 : index
      %swap3A_2558 = vector.load %arg8[%swap3A_2556, %swap3A_2557] : memref<4096x100xf32, #tpu.memory_space<vmem>>, vector<1x100xf32>
      tpu.vector_store %arg8[%swap3A_2556, %swap3A_2557], %get3A_2555 {strides = array<i32>} : memref<4096x100xf32, #tpu.memory_space<vmem>>, vector<1x100xf32>,
      %mul3A_2559 = arith.constant 256 : i32
      %mul3A_2560 = arith.muli %sub3A_6, %mul3A_2559 : i32
      %add3A_2561 = arith.constant 209 : i32
      %add3A_2562 = arith.addi %mul3A_2560, %add3A_2561 : i32
      %get3A_2563 = arith.index_cast %add3A_2562 : i32 to index
      %get3A_2564 = memref.load %arg4[%get3A_2563] : memref<4096xi32, #tpu.memory_space<smem>>
      %get3A_2565 = arith.constant 209 : index
      %get3A_2566 = arith.constant 0 : index
      %get3A_2567 = vector.load %arg10[%get3A_2565, %get3A_2566] : memref<256x128xf32, #tpu.memory_space<vmem>>, vector<1x100xf32>
      %swap3A_2568 = arith.index_cast %get3A_2564 : i32 to index
      %swap3A_2569 = arith.constant 0 : index
      %swap3A_2570 = vector.load %arg8[%swap3A_2568, %swap3A_2569] : memref<4096x100xf32, #tpu.memory_space<vmem>>, vector<1x100xf32>
      tpu.vector_store %arg8[%swap3A_2568, %swap3A_2569], %get3A_2567 {strides = array<i32>} : memref<4096x100xf32, #tpu.memory_space<vmem>>, vector<1x100xf32>,
      %mul3A_2571 = arith.constant 256 : i32
      %mul3A_2572 = arith.muli %sub3A_6, %mul3A_2571 : i32
      %add3A_2573 = arith.constant 210 : i32
      %add3A_2574 = arith.addi %mul3A_2572, %add3A_2573 : i32
      %get3A_2575 = arith.index_cast %add3A_2574 : i32 to index
      %get3A_2576 = memref.load %arg4[%get3A_2575] : memref<4096xi32, #tpu.memory_space<smem>>
      %get3A_2577 = arith.constant 210 : index
      %get3A_2578 = arith.constant 0 : index
      %get3A_2579 = vector.load %arg10[%get3A_2577, %get3A_2578] : memref<256x128xf32, #tpu.memory_space<vmem>>, vector<1x100xf32>
      %swap3A_2580 = arith.index_cast %get3A_2576 : i32 to index
      %swap3A_2581 = arith.constant 0 : index
      %swap3A_2582 = vector.load %arg8[%swap3A_2580, %swap3A_2581] : memref<4096x100xf32, #tpu.memory_space<vmem>>, vector<1x100xf32>
      tpu.vector_store %arg8[%swap3A_2580, %swap3A_2581], %get3A_2579 {strides = array<i32>} : memref<4096x100xf32, #tpu.memory_space<vmem>>, vector<1x100xf32>,
      %mul3A_2583 = arith.constant 256 : i32
      %mul3A_2584 = arith.muli %sub3A_6, %mul3A_2583 : i32
      %add3A_2585 = arith.constant 211 : i32
      %add3A_2586 = arith.addi %mul3A_2584, %add3A_2585 : i32
      %get3A_2587 = arith.index_cast %add3A_2586 : i32 to index
      %get3A_2588 = memref.load %arg4[%get3A_2587] : memref<4096xi32, #tpu.memory_space<smem>>
      %get3A_2589 = arith.constant 211 : index
      %get3A_2590 = arith.constant 0 : index
      %get3A_2591 = vector.load %arg10[%get3A_2589, %get3A_2590] : memref<256x128xf32, #tpu.memory_space<vmem>>, vector<1x100xf32>
      %swap3A_2592 = arith.index_cast %get3A_2588 : i32 to index
      %swap3A_2593 = arith.constant 0 : index
      %swap3A_2594 = vector.load %arg8[%swap3A_2592, %swap3A_2593] : memref<4096x100xf32, #tpu.memory_space<vmem>>, vector<1x100xf32>
      tpu.vector_store %arg8[%swap3A_2592, %swap3A_2593], %get3A_2591 {strides = array<i32>} : memref<4096x100xf32, #tpu.memory_space<vmem>>, vector<1x100xf32>,
      %mul3A_2595 = arith.constant 256 : i32
      %mul3A_2596 = arith.muli %sub3A_6, %mul3A_2595 : i32
      %add3A_2597 = arith.constant 212 : i32
      %add3A_2598 = arith.addi %mul3A_2596, %add3A_2597 : i32
      %get3A_2599 = arith.index_cast %add3A_2598 : i32 to index
      %get3A_2600 = memref.load %arg4[%get3A_2599] : memref<4096xi32, #tpu.memory_space<smem>>
      %get3A_2601 = arith.constant 212 : index
      %get3A_2602 = arith.constant 0 : index
      %get3A_2603 = vector.load %arg10[%get3A_2601, %get3A_2602] : memref<256x128xf32, #tpu.memory_space<vmem>>, vector<1x100xf32>
      %swap3A_2604 = arith.index_cast %get3A_2600 : i32 to index
      %swap3A_2605 = arith.constant 0 : index
      %swap3A_2606 = vector.load %arg8[%swap3A_2604, %swap3A_2605] : memref<4096x100xf32, #tpu.memory_space<vmem>>, vector<1x100xf32>
      tpu.vector_store %arg8[%swap3A_2604, %swap3A_2605], %get3A_2603 {strides = array<i32>} : memref<4096x100xf32, #tpu.memory_space<vmem>>, vector<1x100xf32>,
      %mul3A_2607 = arith.constant 256 : i32
      %mul3A_2608 = arith.muli %sub3A_6, %mul3A_2607 : i32
      %add3A_2609 = arith.constant 213 : i32
      %add3A_2610 = arith.addi %mul3A_2608, %add3A_2609 : i32
      %get3A_2611 = arith.index_cast %add3A_2610 : i32 to index
      %get3A_2612 = memref.load %arg4[%get3A_2611] : memref<4096xi32, #tpu.memory_space<smem>>
      %get3A_2613 = arith.constant 213 : index
      %get3A_2614 = arith.constant 0 : index
      %get3A_2615 = vector.load %arg10[%get3A_2613, %get3A_2614] : memref<256x128xf32, #tpu.memory_space<vmem>>, vector<1x100xf32>
      %swap3A_2616 = arith.index_cast %get3A_2612 : i32 to index
      %swap3A_2617 = arith.constant 0 : index
      %swap3A_2618 = vector.load %arg8[%swap3A_2616, %swap3A_2617] : memref<4096x100xf32, #tpu.memory_space<vmem>>, vector<1x100xf32>
      tpu.vector_store %arg8[%swap3A_2616, %swap3A_2617], %get3A_2615 {strides = array<i32>} : memref<4096x100xf32, #tpu.memory_space<vmem>>, vector<1x100xf32>,
      %mul3A_2619 = arith.constant 256 : i32
      %mul3A_2620 = arith.muli %sub3A_6, %mul3A_2619 : i32
      %add3A_2621 = arith.constant 214 : i32
      %add3A_2622 = arith.addi %mul3A_2620, %add3A_2621 : i32
      %get3A_2623 = arith.index_cast %add3A_2622 : i32 to index
      %get3A_2624 = memref.load %arg4[%get3A_2623] : memref<4096xi32, #tpu.memory_space<smem>>
      %get3A_2625 = arith.constant 214 : index
      %get3A_2626 = arith.constant 0 : index
      %get3A_2627 = vector.load %arg10[%get3A_2625, %get3A_2626] : memref<256x128xf32, #tpu.memory_space<vmem>>, vector<1x100xf32>
      %swap3A_2628 = arith.index_cast %get3A_2624 : i32 to index
      %swap3A_2629 = arith.constant 0 : index
      %swap3A_2630 = vector.load %arg8[%swap3A_2628, %swap3A_2629] : memref<4096x100xf32, #tpu.memory_space<vmem>>, vector<1x100xf32>
      tpu.vector_store %arg8[%swap3A_2628, %swap3A_2629], %get3A_2627 {strides = array<i32>} : memref<4096x100xf32, #tpu.memory_space<vmem>>, vector<1x100xf32>,
      %mul3A_2631 = arith.constant 256 : i32
      %mul3A_2632 = arith.muli %sub3A_6, %mul3A_2631 : i32
      %add3A_2633 = arith.constant 215 : i32
      %add3A_2634 = arith.addi %mul3A_2632, %add3A_2633 : i32
      %get3A_2635 = arith.index_cast %add3A_2634 : i32 to index
      %get3A_2636 = memref.load %arg4[%get3A_2635] : memref<4096xi32, #tpu.memory_space<smem>>
      %get3A_2637 = arith.constant 215 : index
      %get3A_2638 = arith.constant 0 : index
      %get3A_2639 = vector.load %arg10[%get3A_2637, %get3A_2638] : memref<256x128xf32, #tpu.memory_space<vmem>>, vector<1x100xf32>
      %swap3A_2640 = arith.index_cast %get3A_2636 : i32 to index
      %swap3A_2641 = arith.constant 0 : index
      %swap3A_2642 = vector.load %arg8[%swap3A_2640, %swap3A_2641] : memref<4096x100xf32, #tpu.memory_space<vmem>>, vector<1x100xf32>
      tpu.vector_store %arg8[%swap3A_2640, %swap3A_2641], %get3A_2639 {strides = array<i32>} : memref<4096x100xf32, #tpu.memory_space<vmem>>, vector<1x100xf32>,
      %mul3A_2643 = arith.constant 256 : i32
      %mul3A_2644 = arith.muli %sub3A_6, %mul3A_2643 : i32
      %add3A_2645 = arith.constant 216 : i32
      %add3A_2646 = arith.addi %mul3A_2644, %add3A_2645 : i32
      %get3A_2647 = arith.index_cast %add3A_2646 : i32 to index
      %get3A_2648 = memref.load %arg4[%get3A_2647] : memref<4096xi32, #tpu.memory_space<smem>>
      %get3A_2649 = arith.constant 216 : index
      %get3A_2650 = arith.constant 0 : index
      %get3A_2651 = vector.load %arg10[%get3A_2649, %get3A_2650] : memref<256x128xf32, #tpu.memory_space<vmem>>, vector<1x100xf32>
      %swap3A_2652 = arith.index_cast %get3A_2648 : i32 to index
      %swap3A_2653 = arith.constant 0 : index
      %swap3A_2654 = vector.load %arg8[%swap3A_2652, %swap3A_2653] : memref<4096x100xf32, #tpu.memory_space<vmem>>, vector<1x100xf32>
      tpu.vector_store %arg8[%swap3A_2652, %swap3A_2653], %get3A_2651 {strides = array<i32>} : memref<4096x100xf32, #tpu.memory_space<vmem>>, vector<1x100xf32>,
      %mul3A_2655 = arith.constant 256 : i32
      %mul3A_2656 = arith.muli %sub3A_6, %mul3A_2655 : i32
      %add3A_2657 = arith.constant 217 : i32
      %add3A_2658 = arith.addi %mul3A_2656, %add3A_2657 : i32
      %get3A_2659 = arith.index_cast %add3A_2658 : i32 to index
      %get3A_2660 = memref.load %arg4[%get3A_2659] : memref<4096xi32, #tpu.memory_space<smem>>
      %get3A_2661 = arith.constant 217 : index
      %get3A_2662 = arith.constant 0 : index
      %get3A_2663 = vector.load %arg10[%get3A_2661, %get3A_2662] : memref<256x128xf32, #tpu.memory_space<vmem>>, vector<1x100xf32>
      %swap3A_2664 = arith.index_cast %get3A_2660 : i32 to index
      %swap3A_2665 = arith.constant 0 : index
      %swap3A_2666 = vector.load %arg8[%swap3A_2664, %swap3A_2665] : memref<4096x100xf32, #tpu.memory_space<vmem>>, vector<1x100xf32>
      tpu.vector_store %arg8[%swap3A_2664, %swap3A_2665], %get3A_2663 {strides = array<i32>} : memref<4096x100xf32, #tpu.memory_space<vmem>>, vector<1x100xf32>,
      %mul3A_2667 = arith.constant 256 : i32
      %mul3A_2668 = arith.muli %sub3A_6, %mul3A_2667 : i32
      %add3A_2669 = arith.constant 218 : i32
      %add3A_2670 = arith.addi %mul3A_2668, %add3A_2669 : i32
      %get3A_2671 = arith.index_cast %add3A_2670 : i32 to index
      %get3A_2672 = memref.load %arg4[%get3A_2671] : memref<4096xi32, #tpu.memory_space<smem>>
      %get3A_2673 = arith.constant 218 : index
      %get3A_2674 = arith.constant 0 : index
      %get3A_2675 = vector.load %arg10[%get3A_2673, %get3A_2674] : memref<256x128xf32, #tpu.memory_space<vmem>>, vector<1x100xf32>
      %swap3A_2676 = arith.index_cast %get3A_2672 : i32 to index
      %swap3A_2677 = arith.constant 0 : index
      %swap3A_2678 = vector.load %arg8[%swap3A_2676, %swap3A_2677] : memref<4096x100xf32, #tpu.memory_space<vmem>>, vector<1x100xf32>
      tpu.vector_store %arg8[%swap3A_2676, %swap3A_2677], %get3A_2675 {strides = array<i32>} : memref<4096x100xf32, #tpu.memory_space<vmem>>, vector<1x100xf32>,
      %mul3A_2679 = arith.constant 256 : i32
      %mul3A_2680 = arith.muli %sub3A_6, %mul3A_2679 : i32
      %add3A_2681 = arith.constant 219 : i32
      %add3A_2682 = arith.addi %mul3A_2680, %add3A_2681 : i32
      %get3A_2683 = arith.index_cast %add3A_2682 : i32 to index
      %get3A_2684 = memref.load %arg4[%get3A_2683] : memref<4096xi32, #tpu.memory_space<smem>>
      %get3A_2685 = arith.constant 219 : index
      %get3A_2686 = arith.constant 0 : index
      %get3A_2687 = vector.load %arg10[%get3A_2685, %get3A_2686] : memref<256x128xf32, #tpu.memory_space<vmem>>, vector<1x100xf32>
      %swap3A_2688 = arith.index_cast %get3A_2684 : i32 to index
      %swap3A_2689 = arith.constant 0 : index
      %swap3A_2690 = vector.load %arg8[%swap3A_2688, %swap3A_2689] : memref<4096x100xf32, #tpu.memory_space<vmem>>, vector<1x100xf32>
      tpu.vector_store %arg8[%swap3A_2688, %swap3A_2689], %get3A_2687 {strides = array<i32>} : memref<4096x100xf32, #tpu.memory_space<vmem>>, vector<1x100xf32>,
      %mul3A_2691 = arith.constant 256 : i32
      %mul3A_2692 = arith.muli %sub3A_6, %mul3A_2691 : i32
      %add3A_2693 = arith.constant 220 : i32
      %add3A_2694 = arith.addi %mul3A_2692, %add3A_2693 : i32
      %get3A_2695 = arith.index_cast %add3A_2694 : i32 to index
      %get3A_2696 = memref.load %arg4[%get3A_2695] : memref<4096xi32, #tpu.memory_space<smem>>
      %get3A_2697 = arith.constant 220 : index
      %get3A_2698 = arith.constant 0 : index
      %get3A_2699 = vector.load %arg10[%get3A_2697, %get3A_2698] : memref<256x128xf32, #tpu.memory_space<vmem>>, vector<1x100xf32>
      %swap3A_2700 = arith.index_cast %get3A_2696 : i32 to index
      %swap3A_2701 = arith.constant 0 : index
      %swap3A_2702 = vector.load %arg8[%swap3A_2700, %swap3A_2701] : memref<4096x100xf32, #tpu.memory_space<vmem>>, vector<1x100xf32>
      tpu.vector_store %arg8[%swap3A_2700, %swap3A_2701], %get3A_2699 {strides = array<i32>} : memref<4096x100xf32, #tpu.memory_space<vmem>>, vector<1x100xf32>,
      %mul3A_2703 = arith.constant 256 : i32
      %mul3A_2704 = arith.muli %sub3A_6, %mul3A_2703 : i32
      %add3A_2705 = arith.constant 221 : i32
      %add3A_2706 = arith.addi %mul3A_2704, %add3A_2705 : i32
      %get3A_2707 = arith.index_cast %add3A_2706 : i32 to index
      %get3A_2708 = memref.load %arg4[%get3A_2707] : memref<4096xi32, #tpu.memory_space<smem>>
      %get3A_2709 = arith.constant 221 : index
      %get3A_2710 = arith.constant 0 : index
      %get3A_2711 = vector.load %arg10[%get3A_2709, %get3A_2710] : memref<256x128xf32, #tpu.memory_space<vmem>>, vector<1x100xf32>
      %swap3A_2712 = arith.index_cast %get3A_2708 : i32 to index
      %swap3A_2713 = arith.constant 0 : index
      %swap3A_2714 = vector.load %arg8[%swap3A_2712, %swap3A_2713] : memref<4096x100xf32, #tpu.memory_space<vmem>>, vector<1x100xf32>
      tpu.vector_store %arg8[%swap3A_2712, %swap3A_2713], %get3A_2711 {strides = array<i32>} : memref<4096x100xf32, #tpu.memory_space<vmem>>, vector<1x100xf32>,
      %mul3A_2715 = arith.constant 256 : i32
      %mul3A_2716 = arith.muli %sub3A_6, %mul3A_2715 : i32
      %add3A_2717 = arith.constant 222 : i32
      %add3A_2718 = arith.addi %mul3A_2716, %add3A_2717 : i32
      %get3A_2719 = arith.index_cast %add3A_2718 : i32 to index
      %get3A_2720 = memref.load %arg4[%get3A_2719] : memref<4096xi32, #tpu.memory_space<smem>>
      %get3A_2721 = arith.constant 222 : index
      %get3A_2722 = arith.constant 0 : index
      %get3A_2723 = vector.load %arg10[%get3A_2721, %get3A_2722] : memref<256x128xf32, #tpu.memory_space<vmem>>, vector<1x100xf32>
      %swap3A_2724 = arith.index_cast %get3A_2720 : i32 to index
      %swap3A_2725 = arith.constant 0 : index
      %swap3A_2726 = vector.load %arg8[%swap3A_2724, %swap3A_2725] : memref<4096x100xf32, #tpu.memory_space<vmem>>, vector<1x100xf32>
      tpu.vector_store %arg8[%swap3A_2724, %swap3A_2725], %get3A_2723 {strides = array<i32>} : memref<4096x100xf32, #tpu.memory_space<vmem>>, vector<1x100xf32>,
      %mul3A_2727 = arith.constant 256 : i32
      %mul3A_2728 = arith.muli %sub3A_6, %mul3A_2727 : i32
      %add3A_2729 = arith.constant 223 : i32
      %add3A_2730 = arith.addi %mul3A_2728, %add3A_2729 : i32
      %get3A_2731 = arith.index_cast %add3A_2730 : i32 to index
      %get3A_2732 = memref.load %arg4[%get3A_2731] : memref<4096xi32, #tpu.memory_space<smem>>
      %get3A_2733 = arith.constant 223 : index
      %get3A_2734 = arith.constant 0 : index
      %get3A_2735 = vector.load %arg10[%get3A_2733, %get3A_2734] : memref<256x128xf32, #tpu.memory_space<vmem>>, vector<1x100xf32>
      %swap3A_2736 = arith.index_cast %get3A_2732 : i32 to index
      %swap3A_2737 = arith.constant 0 : index
      %swap3A_2738 = vector.load %arg8[%swap3A_2736, %swap3A_2737] : memref<4096x100xf32, #tpu.memory_space<vmem>>, vector<1x100xf32>
      tpu.vector_store %arg8[%swap3A_2736, %swap3A_2737], %get3A_2735 {strides = array<i32>} : memref<4096x100xf32, #tpu.memory_space<vmem>>, vector<1x100xf32>,
      %mul3A_2739 = arith.constant 256 : i32
      %mul3A_2740 = arith.muli %sub3A_6, %mul3A_2739 : i32
      %add3A_2741 = arith.constant 224 : i32
      %add3A_2742 = arith.addi %mul3A_2740, %add3A_2741 : i32
      %get3A_2743 = arith.index_cast %add3A_2742 : i32 to index
      %get3A_2744 = memref.load %arg4[%get3A_2743] : memref<4096xi32, #tpu.memory_space<smem>>
      %get3A_2745 = arith.constant 224 : index
      %get3A_2746 = arith.constant 0 : index
      %get3A_2747 = vector.load %arg10[%get3A_2745, %get3A_2746] : memref<256x128xf32, #tpu.memory_space<vmem>>, vector<1x100xf32>
      %swap3A_2748 = arith.index_cast %get3A_2744 : i32 to index
      %swap3A_2749 = arith.constant 0 : index
      %swap3A_2750 = vector.load %arg8[%swap3A_2748, %swap3A_2749] : memref<4096x100xf32, #tpu.memory_space<vmem>>, vector<1x100xf32>
      tpu.vector_store %arg8[%swap3A_2748, %swap3A_2749], %get3A_2747 {strides = array<i32>} : memref<4096x100xf32, #tpu.memory_space<vmem>>, vector<1x100xf32>,
      %mul3A_2751 = arith.constant 256 : i32
      %mul3A_2752 = arith.muli %sub3A_6, %mul3A_2751 : i32
      %add3A_2753 = arith.constant 225 : i32
      %add3A_2754 = arith.addi %mul3A_2752, %add3A_2753 : i32
      %get3A_2755 = arith.index_cast %add3A_2754 : i32 to index
      %get3A_2756 = memref.load %arg4[%get3A_2755] : memref<4096xi32, #tpu.memory_space<smem>>
      %get3A_2757 = arith.constant 225 : index
      %get3A_2758 = arith.constant 0 : index
      %get3A_2759 = vector.load %arg10[%get3A_2757, %get3A_2758] : memref<256x128xf32, #tpu.memory_space<vmem>>, vector<1x100xf32>
      %swap3A_2760 = arith.index_cast %get3A_2756 : i32 to index
      %swap3A_2761 = arith.constant 0 : index
      %swap3A_2762 = vector.load %arg8[%swap3A_2760, %swap3A_2761] : memref<4096x100xf32, #tpu.memory_space<vmem>>, vector<1x100xf32>
      tpu.vector_store %arg8[%swap3A_2760, %swap3A_2761], %get3A_2759 {strides = array<i32>} : memref<4096x100xf32, #tpu.memory_space<vmem>>, vector<1x100xf32>,
      %mul3A_2763 = arith.constant 256 : i32
      %mul3A_2764 = arith.muli %sub3A_6, %mul3A_2763 : i32
      %add3A_2765 = arith.constant 226 : i32
      %add3A_2766 = arith.addi %mul3A_2764, %add3A_2765 : i32
      %get3A_2767 = arith.index_cast %add3A_2766 : i32 to index
      %get3A_2768 = memref.load %arg4[%get3A_2767] : memref<4096xi32, #tpu.memory_space<smem>>
      %get3A_2769 = arith.constant 226 : index
      %get3A_2770 = arith.constant 0 : index
      %get3A_2771 = vector.load %arg10[%get3A_2769, %get3A_2770] : memref<256x128xf32, #tpu.memory_space<vmem>>, vector<1x100xf32>
      %swap3A_2772 = arith.index_cast %get3A_2768 : i32 to index
      %swap3A_2773 = arith.constant 0 : index
      %swap3A_2774 = vector.load %arg8[%swap3A_2772, %swap3A_2773] : memref<4096x100xf32, #tpu.memory_space<vmem>>, vector<1x100xf32>
      tpu.vector_store %arg8[%swap3A_2772, %swap3A_2773], %get3A_2771 {strides = array<i32>} : memref<4096x100xf32, #tpu.memory_space<vmem>>, vector<1x100xf32>,
      %mul3A_2775 = arith.constant 256 : i32
      %mul3A_2776 = arith.muli %sub3A_6, %mul3A_2775 : i32
      %add3A_2777 = arith.constant 227 : i32
      %add3A_2778 = arith.addi %mul3A_2776, %add3A_2777 : i32
      %get3A_2779 = arith.index_cast %add3A_2778 : i32 to index
      %get3A_2780 = memref.load %arg4[%get3A_2779] : memref<4096xi32, #tpu.memory_space<smem>>
      %get3A_2781 = arith.constant 227 : index
      %get3A_2782 = arith.constant 0 : index
      %get3A_2783 = vector.load %arg10[%get3A_2781, %get3A_2782] : memref<256x128xf32, #tpu.memory_space<vmem>>, vector<1x100xf32>
      %swap3A_2784 = arith.index_cast %get3A_2780 : i32 to index
      %swap3A_2785 = arith.constant 0 : index
      %swap3A_2786 = vector.load %arg8[%swap3A_2784, %swap3A_2785] : memref<4096x100xf32, #tpu.memory_space<vmem>>, vector<1x100xf32>
      tpu.vector_store %arg8[%swap3A_2784, %swap3A_2785], %get3A_2783 {strides = array<i32>} : memref<4096x100xf32, #tpu.memory_space<vmem>>, vector<1x100xf32>,
      %mul3A_2787 = arith.constant 256 : i32
      %mul3A_2788 = arith.muli %sub3A_6, %mul3A_2787 : i32
      %add3A_2789 = arith.constant 228 : i32
      %add3A_2790 = arith.addi %mul3A_2788, %add3A_2789 : i32
      %get3A_2791 = arith.index_cast %add3A_2790 : i32 to index
      %get3A_2792 = memref.load %arg4[%get3A_2791] : memref<4096xi32, #tpu.memory_space<smem>>
      %get3A_2793 = arith.constant 228 : index
      %get3A_2794 = arith.constant 0 : index
      %get3A_2795 = vector.load %arg10[%get3A_2793, %get3A_2794] : memref<256x128xf32, #tpu.memory_space<vmem>>, vector<1x100xf32>
      %swap3A_2796 = arith.index_cast %get3A_2792 : i32 to index
      %swap3A_2797 = arith.constant 0 : index
      %swap3A_2798 = vector.load %arg8[%swap3A_2796, %swap3A_2797] : memref<4096x100xf32, #tpu.memory_space<vmem>>, vector<1x100xf32>
      tpu.vector_store %arg8[%swap3A_2796, %swap3A_2797], %get3A_2795 {strides = array<i32>} : memref<4096x100xf32, #tpu.memory_space<vmem>>, vector<1x100xf32>,
      %mul3A_2799 = arith.constant 256 : i32
      %mul3A_2800 = arith.muli %sub3A_6, %mul3A_2799 : i32
      %add3A_2801 = arith.constant 229 : i32
      %add3A_2802 = arith.addi %mul3A_2800, %add3A_2801 : i32
      %get3A_2803 = arith.index_cast %add3A_2802 : i32 to index
      %get3A_2804 = memref.load %arg4[%get3A_2803] : memref<4096xi32, #tpu.memory_space<smem>>
      %get3A_2805 = arith.constant 229 : index
      %get3A_2806 = arith.constant 0 : index
      %get3A_2807 = vector.load %arg10[%get3A_2805, %get3A_2806] : memref<256x128xf32, #tpu.memory_space<vmem>>, vector<1x100xf32>
      %swap3A_2808 = arith.index_cast %get3A_2804 : i32 to index
      %swap3A_2809 = arith.constant 0 : index
      %swap3A_2810 = vector.load %arg8[%swap3A_2808, %swap3A_2809] : memref<4096x100xf32, #tpu.memory_space<vmem>>, vector<1x100xf32>
      tpu.vector_store %arg8[%swap3A_2808, %swap3A_2809], %get3A_2807 {strides = array<i32>} : memref<4096x100xf32, #tpu.memory_space<vmem>>, vector<1x100xf32>,
      %mul3A_2811 = arith.constant 256 : i32
      %mul3A_2812 = arith.muli %sub3A_6, %mul3A_2811 : i32
      %add3A_2813 = arith.constant 230 : i32
      %add3A_2814 = arith.addi %mul3A_2812, %add3A_2813 : i32
      %get3A_2815 = arith.index_cast %add3A_2814 : i32 to index
      %get3A_2816 = memref.load %arg4[%get3A_2815] : memref<4096xi32, #tpu.memory_space<smem>>
      %get3A_2817 = arith.constant 230 : index
      %get3A_2818 = arith.constant 0 : index
      %get3A_2819 = vector.load %arg10[%get3A_2817, %get3A_2818] : memref<256x128xf32, #tpu.memory_space<vmem>>, vector<1x100xf32>
      %swap3A_2820 = arith.index_cast %get3A_2816 : i32 to index
      %swap3A_2821 = arith.constant 0 : index
      %swap3A_2822 = vector.load %arg8[%swap3A_2820, %swap3A_2821] : memref<4096x100xf32, #tpu.memory_space<vmem>>, vector<1x100xf32>
      tpu.vector_store %arg8[%swap3A_2820, %swap3A_2821], %get3A_2819 {strides = array<i32>} : memref<4096x100xf32, #tpu.memory_space<vmem>>, vector<1x100xf32>,
      %mul3A_2823 = arith.constant 256 : i32
      %mul3A_2824 = arith.muli %sub3A_6, %mul3A_2823 : i32
      %add3A_2825 = arith.constant 231 : i32
      %add3A_2826 = arith.addi %mul3A_2824, %add3A_2825 : i32
      %get3A_2827 = arith.index_cast %add3A_2826 : i32 to index
      %get3A_2828 = memref.load %arg4[%get3A_2827] : memref<4096xi32, #tpu.memory_space<smem>>
      %get3A_2829 = arith.constant 231 : index
      %get3A_2830 = arith.constant 0 : index
      %get3A_2831 = vector.load %arg10[%get3A_2829, %get3A_2830] : memref<256x128xf32, #tpu.memory_space<vmem>>, vector<1x100xf32>
      %swap3A_2832 = arith.index_cast %get3A_2828 : i32 to index
      %swap3A_2833 = arith.constant 0 : index
      %swap3A_2834 = vector.load %arg8[%swap3A_2832, %swap3A_2833] : memref<4096x100xf32, #tpu.memory_space<vmem>>, vector<1x100xf32>
      tpu.vector_store %arg8[%swap3A_2832, %swap3A_2833], %get3A_2831 {strides = array<i32>} : memref<4096x100xf32, #tpu.memory_space<vmem>>, vector<1x100xf32>,
      %mul3A_2835 = arith.constant 256 : i32
      %mul3A_2836 = arith.muli %sub3A_6, %mul3A_2835 : i32
      %add3A_2837 = arith.constant 232 : i32
      %add3A_2838 = arith.addi %mul3A_2836, %add3A_2837 : i32
      %get3A_2839 = arith.index_cast %add3A_2838 : i32 to index
      %get3A_2840 = memref.load %arg4[%get3A_2839] : memref<4096xi32, #tpu.memory_space<smem>>
      %get3A_2841 = arith.constant 232 : index
      %get3A_2842 = arith.constant 0 : index
      %get3A_2843 = vector.load %arg10[%get3A_2841, %get3A_2842] : memref<256x128xf32, #tpu.memory_space<vmem>>, vector<1x100xf32>
      %swap3A_2844 = arith.index_cast %get3A_2840 : i32 to index
      %swap3A_2845 = arith.constant 0 : index
      %swap3A_2846 = vector.load %arg8[%swap3A_2844, %swap3A_2845] : memref<4096x100xf32, #tpu.memory_space<vmem>>, vector<1x100xf32>
      tpu.vector_store %arg8[%swap3A_2844, %swap3A_2845], %get3A_2843 {strides = array<i32>} : memref<4096x100xf32, #tpu.memory_space<vmem>>, vector<1x100xf32>,
      %mul3A_2847 = arith.constant 256 : i32
      %mul3A_2848 = arith.muli %sub3A_6, %mul3A_2847 : i32
      %add3A_2849 = arith.constant 233 : i32
      %add3A_2850 = arith.addi %mul3A_2848, %add3A_2849 : i32
      %get3A_2851 = arith.index_cast %add3A_2850 : i32 to index
      %get3A_2852 = memref.load %arg4[%get3A_2851] : memref<4096xi32, #tpu.memory_space<smem>>
      %get3A_2853 = arith.constant 233 : index
      %get3A_2854 = arith.constant 0 : index
      %get3A_2855 = vector.load %arg10[%get3A_2853, %get3A_2854] : memref<256x128xf32, #tpu.memory_space<vmem>>, vector<1x100xf32>
      %swap3A_2856 = arith.index_cast %get3A_2852 : i32 to index
      %swap3A_2857 = arith.constant 0 : index
      %swap3A_2858 = vector.load %arg8[%swap3A_2856, %swap3A_2857] : memref<4096x100xf32, #tpu.memory_space<vmem>>, vector<1x100xf32>
      tpu.vector_store %arg8[%swap3A_2856, %swap3A_2857], %get3A_2855 {strides = array<i32>} : memref<4096x100xf32, #tpu.memory_space<vmem>>, vector<1x100xf32>,
      %mul3A_2859 = arith.constant 256 : i32
      %mul3A_2860 = arith.muli %sub3A_6, %mul3A_2859 : i32
      %add3A_2861 = arith.constant 234 : i32
      %add3A_2862 = arith.addi %mul3A_2860, %add3A_2861 : i32
      %get3A_2863 = arith.index_cast %add3A_2862 : i32 to index
      %get3A_2864 = memref.load %arg4[%get3A_2863] : memref<4096xi32, #tpu.memory_space<smem>>
      %get3A_2865 = arith.constant 234 : index
      %get3A_2866 = arith.constant 0 : index
      %get3A_2867 = vector.load %arg10[%get3A_2865, %get3A_2866] : memref<256x128xf32, #tpu.memory_space<vmem>>, vector<1x100xf32>
      %swap3A_2868 = arith.index_cast %get3A_2864 : i32 to index
      %swap3A_2869 = arith.constant 0 : index
      %swap3A_2870 = vector.load %arg8[%swap3A_2868, %swap3A_2869] : memref<4096x100xf32, #tpu.memory_space<vmem>>, vector<1x100xf32>
      tpu.vector_store %arg8[%swap3A_2868, %swap3A_2869], %get3A_2867 {strides = array<i32>} : memref<4096x100xf32, #tpu.memory_space<vmem>>, vector<1x100xf32>,
      %mul3A_2871 = arith.constant 256 : i32
      %mul3A_2872 = arith.muli %sub3A_6, %mul3A_2871 : i32
      %add3A_2873 = arith.constant 235 : i32
      %add3A_2874 = arith.addi %mul3A_2872, %add3A_2873 : i32
      %get3A_2875 = arith.index_cast %add3A_2874 : i32 to index
      %get3A_2876 = memref.load %arg4[%get3A_2875] : memref<4096xi32, #tpu.memory_space<smem>>
      %get3A_2877 = arith.constant 235 : index
      %get3A_2878 = arith.constant 0 : index
      %get3A_2879 = vector.load %arg10[%get3A_2877, %get3A_2878] : memref<256x128xf32, #tpu.memory_space<vmem>>, vector<1x100xf32>
      %swap3A_2880 = arith.index_cast %get3A_2876 : i32 to index
      %swap3A_2881 = arith.constant 0 : index
      %swap3A_2882 = vector.load %arg8[%swap3A_2880, %swap3A_2881] : memref<4096x100xf32, #tpu.memory_space<vmem>>, vector<1x100xf32>
      tpu.vector_store %arg8[%swap3A_2880, %swap3A_2881], %get3A_2879 {strides = array<i32>} : memref<4096x100xf32, #tpu.memory_space<vmem>>, vector<1x100xf32>,
      %mul3A_2883 = arith.constant 256 : i32
      %mul3A_2884 = arith.muli %sub3A_6, %mul3A_2883 : i32
      %add3A_2885 = arith.constant 236 : i32
      %add3A_2886 = arith.addi %mul3A_2884, %add3A_2885 : i32
      %get3A_2887 = arith.index_cast %add3A_2886 : i32 to index
      %get3A_2888 = memref.load %arg4[%get3A_2887] : memref<4096xi32, #tpu.memory_space<smem>>
      %get3A_2889 = arith.constant 236 : index
      %get3A_2890 = arith.constant 0 : index
      %get3A_2891 = vector.load %arg10[%get3A_2889, %get3A_2890] : memref<256x128xf32, #tpu.memory_space<vmem>>, vector<1x100xf32>
      %swap3A_2892 = arith.index_cast %get3A_2888 : i32 to index
      %swap3A_2893 = arith.constant 0 : index
      %swap3A_2894 = vector.load %arg8[%swap3A_2892, %swap3A_2893] : memref<4096x100xf32, #tpu.memory_space<vmem>>, vector<1x100xf32>
      tpu.vector_store %arg8[%swap3A_2892, %swap3A_2893], %get3A_2891 {strides = array<i32>} : memref<4096x100xf32, #tpu.memory_space<vmem>>, vector<1x100xf32>,
      %mul3A_2895 = arith.constant 256 : i32
      %mul3A_2896 = arith.muli %sub3A_6, %mul3A_2895 : i32
      %add3A_2897 = arith.constant 237 : i32
      %add3A_2898 = arith.addi %mul3A_2896, %add3A_2897 : i32
      %get3A_2899 = arith.index_cast %add3A_2898 : i32 to index
      %get3A_2900 = memref.load %arg4[%get3A_2899] : memref<4096xi32, #tpu.memory_space<smem>>
      %get3A_2901 = arith.constant 237 : index
      %get3A_2902 = arith.constant 0 : index
      %get3A_2903 = vector.load %arg10[%get3A_2901, %get3A_2902] : memref<256x128xf32, #tpu.memory_space<vmem>>, vector<1x100xf32>
      %swap3A_2904 = arith.index_cast %get3A_2900 : i32 to index
      %swap3A_2905 = arith.constant 0 : index
      %swap3A_2906 = vector.load %arg8[%swap3A_2904, %swap3A_2905] : memref<4096x100xf32, #tpu.memory_space<vmem>>, vector<1x100xf32>
      tpu.vector_store %arg8[%swap3A_2904, %swap3A_2905], %get3A_2903 {strides = array<i32>} : memref<4096x100xf32, #tpu.memory_space<vmem>>, vector<1x100xf32>,
      %mul3A_2907 = arith.constant 256 : i32
      %mul3A_2908 = arith.muli %sub3A_6, %mul3A_2907 : i32
      %add3A_2909 = arith.constant 238 : i32
      %add3A_2910 = arith.addi %mul3A_2908, %add3A_2909 : i32
      %get3A_2911 = arith.index_cast %add3A_2910 : i32 to index
      %get3A_2912 = memref.load %arg4[%get3A_2911] : memref<4096xi32, #tpu.memory_space<smem>>
      %get3A_2913 = arith.constant 238 : index
      %get3A_2914 = arith.constant 0 : index
      %get3A_2915 = vector.load %arg10[%get3A_2913, %get3A_2914] : memref<256x128xf32, #tpu.memory_space<vmem>>, vector<1x100xf32>
      %swap3A_2916 = arith.index_cast %get3A_2912 : i32 to index
      %swap3A_2917 = arith.constant 0 : index
      %swap3A_2918 = vector.load %arg8[%swap3A_2916, %swap3A_2917] : memref<4096x100xf32, #tpu.memory_space<vmem>>, vector<1x100xf32>
      tpu.vector_store %arg8[%swap3A_2916, %swap3A_2917], %get3A_2915 {strides = array<i32>} : memref<4096x100xf32, #tpu.memory_space<vmem>>, vector<1x100xf32>,
      %mul3A_2919 = arith.constant 256 : i32
      %mul3A_2920 = arith.muli %sub3A_6, %mul3A_2919 : i32
      %add3A_2921 = arith.constant 239 : i32
      %add3A_2922 = arith.addi %mul3A_2920, %add3A_2921 : i32
      %get3A_2923 = arith.index_cast %add3A_2922 : i32 to index
      %get3A_2924 = memref.load %arg4[%get3A_2923] : memref<4096xi32, #tpu.memory_space<smem>>
      %get3A_2925 = arith.constant 239 : index
      %get3A_2926 = arith.constant 0 : index
      %get3A_2927 = vector.load %arg10[%get3A_2925, %get3A_2926] : memref<256x128xf32, #tpu.memory_space<vmem>>, vector<1x100xf32>
      %swap3A_2928 = arith.index_cast %get3A_2924 : i32 to index
      %swap3A_2929 = arith.constant 0 : index
      %swap3A_2930 = vector.load %arg8[%swap3A_2928, %swap3A_2929] : memref<4096x100xf32, #tpu.memory_space<vmem>>, vector<1x100xf32>
      tpu.vector_store %arg8[%swap3A_2928, %swap3A_2929], %get3A_2927 {strides = array<i32>} : memref<4096x100xf32, #tpu.memory_space<vmem>>, vector<1x100xf32>,
      %mul3A_2931 = arith.constant 256 : i32
      %mul3A_2932 = arith.muli %sub3A_6, %mul3A_2931 : i32
      %add3A_2933 = arith.constant 240 : i32
      %add3A_2934 = arith.addi %mul3A_2932, %add3A_2933 : i32
      %get3A_2935 = arith.index_cast %add3A_2934 : i32 to index
      %get3A_2936 = memref.load %arg4[%get3A_2935] : memref<4096xi32, #tpu.memory_space<smem>>
      %get3A_2937 = arith.constant 240 : index
      %get3A_2938 = arith.constant 0 : index
      %get3A_2939 = vector.load %arg10[%get3A_2937, %get3A_2938] : memref<256x128xf32, #tpu.memory_space<vmem>>, vector<1x100xf32>
      %swap3A_2940 = arith.index_cast %get3A_2936 : i32 to index
      %swap3A_2941 = arith.constant 0 : index
      %swap3A_2942 = vector.load %arg8[%swap3A_2940, %swap3A_2941] : memref<4096x100xf32, #tpu.memory_space<vmem>>, vector<1x100xf32>
      tpu.vector_store %arg8[%swap3A_2940, %swap3A_2941], %get3A_2939 {strides = array<i32>} : memref<4096x100xf32, #tpu.memory_space<vmem>>, vector<1x100xf32>,
      %mul3A_2943 = arith.constant 256 : i32
      %mul3A_2944 = arith.muli %sub3A_6, %mul3A_2943 : i32
      %add3A_2945 = arith.constant 241 : i32
      %add3A_2946 = arith.addi %mul3A_2944, %add3A_2945 : i32
      %get3A_2947 = arith.index_cast %add3A_2946 : i32 to index
      %get3A_2948 = memref.load %arg4[%get3A_2947] : memref<4096xi32, #tpu.memory_space<smem>>
      %get3A_2949 = arith.constant 241 : index
      %get3A_2950 = arith.constant 0 : index
      %get3A_2951 = vector.load %arg10[%get3A_2949, %get3A_2950] : memref<256x128xf32, #tpu.memory_space<vmem>>, vector<1x100xf32>
      %swap3A_2952 = arith.index_cast %get3A_2948 : i32 to index
      %swap3A_2953 = arith.constant 0 : index
      %swap3A_2954 = vector.load %arg8[%swap3A_2952, %swap3A_2953] : memref<4096x100xf32, #tpu.memory_space<vmem>>, vector<1x100xf32>
      tpu.vector_store %arg8[%swap3A_2952, %swap3A_2953], %get3A_2951 {strides = array<i32>} : memref<4096x100xf32, #tpu.memory_space<vmem>>, vector<1x100xf32>,
      %mul3A_2955 = arith.constant 256 : i32
      %mul3A_2956 = arith.muli %sub3A_6, %mul3A_2955 : i32
      %add3A_2957 = arith.constant 242 : i32
      %add3A_2958 = arith.addi %mul3A_2956, %add3A_2957 : i32
      %get3A_2959 = arith.index_cast %add3A_2958 : i32 to index
      %get3A_2960 = memref.load %arg4[%get3A_2959] : memref<4096xi32, #tpu.memory_space<smem>>
      %get3A_2961 = arith.constant 242 : index
      %get3A_2962 = arith.constant 0 : index
      %get3A_2963 = vector.load %arg10[%get3A_2961, %get3A_2962] : memref<256x128xf32, #tpu.memory_space<vmem>>, vector<1x100xf32>
      %swap3A_2964 = arith.index_cast %get3A_2960 : i32 to index
      %swap3A_2965 = arith.constant 0 : index
      %swap3A_2966 = vector.load %arg8[%swap3A_2964, %swap3A_2965] : memref<4096x100xf32, #tpu.memory_space<vmem>>, vector<1x100xf32>
      tpu.vector_store %arg8[%swap3A_2964, %swap3A_2965], %get3A_2963 {strides = array<i32>} : memref<4096x100xf32, #tpu.memory_space<vmem>>, vector<1x100xf32>,
      %mul3A_2967 = arith.constant 256 : i32
      %mul3A_2968 = arith.muli %sub3A_6, %mul3A_2967 : i32
      %add3A_2969 = arith.constant 243 : i32
      %add3A_2970 = arith.addi %mul3A_2968, %add3A_2969 : i32
      %get3A_2971 = arith.index_cast %add3A_2970 : i32 to index
      %get3A_2972 = memref.load %arg4[%get3A_2971] : memref<4096xi32, #tpu.memory_space<smem>>
      %get3A_2973 = arith.constant 243 : index
      %get3A_2974 = arith.constant 0 : index
      %get3A_2975 = vector.load %arg10[%get3A_2973, %get3A_2974] : memref<256x128xf32, #tpu.memory_space<vmem>>, vector<1x100xf32>
      %swap3A_2976 = arith.index_cast %get3A_2972 : i32 to index
      %swap3A_2977 = arith.constant 0 : index
      %swap3A_2978 = vector.load %arg8[%swap3A_2976, %swap3A_2977] : memref<4096x100xf32, #tpu.memory_space<vmem>>, vector<1x100xf32>
      tpu.vector_store %arg8[%swap3A_2976, %swap3A_2977], %get3A_2975 {strides = array<i32>} : memref<4096x100xf32, #tpu.memory_space<vmem>>, vector<1x100xf32>,
      %mul3A_2979 = arith.constant 256 : i32
      %mul3A_2980 = arith.muli %sub3A_6, %mul3A_2979 : i32
      %add3A_2981 = arith.constant 244 : i32
      %add3A_2982 = arith.addi %mul3A_2980, %add3A_2981 : i32
      %get3A_2983 = arith.index_cast %add3A_2982 : i32 to index
      %get3A_2984 = memref.load %arg4[%get3A_2983] : memref<4096xi32, #tpu.memory_space<smem>>
      %get3A_2985 = arith.constant 244 : index
      %get3A_2986 = arith.constant 0 : index
      %get3A_2987 = vector.load %arg10[%get3A_2985, %get3A_2986] : memref<256x128xf32, #tpu.memory_space<vmem>>, vector<1x100xf32>
      %swap3A_2988 = arith.index_cast %get3A_2984 : i32 to index
      %swap3A_2989 = arith.constant 0 : index
      %swap3A_2990 = vector.load %arg8[%swap3A_2988, %swap3A_2989] : memref<4096x100xf32, #tpu.memory_space<vmem>>, vector<1x100xf32>
      tpu.vector_store %arg8[%swap3A_2988, %swap3A_2989], %get3A_2987 {strides = array<i32>} : memref<4096x100xf32, #tpu.memory_space<vmem>>, vector<1x100xf32>,
      %mul3A_2991 = arith.constant 256 : i32
      %mul3A_2992 = arith.muli %sub3A_6, %mul3A_2991 : i32
      %add3A_2993 = arith.constant 245 : i32
      %add3A_2994 = arith.addi %mul3A_2992, %add3A_2993 : i32
      %get3A_2995 = arith.index_cast %add3A_2994 : i32 to index
      %get3A_2996 = memref.load %arg4[%get3A_2995] : memref<4096xi32, #tpu.memory_space<smem>>
      %get3A_2997 = arith.constant 245 : index
      %get3A_2998 = arith.constant 0 : index
      %get3A_2999 = vector.load %arg10[%get3A_2997, %get3A_2998] : memref<256x128xf32, #tpu.memory_space<vmem>>, vector<1x100xf32>
      %swap3A_3000 = arith.index_cast %get3A_2996 : i32 to index
      %swap3A_3001 = arith.constant 0 : index
      %swap3A_3002 = vector.load %arg8[%swap3A_3000, %swap3A_3001] : memref<4096x100xf32, #tpu.memory_space<vmem>>, vector<1x100xf32>
      tpu.vector_store %arg8[%swap3A_3000, %swap3A_3001], %get3A_2999 {strides = array<i32>} : memref<4096x100xf32, #tpu.memory_space<vmem>>, vector<1x100xf32>,
      %mul3A_3003 = arith.constant 256 : i32
      %mul3A_3004 = arith.muli %sub3A_6, %mul3A_3003 : i32
      %add3A_3005 = arith.constant 246 : i32
      %add3A_3006 = arith.addi %mul3A_3004, %add3A_3005 : i32
      %get3A_3007 = arith.index_cast %add3A_3006 : i32 to index
      %get3A_3008 = memref.load %arg4[%get3A_3007] : memref<4096xi32, #tpu.memory_space<smem>>
      %get3A_3009 = arith.constant 246 : index
      %get3A_3010 = arith.constant 0 : index
      %get3A_3011 = vector.load %arg10[%get3A_3009, %get3A_3010] : memref<256x128xf32, #tpu.memory_space<vmem>>, vector<1x100xf32>
      %swap3A_3012 = arith.index_cast %get3A_3008 : i32 to index
      %swap3A_3013 = arith.constant 0 : index
      %swap3A_3014 = vector.load %arg8[%swap3A_3012, %swap3A_3013] : memref<4096x100xf32, #tpu.memory_space<vmem>>, vector<1x100xf32>
      tpu.vector_store %arg8[%swap3A_3012, %swap3A_3013], %get3A_3011 {strides = array<i32>} : memref<4096x100xf32, #tpu.memory_space<vmem>>, vector<1x100xf32>,
      %mul3A_3015 = arith.constant 256 : i32
      %mul3A_3016 = arith.muli %sub3A_6, %mul3A_3015 : i32
      %add3A_3017 = arith.constant 247 : i32
      %add3A_3018 = arith.addi %mul3A_3016, %add3A_3017 : i32
      %get3A_3019 = arith.index_cast %add3A_3018 : i32 to index
      %get3A_3020 = memref.load %arg4[%get3A_3019] : memref<4096xi32, #tpu.memory_space<smem>>
      %get3A_3021 = arith.constant 247 : index
      %get3A_3022 = arith.constant 0 : index
      %get3A_3023 = vector.load %arg10[%get3A_3021, %get3A_3022] : memref<256x128xf32, #tpu.memory_space<vmem>>, vector<1x100xf32>
      %swap3A_3024 = arith.index_cast %get3A_3020 : i32 to index
      %swap3A_3025 = arith.constant 0 : index
      %swap3A_3026 = vector.load %arg8[%swap3A_3024, %swap3A_3025] : memref<4096x100xf32, #tpu.memory_space<vmem>>, vector<1x100xf32>
      tpu.vector_store %arg8[%swap3A_3024, %swap3A_3025], %get3A_3023 {strides = array<i32>} : memref<4096x100xf32, #tpu.memory_space<vmem>>, vector<1x100xf32>,
      %mul3A_3027 = arith.constant 256 : i32
      %mul3A_3028 = arith.muli %sub3A_6, %mul3A_3027 : i32
      %add3A_3029 = arith.constant 248 : i32
      %add3A_3030 = arith.addi %mul3A_3028, %add3A_3029 : i32
      %get3A_3031 = arith.index_cast %add3A_3030 : i32 to index
      %get3A_3032 = memref.load %arg4[%get3A_3031] : memref<4096xi32, #tpu.memory_space<smem>>
      %get3A_3033 = arith.constant 248 : index
      %get3A_3034 = arith.constant 0 : index
      %get3A_3035 = vector.load %arg10[%get3A_3033, %get3A_3034] : memref<256x128xf32, #tpu.memory_space<vmem>>, vector<1x100xf32>
      %swap3A_3036 = arith.index_cast %get3A_3032 : i32 to index
      %swap3A_3037 = arith.constant 0 : index
      %swap3A_3038 = vector.load %arg8[%swap3A_3036, %swap3A_3037] : memref<4096x100xf32, #tpu.memory_space<vmem>>, vector<1x100xf32>
      tpu.vector_store %arg8[%swap3A_3036, %swap3A_3037], %get3A_3035 {strides = array<i32>} : memref<4096x100xf32, #tpu.memory_space<vmem>>, vector<1x100xf32>,
      %mul3A_3039 = arith.constant 256 : i32
      %mul3A_3040 = arith.muli %sub3A_6, %mul3A_3039 : i32
      %add3A_3041 = arith.constant 249 : i32
      %add3A_3042 = arith.addi %mul3A_3040, %add3A_3041 : i32
      %get3A_3043 = arith.index_cast %add3A_3042 : i32 to index
      %get3A_3044 = memref.load %arg4[%get3A_3043] : memref<4096xi32, #tpu.memory_space<smem>>
      %get3A_3045 = arith.constant 249 : index
      %get3A_3046 = arith.constant 0 : index
      %get3A_3047 = vector.load %arg10[%get3A_3045, %get3A_3046] : memref<256x128xf32, #tpu.memory_space<vmem>>, vector<1x100xf32>
      %swap3A_3048 = arith.index_cast %get3A_3044 : i32 to index
      %swap3A_3049 = arith.constant 0 : index
      %swap3A_3050 = vector.load %arg8[%swap3A_3048, %swap3A_3049] : memref<4096x100xf32, #tpu.memory_space<vmem>>, vector<1x100xf32>
      tpu.vector_store %arg8[%swap3A_3048, %swap3A_3049], %get3A_3047 {strides = array<i32>} : memref<4096x100xf32, #tpu.memory_space<vmem>>, vector<1x100xf32>,
      %mul3A_3051 = arith.constant 256 : i32
      %mul3A_3052 = arith.muli %sub3A_6, %mul3A_3051 : i32
      %add3A_3053 = arith.constant 250 : i32
      %add3A_3054 = arith.addi %mul3A_3052, %add3A_3053 : i32
      %get3A_3055 = arith.index_cast %add3A_3054 : i32 to index
      %get3A_3056 = memref.load %arg4[%get3A_3055] : memref<4096xi32, #tpu.memory_space<smem>>
      %get3A_3057 = arith.constant 250 : index
      %get3A_3058 = arith.constant 0 : index
      %get3A_3059 = vector.load %arg10[%get3A_3057, %get3A_3058] : memref<256x128xf32, #tpu.memory_space<vmem>>, vector<1x100xf32>
      %swap3A_3060 = arith.index_cast %get3A_3056 : i32 to index
      %swap3A_3061 = arith.constant 0 : index
      %swap3A_3062 = vector.load %arg8[%swap3A_3060, %swap3A_3061] : memref<4096x100xf32, #tpu.memory_space<vmem>>, vector<1x100xf32>
      tpu.vector_store %arg8[%swap3A_3060, %swap3A_3061], %get3A_3059 {strides = array<i32>} : memref<4096x100xf32, #tpu.memory_space<vmem>>, vector<1x100xf32>,
      %mul3A_3063 = arith.constant 256 : i32
      %mul3A_3064 = arith.muli %sub3A_6, %mul3A_3063 : i32
      %add3A_3065 = arith.constant 251 : i32
      %add3A_3066 = arith.addi %mul3A_3064, %add3A_3065 : i32
      %get3A_3067 = arith.index_cast %add3A_3066 : i32 to index
      %get3A_3068 = memref.load %arg4[%get3A_3067] : memref<4096xi32, #tpu.memory_space<smem>>
      %get3A_3069 = arith.constant 251 : index
      %get3A_3070 = arith.constant 0 : index
      %get3A_3071 = vector.load %arg10[%get3A_3069, %get3A_3070] : memref<256x128xf32, #tpu.memory_space<vmem>>, vector<1x100xf32>
      %swap3A_3072 = arith.index_cast %get3A_3068 : i32 to index
      %swap3A_3073 = arith.constant 0 : index
      %swap3A_3074 = vector.load %arg8[%swap3A_3072, %swap3A_3073] : memref<4096x100xf32, #tpu.memory_space<vmem>>, vector<1x100xf32>
      tpu.vector_store %arg8[%swap3A_3072, %swap3A_3073], %get3A_3071 {strides = array<i32>} : memref<4096x100xf32, #tpu.memory_space<vmem>>, vector<1x100xf32>,
      %mul3A_3075 = arith.constant 256 : i32
      %mul3A_3076 = arith.muli %sub3A_6, %mul3A_3075 : i32
      %add3A_3077 = arith.constant 252 : i32
      %add3A_3078 = arith.addi %mul3A_3076, %add3A_3077 : i32
      %get3A_3079 = arith.index_cast %add3A_3078 : i32 to index
      %get3A_3080 = memref.load %arg4[%get3A_3079] : memref<4096xi32, #tpu.memory_space<smem>>
      %get3A_3081 = arith.constant 252 : index
      %get3A_3082 = arith.constant 0 : index
      %get3A_3083 = vector.load %arg10[%get3A_3081, %get3A_3082] : memref<256x128xf32, #tpu.memory_space<vmem>>, vector<1x100xf32>
      %swap3A_3084 = arith.index_cast %get3A_3080 : i32 to index
      %swap3A_3085 = arith.constant 0 : index
      %swap3A_3086 = vector.load %arg8[%swap3A_3084, %swap3A_3085] : memref<4096x100xf32, #tpu.memory_space<vmem>>, vector<1x100xf32>
      tpu.vector_store %arg8[%swap3A_3084, %swap3A_3085], %get3A_3083 {strides = array<i32>} : memref<4096x100xf32, #tpu.memory_space<vmem>>, vector<1x100xf32>,
      %mul3A_3087 = arith.constant 256 : i32
      %mul3A_3088 = arith.muli %sub3A_6, %mul3A_3087 : i32
      %add3A_3089 = arith.constant 253 : i32
      %add3A_3090 = arith.addi %mul3A_3088, %add3A_3089 : i32
      %get3A_3091 = arith.index_cast %add3A_3090 : i32 to index
      %get3A_3092 = memref.load %arg4[%get3A_3091] : memref<4096xi32, #tpu.memory_space<smem>>
      %get3A_3093 = arith.constant 253 : index
      %get3A_3094 = arith.constant 0 : index
      %get3A_3095 = vector.load %arg10[%get3A_3093, %get3A_3094] : memref<256x128xf32, #tpu.memory_space<vmem>>, vector<1x100xf32>
      %swap3A_3096 = arith.index_cast %get3A_3092 : i32 to index
      %swap3A_3097 = arith.constant 0 : index
      %swap3A_3098 = vector.load %arg8[%swap3A_3096, %swap3A_3097] : memref<4096x100xf32, #tpu.memory_space<vmem>>, vector<1x100xf32>
      tpu.vector_store %arg8[%swap3A_3096, %swap3A_3097], %get3A_3095 {strides = array<i32>} : memref<4096x100xf32, #tpu.memory_space<vmem>>, vector<1x100xf32>,
      %mul3A_3099 = arith.constant 256 : i32
      %mul3A_3100 = arith.muli %sub3A_6, %mul3A_3099 : i32
      %add3A_3101 = arith.constant 254 : i32
      %add3A_3102 = arith.addi %mul3A_3100, %add3A_3101 : i32
      %get3A_3103 = arith.index_cast %add3A_3102 : i32 to index
      %get3A_3104 = memref.load %arg4[%get3A_3103] : memref<4096xi32, #tpu.memory_space<smem>>
      %get3A_3105 = arith.constant 254 : index
      %get3A_3106 = arith.constant 0 : index
      %get3A_3107 = vector.load %arg10[%get3A_3105, %get3A_3106] : memref<256x128xf32, #tpu.memory_space<vmem>>, vector<1x100xf32>
      %swap3A_3108 = arith.index_cast %get3A_3104 : i32 to index
      %swap3A_3109 = arith.constant 0 : index
      %swap3A_3110 = vector.load %arg8[%swap3A_3108, %swap3A_3109] : memref<4096x100xf32, #tpu.memory_space<vmem>>, vector<1x100xf32>
      tpu.vector_store %arg8[%swap3A_3108, %swap3A_3109], %get3A_3107 {strides = array<i32>} : memref<4096x100xf32, #tpu.memory_space<vmem>>, vector<1x100xf32>,
      %mul3A_3111 = arith.constant 256 : i32
      %mul3A_3112 = arith.muli %sub3A_6, %mul3A_3111 : i32
      %add3A_3113 = arith.constant 255 : i32
      %add3A_3114 = arith.addi %mul3A_3112, %add3A_3113 : i32
      %get3A_3115 = arith.index_cast %add3A_3114 : i32 to index
      %get3A_3116 = memref.load %arg4[%get3A_3115] : memref<4096xi32, #tpu.memory_space<smem>>
      %get3A_3117 = arith.constant 255 : index
      %get3A_3118 = arith.constant 0 : index
      %get3A_3119 = vector.load %arg10[%get3A_3117, %get3A_3118] : memref<256x128xf32, #tpu.memory_space<vmem>>, vector<1x100xf32>
      %swap3A_3120 = arith.index_cast %get3A_3116 : i32 to index
      %swap3A_3121 = arith.constant 0 : index
      %swap3A_3122 = vector.load %arg8[%swap3A_3120, %swap3A_3121] : memref<4096x100xf32, #tpu.memory_space<vmem>>, vector<1x100xf32>
      tpu.vector_store %arg8[%swap3A_3120, %swap3A_3121], %get3A_3119 {strides = array<i32>} : memref<4096x100xf32, #tpu.memory_space<vmem>>, vector<1x100xf32>,
    } else {
    }
    return
  }
  func.func @transform_0(%arg0: i32) -> i32 {
    %c0_i32 = arith.constant 0 : i32
    %c0_i32_0 = arith.constant 0 : i32
    return %c0_i32 : i32
  }
  func.func @transform_1(%arg0: i32) -> i32 {
    %c0_i32 = arith.constant 0 : i32
    %c0_i32_0 = arith.constant 0 : i32
    return %c0_i32 : i32
  }
  func.func @transform_2(%arg0: i32) -> i32 {
    %c0_i32 = arith.constant 0 : i32
    %c0_i32_0 = arith.constant 0 : i32
    return %c0_i32 : i32
  }
  func.func @transform_3(%arg0: i32) -> i32 {
    %c0_i32 = arith.constant 0 : i32
    %c0_i32_0 = arith.constant 0 : i32
    return %c0_i32 : i32
  }
  func.func @transform_4(%arg0: i32) -> (i32, i32, i32, i32) {
    %min3A = arith.constant 1 : i32
    %min3A_0 = arith.minsi %arg0, %min3A : i32
    %c0_i32 = arith.constant 0 : i32
    %c0_i32_1 = arith.constant 0 : i32
    %c0_i32_2 = arith.constant 0 : i32
    %c0_i32_3 = arith.constant 0 : i32
    return %min3A_0, %c0_i32, %c0_i32_1, %c0_i32_2 : i32, i32, i32, i32
  }
  func.func @transform_5(%arg0: i32) -> (i32, i32) {
    %sub3A = arith.constant 2 : i32
    %sub3A_0 = arith.subi %arg0, %sub3A : i32
    %jit3A = arith.constant 0 : i32
    %jit3A_1 = arith.constant 15 : i32
    %max3A = arith.maxsi %jit3A, %sub3A_0 : i32
    %min3A = arith.minsi %jit3A_1, %max3A : i32
    %c0_i32 = arith.constant 0 : i32
    %c0_i32_2 = arith.constant 0 : i32
    return %min3A, %c0_i32 : i32, i32
  }
  func.func @transform_6(%arg0: i32) -> (i32, i32) {
    %sub3A = arith.constant 2 : i32
    %sub3A_0 = arith.subi %arg0, %sub3A : i32
    %jit3A = arith.constant 0 : i32
    %jit3A_1 = arith.constant 15 : i32
    %max3A = arith.maxsi %jit3A, %sub3A_0 : i32
    %min3A = arith.minsi %jit3A_1, %max3A : i32
    %c0_i32 = arith.constant 0 : i32
    %c0_i32_2 = arith.constant 0 : i32
    return %min3A, %c0_i32 : i32, i32
  }
  func.func @transform_7(%arg0: i32) -> (i32, i32) {
    %c0_i32 = arith.constant 0 : i32
    %c0_i32_0 = arith.constant 0 : i32
    %c0_i32_1 = arith.constant 0 : i32
    return %c0_i32, %c0_i32_0 : i32, i32
  }
}

</mosaic_0001>

<sc_bundles>
// kernel: kernel.4.cloned.1.call-start
scs
__scs_entry_jumppad:
0x0: {  	(pc) =	sbr.rel $0x88, $3  }
0x1: {  	(tag) =	ssettag $0x0;
	lr =	simm.s32 $0x1  }
0x2: {  	[smem:$0x3F9D] =	sst lr;
	_ =	strace $0xD0000000  }
0x3: {  	_ = 	snop  }
0x4: {  	_ = 	snop  }
0x5: {  	_ = 	snop  }
0x6: {  	_ = 	snop  }
0x7: {  	_ = 	snop  }
__scs_overlays_trampoline_lowered:
0x8: {  	[smem:$0x3FAC] =	sst s0  }
0x9: {  	[smem:$0x3FAD] =	sst s1  }
0xa: {  	[smem:$0x3FAE] =	sst s2  }
0xb: {  	[smem:$0x3FAF] =	sst s3  }
0xc: {  	[smem:$0x3FB0] =	sst s4  }
0xd: {  	[smem:$0x3FB1] =	sst s5  }
0xe: {  	[smem:$0x3FB2] =	sst s6  }
0xf: {  	[smem:$0x3FB3] =	sst s7  }
0x10: {  	[smem:$0x3FB4] =	sst s8  }
0x11: {  	[smem:$0x3FB5] =	sst s9;
	s0 =	simm.s32 @!p0 $0x0  }
0x12: {  	s1 =	sld [smem:$0x3F9B];
	s0 =	simm.s32 @p0 $0x1  }
0x13: {  	[smem:$0x3FB6] =	sst s0;
	s0 =	simm.s32 @!p1 $0x0  }
0x14: {  	s2 =	sld [smem:$0x3F9A];
	s0 =	simm.s32 @p1 $0x1  }
0x15: {  	[smem:$0x3FB7] =	sst s0;
	s0 =	simm.s32 @!p2 $0x0  }
0x16: {  	s3 =	sld [smem:$0x3FDB];
	s0 =	simm.s32 @p2 $0x1  }
0x17: {  	s4 =	simm.s32 $0x1BF5;
	[smem:$0x3FB9] =	sst s0  }
0x18: {  	s0 =	sld [smem:$0x3F9C];
	_ =	swait.ge [sflag:s4], $0x0  }
0x19: {  	s7 =	sld [smem:$0x3F9D]  }
0x1a: {  	s8 =	sadd.s32 $0xFFFFE003, lr  }
0x1b: {  	s9 =	sadd.s32 $0xFFFFFEF7, lr;
	s5 =	simm.s32 $0xFFFFFFFF;
	p2 =	slt.u32 s8, $0xFFFFF086  }
0x1c: {  	p1 =	slt.u32 s9, $0xF7A;
	s5 =	simm.s32 @!p2 $0x0  }
0x1d: {  	s5 =	simm.s32 @p1 $0x1;
	p0 =	seq.s32 s7, s2  }
0x1e: {  	s7 =	smul.u32 @!p0 $0xF7A, s2;
	p2 =	seq.s32 @!p0 s5, $0x0  }
0x1f: {  	s9 =	smul.u32 $0xF7A, s1;
	s8 =	simm.s32 @!p0 $0x1BF5;
	p2 =	por !p2, p0  }
0x20: {  	[sflag:s8] =	ssyncset.s32 @!p0 $0xFFFFF086;
	s6 =	sadd.s32 @!p0 s3, s7;
	s7 =	simm.s32 @!p0 $0x108  }
0x21: {  	s3 =	sadd.s32 s3, s9;
	s6 =	sadd.s32 @!p0 $0x88, s6;
	s7 =	simm.s32 @p2 $0x1082  }
0x22: {  	[simem:s7], [sflag:s8] =	dma.local @!p0 [hbm:s6], $0xF7A  }
0x23: {  	s9 =	sor.u32 $0xD0000000, s2;
	s6 =	simm.s32 $0x108;
	_ =	swait.ge @!p0 [sflag:s8], $0x0  }
0x24: {  	s3 =	sadd.s32 $0x88, s3;
	s6 =	simm.s32 @!p1 $0x1082;
	[sflag:s4] =	ssyncset.s32 $0xFFFFF086  }
0x25: {  	[simem:s6], [sflag:s4] =	dma.local [hbm:s3], $0xF7A  }
0x26: {  	[smem:$0x3F9D] =	sst s1;
	(tag) =	ssettag s2;
	_ =	strace s9  }
0x27: {  	s1 =	sld [smem:$0x3FAD]  }
0x28: {  	s2 =	sld [smem:$0x3FAE]  }
0x29: {  	s4 =	sld [smem:$0x3FB0]  }
0x2a: {  	p0 =	seq.s32 s5, $0x0;
	s5 =	sld [smem:$0x3FB1]  }
0x2b: {  	s6 =	sld [smem:$0x3FB2]  }
0x2c: {  	s7 =	sld [smem:$0x3FB3]  }
0x2d: {  	s3 =	simm.s32 $0x108;
	s8 =	sld [smem:$0x3FB4]  }
0x2e: {  	s3 =	simm.s32 @!p0 $0x1082;
	s9 =	sld [smem:$0x3FB5]  }
0x2f: {  	lr =	sadd.s32 s0, s3;
	s0 =	sld [smem:$0x3FAC]  }
0x30: {  	s3 =	sld [smem:$0x3FAF]  }
0x31: {  	[smem:$0x3FB8] =	sst s10  }
0x32: {  	s10 =	sld [smem:$0x3FB6];
	_ =	sdelay $0x3  }
0x33: {  	p0 =	seq.s32 s10, $0x1;
	s10 =	sld [smem:$0x3FB8];
	_ =	sdelay $0x3  }
0x34: {  	[smem:$0x3FB8] =	sst s10  }
0x35: {  	s10 =	sld [smem:$0x3FB7];
	_ =	sdelay $0x3  }
0x36: {  	p1 =	seq.s32 s10, $0x1;
	s10 =	sld [smem:$0x3FB8];
	_ =	sdelay $0x3  }
0x37: {  	[smem:$0x3FB8] =	sst s10  }
0x38: {  	s10 =	sld [smem:$0x3FB9]  }
0x39: {  	_ = 	snop;
	(pc) =	sbr.ind lr, $3  }
0x3a: {  	_ = 	snop  }
0x3b: {  	_ = 	snop  }
0x3c: {  	p2 =	seq.s32 s10, $0x1;
	s10 =	sld [smem:$0x3FB8]  }
0x3d: {  	_ =	shalt  }
0x3e: {  	_ =	shalt  }
0x3f: {  	_ =	shalt  }
0x40: {  	_ =	shalt  }
0x41: {  	_ =	shalt  }
0x42: {  	_ =	shalt  }
0x43: {  	_ =	shalt  }
0x44: {  	_ =	shalt  }
0x45: {  	_ =	shalt  }
0x46: {  	_ =	shalt  }
0x47: {  	_ =	shalt  }
0x48: {  	_ =	shalt  }
0x49: {  	_ =	shalt  }
0x4a: {  	_ =	shalt  }
0x4b: {  	_ =	shalt  }
0x4c: {  	_ =	shalt  }
0x4d: {  	_ =	shalt  }
0x4e: {  	_ =	shalt  }
0x4f: {  	_ =	shalt  }
0x50: {  	_ =	shalt  }
0x51: {  	_ =	shalt  }
0x52: {  	_ =	shalt  }
0x53: {  	_ =	shalt  }
0x54: {  	_ =	shalt  }
0x55: {  	_ =	shalt  }
0x56: {  	_ =	shalt  }
0x57: {  	_ =	shalt  }
0x58: {  	_ =	shalt  }
0x59: {  	_ =	shalt  }
0x5a: {  	_ =	shalt  }
0x5b: {  	_ =	shalt  }
0x5c: {  	_ =	shalt  }
0x5d: {  	_ =	shalt  }
0x5e: {  	_ =	shalt  }
0x5f: {  	_ =	shalt  }
0x60: {  	_ =	shalt  }
0x61: {  	_ =	shalt  }
0x62: {  	_ =	shalt  }
0x63: {  	_ =	shalt  }
0x64: {  	_ =	shalt  }
0x65: {  	_ =	shalt  }
0x66: {  	_ =	shalt  }
0x67: {  	_ =	shalt  }
0x68: {  	_ =	shalt  }
0x69: {  	_ =	shalt  }
0x6a: {  	_ =	shalt  }
0x6b: {  	_ =	shalt  }
0x6c: {  	_ =	shalt  }
0x6d: {  	_ =	shalt  }
0x6e: {  	_ =	shalt  }
0x6f: {  	_ =	shalt  }
0x70: {  	_ =	shalt  }
0x71: {  	_ =	shalt  }
0x72: {  	_ =	shalt  }
0x73: {  	_ =	shalt  }
0x74: {  	_ =	shalt  }
0x75: {  	_ =	shalt  }
0x76: {  	_ =	shalt  }
0x77: {  	_ =	shalt  }
0x78: {  	_ =	shalt  }
0x79: {  	_ =	shalt  }
0x7a: {  	_ =	shalt  }
0x7b: {  	_ =	shalt  }
0x7c: {  	_ =	shalt  }
0x7d: {  	_ =	shalt  }
0x7e: {  	_ =	shalt  }
0x7f: {  	_ =	shalt  }
0x80: {  	_ =	shalt  }
0x81: {  	_ =	shalt  }
0x82: {  	_ =	shalt  }
0x83: {  	_ =	shalt  }
0x84: {  	_ =	shalt  }
0x85: {  	_ =	shalt  }
0x86: {  	_ =	shalt  }
0x87: {  	_ =	shalt  }
.Lfunc_end0:
.L_simem_size_0:
called_computation_lowered:
.L_overlay_start_0:
0x88: {  	s2 =	sld [smem:$0x3FD9]  }
0x89: {  	s3 =	sld [smem:$0x3FFE];
	_ =	sdelay $0x1  }
0x8a: {  	s1 =	srdreg.scid  }
0x8b: {  	s0 =	sand.u32 $0x1, s1  }
0x8c: {  	s17 =	sshll.u32 s0, $0xA;
	s2 =	sadd.s32 s3, s2  }
0x8d: {  	s2 =	sadd.s32 s2, s17  }
0x8e: {  	[smem:$0x3FC4] =	sst s2  }
0x8f: {  	_ = 	snop  }
0x90: {  	s2 =	sld [smem:$0x3FD0];
	(tm) =	ssettm $0x1  }
0x91: {  	s18 =	sld [smem:$0x3FFB];
	_ =	sdelay $0x3  }
0x92: {  	_ =	strace s18  }
0x93: {  	s3 =	sld [smem:$0x3FFC];
	_ =	sdelay $0x3  }
0x94: {  	_ =	strace s3  }
0x95: {  	s3 =	sld [smem:$0x3FFD];
	_ =	sdelay $0x3  }
0x96: {  	_ =	strace s3  }
0x97: {  	_ =	strace $0x8FFFFFFF  }
0x98: {  	s19 =	sld [smem:$0x3FDB];
	_ =	sdelay $0x1  }
0x99: {  	s4 =	simm.s32 $_scs_section_size  }
0x9a: {  	s5 =	simm.s32 $_size__tile_overlayer_lowered;
	s6 =	simm.s32 $_tile_overlayer_lowered  }
0x9b: {  	s22 =	simm.s32 $0x1BFF;
	s21 =	sshll.u32 s6, $0x1;
	s3 =	sadd.s32 s4, s19  }
0x9c: {  	s7 =	simm.s32 $0x0;
	s20 =	sshll.u32 s5, $0x1;
	s5 =	sadd.s32 s21, s3  }
0x9d: {  	[timem:s7], [sflag:s22] =	dma.local [hbm:s5], s20  }
0x9e: {  	_ =	swait.ge [sflag:s22], s20  }
0x9f: {  	s4 =	ssub.s32 $0x0, s20;
	[sflag:s22] =	ssyncset.done $0x0  }
0xa0: {  	[sflag:s22] =	ssyncadd.s32 s4;
	_ =	sdelay $0x1  }
0xa1: {  	s23 =	simm.s32 $0x1B8B  }
0xa2: {  	_ =	swait.ge [sflag:s23], $0x1  }
0xa3: {  	[sflag:s23] =	ssyncset.done $0x0  }
0xa4: {  	s25 =	simm.s32 $0x1B8E;
	s24 =	sld [smem:$0x3FFE];
	[sflag:s23] =	ssyncadd.s32 $0xFFFFFFFF  }
0xa5: {  	s26 =	simm.s32 $execute0_lowered;
	[smem:$0x3FD2] =	sst s25  }
0xa6: {  	s5 =	sshll.u32 s26, $0x1;
	_ =	strace $0x80000046;
	[dreg:$0x1] =	wrdreg $0xFFFFFFFF  }
0xa7: {  	s28 =	simm.s32 $_size_execute0_lowered;
	s3 =	sadd.s32 s3, s5;
	[dreg:$0x0] =	wrdreg $0x0  }
0xa8: {  	s5 =	sshll.u32 s28, $0x1;
	[dreg:$0x2] =	wrdreg s3  }
0xa9: {  	[dreg:$0x3] =	wrdreg s5  }
0xaa: {  	[dreg:$0x4] =	wrdreg $0xC0  }
0xab: {  	_ =	task [dreg:s7], $0x5FFFF  }
0xac: {  	[dreg:$0x1] =	wrdreg $0xFFFFFFFF  }
0xad: {  	[dreg:$0x0] =	wrdreg $0x60  }
0xae: {  	[dreg:$0x2] =	wrdreg s24  }
0xaf: {  	[dreg:$0x3] =	wrdreg s2  }
0xb0: {  	[dreg:$0x4] =	wrdreg $0x9  }
0xb1: {  	_ =	task.clear_ibuf [dreg:s7], $0x5FFFF;
	_ =	strace $0x90000046  }
0xb2: {  	s29 =	simm.s32 $0x9;
	_ =	strace $0x80000048  }
0xb3: {  	_ =	swait.ge [sflag:s29], $0x1  }
0xb4: {  	[sflag:s29] =	ssyncadd.s32 $0xFFFFFFFF  }
0xb5: {  	_ =	strace $0x90000048  }
0xb6: {  	_ =	sfence  }
0xb7: {  	s30 =	sld [smem:$0x0];
	_ =	sdelay $0x2  }
0xb8: {  	s31 =	sshll.u32 s1, $0xD;
	s1 =	sshrl.u32 s1, $0x2  }
0xb9: {  	s3 =	sand.u32 $0x4000, s31;
	s1 =	sadd.s32 s1, s30  }
0xba: {  	s0 =	sor.u32 s3, s0;
	s1 =	sshll.u32 s1, $0x11  }
0xbb: {  	s0 =	sor.u32 s1, s0  }
0xbc: {  	s0 =	sadd.s32 $0x8F2B, s0  }
0xbd: {  	[sflag:s0] =	ssyncadd.remote.s32 $0x1  }
0xbe: {  	_ =	sfence.sel $0xFFFF  }
0xbf: {  	[dreg:$0x0] =	wrdreg $0xFFFFFFFF;
	(pc) =	sbr.abs _section_cstart, $3  }
0xc0: {  	[dreg:$0x1] =	wrdreg $0xFFFFFFFF  }
0xc1: {  	_ =	task.clear_ibuf [dreg:s7], $0x2FFFF;
	_ =	strace $0x9FFFFFFF  }
0xc2: {  	(tm) =	ssettm $0x7FFFFFFF  }
0xc3: {  	_ =	shalt  }
tec
execute0_lowered:
.L_overlay_start_1:
0x0: {  	(tag) =	ssettag $0x1  }
0x1: {  	s1 =	srdreg.scid;
	s2 =	rddreg [dreg:$0x0]  }
0x2: {  	s0 =	stileid.u32;
	s4 =	rddreg [dreg:$0x1];
	s6 =	sand.u32 $0x1, s1  }
0x3: {  	s3 =	simm.s32 $0x0;
	s5 =	sshll.u32 s0, $0x8;
	s7 =	sshll.u32 s6, $0x7  }
0x4: {  	[smem:$0x7FF] =	sst s3;
	s8 =	sor.u32 s7, s5  }
0x5: {  	s1 =	rddreg [dreg:$0x2];
	_ =	strace $0x80000047;
	s5 =	sshrl.u32 s8, $0x3  }
0x6: {  	s9 =	ssub.s32 $0x2, s6;
	s5 =	sadd.s32 s4, s5;
	s4 =	simm.s32 $0x2  }
0x7: {  	[tilespmem:s3], [sflag:$0x2] =	stream.linear.gather [hbm4b:s5+s3], $0x80, $0x38;
	[tilespmem:$0x4080] =	vst v63  }
0x8: {  	s10 =	sshrl.u32 s9, $0x1;
	_ =	swait.ge [sflag:s4], $0x80  }
0x9: {  	s6 =	simm.s32 $0x80;
	s9 =	ssub.s32 s9, s10;
	[sflag:s4] =	ssyncset.done $0x0  }
0xa: {  	s7 =	simm.s32 $0x1;
	s9 =	smax.u32 s9, $0x1;
	[sflag:s4] =	ssyncadd.s32 $0xFFFFFF80  }
0xb: {  	[tilespmem:s6], [sflag:$0x1] =	stream.indirect.gather [hbm4b:s2+s6], $0x80, s3, s6, $0xb8;
	[tilespmem:$0x4080] =	vst v63  }
0xc: {  	s8 =	sshll.u32 s8, $0x4;
	p0 =	sne.s32 s9, $0x1;
	_ =	swait.ge [sflag:s7], $0x4000  }
.Ltmp0:
0xd: {  	s8 =	sadd.s32 s8, s2;
	[sflag:s7] =	ssyncset.done $0x0;
	(pc) =	sbr.rel @!p0 .LBB2_2-.Ltmp0, $4  }
0xe: {  	s8 =	sadd.s32 $0x10000, s8;
	[sflag:s7] =	ssyncadd.s32 $0xFFFFC000  }
0xf: {  	[hbm4b:s8+s3] =	stream.linear.scatter [tilespmem:s6], [sflag:$0x2], $0x4000, $0x38;
	[tilespmem:$0x4080] =	vst v63  }
0x10: {  	_ =	swait.ge [sflag:s4], $0x4000  }
0x11: {  	s9 =	sadd.s32 $0xFFFFFFFF, s9;
	[sflag:s4] =	ssyncset.done $0x0  }
.LBB2_1:
0x12: {  	p0 =	sne.s32 s9, $0x1;
	s9 =	sadd.s32 $0xFFFFFFFF, s9;
	[sflag:s4] =	ssyncadd.s32 $0xFFFFC000  }
0x13: {  	[tilespmem:s3], [sflag:$0x2] =	stream.linear.gather [hbm4b:s5+s3], $0x80, $0x38;
	[tilespmem:$0x4080] =	vst v63  }
0x14: {  	_ =	swait.ge [sflag:s4], $0x80  }
0x15: {  	[sflag:s4] =	ssyncset.done $0x0  }
0x16: {  	[sflag:s4] =	ssyncadd.s32 $0xFFFFFF80  }
0x17: {  	[tilespmem:s6], [sflag:$0x1] =	stream.indirect.gather [hbm4b:s2+s6], $0x80, s3, s6, $0xb8;
	[tilespmem:$0x4080] =	vst v63  }
0x18: {  	_ =	swait.ge [sflag:s7], $0x4000  }
.Ltmp1:
0x19: {  	[sflag:s7] =	ssyncset.done $0x0;
	(pc) =	sbr.rel @p0 .LBB2_1-.Ltmp1, $4  }
0x1a: {  	[sflag:s7] =	ssyncadd.s32 $0xFFFFC000  }
0x1b: {  	[hbm4b:s8+s3] =	stream.linear.scatter [tilespmem:s6], [sflag:$0x2], $0x4000, $0x38;
	[tilespmem:$0x4080] =	vst v63  }
0x1c: {  	_ =	swait.ge [sflag:s4], $0x4000  }
0x1d: {  	[sflag:s4] =	ssyncset.done $0x0  }
.LBB2_2:
0x1e: {  	[sflag:s4] =	ssyncadd.s32 $0xFFFFC000  }
0x1f: {  	_ =	sfence.sel $0x180000  }
0x20: {  	[bflag:$0x0] =	sbarrier.arrive $0xFFFF  }
0x21: {  	p0 =	sne.s32 s0, $0x0;
	_ =	strace $0x90000047  }
0x22: {  	s0 =	sadd.s32 @!p0 $0x100000, s1;
	[bflag:$0x2] =	sbarrier.arrive $0xFFFF  }
0x23: {  	[sflag:s0] =	ssyncadd.tile.s32 @!p0 $0x1;
	_ =	shalt  }
.Lfunc_end2:
_tile_overlayer_lowered:
.L_overlay_start_2:
0x24: {  	(tag) =	ssettag $0x2  }
0x25: {  	s0 =	rddreg [dreg:$0x0];
	s2 =	stileid.u32  }
0x26: {  	s1 =	rddreg [dreg:$0x1];
	p0 =	sne.s32 s2, $0x0  }
0x27: {  	s3 =	rddreg [dreg:$0x2];
	[bflag:$0x3] =	sbarrier.arrive $0xFFFF;
	s2 =	simm.s32 @!p0 $0x1C02  }
0x28: {  	[timem:s3], [sflag:s2] =	dma.local @!p0 [hbm:s0], s1  }
0x29: {  	s0 =	simm.s32 @!p0 $0x2  }
0x2a: {  	_ =	swait.ge @!p0 [sflag:s0], s1  }
0x2b: {  	s1 =	ssub.s32 @!p0 $0x0, s1;
	[sflag:s0] =	ssyncset.done @!p0 $0x0  }
0x2c: {  	[sflag:s0] =	ssyncadd.s32 @!p0 s1  }
0x2d: {  	[bflag:$0x3] =	sbarrier.arrive $0xFFFF  }
0x2e: {  	_ =	shalt  }

</sc_bundles>
